<compile_context>
chip_gen: v7x
topology: tpu7x:2x2x1
jax: 0.10.2.dev20260603
libtpu: 0.0.44.dev20260713+nightly
codegen_flags: <defaults>
</compile_context>

<pallas_src>
import jax
import jax.numpy as jnp
from jax import lax
from jax.experimental import pallas as pl
from jax.experimental.pallas import tpu as pltpu
from jax.experimental.pallas import tpu_sc as plsc

NC, NS = 2, 16
NW = NC * NS
L = 16
S = 500
SPW = 16
SPAD = NW * SPW
SALLOC = SPAD + L
D = 128
DG = D // L
C = 112
NB = 4


def _body(x_hbm, sizes_hbm, sizes_t_hbm, out_hbm, sizes_v, sizes_t_v,
          buf_v, means_v, sem, osem):
    w = lax.axis_index("s") * NC + lax.axis_index("c")
    pltpu.sync_copy(sizes_hbm, sizes_v)
    pltpu.sync_copy(sizes_t_hbm, sizes_t_v)

    cs0 = jnp.zeros((L,), jnp.int32)
    cs1 = jnp.zeros((L,), jnp.int32)
    for t in range(L):
        cs0 = cs0 + sizes_t_v[pl.ds(t * 2 * L, L)]
        cs1 = cs1 + sizes_t_v[pl.ds(t * 2 * L + L, L)]

    vt = cs0 + cs1
    total = jnp.int32(0)
    for t in range(L):
        total = total + vt[t]

    z = jnp.int32(0)
    pfx = z
    j_lo, j_hi, cum_lo, seen = z, z, z, z
    for j in range(SPAD // L):
        csj = cs0[j] if j < L else cs1[j - L]
        nxt = pfx + csj
        inter = jnp.logical_and(32 * nxt > w * total,
                                32 * pfx < (w + 1) * total)
        first = jnp.logical_and(inter, seen == 0)
        j_lo = jnp.where(first, j, j_lo)
        cum_lo = jnp.where(first, pfx, cum_lo)
        j_hi = jnp.where(inter, j + 1, j_hi)
        seen = jnp.where(inter, jnp.int32(1), seen)
        pfx = nxt

    def walk_body(j, carry):
        cum, s_begin, s_end, row_begin, row_end, found = carry
        v = sizes_v[pl.ds(j * L, L)]
        for t in range(L):
            size = v[t]
            s = j * L + t
            m = (2 * cum + size) * 16
            mine = jnp.logical_and(
                jnp.logical_and(m >= w * total, m < (w + 1) * total),
                size > 0)
            first = jnp.logical_and(mine, found == 0)
            s_begin = jnp.where(first, s, s_begin)
            row_begin = jnp.where(first, cum, row_begin)
            s_end = jnp.where(mine, s + 1, s_end)
            row_end = jnp.where(mine, cum + size, row_end)
            found = jnp.where(mine, jnp.int32(1), found)
            cum = cum + size
        return cum, s_begin, s_end, row_begin, row_end, found

    _, s_begin, s_end, row_begin, row_end, found = lax.fori_loop(
        j_lo, j_hi, walk_body, (cum_lo, z, z, z, z, z))
    s_count = (s_end - s_begin) * found

    def issue(p, base):
        pltpu.async_copy(x_hbm.at[pl.ds(base, C)], buf_v.at[p], sem.at[p])

    def wait(p):
        pltpu.make_async_copy(x_hbm.at[pl.ds(0, C)], buf_v.at[p],
                              sem.at[p]).wait()

    @pl.when(s_count > 0)
    def _process_all():
        alo = (row_begin // 8) * 8
        nch_tot = (row_end - alo + C - 1) // C
        issue(jnp.int32(0), alo)

        @pl.when(nch_tot > 1)
        def _():
            issue(jnp.int32(1), alo + C)

        @pl.when(nch_tot > 2)
        def _():
            issue(jnp.int32(2), alo + 2 * C)

        def seg_body(i, carry):
            start, loaded = carry
            n = sizes_v[pl.ds(s_begin + i, L)][0]
            end = start + n
            c_lo = (start - alo) // C
            c_hi = (end - 1 - alo) // C

            def chunk_body(c, carry):
                acc, loaded = carry
                base = alo + c * C
                p = lax.rem(c, jnp.int32(NB))

                @pl.when(c > loaded)
                def _():
                    wait(p)

                    @pl.when(c + 3 < nch_tot)
                    def _():
                        issue(lax.rem(c + 3, jnp.int32(NB)),
                              alo + (c + 3) * C)

                lo = jnp.maximum(start - base, 0)
                hi = jnp.minimum(end - base, C)

                def row_body(r, a):
                    return tuple(a[f] + buf_v[p, r, pl.ds(f * L, L)]
                                 for f in range(DG))

                return (lax.fori_loop(lo, hi, row_body, acc),
                        jnp.maximum(loaded, c))

            acc0 = tuple(jnp.zeros((L,), jnp.float32) for _ in range(DG))
            acc, loaded = lax.fori_loop(c_lo, c_hi + 1, chunk_body,
                                        (acc0, loaded))

            n_vec = jnp.full((L,), jnp.maximum(n, 1),
                             dtype=jnp.int32).astype(jnp.float32)
            for f in range(DG):
                means_v[i, pl.ds(f * L, L)] = acc[f] / n_vec
            return end, loaded

        lax.fori_loop(0, s_count, seg_body, (row_begin, jnp.int32(-1)))

        ngroups = (s_count + L - 1) // L

        def pad_body(k, o):
            for f in range(DG):
                means_v[k, pl.ds(f * L, L)] = \
                    means_v[s_count - 1, pl.ds(f * L, L)]
            return o

        lax.fori_loop(s_count, ngroups * L, pad_body, z)

        def out_body(g, o):
            idx = jnp.minimum(s_begin + g * L + lax.iota(jnp.int32, 16),
                              s_end - 1)
            pltpu.async_copy(means_v.at[pl.ds(g * L, L)], out_hbm.at[idx],
                             osem)
            return o

        lax.fori_loop(0, ngroups, out_body, z)

        def drain_body(g, o):
            idx = jnp.minimum(s_begin + g * L + lax.iota(jnp.int32, 16),
                              s_end - 1)
            pltpu.make_async_copy(means_v.at[pl.ds(g * L, L)],
                                  out_hbm.at[idx], osem).wait()
            return o

        lax.fori_loop(0, ngroups, drain_body, z)


_sc_call = pl.kernel(
    _body,
    out_type=jax.ShapeDtypeStruct((SPAD, D), jnp.float32),
    mesh=plsc.VectorSubcoreMesh(core_axis_name="c", subcore_axis_name="s"),
    scratch_types=[
        pltpu.VMEM((SALLOC,), jnp.int32),
        pltpu.VMEM((SPAD,), jnp.int32),
        pltpu.VMEM((NB, C, D), jnp.float32),
        pltpu.VMEM((SPAD, D), jnp.float32),
        pltpu.SemaphoreType.DMA((NB,)),
        pltpu.SemaphoreType.DMA,
    ],
)


def kernel(x, feature_size_list):
    sizes = jnp.zeros((SALLOC,), jnp.int32).at[:S].set(
        feature_size_list.astype(jnp.int32))
    sizes_t = sizes[:SPAD].reshape(SPAD // L, L).T.reshape(SPAD)
    return _sc_call(x, sizes, sizes_t)[:S]

# --- scband reference (transcript-rebuilt; emitter-appended) ---
"""Pipeline reference for scband-graph-gather-39771397161031 (READ-ONLY COPY).

The authoritative reference and input builder live on the scoring server;
editing this copy changes nothing except your own understanding.
"""

import jax, jax.numpy as jnp
import numpy as np


def setup_inputs(seed: int = 0) -> dict:
    key = jax.random.key(seed)
    x = jax.random.normal(jax.random.fold_in(key, 0), (200000, 128), dtype=jnp.float32)
    # sizes drawn in [1, 400) so no empty segments (torch mean over empty slice is NaN);
    # worst-case sum = 500*399 = 199500 <= 200000 = N, so all slices are in range.
    feature_size_list = jax.random.randint(jax.random.fold_in(key, 1), (500,), 1, 400).astype(jnp.int64)
    return {"x": x, "feature_size_list": feature_size_list}


def reference(x, feature_size_list):
    # Faithful translation of GraphGather.forward: for each graph i, take
    # mean(x[start:end], axis=0) where [start, end) is the i-th contiguous
    # block given by feature_size_list, and stack the results.
    sizes = feature_size_list
    num_segments = sizes.shape[0]
    n = x.shape[0]
    cs = jnp.cumsum(sizes)
    total = cs[-1]
    row_idx = jnp.arange(n)
    seg_ids = jnp.searchsorted(cs, row_idx, side='right')
    valid = row_idx < total
    seg_ids = jnp.where(valid, seg_ids, num_segments - 1)
    xs = jnp.where(valid[:, None], x, jnp.zeros((), dtype=x.dtype))
    sums = jax.ops.segment_sum(xs, seg_ids, num_segments=num_segments)
    counts = sizes.astype(x.dtype)[:, None]
    means = sums / counts
    return means

if __name__ == "__main__":
    import jax
    _d = setup_inputs()
    print(jax.jit(kernel)(*tuple(_d.values())))

</pallas_src>

<mosaic_0001>
#map = affine_map<(d0, d1) -> (0, 0)>
#map1 = affine_map<(d0, d1) -> (0)>
module attributes {stable_mosaic.version = 14 : i64} {
  func.func @_body(%arg0: i32, %arg1: i32, %arg2: memref<200000x128xf32, #tpu.memory_space<hbm>>, %arg3: memref<528xi32, #tpu.memory_space<hbm>>, %arg4: memref<512xi32, #tpu.memory_space<hbm>>, %arg5: memref<512x128xf32, #tpu.memory_space<hbm>>, %arg6: memref<528xi32, #tpu.memory_space<vmem>>, %arg7: memref<512xi32, #tpu.memory_space<vmem>>, %arg8: memref<4x112x128xf32, #tpu.memory_space<vmem>>, %arg9: memref<512x128xf32, #tpu.memory_space<vmem>>, %arg10: memref<4x!tpu.dma_semaphore, #tpu.memory_space<semaphore_mem>>, %arg11: memref<!tpu.dma_semaphore, #tpu.memory_space<semaphore_mem>>) attributes {dimension_semantics = [#tpu.dimension_semantics<core_parallel>, #tpu.dimension_semantics<subcore_parallel>], iteration_bounds = array<i64: 2, 16>, scalar_prefetch = 0 : i64, scratch_operands = 6 : i64, tpu.core_type = #tpu.core_type<sc_vector_subcore>, window_params = [{transform_indices = #map}, {transform_indices = #map1}, {transform_indices = #map1}, {transform_indices = #map}]} {
    %mul3A = arith.constant 2 : i32
    %mul3A_0 = arith.muli %arg1, %mul3A : i32
    %add3A = arith.addi %mul3A_0, %arg0 : i32
    "tpu.region"() ({
      %run_scoped3A = tpu.sem_alloc : memref<!tpu.dma_semaphore, #tpu.memory_space<semaphore_mem>>
      tpu.enqueue_dma source(%arg3 : memref<528xi32, #tpu.memory_space<hbm>>) target(%arg6 : memref<528xi32, #tpu.memory_space<vmem>>) target_semaphore(%run_scoped3A : memref<!tpu.dma_semaphore, #tpu.memory_space<semaphore_mem>>)
      tpu.wait_dma2 semaphore(%run_scoped3A : memref<!tpu.dma_semaphore, #tpu.memory_space<semaphore_mem>>) src(%arg3 : memref<528xi32, #tpu.memory_space<hbm>>) dst(%arg6 : memref<528xi32, #tpu.memory_space<vmem>>)
      tpu.yield
    }) : () -> ()
    "tpu.region"() ({
      %run_scoped3A = tpu.sem_alloc : memref<!tpu.dma_semaphore, #tpu.memory_space<semaphore_mem>>
      tpu.enqueue_dma source(%arg4 : memref<512xi32, #tpu.memory_space<hbm>>) target(%arg7 : memref<512xi32, #tpu.memory_space<vmem>>) target_semaphore(%run_scoped3A : memref<!tpu.dma_semaphore, #tpu.memory_space<semaphore_mem>>)
      tpu.wait_dma2 semaphore(%run_scoped3A : memref<!tpu.dma_semaphore, #tpu.memory_space<semaphore_mem>>) src(%arg4 : memref<512xi32, #tpu.memory_space<hbm>>) dst(%arg7 : memref<512xi32, #tpu.memory_space<vmem>>)
      tpu.yield
    }) : () -> ()
    %broadcast_in_dim3A = arith.constant 0 : i32
    %broadcast_in_dim3A_1 = vector.broadcast %broadcast_in_dim3A : i32 to vector<16xi32>
    %broadcast_in_dim3A_2 = arith.constant 0 : i32
    %broadcast_in_dim3A_3 = vector.broadcast %broadcast_in_dim3A_2 : i32 to vector<16xi32>
    %get3A = arith.constant 0 : index
    %get3A_4 = tpu.vector_load %arg7[%get3A] {strides = array<i32>} : memref<512xi32, #tpu.memory_space<vmem>>, vector<16xi32>,
    %get3A_5 = vector.shape_cast %get3A_4 : vector<16xi32> to vector<16xi32>
    %add3A_6 = arith.addi %broadcast_in_dim3A_1, %get3A_5 : vector<16xi32>
    %get3A_7 = arith.constant 16 : index
    %get3A_8 = tpu.vector_load %arg7[%get3A_7] {strides = array<i32>} : memref<512xi32, #tpu.memory_space<vmem>>, vector<16xi32>,
    %get3A_9 = vector.shape_cast %get3A_8 : vector<16xi32> to vector<16xi32>
    %add3A_10 = arith.addi %broadcast_in_dim3A_3, %get3A_9 : vector<16xi32>
    %get3A_11 = arith.constant 32 : index
    %get3A_12 = tpu.vector_load %arg7[%get3A_11] {strides = array<i32>} : memref<512xi32, #tpu.memory_space<vmem>>, vector<16xi32>,
    %get3A_13 = vector.shape_cast %get3A_12 : vector<16xi32> to vector<16xi32>
    %add3A_14 = arith.addi %add3A_6, %get3A_13 : vector<16xi32>
    %get3A_15 = arith.constant 48 : index
    %get3A_16 = tpu.vector_load %arg7[%get3A_15] {strides = array<i32>} : memref<512xi32, #tpu.memory_space<vmem>>, vector<16xi32>,
    %get3A_17 = vector.shape_cast %get3A_16 : vector<16xi32> to vector<16xi32>
    %add3A_18 = arith.addi %add3A_10, %get3A_17 : vector<16xi32>
    %get3A_19 = arith.constant 64 : index
    %get3A_20 = tpu.vector_load %arg7[%get3A_19] {strides = array<i32>} : memref<512xi32, #tpu.memory_space<vmem>>, vector<16xi32>,
    %get3A_21 = vector.shape_cast %get3A_20 : vector<16xi32> to vector<16xi32>
    %add3A_22 = arith.addi %add3A_14, %get3A_21 : vector<16xi32>
    %get3A_23 = arith.constant 80 : index
    %get3A_24 = tpu.vector_load %arg7[%get3A_23] {strides = array<i32>} : memref<512xi32, #tpu.memory_space<vmem>>, vector<16xi32>,
    %get3A_25 = vector.shape_cast %get3A_24 : vector<16xi32> to vector<16xi32>
    %add3A_26 = arith.addi %add3A_18, %get3A_25 : vector<16xi32>
    %get3A_27 = arith.constant 96 : index
    %get3A_28 = tpu.vector_load %arg7[%get3A_27] {strides = array<i32>} : memref<512xi32, #tpu.memory_space<vmem>>, vector<16xi32>,
    %get3A_29 = vector.shape_cast %get3A_28 : vector<16xi32> to vector<16xi32>
    %add3A_30 = arith.addi %add3A_22, %get3A_29 : vector<16xi32>
    %get3A_31 = arith.constant 112 : index
    %get3A_32 = tpu.vector_load %arg7[%get3A_31] {strides = array<i32>} : memref<512xi32, #tpu.memory_space<vmem>>, vector<16xi32>,
    %get3A_33 = vector.shape_cast %get3A_32 : vector<16xi32> to vector<16xi32>
    %add3A_34 = arith.addi %add3A_26, %get3A_33 : vector<16xi32>
    %get3A_35 = arith.constant 128 : index
    %get3A_36 = tpu.vector_load %arg7[%get3A_35] {strides = array<i32>} : memref<512xi32, #tpu.memory_space<vmem>>, vector<16xi32>,
    %get3A_37 = vector.shape_cast %get3A_36 : vector<16xi32> to vector<16xi32>
    %add3A_38 = arith.addi %add3A_30, %get3A_37 : vector<16xi32>
    %get3A_39 = arith.constant 144 : index
    %get3A_40 = tpu.vector_load %arg7[%get3A_39] {strides = array<i32>} : memref<512xi32, #tpu.memory_space<vmem>>, vector<16xi32>,
    %get3A_41 = vector.shape_cast %get3A_40 : vector<16xi32> to vector<16xi32>
    %add3A_42 = arith.addi %add3A_34, %get3A_41 : vector<16xi32>
    %get3A_43 = arith.constant 160 : index
    %get3A_44 = tpu.vector_load %arg7[%get3A_43] {strides = array<i32>} : memref<512xi32, #tpu.memory_space<vmem>>, vector<16xi32>,
    %get3A_45 = vector.shape_cast %get3A_44 : vector<16xi32> to vector<16xi32>
    %add3A_46 = arith.addi %add3A_38, %get3A_45 : vector<16xi32>
    %get3A_47 = arith.constant 176 : index
    %get3A_48 = tpu.vector_load %arg7[%get3A_47] {strides = array<i32>} : memref<512xi32, #tpu.memory_space<vmem>>, vector<16xi32>,
    %get3A_49 = vector.shape_cast %get3A_48 : vector<16xi32> to vector<16xi32>
    %add3A_50 = arith.addi %add3A_42, %get3A_49 : vector<16xi32>
    %get3A_51 = arith.constant 192 : index
    %get3A_52 = tpu.vector_load %arg7[%get3A_51] {strides = array<i32>} : memref<512xi32, #tpu.memory_space<vmem>>, vector<16xi32>,
    %get3A_53 = vector.shape_cast %get3A_52 : vector<16xi32> to vector<16xi32>
    %add3A_54 = arith.addi %add3A_46, %get3A_53 : vector<16xi32>
    %get3A_55 = arith.constant 208 : index
    %get3A_56 = tpu.vector_load %arg7[%get3A_55] {strides = array<i32>} : memref<512xi32, #tpu.memory_space<vmem>>, vector<16xi32>,
    %get3A_57 = vector.shape_cast %get3A_56 : vector<16xi32> to vector<16xi32>
    %add3A_58 = arith.addi %add3A_50, %get3A_57 : vector<16xi32>
    %get3A_59 = arith.constant 224 : index
    %get3A_60 = tpu.vector_load %arg7[%get3A_59] {strides = array<i32>} : memref<512xi32, #tpu.memory_space<vmem>>, vector<16xi32>,
    %get3A_61 = vector.shape_cast %get3A_60 : vector<16xi32> to vector<16xi32>
    %add3A_62 = arith.addi %add3A_54, %get3A_61 : vector<16xi32>
    %get3A_63 = arith.constant 240 : index
    %get3A_64 = tpu.vector_load %arg7[%get3A_63] {strides = array<i32>} : memref<512xi32, #tpu.memory_space<vmem>>, vector<16xi32>,
    %get3A_65 = vector.shape_cast %get3A_64 : vector<16xi32> to vector<16xi32>
    %add3A_66 = arith.addi %add3A_58, %get3A_65 : vector<16xi32>
    %get3A_67 = arith.constant 256 : index
    %get3A_68 = tpu.vector_load %arg7[%get3A_67] {strides = array<i32>} : memref<512xi32, #tpu.memory_space<vmem>>, vector<16xi32>,
    %get3A_69 = vector.shape_cast %get3A_68 : vector<16xi32> to vector<16xi32>
    %add3A_70 = arith.addi %add3A_62, %get3A_69 : vector<16xi32>
    %get3A_71 = arith.constant 272 : index
    %get3A_72 = tpu.vector_load %arg7[%get3A_71] {strides = array<i32>} : memref<512xi32, #tpu.memory_space<vmem>>, vector<16xi32>,
    %get3A_73 = vector.shape_cast %get3A_72 : vector<16xi32> to vector<16xi32>
    %add3A_74 = arith.addi %add3A_66, %get3A_73 : vector<16xi32>
    %get3A_75 = arith.constant 288 : index
    %get3A_76 = tpu.vector_load %arg7[%get3A_75] {strides = array<i32>} : memref<512xi32, #tpu.memory_space<vmem>>, vector<16xi32>,
    %get3A_77 = vector.shape_cast %get3A_76 : vector<16xi32> to vector<16xi32>
    %add3A_78 = arith.addi %add3A_70, %get3A_77 : vector<16xi32>
    %get3A_79 = arith.constant 304 : index
    %get3A_80 = tpu.vector_load %arg7[%get3A_79] {strides = array<i32>} : memref<512xi32, #tpu.memory_space<vmem>>, vector<16xi32>,
    %get3A_81 = vector.shape_cast %get3A_80 : vector<16xi32> to vector<16xi32>
    %add3A_82 = arith.addi %add3A_74, %get3A_81 : vector<16xi32>
    %get3A_83 = arith.constant 320 : index
    %get3A_84 = tpu.vector_load %arg7[%get3A_83] {strides = array<i32>} : memref<512xi32, #tpu.memory_space<vmem>>, vector<16xi32>,
    %get3A_85 = vector.shape_cast %get3A_84 : vector<16xi32> to vector<16xi32>
    %add3A_86 = arith.addi %add3A_78, %get3A_85 : vector<16xi32>
    %get3A_87 = arith.constant 336 : index
    %get3A_88 = tpu.vector_load %arg7[%get3A_87] {strides = array<i32>} : memref<512xi32, #tpu.memory_space<vmem>>, vector<16xi32>,
    %get3A_89 = vector.shape_cast %get3A_88 : vector<16xi32> to vector<16xi32>
    %add3A_90 = arith.addi %add3A_82, %get3A_89 : vector<16xi32>
    %get3A_91 = arith.constant 352 : index
    %get3A_92 = tpu.vector_load %arg7[%get3A_91] {strides = array<i32>} : memref<512xi32, #tpu.memory_space<vmem>>, vector<16xi32>,
    %get3A_93 = vector.shape_cast %get3A_92 : vector<16xi32> to vector<16xi32>
    %add3A_94 = arith.addi %add3A_86, %get3A_93 : vector<16xi32>
    %get3A_95 = arith.constant 368 : index
    %get3A_96 = tpu.vector_load %arg7[%get3A_95] {strides = array<i32>} : memref<512xi32, #tpu.memory_space<vmem>>, vector<16xi32>,
    %get3A_97 = vector.shape_cast %get3A_96 : vector<16xi32> to vector<16xi32>
    %add3A_98 = arith.addi %add3A_90, %get3A_97 : vector<16xi32>
    %get3A_99 = arith.constant 384 : index
    %get3A_100 = tpu.vector_load %arg7[%get3A_99] {strides = array<i32>} : memref<512xi32, #tpu.memory_space<vmem>>, vector<16xi32>,
    %get3A_101 = vector.shape_cast %get3A_100 : vector<16xi32> to vector<16xi32>
    %add3A_102 = arith.addi %add3A_94, %get3A_101 : vector<16xi32>
    %get3A_103 = arith.constant 400 : index
    %get3A_104 = tpu.vector_load %arg7[%get3A_103] {strides = array<i32>} : memref<512xi32, #tpu.memory_space<vmem>>, vector<16xi32>,
    %get3A_105 = vector.shape_cast %get3A_104 : vector<16xi32> to vector<16xi32>
    %add3A_106 = arith.addi %add3A_98, %get3A_105 : vector<16xi32>
    %get3A_107 = arith.constant 416 : index
    %get3A_108 = tpu.vector_load %arg7[%get3A_107] {strides = array<i32>} : memref<512xi32, #tpu.memory_space<vmem>>, vector<16xi32>,
    %get3A_109 = vector.shape_cast %get3A_108 : vector<16xi32> to vector<16xi32>
    %add3A_110 = arith.addi %add3A_102, %get3A_109 : vector<16xi32>
    %get3A_111 = arith.constant 432 : index
    %get3A_112 = tpu.vector_load %arg7[%get3A_111] {strides = array<i32>} : memref<512xi32, #tpu.memory_space<vmem>>, vector<16xi32>,
    %get3A_113 = vector.shape_cast %get3A_112 : vector<16xi32> to vector<16xi32>
    %add3A_114 = arith.addi %add3A_106, %get3A_113 : vector<16xi32>
    %get3A_115 = arith.constant 448 : index
    %get3A_116 = tpu.vector_load %arg7[%get3A_115] {strides = array<i32>} : memref<512xi32, #tpu.memory_space<vmem>>, vector<16xi32>,
    %get3A_117 = vector.shape_cast %get3A_116 : vector<16xi32> to vector<16xi32>
    %add3A_118 = arith.addi %add3A_110, %get3A_117 : vector<16xi32>
    %get3A_119 = arith.constant 464 : index
    %get3A_120 = tpu.vector_load %arg7[%get3A_119] {strides = array<i32>} : memref<512xi32, #tpu.memory_space<vmem>>, vector<16xi32>,
    %get3A_121 = vector.shape_cast %get3A_120 : vector<16xi32> to vector<16xi32>
    %add3A_122 = arith.addi %add3A_114, %get3A_121 : vector<16xi32>
    %get3A_123 = arith.constant 480 : index
    %get3A_124 = tpu.vector_load %arg7[%get3A_123] {strides = array<i32>} : memref<512xi32, #tpu.memory_space<vmem>>, vector<16xi32>,
    %get3A_125 = vector.shape_cast %get3A_124 : vector<16xi32> to vector<16xi32>
    %add3A_126 = arith.addi %add3A_118, %get3A_125 : vector<16xi32>
    %get3A_127 = arith.constant 496 : index
    %get3A_128 = tpu.vector_load %arg7[%get3A_127] {strides = array<i32>} : memref<512xi32, #tpu.memory_space<vmem>>, vector<16xi32>,
    %get3A_129 = vector.shape_cast %get3A_128 : vector<16xi32> to vector<16xi32>
    %add3A_130 = arith.addi %add3A_122, %get3A_129 : vector<16xi32>
    %add3A_131 = arith.addi %add3A_126, %add3A_130 : vector<16xi32>
    %slice3A = vector.extract_strided_slice %add3A_131 {offsets = [0], sizes = [1], strides = [1]} : vector<16xi32> to vector<1xi32>
    %squeeze3A = vector.extract %slice3A[0] : i32 from vector<1xi32>
    %add3A_132 = arith.constant 0 : i32
    %add3A_133 = arith.addi %add3A_132, %squeeze3A : i32
    %slice3A_134 = vector.extract_strided_slice %add3A_131 {offsets = [1], sizes = [1], strides = [1]} : vector<16xi32> to vector<1xi32>
    %squeeze3A_135 = vector.extract %slice3A_134[0] : i32 from vector<1xi32>
    %add3A_136 = arith.addi %add3A_133, %squeeze3A_135 : i32
    %slice3A_137 = vector.extract_strided_slice %add3A_131 {offsets = [2], sizes = [1], strides = [1]} : vector<16xi32> to vector<1xi32>
    %squeeze3A_138 = vector.extract %slice3A_137[0] : i32 from vector<1xi32>
    %add3A_139 = arith.addi %add3A_136, %squeeze3A_138 : i32
    %slice3A_140 = vector.extract_strided_slice %add3A_131 {offsets = [3], sizes = [1], strides = [1]} : vector<16xi32> to vector<1xi32>
    %squeeze3A_141 = vector.extract %slice3A_140[0] : i32 from vector<1xi32>
    %add3A_142 = arith.addi %add3A_139, %squeeze3A_141 : i32
    %slice3A_143 = vector.extract_strided_slice %add3A_131 {offsets = [4], sizes = [1], strides = [1]} : vector<16xi32> to vector<1xi32>
    %squeeze3A_144 = vector.extract %slice3A_143[0] : i32 from vector<1xi32>
    %add3A_145 = arith.addi %add3A_142, %squeeze3A_144 : i32
    %slice3A_146 = vector.extract_strided_slice %add3A_131 {offsets = [5], sizes = [1], strides = [1]} : vector<16xi32> to vector<1xi32>
    %squeeze3A_147 = vector.extract %slice3A_146[0] : i32 from vector<1xi32>
    %add3A_148 = arith.addi %add3A_145, %squeeze3A_147 : i32
    %slice3A_149 = vector.extract_strided_slice %add3A_131 {offsets = [6], sizes = [1], strides = [1]} : vector<16xi32> to vector<1xi32>
    %squeeze3A_150 = vector.extract %slice3A_149[0] : i32 from vector<1xi32>
    %add3A_151 = arith.addi %add3A_148, %squeeze3A_150 : i32
    %slice3A_152 = vector.extract_strided_slice %add3A_131 {offsets = [7], sizes = [1], strides = [1]} : vector<16xi32> to vector<1xi32>
    %squeeze3A_153 = vector.extract %slice3A_152[0] : i32 from vector<1xi32>
    %add3A_154 = arith.addi %add3A_151, %squeeze3A_153 : i32
    %slice3A_155 = vector.extract_strided_slice %add3A_131 {offsets = [8], sizes = [1], strides = [1]} : vector<16xi32> to vector<1xi32>
    %squeeze3A_156 = vector.extract %slice3A_155[0] : i32 from vector<1xi32>
    %add3A_157 = arith.addi %add3A_154, %squeeze3A_156 : i32
    %slice3A_158 = vector.extract_strided_slice %add3A_131 {offsets = [9], sizes = [1], strides = [1]} : vector<16xi32> to vector<1xi32>
    %squeeze3A_159 = vector.extract %slice3A_158[0] : i32 from vector<1xi32>
    %add3A_160 = arith.addi %add3A_157, %squeeze3A_159 : i32
    %slice3A_161 = vector.extract_strided_slice %add3A_131 {offsets = [10], sizes = [1], strides = [1]} : vector<16xi32> to vector<1xi32>
    %squeeze3A_162 = vector.extract %slice3A_161[0] : i32 from vector<1xi32>
    %add3A_163 = arith.addi %add3A_160, %squeeze3A_162 : i32
    %slice3A_164 = vector.extract_strided_slice %add3A_131 {offsets = [11], sizes = [1], strides = [1]} : vector<16xi32> to vector<1xi32>
    %squeeze3A_165 = vector.extract %slice3A_164[0] : i32 from vector<1xi32>
    %add3A_166 = arith.addi %add3A_163, %squeeze3A_165 : i32
    %slice3A_167 = vector.extract_strided_slice %add3A_131 {offsets = [12], sizes = [1], strides = [1]} : vector<16xi32> to vector<1xi32>
    %squeeze3A_168 = vector.extract %slice3A_167[0] : i32 from vector<1xi32>
    %add3A_169 = arith.addi %add3A_166, %squeeze3A_168 : i32
    %slice3A_170 = vector.extract_strided_slice %add3A_131 {offsets = [13], sizes = [1], strides = [1]} : vector<16xi32> to vector<1xi32>
    %squeeze3A_171 = vector.extract %slice3A_170[0] : i32 from vector<1xi32>
    %add3A_172 = arith.addi %add3A_169, %squeeze3A_171 : i32
    %slice3A_173 = vector.extract_strided_slice %add3A_131 {offsets = [14], sizes = [1], strides = [1]} : vector<16xi32> to vector<1xi32>
    %squeeze3A_174 = vector.extract %slice3A_173[0] : i32 from vector<1xi32>
    %add3A_175 = arith.addi %add3A_172, %squeeze3A_174 : i32
    %slice3A_176 = vector.extract_strided_slice %add3A_131 {offsets = [15], sizes = [1], strides = [1]} : vector<16xi32> to vector<1xi32>
    %squeeze3A_177 = vector.extract %slice3A_176[0] : i32 from vector<1xi32>
    %add3A_178 = arith.addi %add3A_175, %squeeze3A_177 : i32
    %slice3A_179 = vector.extract_strided_slice %add3A_126 {offsets = [0], sizes = [1], strides = [1]} : vector<16xi32> to vector<1xi32>
    %squeeze3A_180 = vector.extract %slice3A_179[0] : i32 from vector<1xi32>
    %add3A_181 = arith.constant 0 : i32
    %add3A_182 = arith.addi %add3A_181, %squeeze3A_180 : i32
    %mul3A_183 = arith.constant 32 : i32
    %mul3A_184 = arith.muli %mul3A_183, %add3A_182 : i32
    %mul3A_185 = arith.muli %add3A, %add3A_178 : i32
    %gt3A = arith.cmpi sgt, %mul3A_184, %mul3A_185 : i32
    %mul3A_186 = arith.constant 32 : i32
    %mul3A_187 = arith.constant 0 : i32
    %mul3A_188 = arith.muli %mul3A_186, %mul3A_187 : i32
    %add3A_189 = arith.constant 1 : i32
    %add3A_190 = arith.addi %add3A, %add3A_189 : i32
    %mul3A_191 = arith.muli %add3A_190, %add3A_178 : i32
    %lt3A = arith.cmpi slt, %mul3A_188, %mul3A_191 : i32
    %and3A = arith.andi %gt3A, %lt3A : i1
    %eq3A = arith.constant 0 : i32
    %eq3A_192 = arith.constant 0 : i32
    %eq3A_193 = arith.cmpi eq, %eq3A, %eq3A_192 : i32
    %and3A_194 = arith.andi %and3A, %eq3A_193 : i1
    %jit3A = arith.constant 0 : i32
    %jit3A_195 = arith.constant 0 : i32
    %select_n3A = arith.select %and3A_194, %jit3A, %jit3A_195 : i32
    %jit3A_196 = arith.constant 0 : i32
    %jit3A_197 = arith.constant 0 : i32
    %select_n3A_198 = arith.select %and3A_194, %jit3A_196, %jit3A_197 : i32
    %jit3A_199 = arith.constant 1 : i32
    %jit3A_200 = arith.constant 0 : i32
    %select_n3A_201 = arith.select %and3A, %jit3A_199, %jit3A_200 : i32
    %jit3A_202 = arith.constant 1 : i32
    %jit3A_203 = arith.constant 0 : i32
    %select_n3A_204 = arith.select %and3A, %jit3A_202, %jit3A_203 : i32
    %slice3A_205 = vector.extract_strided_slice %add3A_126 {offsets = [1], sizes = [1], strides = [1]} : vector<16xi32> to vector<1xi32>
    %squeeze3A_206 = vector.extract %slice3A_205[0] : i32 from vector<1xi32>
    %add3A_207 = arith.addi %add3A_182, %squeeze3A_206 : i32
    %mul3A_208 = arith.constant 32 : i32
    %mul3A_209 = arith.muli %mul3A_208, %add3A_207 : i32
    %mul3A_210 = arith.muli %add3A, %add3A_178 : i32
    %gt3A_211 = arith.cmpi sgt, %mul3A_209, %mul3A_210 : i32
    %mul3A_212 = arith.constant 32 : i32
    %mul3A_213 = arith.muli %mul3A_212, %add3A_182 : i32
    %add3A_214 = arith.constant 1 : i32
    %add3A_215 = arith.addi %add3A, %add3A_214 : i32
    %mul3A_216 = arith.muli %add3A_215, %add3A_178 : i32
    %lt3A_217 = arith.cmpi slt, %mul3A_213, %mul3A_216 : i32
    %and3A_218 = arith.andi %gt3A_211, %lt3A_217 : i1
    %eq3A_219 = arith.constant 0 : i32
    %eq3A_220 = arith.cmpi eq, %select_n3A_204, %eq3A_219 : i32
    %and3A_221 = arith.andi %and3A_218, %eq3A_220 : i1
    %jit3A_222 = arith.constant 1 : i32
    %select_n3A_223 = arith.select %and3A_221, %jit3A_222, %select_n3A : i32
    %select_n3A_224 = arith.select %and3A_221, %add3A_182, %select_n3A_198 : i32
    %jit3A_225 = arith.constant 2 : i32
    %select_n3A_226 = arith.select %and3A_218, %jit3A_225, %select_n3A_201 : i32
    %jit3A_227 = arith.constant 1 : i32
    %select_n3A_228 = arith.select %and3A_218, %jit3A_227, %select_n3A_204 : i32
    %slice3A_229 = vector.extract_strided_slice %add3A_126 {offsets = [2], sizes = [1], strides = [1]} : vector<16xi32> to vector<1xi32>
    %squeeze3A_230 = vector.extract %slice3A_229[0] : i32 from vector<1xi32>
    %add3A_231 = arith.addi %add3A_207, %squeeze3A_230 : i32
    %mul3A_232 = arith.constant 32 : i32
    %mul3A_233 = arith.muli %mul3A_232, %add3A_231 : i32
    %mul3A_234 = arith.muli %add3A, %add3A_178 : i32
    %gt3A_235 = arith.cmpi sgt, %mul3A_233, %mul3A_234 : i32
    %mul3A_236 = arith.constant 32 : i32
    %mul3A_237 = arith.muli %mul3A_236, %add3A_207 : i32
    %add3A_238 = arith.constant 1 : i32
    %add3A_239 = arith.addi %add3A, %add3A_238 : i32
    %mul3A_240 = arith.muli %add3A_239, %add3A_178 : i32
    %lt3A_241 = arith.cmpi slt, %mul3A_237, %mul3A_240 : i32
    %and3A_242 = arith.andi %gt3A_235, %lt3A_241 : i1
    %eq3A_243 = arith.constant 0 : i32
    %eq3A_244 = arith.cmpi eq, %select_n3A_228, %eq3A_243 : i32
    %and3A_245 = arith.andi %and3A_242, %eq3A_244 : i1
    %jit3A_246 = arith.constant 2 : i32
    %select_n3A_247 = arith.select %and3A_245, %jit3A_246, %select_n3A_223 : i32
    %select_n3A_248 = arith.select %and3A_245, %add3A_207, %select_n3A_224 : i32
    %jit3A_249 = arith.constant 3 : i32
    %select_n3A_250 = arith.select %and3A_242, %jit3A_249, %select_n3A_226 : i32
    %jit3A_251 = arith.constant 1 : i32
    %select_n3A_252 = arith.select %and3A_242, %jit3A_251, %select_n3A_228 : i32
    %slice3A_253 = vector.extract_strided_slice %add3A_126 {offsets = [3], sizes = [1], strides = [1]} : vector<16xi32> to vector<1xi32>
    %squeeze3A_254 = vector.extract %slice3A_253[0] : i32 from vector<1xi32>
    %add3A_255 = arith.addi %add3A_231, %squeeze3A_254 : i32
    %mul3A_256 = arith.constant 32 : i32
    %mul3A_257 = arith.muli %mul3A_256, %add3A_255 : i32
    %mul3A_258 = arith.muli %add3A, %add3A_178 : i32
    %gt3A_259 = arith.cmpi sgt, %mul3A_257, %mul3A_258 : i32
    %mul3A_260 = arith.constant 32 : i32
    %mul3A_261 = arith.muli %mul3A_260, %add3A_231 : i32
    %add3A_262 = arith.constant 1 : i32
    %add3A_263 = arith.addi %add3A, %add3A_262 : i32
    %mul3A_264 = arith.muli %add3A_263, %add3A_178 : i32
    %lt3A_265 = arith.cmpi slt, %mul3A_261, %mul3A_264 : i32
    %and3A_266 = arith.andi %gt3A_259, %lt3A_265 : i1
    %eq3A_267 = arith.constant 0 : i32
    %eq3A_268 = arith.cmpi eq, %select_n3A_252, %eq3A_267 : i32
    %and3A_269 = arith.andi %and3A_266, %eq3A_268 : i1
    %jit3A_270 = arith.constant 3 : i32
    %select_n3A_271 = arith.select %and3A_269, %jit3A_270, %select_n3A_247 : i32
    %select_n3A_272 = arith.select %and3A_269, %add3A_231, %select_n3A_248 : i32
    %jit3A_273 = arith.constant 4 : i32
    %select_n3A_274 = arith.select %and3A_266, %jit3A_273, %select_n3A_250 : i32
    %jit3A_275 = arith.constant 1 : i32
    %select_n3A_276 = arith.select %and3A_266, %jit3A_275, %select_n3A_252 : i32
    %slice3A_277 = vector.extract_strided_slice %add3A_126 {offsets = [4], sizes = [1], strides = [1]} : vector<16xi32> to vector<1xi32>
    %squeeze3A_278 = vector.extract %slice3A_277[0] : i32 from vector<1xi32>
    %add3A_279 = arith.addi %add3A_255, %squeeze3A_278 : i32
    %mul3A_280 = arith.constant 32 : i32
    %mul3A_281 = arith.muli %mul3A_280, %add3A_279 : i32
    %mul3A_282 = arith.muli %add3A, %add3A_178 : i32
    %gt3A_283 = arith.cmpi sgt, %mul3A_281, %mul3A_282 : i32
    %mul3A_284 = arith.constant 32 : i32
    %mul3A_285 = arith.muli %mul3A_284, %add3A_255 : i32
    %add3A_286 = arith.constant 1 : i32
    %add3A_287 = arith.addi %add3A, %add3A_286 : i32
    %mul3A_288 = arith.muli %add3A_287, %add3A_178 : i32
    %lt3A_289 = arith.cmpi slt, %mul3A_285, %mul3A_288 : i32
    %and3A_290 = arith.andi %gt3A_283, %lt3A_289 : i1
    %eq3A_291 = arith.constant 0 : i32
    %eq3A_292 = arith.cmpi eq, %select_n3A_276, %eq3A_291 : i32
    %and3A_293 = arith.andi %and3A_290, %eq3A_292 : i1
    %jit3A_294 = arith.constant 4 : i32
    %select_n3A_295 = arith.select %and3A_293, %jit3A_294, %select_n3A_271 : i32
    %select_n3A_296 = arith.select %and3A_293, %add3A_255, %select_n3A_272 : i32
    %jit3A_297 = arith.constant 5 : i32
    %select_n3A_298 = arith.select %and3A_290, %jit3A_297, %select_n3A_274 : i32
    %jit3A_299 = arith.constant 1 : i32
    %select_n3A_300 = arith.select %and3A_290, %jit3A_299, %select_n3A_276 : i32
    %slice3A_301 = vector.extract_strided_slice %add3A_126 {offsets = [5], sizes = [1], strides = [1]} : vector<16xi32> to vector<1xi32>
    %squeeze3A_302 = vector.extract %slice3A_301[0] : i32 from vector<1xi32>
    %add3A_303 = arith.addi %add3A_279, %squeeze3A_302 : i32
    %mul3A_304 = arith.constant 32 : i32
    %mul3A_305 = arith.muli %mul3A_304, %add3A_303 : i32
    %mul3A_306 = arith.muli %add3A, %add3A_178 : i32
    %gt3A_307 = arith.cmpi sgt, %mul3A_305, %mul3A_306 : i32
    %mul3A_308 = arith.constant 32 : i32
    %mul3A_309 = arith.muli %mul3A_308, %add3A_279 : i32
    %add3A_310 = arith.constant 1 : i32
    %add3A_311 = arith.addi %add3A, %add3A_310 : i32
    %mul3A_312 = arith.muli %add3A_311, %add3A_178 : i32
    %lt3A_313 = arith.cmpi slt, %mul3A_309, %mul3A_312 : i32
    %and3A_314 = arith.andi %gt3A_307, %lt3A_313 : i1
    %eq3A_315 = arith.constant 0 : i32
    %eq3A_316 = arith.cmpi eq, %select_n3A_300, %eq3A_315 : i32
    %and3A_317 = arith.andi %and3A_314, %eq3A_316 : i1
    %jit3A_318 = arith.constant 5 : i32
    %select_n3A_319 = arith.select %and3A_317, %jit3A_318, %select_n3A_295 : i32
    %select_n3A_320 = arith.select %and3A_317, %add3A_279, %select_n3A_296 : i32
    %jit3A_321 = arith.constant 6 : i32
    %select_n3A_322 = arith.select %and3A_314, %jit3A_321, %select_n3A_298 : i32
    %jit3A_323 = arith.constant 1 : i32
    %select_n3A_324 = arith.select %and3A_314, %jit3A_323, %select_n3A_300 : i32
    %slice3A_325 = vector.extract_strided_slice %add3A_126 {offsets = [6], sizes = [1], strides = [1]} : vector<16xi32> to vector<1xi32>
    %squeeze3A_326 = vector.extract %slice3A_325[0] : i32 from vector<1xi32>
    %add3A_327 = arith.addi %add3A_303, %squeeze3A_326 : i32
    %mul3A_328 = arith.constant 32 : i32
    %mul3A_329 = arith.muli %mul3A_328, %add3A_327 : i32
    %mul3A_330 = arith.muli %add3A, %add3A_178 : i32
    %gt3A_331 = arith.cmpi sgt, %mul3A_329, %mul3A_330 : i32
    %mul3A_332 = arith.constant 32 : i32
    %mul3A_333 = arith.muli %mul3A_332, %add3A_303 : i32
    %add3A_334 = arith.constant 1 : i32
    %add3A_335 = arith.addi %add3A, %add3A_334 : i32
    %mul3A_336 = arith.muli %add3A_335, %add3A_178 : i32
    %lt3A_337 = arith.cmpi slt, %mul3A_333, %mul3A_336 : i32
    %and3A_338 = arith.andi %gt3A_331, %lt3A_337 : i1
    %eq3A_339 = arith.constant 0 : i32
    %eq3A_340 = arith.cmpi eq, %select_n3A_324, %eq3A_339 : i32
    %and3A_341 = arith.andi %and3A_338, %eq3A_340 : i1
    %jit3A_342 = arith.constant 6 : i32
    %select_n3A_343 = arith.select %and3A_341, %jit3A_342, %select_n3A_319 : i32
    %select_n3A_344 = arith.select %and3A_341, %add3A_303, %select_n3A_320 : i32
    %jit3A_345 = arith.constant 7 : i32
    %select_n3A_346 = arith.select %and3A_338, %jit3A_345, %select_n3A_322 : i32
    %jit3A_347 = arith.constant 1 : i32
    %select_n3A_348 = arith.select %and3A_338, %jit3A_347, %select_n3A_324 : i32
    %slice3A_349 = vector.extract_strided_slice %add3A_126 {offsets = [7], sizes = [1], strides = [1]} : vector<16xi32> to vector<1xi32>
    %squeeze3A_350 = vector.extract %slice3A_349[0] : i32 from vector<1xi32>
    %add3A_351 = arith.addi %add3A_327, %squeeze3A_350 : i32
    %mul3A_352 = arith.constant 32 : i32
    %mul3A_353 = arith.muli %mul3A_352, %add3A_351 : i32
    %mul3A_354 = arith.muli %add3A, %add3A_178 : i32
    %gt3A_355 = arith.cmpi sgt, %mul3A_353, %mul3A_354 : i32
    %mul3A_356 = arith.constant 32 : i32
    %mul3A_357 = arith.muli %mul3A_356, %add3A_327 : i32
    %add3A_358 = arith.constant 1 : i32
    %add3A_359 = arith.addi %add3A, %add3A_358 : i32
    %mul3A_360 = arith.muli %add3A_359, %add3A_178 : i32
    %lt3A_361 = arith.cmpi slt, %mul3A_357, %mul3A_360 : i32
    %and3A_362 = arith.andi %gt3A_355, %lt3A_361 : i1
    %eq3A_363 = arith.constant 0 : i32
    %eq3A_364 = arith.cmpi eq, %select_n3A_348, %eq3A_363 : i32
    %and3A_365 = arith.andi %and3A_362, %eq3A_364 : i1
    %jit3A_366 = arith.constant 7 : i32
    %select_n3A_367 = arith.select %and3A_365, %jit3A_366, %select_n3A_343 : i32
    %select_n3A_368 = arith.select %and3A_365, %add3A_327, %select_n3A_344 : i32
    %jit3A_369 = arith.constant 8 : i32
    %select_n3A_370 = arith.select %and3A_362, %jit3A_369, %select_n3A_346 : i32
    %jit3A_371 = arith.constant 1 : i32
    %select_n3A_372 = arith.select %and3A_362, %jit3A_371, %select_n3A_348 : i32
    %slice3A_373 = vector.extract_strided_slice %add3A_126 {offsets = [8], sizes = [1], strides = [1]} : vector<16xi32> to vector<1xi32>
    %squeeze3A_374 = vector.extract %slice3A_373[0] : i32 from vector<1xi32>
    %add3A_375 = arith.addi %add3A_351, %squeeze3A_374 : i32
    %mul3A_376 = arith.constant 32 : i32
    %mul3A_377 = arith.muli %mul3A_376, %add3A_375 : i32
    %mul3A_378 = arith.muli %add3A, %add3A_178 : i32
    %gt3A_379 = arith.cmpi sgt, %mul3A_377, %mul3A_378 : i32
    %mul3A_380 = arith.constant 32 : i32
    %mul3A_381 = arith.muli %mul3A_380, %add3A_351 : i32
    %add3A_382 = arith.constant 1 : i32
    %add3A_383 = arith.addi %add3A, %add3A_382 : i32
    %mul3A_384 = arith.muli %add3A_383, %add3A_178 : i32
    %lt3A_385 = arith.cmpi slt, %mul3A_381, %mul3A_384 : i32
    %and3A_386 = arith.andi %gt3A_379, %lt3A_385 : i1
    %eq3A_387 = arith.constant 0 : i32
    %eq3A_388 = arith.cmpi eq, %select_n3A_372, %eq3A_387 : i32
    %and3A_389 = arith.andi %and3A_386, %eq3A_388 : i1
    %jit3A_390 = arith.constant 8 : i32
    %select_n3A_391 = arith.select %and3A_389, %jit3A_390, %select_n3A_367 : i32
    %select_n3A_392 = arith.select %and3A_389, %add3A_351, %select_n3A_368 : i32
    %jit3A_393 = arith.constant 9 : i32
    %select_n3A_394 = arith.select %and3A_386, %jit3A_393, %select_n3A_370 : i32
    %jit3A_395 = arith.constant 1 : i32
    %select_n3A_396 = arith.select %and3A_386, %jit3A_395, %select_n3A_372 : i32
    %slice3A_397 = vector.extract_strided_slice %add3A_126 {offsets = [9], sizes = [1], strides = [1]} : vector<16xi32> to vector<1xi32>
    %squeeze3A_398 = vector.extract %slice3A_397[0] : i32 from vector<1xi32>
    %add3A_399 = arith.addi %add3A_375, %squeeze3A_398 : i32
    %mul3A_400 = arith.constant 32 : i32
    %mul3A_401 = arith.muli %mul3A_400, %add3A_399 : i32
    %mul3A_402 = arith.muli %add3A, %add3A_178 : i32
    %gt3A_403 = arith.cmpi sgt, %mul3A_401, %mul3A_402 : i32
    %mul3A_404 = arith.constant 32 : i32
    %mul3A_405 = arith.muli %mul3A_404, %add3A_375 : i32
    %add3A_406 = arith.constant 1 : i32
    %add3A_407 = arith.addi %add3A, %add3A_406 : i32
    %mul3A_408 = arith.muli %add3A_407, %add3A_178 : i32
    %lt3A_409 = arith.cmpi slt, %mul3A_405, %mul3A_408 : i32
    %and3A_410 = arith.andi %gt3A_403, %lt3A_409 : i1
    %eq3A_411 = arith.constant 0 : i32
    %eq3A_412 = arith.cmpi eq, %select_n3A_396, %eq3A_411 : i32
    %and3A_413 = arith.andi %and3A_410, %eq3A_412 : i1
    %jit3A_414 = arith.constant 9 : i32
    %select_n3A_415 = arith.select %and3A_413, %jit3A_414, %select_n3A_391 : i32
    %select_n3A_416 = arith.select %and3A_413, %add3A_375, %select_n3A_392 : i32
    %jit3A_417 = arith.constant 10 : i32
    %select_n3A_418 = arith.select %and3A_410, %jit3A_417, %select_n3A_394 : i32
    %jit3A_419 = arith.constant 1 : i32
    %select_n3A_420 = arith.select %and3A_410, %jit3A_419, %select_n3A_396 : i32
    %slice3A_421 = vector.extract_strided_slice %add3A_126 {offsets = [10], sizes = [1], strides = [1]} : vector<16xi32> to vector<1xi32>
    %squeeze3A_422 = vector.extract %slice3A_421[0] : i32 from vector<1xi32>
    %add3A_423 = arith.addi %add3A_399, %squeeze3A_422 : i32
    %mul3A_424 = arith.constant 32 : i32
    %mul3A_425 = arith.muli %mul3A_424, %add3A_423 : i32
    %mul3A_426 = arith.muli %add3A, %add3A_178 : i32
    %gt3A_427 = arith.cmpi sgt, %mul3A_425, %mul3A_426 : i32
    %mul3A_428 = arith.constant 32 : i32
    %mul3A_429 = arith.muli %mul3A_428, %add3A_399 : i32
    %add3A_430 = arith.constant 1 : i32
    %add3A_431 = arith.addi %add3A, %add3A_430 : i32
    %mul3A_432 = arith.muli %add3A_431, %add3A_178 : i32
    %lt3A_433 = arith.cmpi slt, %mul3A_429, %mul3A_432 : i32
    %and3A_434 = arith.andi %gt3A_427, %lt3A_433 : i1
    %eq3A_435 = arith.constant 0 : i32
    %eq3A_436 = arith.cmpi eq, %select_n3A_420, %eq3A_435 : i32
    %and3A_437 = arith.andi %and3A_434, %eq3A_436 : i1
    %jit3A_438 = arith.constant 10 : i32
    %select_n3A_439 = arith.select %and3A_437, %jit3A_438, %select_n3A_415 : i32
    %select_n3A_440 = arith.select %and3A_437, %add3A_399, %select_n3A_416 : i32
    %jit3A_441 = arith.constant 11 : i32
    %select_n3A_442 = arith.select %and3A_434, %jit3A_441, %select_n3A_418 : i32
    %jit3A_443 = arith.constant 1 : i32
    %select_n3A_444 = arith.select %and3A_434, %jit3A_443, %select_n3A_420 : i32
    %slice3A_445 = vector.extract_strided_slice %add3A_126 {offsets = [11], sizes = [1], strides = [1]} : vector<16xi32> to vector<1xi32>
    %squeeze3A_446 = vector.extract %slice3A_445[0] : i32 from vector<1xi32>
    %add3A_447 = arith.addi %add3A_423, %squeeze3A_446 : i32
    %mul3A_448 = arith.constant 32 : i32
    %mul3A_449 = arith.muli %mul3A_448, %add3A_447 : i32
    %mul3A_450 = arith.muli %add3A, %add3A_178 : i32
    %gt3A_451 = arith.cmpi sgt, %mul3A_449, %mul3A_450 : i32
    %mul3A_452 = arith.constant 32 : i32
    %mul3A_453 = arith.muli %mul3A_452, %add3A_423 : i32
    %add3A_454 = arith.constant 1 : i32
    %add3A_455 = arith.addi %add3A, %add3A_454 : i32
    %mul3A_456 = arith.muli %add3A_455, %add3A_178 : i32
    %lt3A_457 = arith.cmpi slt, %mul3A_453, %mul3A_456 : i32
    %and3A_458 = arith.andi %gt3A_451, %lt3A_457 : i1
    %eq3A_459 = arith.constant 0 : i32
    %eq3A_460 = arith.cmpi eq, %select_n3A_444, %eq3A_459 : i32
    %and3A_461 = arith.andi %and3A_458, %eq3A_460 : i1
    %jit3A_462 = arith.constant 11 : i32
    %select_n3A_463 = arith.select %and3A_461, %jit3A_462, %select_n3A_439 : i32
    %select_n3A_464 = arith.select %and3A_461, %add3A_423, %select_n3A_440 : i32
    %jit3A_465 = arith.constant 12 : i32
    %select_n3A_466 = arith.select %and3A_458, %jit3A_465, %select_n3A_442 : i32
    %jit3A_467 = arith.constant 1 : i32
    %select_n3A_468 = arith.select %and3A_458, %jit3A_467, %select_n3A_444 : i32
    %slice3A_469 = vector.extract_strided_slice %add3A_126 {offsets = [12], sizes = [1], strides = [1]} : vector<16xi32> to vector<1xi32>
    %squeeze3A_470 = vector.extract %slice3A_469[0] : i32 from vector<1xi32>
    %add3A_471 = arith.addi %add3A_447, %squeeze3A_470 : i32
    %mul3A_472 = arith.constant 32 : i32
    %mul3A_473 = arith.muli %mul3A_472, %add3A_471 : i32
    %mul3A_474 = arith.muli %add3A, %add3A_178 : i32
    %gt3A_475 = arith.cmpi sgt, %mul3A_473, %mul3A_474 : i32
    %mul3A_476 = arith.constant 32 : i32
    %mul3A_477 = arith.muli %mul3A_476, %add3A_447 : i32
    %add3A_478 = arith.constant 1 : i32
    %add3A_479 = arith.addi %add3A, %add3A_478 : i32
    %mul3A_480 = arith.muli %add3A_479, %add3A_178 : i32
    %lt3A_481 = arith.cmpi slt, %mul3A_477, %mul3A_480 : i32
    %and3A_482 = arith.andi %gt3A_475, %lt3A_481 : i1
    %eq3A_483 = arith.constant 0 : i32
    %eq3A_484 = arith.cmpi eq, %select_n3A_468, %eq3A_483 : i32
    %and3A_485 = arith.andi %and3A_482, %eq3A_484 : i1
    %jit3A_486 = arith.constant 12 : i32
    %select_n3A_487 = arith.select %and3A_485, %jit3A_486, %select_n3A_463 : i32
    %select_n3A_488 = arith.select %and3A_485, %add3A_447, %select_n3A_464 : i32
    %jit3A_489 = arith.constant 13 : i32
    %select_n3A_490 = arith.select %and3A_482, %jit3A_489, %select_n3A_466 : i32
    %jit3A_491 = arith.constant 1 : i32
    %select_n3A_492 = arith.select %and3A_482, %jit3A_491, %select_n3A_468 : i32
    %slice3A_493 = vector.extract_strided_slice %add3A_126 {offsets = [13], sizes = [1], strides = [1]} : vector<16xi32> to vector<1xi32>
    %squeeze3A_494 = vector.extract %slice3A_493[0] : i32 from vector<1xi32>
    %add3A_495 = arith.addi %add3A_471, %squeeze3A_494 : i32
    %mul3A_496 = arith.constant 32 : i32
    %mul3A_497 = arith.muli %mul3A_496, %add3A_495 : i32
    %mul3A_498 = arith.muli %add3A, %add3A_178 : i32
    %gt3A_499 = arith.cmpi sgt, %mul3A_497, %mul3A_498 : i32
    %mul3A_500 = arith.constant 32 : i32
    %mul3A_501 = arith.muli %mul3A_500, %add3A_471 : i32
    %add3A_502 = arith.constant 1 : i32
    %add3A_503 = arith.addi %add3A, %add3A_502 : i32
    %mul3A_504 = arith.muli %add3A_503, %add3A_178 : i32
    %lt3A_505 = arith.cmpi slt, %mul3A_501, %mul3A_504 : i32
    %and3A_506 = arith.andi %gt3A_499, %lt3A_505 : i1
    %eq3A_507 = arith.constant 0 : i32
    %eq3A_508 = arith.cmpi eq, %select_n3A_492, %eq3A_507 : i32
    %and3A_509 = arith.andi %and3A_506, %eq3A_508 : i1
    %jit3A_510 = arith.constant 13 : i32
    %select_n3A_511 = arith.select %and3A_509, %jit3A_510, %select_n3A_487 : i32
    %select_n3A_512 = arith.select %and3A_509, %add3A_471, %select_n3A_488 : i32
    %jit3A_513 = arith.constant 14 : i32
    %select_n3A_514 = arith.select %and3A_506, %jit3A_513, %select_n3A_490 : i32
    %jit3A_515 = arith.constant 1 : i32
    %select_n3A_516 = arith.select %and3A_506, %jit3A_515, %select_n3A_492 : i32
    %slice3A_517 = vector.extract_strided_slice %add3A_126 {offsets = [14], sizes = [1], strides = [1]} : vector<16xi32> to vector<1xi32>
    %squeeze3A_518 = vector.extract %slice3A_517[0] : i32 from vector<1xi32>
    %add3A_519 = arith.addi %add3A_495, %squeeze3A_518 : i32
    %mul3A_520 = arith.constant 32 : i32
    %mul3A_521 = arith.muli %mul3A_520, %add3A_519 : i32
    %mul3A_522 = arith.muli %add3A, %add3A_178 : i32
    %gt3A_523 = arith.cmpi sgt, %mul3A_521, %mul3A_522 : i32
    %mul3A_524 = arith.constant 32 : i32
    %mul3A_525 = arith.muli %mul3A_524, %add3A_495 : i32
    %add3A_526 = arith.constant 1 : i32
    %add3A_527 = arith.addi %add3A, %add3A_526 : i32
    %mul3A_528 = arith.muli %add3A_527, %add3A_178 : i32
    %lt3A_529 = arith.cmpi slt, %mul3A_525, %mul3A_528 : i32
    %and3A_530 = arith.andi %gt3A_523, %lt3A_529 : i1
    %eq3A_531 = arith.constant 0 : i32
    %eq3A_532 = arith.cmpi eq, %select_n3A_516, %eq3A_531 : i32
    %and3A_533 = arith.andi %and3A_530, %eq3A_532 : i1
    %jit3A_534 = arith.constant 14 : i32
    %select_n3A_535 = arith.select %and3A_533, %jit3A_534, %select_n3A_511 : i32
    %select_n3A_536 = arith.select %and3A_533, %add3A_495, %select_n3A_512 : i32
    %jit3A_537 = arith.constant 15 : i32
    %select_n3A_538 = arith.select %and3A_530, %jit3A_537, %select_n3A_514 : i32
    %jit3A_539 = arith.constant 1 : i32
    %select_n3A_540 = arith.select %and3A_530, %jit3A_539, %select_n3A_516 : i32
    %slice3A_541 = vector.extract_strided_slice %add3A_126 {offsets = [15], sizes = [1], strides = [1]} : vector<16xi32> to vector<1xi32>
    %squeeze3A_542 = vector.extract %slice3A_541[0] : i32 from vector<1xi32>
    %add3A_543 = arith.addi %add3A_519, %squeeze3A_542 : i32
    %mul3A_544 = arith.constant 32 : i32
    %mul3A_545 = arith.muli %mul3A_544, %add3A_543 : i32
    %mul3A_546 = arith.muli %add3A, %add3A_178 : i32
    %gt3A_547 = arith.cmpi sgt, %mul3A_545, %mul3A_546 : i32
    %mul3A_548 = arith.constant 32 : i32
    %mul3A_549 = arith.muli %mul3A_548, %add3A_519 : i32
    %add3A_550 = arith.constant 1 : i32
    %add3A_551 = arith.addi %add3A, %add3A_550 : i32
    %mul3A_552 = arith.muli %add3A_551, %add3A_178 : i32
    %lt3A_553 = arith.cmpi slt, %mul3A_549, %mul3A_552 : i32
    %and3A_554 = arith.andi %gt3A_547, %lt3A_553 : i1
    %eq3A_555 = arith.constant 0 : i32
    %eq3A_556 = arith.cmpi eq, %select_n3A_540, %eq3A_555 : i32
    %and3A_557 = arith.andi %and3A_554, %eq3A_556 : i1
    %jit3A_558 = arith.constant 15 : i32
    %select_n3A_559 = arith.select %and3A_557, %jit3A_558, %select_n3A_535 : i32
    %select_n3A_560 = arith.select %and3A_557, %add3A_519, %select_n3A_536 : i32
    %jit3A_561 = arith.constant 16 : i32
    %select_n3A_562 = arith.select %and3A_554, %jit3A_561, %select_n3A_538 : i32
    %jit3A_563 = arith.constant 1 : i32
    %select_n3A_564 = arith.select %and3A_554, %jit3A_563, %select_n3A_540 : i32
    %slice3A_565 = vector.extract_strided_slice %add3A_130 {offsets = [0], sizes = [1], strides = [1]} : vector<16xi32> to vector<1xi32>
    %squeeze3A_566 = vector.extract %slice3A_565[0] : i32 from vector<1xi32>
    %add3A_567 = arith.addi %add3A_543, %squeeze3A_566 : i32
    %mul3A_568 = arith.constant 32 : i32
    %mul3A_569 = arith.muli %mul3A_568, %add3A_567 : i32
    %mul3A_570 = arith.muli %add3A, %add3A_178 : i32
    %gt3A_571 = arith.cmpi sgt, %mul3A_569, %mul3A_570 : i32
    %mul3A_572 = arith.constant 32 : i32
    %mul3A_573 = arith.muli %mul3A_572, %add3A_543 : i32
    %add3A_574 = arith.constant 1 : i32
    %add3A_575 = arith.addi %add3A, %add3A_574 : i32
    %mul3A_576 = arith.muli %add3A_575, %add3A_178 : i32
    %lt3A_577 = arith.cmpi slt, %mul3A_573, %mul3A_576 : i32
    %and3A_578 = arith.andi %gt3A_571, %lt3A_577 : i1
    %eq3A_579 = arith.constant 0 : i32
    %eq3A_580 = arith.cmpi eq, %select_n3A_564, %eq3A_579 : i32
    %and3A_581 = arith.andi %and3A_578, %eq3A_580 : i1
    %jit3A_582 = arith.constant 16 : i32
    %select_n3A_583 = arith.select %and3A_581, %jit3A_582, %select_n3A_559 : i32
    %select_n3A_584 = arith.select %and3A_581, %add3A_543, %select_n3A_560 : i32
    %jit3A_585 = arith.constant 17 : i32
    %select_n3A_586 = arith.select %and3A_578, %jit3A_585, %select_n3A_562 : i32
    %jit3A_587 = arith.constant 1 : i32
    %select_n3A_588 = arith.select %and3A_578, %jit3A_587, %select_n3A_564 : i32
    %slice3A_589 = vector.extract_strided_slice %add3A_130 {offsets = [1], sizes = [1], strides = [1]} : vector<16xi32> to vector<1xi32>
    %squeeze3A_590 = vector.extract %slice3A_589[0] : i32 from vector<1xi32>
    %add3A_591 = arith.addi %add3A_567, %squeeze3A_590 : i32
    %mul3A_592 = arith.constant 32 : i32
    %mul3A_593 = arith.muli %mul3A_592, %add3A_591 : i32
    %mul3A_594 = arith.muli %add3A, %add3A_178 : i32
    %gt3A_595 = arith.cmpi sgt, %mul3A_593, %mul3A_594 : i32
    %mul3A_596 = arith.constant 32 : i32
    %mul3A_597 = arith.muli %mul3A_596, %add3A_567 : i32
    %add3A_598 = arith.constant 1 : i32
    %add3A_599 = arith.addi %add3A, %add3A_598 : i32
    %mul3A_600 = arith.muli %add3A_599, %add3A_178 : i32
    %lt3A_601 = arith.cmpi slt, %mul3A_597, %mul3A_600 : i32
    %and3A_602 = arith.andi %gt3A_595, %lt3A_601 : i1
    %eq3A_603 = arith.constant 0 : i32
    %eq3A_604 = arith.cmpi eq, %select_n3A_588, %eq3A_603 : i32
    %and3A_605 = arith.andi %and3A_602, %eq3A_604 : i1
    %jit3A_606 = arith.constant 17 : i32
    %select_n3A_607 = arith.select %and3A_605, %jit3A_606, %select_n3A_583 : i32
    %select_n3A_608 = arith.select %and3A_605, %add3A_567, %select_n3A_584 : i32
    %jit3A_609 = arith.constant 18 : i32
    %select_n3A_610 = arith.select %and3A_602, %jit3A_609, %select_n3A_586 : i32
    %jit3A_611 = arith.constant 1 : i32
    %select_n3A_612 = arith.select %and3A_602, %jit3A_611, %select_n3A_588 : i32
    %slice3A_613 = vector.extract_strided_slice %add3A_130 {offsets = [2], sizes = [1], strides = [1]} : vector<16xi32> to vector<1xi32>
    %squeeze3A_614 = vector.extract %slice3A_613[0] : i32 from vector<1xi32>
    %add3A_615 = arith.addi %add3A_591, %squeeze3A_614 : i32
    %mul3A_616 = arith.constant 32 : i32
    %mul3A_617 = arith.muli %mul3A_616, %add3A_615 : i32
    %mul3A_618 = arith.muli %add3A, %add3A_178 : i32
    %gt3A_619 = arith.cmpi sgt, %mul3A_617, %mul3A_618 : i32
    %mul3A_620 = arith.constant 32 : i32
    %mul3A_621 = arith.muli %mul3A_620, %add3A_591 : i32
    %add3A_622 = arith.constant 1 : i32
    %add3A_623 = arith.addi %add3A, %add3A_622 : i32
    %mul3A_624 = arith.muli %add3A_623, %add3A_178 : i32
    %lt3A_625 = arith.cmpi slt, %mul3A_621, %mul3A_624 : i32
    %and3A_626 = arith.andi %gt3A_619, %lt3A_625 : i1
    %eq3A_627 = arith.constant 0 : i32
    %eq3A_628 = arith.cmpi eq, %select_n3A_612, %eq3A_627 : i32
    %and3A_629 = arith.andi %and3A_626, %eq3A_628 : i1
    %jit3A_630 = arith.constant 18 : i32
    %select_n3A_631 = arith.select %and3A_629, %jit3A_630, %select_n3A_607 : i32
    %select_n3A_632 = arith.select %and3A_629, %add3A_591, %select_n3A_608 : i32
    %jit3A_633 = arith.constant 19 : i32
    %select_n3A_634 = arith.select %and3A_626, %jit3A_633, %select_n3A_610 : i32
    %jit3A_635 = arith.constant 1 : i32
    %select_n3A_636 = arith.select %and3A_626, %jit3A_635, %select_n3A_612 : i32
    %slice3A_637 = vector.extract_strided_slice %add3A_130 {offsets = [3], sizes = [1], strides = [1]} : vector<16xi32> to vector<1xi32>
    %squeeze3A_638 = vector.extract %slice3A_637[0] : i32 from vector<1xi32>
    %add3A_639 = arith.addi %add3A_615, %squeeze3A_638 : i32
    %mul3A_640 = arith.constant 32 : i32
    %mul3A_641 = arith.muli %mul3A_640, %add3A_639 : i32
    %mul3A_642 = arith.muli %add3A, %add3A_178 : i32
    %gt3A_643 = arith.cmpi sgt, %mul3A_641, %mul3A_642 : i32
    %mul3A_644 = arith.constant 32 : i32
    %mul3A_645 = arith.muli %mul3A_644, %add3A_615 : i32
    %add3A_646 = arith.constant 1 : i32
    %add3A_647 = arith.addi %add3A, %add3A_646 : i32
    %mul3A_648 = arith.muli %add3A_647, %add3A_178 : i32
    %lt3A_649 = arith.cmpi slt, %mul3A_645, %mul3A_648 : i32
    %and3A_650 = arith.andi %gt3A_643, %lt3A_649 : i1
    %eq3A_651 = arith.constant 0 : i32
    %eq3A_652 = arith.cmpi eq, %select_n3A_636, %eq3A_651 : i32
    %and3A_653 = arith.andi %and3A_650, %eq3A_652 : i1
    %jit3A_654 = arith.constant 19 : i32
    %select_n3A_655 = arith.select %and3A_653, %jit3A_654, %select_n3A_631 : i32
    %select_n3A_656 = arith.select %and3A_653, %add3A_615, %select_n3A_632 : i32
    %jit3A_657 = arith.constant 20 : i32
    %select_n3A_658 = arith.select %and3A_650, %jit3A_657, %select_n3A_634 : i32
    %jit3A_659 = arith.constant 1 : i32
    %select_n3A_660 = arith.select %and3A_650, %jit3A_659, %select_n3A_636 : i32
    %slice3A_661 = vector.extract_strided_slice %add3A_130 {offsets = [4], sizes = [1], strides = [1]} : vector<16xi32> to vector<1xi32>
    %squeeze3A_662 = vector.extract %slice3A_661[0] : i32 from vector<1xi32>
    %add3A_663 = arith.addi %add3A_639, %squeeze3A_662 : i32
    %mul3A_664 = arith.constant 32 : i32
    %mul3A_665 = arith.muli %mul3A_664, %add3A_663 : i32
    %mul3A_666 = arith.muli %add3A, %add3A_178 : i32
    %gt3A_667 = arith.cmpi sgt, %mul3A_665, %mul3A_666 : i32
    %mul3A_668 = arith.constant 32 : i32
    %mul3A_669 = arith.muli %mul3A_668, %add3A_639 : i32
    %add3A_670 = arith.constant 1 : i32
    %add3A_671 = arith.addi %add3A, %add3A_670 : i32
    %mul3A_672 = arith.muli %add3A_671, %add3A_178 : i32
    %lt3A_673 = arith.cmpi slt, %mul3A_669, %mul3A_672 : i32
    %and3A_674 = arith.andi %gt3A_667, %lt3A_673 : i1
    %eq3A_675 = arith.constant 0 : i32
    %eq3A_676 = arith.cmpi eq, %select_n3A_660, %eq3A_675 : i32
    %and3A_677 = arith.andi %and3A_674, %eq3A_676 : i1
    %jit3A_678 = arith.constant 20 : i32
    %select_n3A_679 = arith.select %and3A_677, %jit3A_678, %select_n3A_655 : i32
    %select_n3A_680 = arith.select %and3A_677, %add3A_639, %select_n3A_656 : i32
    %jit3A_681 = arith.constant 21 : i32
    %select_n3A_682 = arith.select %and3A_674, %jit3A_681, %select_n3A_658 : i32
    %jit3A_683 = arith.constant 1 : i32
    %select_n3A_684 = arith.select %and3A_674, %jit3A_683, %select_n3A_660 : i32
    %slice3A_685 = vector.extract_strided_slice %add3A_130 {offsets = [5], sizes = [1], strides = [1]} : vector<16xi32> to vector<1xi32>
    %squeeze3A_686 = vector.extract %slice3A_685[0] : i32 from vector<1xi32>
    %add3A_687 = arith.addi %add3A_663, %squeeze3A_686 : i32
    %mul3A_688 = arith.constant 32 : i32
    %mul3A_689 = arith.muli %mul3A_688, %add3A_687 : i32
    %mul3A_690 = arith.muli %add3A, %add3A_178 : i32
    %gt3A_691 = arith.cmpi sgt, %mul3A_689, %mul3A_690 : i32
    %mul3A_692 = arith.constant 32 : i32
    %mul3A_693 = arith.muli %mul3A_692, %add3A_663 : i32
    %add3A_694 = arith.constant 1 : i32
    %add3A_695 = arith.addi %add3A, %add3A_694 : i32
    %mul3A_696 = arith.muli %add3A_695, %add3A_178 : i32
    %lt3A_697 = arith.cmpi slt, %mul3A_693, %mul3A_696 : i32
    %and3A_698 = arith.andi %gt3A_691, %lt3A_697 : i1
    %eq3A_699 = arith.constant 0 : i32
    %eq3A_700 = arith.cmpi eq, %select_n3A_684, %eq3A_699 : i32
    %and3A_701 = arith.andi %and3A_698, %eq3A_700 : i1
    %jit3A_702 = arith.constant 21 : i32
    %select_n3A_703 = arith.select %and3A_701, %jit3A_702, %select_n3A_679 : i32
    %select_n3A_704 = arith.select %and3A_701, %add3A_663, %select_n3A_680 : i32
    %jit3A_705 = arith.constant 22 : i32
    %select_n3A_706 = arith.select %and3A_698, %jit3A_705, %select_n3A_682 : i32
    %jit3A_707 = arith.constant 1 : i32
    %select_n3A_708 = arith.select %and3A_698, %jit3A_707, %select_n3A_684 : i32
    %slice3A_709 = vector.extract_strided_slice %add3A_130 {offsets = [6], sizes = [1], strides = [1]} : vector<16xi32> to vector<1xi32>
    %squeeze3A_710 = vector.extract %slice3A_709[0] : i32 from vector<1xi32>
    %add3A_711 = arith.addi %add3A_687, %squeeze3A_710 : i32
    %mul3A_712 = arith.constant 32 : i32
    %mul3A_713 = arith.muli %mul3A_712, %add3A_711 : i32
    %mul3A_714 = arith.muli %add3A, %add3A_178 : i32
    %gt3A_715 = arith.cmpi sgt, %mul3A_713, %mul3A_714 : i32
    %mul3A_716 = arith.constant 32 : i32
    %mul3A_717 = arith.muli %mul3A_716, %add3A_687 : i32
    %add3A_718 = arith.constant 1 : i32
    %add3A_719 = arith.addi %add3A, %add3A_718 : i32
    %mul3A_720 = arith.muli %add3A_719, %add3A_178 : i32
    %lt3A_721 = arith.cmpi slt, %mul3A_717, %mul3A_720 : i32
    %and3A_722 = arith.andi %gt3A_715, %lt3A_721 : i1
    %eq3A_723 = arith.constant 0 : i32
    %eq3A_724 = arith.cmpi eq, %select_n3A_708, %eq3A_723 : i32
    %and3A_725 = arith.andi %and3A_722, %eq3A_724 : i1
    %jit3A_726 = arith.constant 22 : i32
    %select_n3A_727 = arith.select %and3A_725, %jit3A_726, %select_n3A_703 : i32
    %select_n3A_728 = arith.select %and3A_725, %add3A_687, %select_n3A_704 : i32
    %jit3A_729 = arith.constant 23 : i32
    %select_n3A_730 = arith.select %and3A_722, %jit3A_729, %select_n3A_706 : i32
    %jit3A_731 = arith.constant 1 : i32
    %select_n3A_732 = arith.select %and3A_722, %jit3A_731, %select_n3A_708 : i32
    %slice3A_733 = vector.extract_strided_slice %add3A_130 {offsets = [7], sizes = [1], strides = [1]} : vector<16xi32> to vector<1xi32>
    %squeeze3A_734 = vector.extract %slice3A_733[0] : i32 from vector<1xi32>
    %add3A_735 = arith.addi %add3A_711, %squeeze3A_734 : i32
    %mul3A_736 = arith.constant 32 : i32
    %mul3A_737 = arith.muli %mul3A_736, %add3A_735 : i32
    %mul3A_738 = arith.muli %add3A, %add3A_178 : i32
    %gt3A_739 = arith.cmpi sgt, %mul3A_737, %mul3A_738 : i32
    %mul3A_740 = arith.constant 32 : i32
    %mul3A_741 = arith.muli %mul3A_740, %add3A_711 : i32
    %add3A_742 = arith.constant 1 : i32
    %add3A_743 = arith.addi %add3A, %add3A_742 : i32
    %mul3A_744 = arith.muli %add3A_743, %add3A_178 : i32
    %lt3A_745 = arith.cmpi slt, %mul3A_741, %mul3A_744 : i32
    %and3A_746 = arith.andi %gt3A_739, %lt3A_745 : i1
    %eq3A_747 = arith.constant 0 : i32
    %eq3A_748 = arith.cmpi eq, %select_n3A_732, %eq3A_747 : i32
    %and3A_749 = arith.andi %and3A_746, %eq3A_748 : i1
    %jit3A_750 = arith.constant 23 : i32
    %select_n3A_751 = arith.select %and3A_749, %jit3A_750, %select_n3A_727 : i32
    %select_n3A_752 = arith.select %and3A_749, %add3A_711, %select_n3A_728 : i32
    %jit3A_753 = arith.constant 24 : i32
    %select_n3A_754 = arith.select %and3A_746, %jit3A_753, %select_n3A_730 : i32
    %jit3A_755 = arith.constant 1 : i32
    %select_n3A_756 = arith.select %and3A_746, %jit3A_755, %select_n3A_732 : i32
    %slice3A_757 = vector.extract_strided_slice %add3A_130 {offsets = [8], sizes = [1], strides = [1]} : vector<16xi32> to vector<1xi32>
    %squeeze3A_758 = vector.extract %slice3A_757[0] : i32 from vector<1xi32>
    %add3A_759 = arith.addi %add3A_735, %squeeze3A_758 : i32
    %mul3A_760 = arith.constant 32 : i32
    %mul3A_761 = arith.muli %mul3A_760, %add3A_759 : i32
    %mul3A_762 = arith.muli %add3A, %add3A_178 : i32
    %gt3A_763 = arith.cmpi sgt, %mul3A_761, %mul3A_762 : i32
    %mul3A_764 = arith.constant 32 : i32
    %mul3A_765 = arith.muli %mul3A_764, %add3A_735 : i32
    %add3A_766 = arith.constant 1 : i32
    %add3A_767 = arith.addi %add3A, %add3A_766 : i32
    %mul3A_768 = arith.muli %add3A_767, %add3A_178 : i32
    %lt3A_769 = arith.cmpi slt, %mul3A_765, %mul3A_768 : i32
    %and3A_770 = arith.andi %gt3A_763, %lt3A_769 : i1
    %eq3A_771 = arith.constant 0 : i32
    %eq3A_772 = arith.cmpi eq, %select_n3A_756, %eq3A_771 : i32
    %and3A_773 = arith.andi %and3A_770, %eq3A_772 : i1
    %jit3A_774 = arith.constant 24 : i32
    %select_n3A_775 = arith.select %and3A_773, %jit3A_774, %select_n3A_751 : i32
    %select_n3A_776 = arith.select %and3A_773, %add3A_735, %select_n3A_752 : i32
    %jit3A_777 = arith.constant 25 : i32
    %select_n3A_778 = arith.select %and3A_770, %jit3A_777, %select_n3A_754 : i32
    %jit3A_779 = arith.constant 1 : i32
    %select_n3A_780 = arith.select %and3A_770, %jit3A_779, %select_n3A_756 : i32
    %slice3A_781 = vector.extract_strided_slice %add3A_130 {offsets = [9], sizes = [1], strides = [1]} : vector<16xi32> to vector<1xi32>
    %squeeze3A_782 = vector.extract %slice3A_781[0] : i32 from vector<1xi32>
    %add3A_783 = arith.addi %add3A_759, %squeeze3A_782 : i32
    %mul3A_784 = arith.constant 32 : i32
    %mul3A_785 = arith.muli %mul3A_784, %add3A_783 : i32
    %mul3A_786 = arith.muli %add3A, %add3A_178 : i32
    %gt3A_787 = arith.cmpi sgt, %mul3A_785, %mul3A_786 : i32
    %mul3A_788 = arith.constant 32 : i32
    %mul3A_789 = arith.muli %mul3A_788, %add3A_759 : i32
    %add3A_790 = arith.constant 1 : i32
    %add3A_791 = arith.addi %add3A, %add3A_790 : i32
    %mul3A_792 = arith.muli %add3A_791, %add3A_178 : i32
    %lt3A_793 = arith.cmpi slt, %mul3A_789, %mul3A_792 : i32
    %and3A_794 = arith.andi %gt3A_787, %lt3A_793 : i1
    %eq3A_795 = arith.constant 0 : i32
    %eq3A_796 = arith.cmpi eq, %select_n3A_780, %eq3A_795 : i32
    %and3A_797 = arith.andi %and3A_794, %eq3A_796 : i1
    %jit3A_798 = arith.constant 25 : i32
    %select_n3A_799 = arith.select %and3A_797, %jit3A_798, %select_n3A_775 : i32
    %select_n3A_800 = arith.select %and3A_797, %add3A_759, %select_n3A_776 : i32
    %jit3A_801 = arith.constant 26 : i32
    %select_n3A_802 = arith.select %and3A_794, %jit3A_801, %select_n3A_778 : i32
    %jit3A_803 = arith.constant 1 : i32
    %select_n3A_804 = arith.select %and3A_794, %jit3A_803, %select_n3A_780 : i32
    %slice3A_805 = vector.extract_strided_slice %add3A_130 {offsets = [10], sizes = [1], strides = [1]} : vector<16xi32> to vector<1xi32>
    %squeeze3A_806 = vector.extract %slice3A_805[0] : i32 from vector<1xi32>
    %add3A_807 = arith.addi %add3A_783, %squeeze3A_806 : i32
    %mul3A_808 = arith.constant 32 : i32
    %mul3A_809 = arith.muli %mul3A_808, %add3A_807 : i32
    %mul3A_810 = arith.muli %add3A, %add3A_178 : i32
    %gt3A_811 = arith.cmpi sgt, %mul3A_809, %mul3A_810 : i32
    %mul3A_812 = arith.constant 32 : i32
    %mul3A_813 = arith.muli %mul3A_812, %add3A_783 : i32
    %add3A_814 = arith.constant 1 : i32
    %add3A_815 = arith.addi %add3A, %add3A_814 : i32
    %mul3A_816 = arith.muli %add3A_815, %add3A_178 : i32
    %lt3A_817 = arith.cmpi slt, %mul3A_813, %mul3A_816 : i32
    %and3A_818 = arith.andi %gt3A_811, %lt3A_817 : i1
    %eq3A_819 = arith.constant 0 : i32
    %eq3A_820 = arith.cmpi eq, %select_n3A_804, %eq3A_819 : i32
    %and3A_821 = arith.andi %and3A_818, %eq3A_820 : i1
    %jit3A_822 = arith.constant 26 : i32
    %select_n3A_823 = arith.select %and3A_821, %jit3A_822, %select_n3A_799 : i32
    %select_n3A_824 = arith.select %and3A_821, %add3A_783, %select_n3A_800 : i32
    %jit3A_825 = arith.constant 27 : i32
    %select_n3A_826 = arith.select %and3A_818, %jit3A_825, %select_n3A_802 : i32
    %jit3A_827 = arith.constant 1 : i32
    %select_n3A_828 = arith.select %and3A_818, %jit3A_827, %select_n3A_804 : i32
    %slice3A_829 = vector.extract_strided_slice %add3A_130 {offsets = [11], sizes = [1], strides = [1]} : vector<16xi32> to vector<1xi32>
    %squeeze3A_830 = vector.extract %slice3A_829[0] : i32 from vector<1xi32>
    %add3A_831 = arith.addi %add3A_807, %squeeze3A_830 : i32
    %mul3A_832 = arith.constant 32 : i32
    %mul3A_833 = arith.muli %mul3A_832, %add3A_831 : i32
    %mul3A_834 = arith.muli %add3A, %add3A_178 : i32
    %gt3A_835 = arith.cmpi sgt, %mul3A_833, %mul3A_834 : i32
    %mul3A_836 = arith.constant 32 : i32
    %mul3A_837 = arith.muli %mul3A_836, %add3A_807 : i32
    %add3A_838 = arith.constant 1 : i32
    %add3A_839 = arith.addi %add3A, %add3A_838 : i32
    %mul3A_840 = arith.muli %add3A_839, %add3A_178 : i32
    %lt3A_841 = arith.cmpi slt, %mul3A_837, %mul3A_840 : i32
    %and3A_842 = arith.andi %gt3A_835, %lt3A_841 : i1
    %eq3A_843 = arith.constant 0 : i32
    %eq3A_844 = arith.cmpi eq, %select_n3A_828, %eq3A_843 : i32
    %and3A_845 = arith.andi %and3A_842, %eq3A_844 : i1
    %jit3A_846 = arith.constant 27 : i32
    %select_n3A_847 = arith.select %and3A_845, %jit3A_846, %select_n3A_823 : i32
    %select_n3A_848 = arith.select %and3A_845, %add3A_807, %select_n3A_824 : i32
    %jit3A_849 = arith.constant 28 : i32
    %select_n3A_850 = arith.select %and3A_842, %jit3A_849, %select_n3A_826 : i32
    %jit3A_851 = arith.constant 1 : i32
    %select_n3A_852 = arith.select %and3A_842, %jit3A_851, %select_n3A_828 : i32
    %slice3A_853 = vector.extract_strided_slice %add3A_130 {offsets = [12], sizes = [1], strides = [1]} : vector<16xi32> to vector<1xi32>
    %squeeze3A_854 = vector.extract %slice3A_853[0] : i32 from vector<1xi32>
    %add3A_855 = arith.addi %add3A_831, %squeeze3A_854 : i32
    %mul3A_856 = arith.constant 32 : i32
    %mul3A_857 = arith.muli %mul3A_856, %add3A_855 : i32
    %mul3A_858 = arith.muli %add3A, %add3A_178 : i32
    %gt3A_859 = arith.cmpi sgt, %mul3A_857, %mul3A_858 : i32
    %mul3A_860 = arith.constant 32 : i32
    %mul3A_861 = arith.muli %mul3A_860, %add3A_831 : i32
    %add3A_862 = arith.constant 1 : i32
    %add3A_863 = arith.addi %add3A, %add3A_862 : i32
    %mul3A_864 = arith.muli %add3A_863, %add3A_178 : i32
    %lt3A_865 = arith.cmpi slt, %mul3A_861, %mul3A_864 : i32
    %and3A_866 = arith.andi %gt3A_859, %lt3A_865 : i1
    %eq3A_867 = arith.constant 0 : i32
    %eq3A_868 = arith.cmpi eq, %select_n3A_852, %eq3A_867 : i32
    %and3A_869 = arith.andi %and3A_866, %eq3A_868 : i1
    %jit3A_870 = arith.constant 28 : i32
    %select_n3A_871 = arith.select %and3A_869, %jit3A_870, %select_n3A_847 : i32
    %select_n3A_872 = arith.select %and3A_869, %add3A_831, %select_n3A_848 : i32
    %jit3A_873 = arith.constant 29 : i32
    %select_n3A_874 = arith.select %and3A_866, %jit3A_873, %select_n3A_850 : i32
    %jit3A_875 = arith.constant 1 : i32
    %select_n3A_876 = arith.select %and3A_866, %jit3A_875, %select_n3A_852 : i32
    %slice3A_877 = vector.extract_strided_slice %add3A_130 {offsets = [13], sizes = [1], strides = [1]} : vector<16xi32> to vector<1xi32>
    %squeeze3A_878 = vector.extract %slice3A_877[0] : i32 from vector<1xi32>
    %add3A_879 = arith.addi %add3A_855, %squeeze3A_878 : i32
    %mul3A_880 = arith.constant 32 : i32
    %mul3A_881 = arith.muli %mul3A_880, %add3A_879 : i32
    %mul3A_882 = arith.muli %add3A, %add3A_178 : i32
    %gt3A_883 = arith.cmpi sgt, %mul3A_881, %mul3A_882 : i32
    %mul3A_884 = arith.constant 32 : i32
    %mul3A_885 = arith.muli %mul3A_884, %add3A_855 : i32
    %add3A_886 = arith.constant 1 : i32
    %add3A_887 = arith.addi %add3A, %add3A_886 : i32
    %mul3A_888 = arith.muli %add3A_887, %add3A_178 : i32
    %lt3A_889 = arith.cmpi slt, %mul3A_885, %mul3A_888 : i32
    %and3A_890 = arith.andi %gt3A_883, %lt3A_889 : i1
    %eq3A_891 = arith.constant 0 : i32
    %eq3A_892 = arith.cmpi eq, %select_n3A_876, %eq3A_891 : i32
    %and3A_893 = arith.andi %and3A_890, %eq3A_892 : i1
    %jit3A_894 = arith.constant 29 : i32
    %select_n3A_895 = arith.select %and3A_893, %jit3A_894, %select_n3A_871 : i32
    %select_n3A_896 = arith.select %and3A_893, %add3A_855, %select_n3A_872 : i32
    %jit3A_897 = arith.constant 30 : i32
    %select_n3A_898 = arith.select %and3A_890, %jit3A_897, %select_n3A_874 : i32
    %jit3A_899 = arith.constant 1 : i32
    %select_n3A_900 = arith.select %and3A_890, %jit3A_899, %select_n3A_876 : i32
    %slice3A_901 = vector.extract_strided_slice %add3A_130 {offsets = [14], sizes = [1], strides = [1]} : vector<16xi32> to vector<1xi32>
    %squeeze3A_902 = vector.extract %slice3A_901[0] : i32 from vector<1xi32>
    %add3A_903 = arith.addi %add3A_879, %squeeze3A_902 : i32
    %mul3A_904 = arith.constant 32 : i32
    %mul3A_905 = arith.muli %mul3A_904, %add3A_903 : i32
    %mul3A_906 = arith.muli %add3A, %add3A_178 : i32
    %gt3A_907 = arith.cmpi sgt, %mul3A_905, %mul3A_906 : i32
    %mul3A_908 = arith.constant 32 : i32
    %mul3A_909 = arith.muli %mul3A_908, %add3A_879 : i32
    %add3A_910 = arith.constant 1 : i32
    %add3A_911 = arith.addi %add3A, %add3A_910 : i32
    %mul3A_912 = arith.muli %add3A_911, %add3A_178 : i32
    %lt3A_913 = arith.cmpi slt, %mul3A_909, %mul3A_912 : i32
    %and3A_914 = arith.andi %gt3A_907, %lt3A_913 : i1
    %eq3A_915 = arith.constant 0 : i32
    %eq3A_916 = arith.cmpi eq, %select_n3A_900, %eq3A_915 : i32
    %and3A_917 = arith.andi %and3A_914, %eq3A_916 : i1
    %jit3A_918 = arith.constant 30 : i32
    %select_n3A_919 = arith.select %and3A_917, %jit3A_918, %select_n3A_895 : i32
    %select_n3A_920 = arith.select %and3A_917, %add3A_879, %select_n3A_896 : i32
    %jit3A_921 = arith.constant 31 : i32
    %select_n3A_922 = arith.select %and3A_914, %jit3A_921, %select_n3A_898 : i32
    %jit3A_923 = arith.constant 1 : i32
    %select_n3A_924 = arith.select %and3A_914, %jit3A_923, %select_n3A_900 : i32
    %slice3A_925 = vector.extract_strided_slice %add3A_130 {offsets = [15], sizes = [1], strides = [1]} : vector<16xi32> to vector<1xi32>
    %squeeze3A_926 = vector.extract %slice3A_925[0] : i32 from vector<1xi32>
    %add3A_927 = arith.addi %add3A_903, %squeeze3A_926 : i32
    %mul3A_928 = arith.constant 32 : i32
    %mul3A_929 = arith.muli %mul3A_928, %add3A_927 : i32
    %mul3A_930 = arith.muli %add3A, %add3A_178 : i32
    %gt3A_931 = arith.cmpi sgt, %mul3A_929, %mul3A_930 : i32
    %mul3A_932 = arith.constant 32 : i32
    %mul3A_933 = arith.muli %mul3A_932, %add3A_903 : i32
    %add3A_934 = arith.constant 1 : i32
    %add3A_935 = arith.addi %add3A, %add3A_934 : i32
    %mul3A_936 = arith.muli %add3A_935, %add3A_178 : i32
    %lt3A_937 = arith.cmpi slt, %mul3A_933, %mul3A_936 : i32
    %and3A_938 = arith.andi %gt3A_931, %lt3A_937 : i1
    %eq3A_939 = arith.constant 0 : i32
    %eq3A_940 = arith.cmpi eq, %select_n3A_924, %eq3A_939 : i32
    %and3A_941 = arith.andi %and3A_938, %eq3A_940 : i1
    %jit3A_942 = arith.constant 31 : i32
    %select_n3A_943 = arith.select %and3A_941, %jit3A_942, %select_n3A_919 : i32
    %select_n3A_944 = arith.select %and3A_941, %add3A_903, %select_n3A_920 : i32
    %jit3A_945 = arith.constant 32 : i32
    %select_n3A_946 = arith.select %and3A_938, %jit3A_945, %select_n3A_922 : i32
    %jit3A_947 = arith.constant 1 : i32
    %select_n3A_948 = arith.select %and3A_938, %jit3A_947, %select_n3A_924 : i32
    %while3A = arith.constant 0 : i32
    %while3A_949 = arith.constant 0 : i32
    %while3A_950 = arith.constant 0 : i32
    %while3A_951 = arith.constant 0 : i32
    %while3A_952 = arith.constant 0 : i32
    %while3A_953 = arith.subi %select_n3A_946, %select_n3A_943 : i32
    %while3A_954 = arith.addi %select_n3A_943, %while3A_953 : i32
    %while3A_955 = arith.constant 1 : i32
    %while3A_956 = arith.divsi %while3A_953, %while3A_955 : i32
    %while3A_957 = arith.muli %while3A_956, %while3A_955 : i32
    %while3A_958 = arith.addi %select_n3A_943, %while3A_957 : i32
    %while3A_959 = arith.constant 1 : i32
    %while3A_960:6 = scf.for %while3A_968 = %select_n3A_943 to %while3A_958 step %while3A_959 iter_args(%while3A_969 = %select_n3A_944, %while3A_970 = %while3A, %while3A_971 = %while3A_949, %while3A_972 = %while3A_950, %while3A_973 = %while3A_951, %while3A_974 = %while3A_952) -> (i32, i32, i32, i32, i32, i32)  : i32 {
      %mul3A_975 = arith.constant 16 : i32
      %mul3A_976 = arith.muli %while3A_968, %mul3A_975 : i32
      %get3A_977 = arith.index_cast %mul3A_976 : i32 to index
      %get3A_978 = tpu.vector_load %arg6[%get3A_977] {strides = array<i32>} : memref<528xi32, #tpu.memory_space<vmem>>, vector<16xi32>,
      %get3A_979 = vector.shape_cast %get3A_978 : vector<16xi32> to vector<16xi32>
      %slice3A_980 = vector.extract_strided_slice %get3A_979 {offsets = [0], sizes = [1], strides = [1]} : vector<16xi32> to vector<1xi32>
      %squeeze3A_981 = vector.extract %slice3A_980[0] : i32 from vector<1xi32>
      %mul3A_982 = arith.constant 16 : i32
      %mul3A_983 = arith.muli %while3A_968, %mul3A_982 : i32
      %add3A_984 = arith.constant 0 : i32
      %add3A_985 = arith.addi %mul3A_983, %add3A_984 : i32
      %mul3A_986 = arith.constant 2 : i32
      %mul3A_987 = arith.muli %mul3A_986, %while3A_969 : i32
      %add3A_988 = arith.addi %mul3A_987, %squeeze3A_981 : i32
      %mul3A_989 = arith.constant 16 : i32
      %mul3A_990 = arith.muli %add3A_988, %mul3A_989 : i32
      %mul3A_991 = arith.muli %add3A, %add3A_178 : i32
      %ge3A = arith.cmpi sge, %mul3A_990, %mul3A_991 : i32
      %add3A_992 = arith.constant 1 : i32
      %add3A_993 = arith.addi %add3A, %add3A_992 : i32
      %mul3A_994 = arith.muli %add3A_993, %add3A_178 : i32
      %lt3A_995 = arith.cmpi slt, %mul3A_990, %mul3A_994 : i32
      %and3A_996 = arith.andi %ge3A, %lt3A_995 : i1
      %gt3A_997 = arith.constant 0 : i32
      %gt3A_998 = arith.cmpi sgt, %squeeze3A_981, %gt3A_997 : i32
      %and3A_999 = arith.andi %and3A_996, %gt3A_998 : i1
      %eq3A_1000 = arith.constant 0 : i32
      %eq3A_1001 = arith.cmpi eq, %while3A_974, %eq3A_1000 : i32
      %and3A_1002 = arith.andi %and3A_999, %eq3A_1001 : i1
      %select_n3A_1003 = arith.select %and3A_1002, %add3A_985, %while3A_970 : i32
      %select_n3A_1004 = arith.select %and3A_1002, %while3A_969, %while3A_972 : i32
      %add3A_1005 = arith.constant 1 : i32
      %add3A_1006 = arith.addi %add3A_985, %add3A_1005 : i32
      %select_n3A_1007 = arith.select %and3A_999, %add3A_1006, %while3A_971 : i32
      %add3A_1008 = arith.addi %while3A_969, %squeeze3A_981 : i32
      %select_n3A_1009 = arith.select %and3A_999, %add3A_1008, %while3A_973 : i32
      %jit3A_1010 = arith.constant 1 : i32
      %select_n3A_1011 = arith.select %and3A_999, %jit3A_1010, %while3A_974 : i32
      %add3A_1012 = arith.addi %while3A_969, %squeeze3A_981 : i32
      %slice3A_1013 = vector.extract_strided_slice %get3A_979 {offsets = [1], sizes = [1], strides = [1]} : vector<16xi32> to vector<1xi32>
      %squeeze3A_1014 = vector.extract %slice3A_1013[0] : i32 from vector<1xi32>
      %mul3A_1015 = arith.constant 16 : i32
      %mul3A_1016 = arith.muli %while3A_968, %mul3A_1015 : i32
      %add3A_1017 = arith.constant 1 : i32
      %add3A_1018 = arith.addi %mul3A_1016, %add3A_1017 : i32
      %mul3A_1019 = arith.constant 2 : i32
      %mul3A_1020 = arith.muli %mul3A_1019, %add3A_1012 : i32
      %add3A_1021 = arith.addi %mul3A_1020, %squeeze3A_1014 : i32
      %mul3A_1022 = arith.constant 16 : i32
      %mul3A_1023 = arith.muli %add3A_1021, %mul3A_1022 : i32
      %mul3A_1024 = arith.muli %add3A, %add3A_178 : i32
      %ge3A_1025 = arith.cmpi sge, %mul3A_1023, %mul3A_1024 : i32
      %add3A_1026 = arith.constant 1 : i32
      %add3A_1027 = arith.addi %add3A, %add3A_1026 : i32
      %mul3A_1028 = arith.muli %add3A_1027, %add3A_178 : i32
      %lt3A_1029 = arith.cmpi slt, %mul3A_1023, %mul3A_1028 : i32
      %and3A_1030 = arith.andi %ge3A_1025, %lt3A_1029 : i1
      %gt3A_1031 = arith.constant 0 : i32
      %gt3A_1032 = arith.cmpi sgt, %squeeze3A_1014, %gt3A_1031 : i32
      %and3A_1033 = arith.andi %and3A_1030, %gt3A_1032 : i1
      %eq3A_1034 = arith.constant 0 : i32
      %eq3A_1035 = arith.cmpi eq, %select_n3A_1011, %eq3A_1034 : i32
      %and3A_1036 = arith.andi %and3A_1033, %eq3A_1035 : i1
      %select_n3A_1037 = arith.select %and3A_1036, %add3A_1018, %select_n3A_1003 : i32
      %select_n3A_1038 = arith.select %and3A_1036, %add3A_1012, %select_n3A_1004 : i32
      %add3A_1039 = arith.constant 1 : i32
      %add3A_1040 = arith.addi %add3A_1018, %add3A_1039 : i32
      %select_n3A_1041 = arith.select %and3A_1033, %add3A_1040, %select_n3A_1007 : i32
      %add3A_1042 = arith.addi %add3A_1012, %squeeze3A_1014 : i32
      %select_n3A_1043 = arith.select %and3A_1033, %add3A_1042, %select_n3A_1009 : i32
      %jit3A_1044 = arith.constant 1 : i32
      %select_n3A_1045 = arith.select %and3A_1033, %jit3A_1044, %select_n3A_1011 : i32
      %add3A_1046 = arith.addi %add3A_1012, %squeeze3A_1014 : i32
      %slice3A_1047 = vector.extract_strided_slice %get3A_979 {offsets = [2], sizes = [1], strides = [1]} : vector<16xi32> to vector<1xi32>
      %squeeze3A_1048 = vector.extract %slice3A_1047[0] : i32 from vector<1xi32>
      %mul3A_1049 = arith.constant 16 : i32
      %mul3A_1050 = arith.muli %while3A_968, %mul3A_1049 : i32
      %add3A_1051 = arith.constant 2 : i32
      %add3A_1052 = arith.addi %mul3A_1050, %add3A_1051 : i32
      %mul3A_1053 = arith.constant 2 : i32
      %mul3A_1054 = arith.muli %mul3A_1053, %add3A_1046 : i32
      %add3A_1055 = arith.addi %mul3A_1054, %squeeze3A_1048 : i32
      %mul3A_1056 = arith.constant 16 : i32
      %mul3A_1057 = arith.muli %add3A_1055, %mul3A_1056 : i32
      %mul3A_1058 = arith.muli %add3A, %add3A_178 : i32
      %ge3A_1059 = arith.cmpi sge, %mul3A_1057, %mul3A_1058 : i32
      %add3A_1060 = arith.constant 1 : i32
      %add3A_1061 = arith.addi %add3A, %add3A_1060 : i32
      %mul3A_1062 = arith.muli %add3A_1061, %add3A_178 : i32
      %lt3A_1063 = arith.cmpi slt, %mul3A_1057, %mul3A_1062 : i32
      %and3A_1064 = arith.andi %ge3A_1059, %lt3A_1063 : i1
      %gt3A_1065 = arith.constant 0 : i32
      %gt3A_1066 = arith.cmpi sgt, %squeeze3A_1048, %gt3A_1065 : i32
      %and3A_1067 = arith.andi %and3A_1064, %gt3A_1066 : i1
      %eq3A_1068 = arith.constant 0 : i32
      %eq3A_1069 = arith.cmpi eq, %select_n3A_1045, %eq3A_1068 : i32
      %and3A_1070 = arith.andi %and3A_1067, %eq3A_1069 : i1
      %select_n3A_1071 = arith.select %and3A_1070, %add3A_1052, %select_n3A_1037 : i32
      %select_n3A_1072 = arith.select %and3A_1070, %add3A_1046, %select_n3A_1038 : i32
      %add3A_1073 = arith.constant 1 : i32
      %add3A_1074 = arith.addi %add3A_1052, %add3A_1073 : i32
      %select_n3A_1075 = arith.select %and3A_1067, %add3A_1074, %select_n3A_1041 : i32
      %add3A_1076 = arith.addi %add3A_1046, %squeeze3A_1048 : i32
      %select_n3A_1077 = arith.select %and3A_1067, %add3A_1076, %select_n3A_1043 : i32
      %jit3A_1078 = arith.constant 1 : i32
      %select_n3A_1079 = arith.select %and3A_1067, %jit3A_1078, %select_n3A_1045 : i32
      %add3A_1080 = arith.addi %add3A_1046, %squeeze3A_1048 : i32
      %slice3A_1081 = vector.extract_strided_slice %get3A_979 {offsets = [3], sizes = [1], strides = [1]} : vector<16xi32> to vector<1xi32>
      %squeeze3A_1082 = vector.extract %slice3A_1081[0] : i32 from vector<1xi32>
      %mul3A_1083 = arith.constant 16 : i32
      %mul3A_1084 = arith.muli %while3A_968, %mul3A_1083 : i32
      %add3A_1085 = arith.constant 3 : i32
      %add3A_1086 = arith.addi %mul3A_1084, %add3A_1085 : i32
      %mul3A_1087 = arith.constant 2 : i32
      %mul3A_1088 = arith.muli %mul3A_1087, %add3A_1080 : i32
      %add3A_1089 = arith.addi %mul3A_1088, %squeeze3A_1082 : i32
      %mul3A_1090 = arith.constant 16 : i32
      %mul3A_1091 = arith.muli %add3A_1089, %mul3A_1090 : i32
      %mul3A_1092 = arith.muli %add3A, %add3A_178 : i32
      %ge3A_1093 = arith.cmpi sge, %mul3A_1091, %mul3A_1092 : i32
      %add3A_1094 = arith.constant 1 : i32
      %add3A_1095 = arith.addi %add3A, %add3A_1094 : i32
      %mul3A_1096 = arith.muli %add3A_1095, %add3A_178 : i32
      %lt3A_1097 = arith.cmpi slt, %mul3A_1091, %mul3A_1096 : i32
      %and3A_1098 = arith.andi %ge3A_1093, %lt3A_1097 : i1
      %gt3A_1099 = arith.constant 0 : i32
      %gt3A_1100 = arith.cmpi sgt, %squeeze3A_1082, %gt3A_1099 : i32
      %and3A_1101 = arith.andi %and3A_1098, %gt3A_1100 : i1
      %eq3A_1102 = arith.constant 0 : i32
      %eq3A_1103 = arith.cmpi eq, %select_n3A_1079, %eq3A_1102 : i32
      %and3A_1104 = arith.andi %and3A_1101, %eq3A_1103 : i1
      %select_n3A_1105 = arith.select %and3A_1104, %add3A_1086, %select_n3A_1071 : i32
      %select_n3A_1106 = arith.select %and3A_1104, %add3A_1080, %select_n3A_1072 : i32
      %add3A_1107 = arith.constant 1 : i32
      %add3A_1108 = arith.addi %add3A_1086, %add3A_1107 : i32
      %select_n3A_1109 = arith.select %and3A_1101, %add3A_1108, %select_n3A_1075 : i32
      %add3A_1110 = arith.addi %add3A_1080, %squeeze3A_1082 : i32
      %select_n3A_1111 = arith.select %and3A_1101, %add3A_1110, %select_n3A_1077 : i32
      %jit3A_1112 = arith.constant 1 : i32
      %select_n3A_1113 = arith.select %and3A_1101, %jit3A_1112, %select_n3A_1079 : i32
      %add3A_1114 = arith.addi %add3A_1080, %squeeze3A_1082 : i32
      %slice3A_1115 = vector.extract_strided_slice %get3A_979 {offsets = [4], sizes = [1], strides = [1]} : vector<16xi32> to vector<1xi32>
      %squeeze3A_1116 = vector.extract %slice3A_1115[0] : i32 from vector<1xi32>
      %mul3A_1117 = arith.constant 16 : i32
      %mul3A_1118 = arith.muli %while3A_968, %mul3A_1117 : i32
      %add3A_1119 = arith.constant 4 : i32
      %add3A_1120 = arith.addi %mul3A_1118, %add3A_1119 : i32
      %mul3A_1121 = arith.constant 2 : i32
      %mul3A_1122 = arith.muli %mul3A_1121, %add3A_1114 : i32
      %add3A_1123 = arith.addi %mul3A_1122, %squeeze3A_1116 : i32
      %mul3A_1124 = arith.constant 16 : i32
      %mul3A_1125 = arith.muli %add3A_1123, %mul3A_1124 : i32
      %mul3A_1126 = arith.muli %add3A, %add3A_178 : i32
      %ge3A_1127 = arith.cmpi sge, %mul3A_1125, %mul3A_1126 : i32
      %add3A_1128 = arith.constant 1 : i32
      %add3A_1129 = arith.addi %add3A, %add3A_1128 : i32
      %mul3A_1130 = arith.muli %add3A_1129, %add3A_178 : i32
      %lt3A_1131 = arith.cmpi slt, %mul3A_1125, %mul3A_1130 : i32
      %and3A_1132 = arith.andi %ge3A_1127, %lt3A_1131 : i1
      %gt3A_1133 = arith.constant 0 : i32
      %gt3A_1134 = arith.cmpi sgt, %squeeze3A_1116, %gt3A_1133 : i32
      %and3A_1135 = arith.andi %and3A_1132, %gt3A_1134 : i1
      %eq3A_1136 = arith.constant 0 : i32
      %eq3A_1137 = arith.cmpi eq, %select_n3A_1113, %eq3A_1136 : i32
      %and3A_1138 = arith.andi %and3A_1135, %eq3A_1137 : i1
      %select_n3A_1139 = arith.select %and3A_1138, %add3A_1120, %select_n3A_1105 : i32
      %select_n3A_1140 = arith.select %and3A_1138, %add3A_1114, %select_n3A_1106 : i32
      %add3A_1141 = arith.constant 1 : i32
      %add3A_1142 = arith.addi %add3A_1120, %add3A_1141 : i32
      %select_n3A_1143 = arith.select %and3A_1135, %add3A_1142, %select_n3A_1109 : i32
      %add3A_1144 = arith.addi %add3A_1114, %squeeze3A_1116 : i32
      %select_n3A_1145 = arith.select %and3A_1135, %add3A_1144, %select_n3A_1111 : i32
      %jit3A_1146 = arith.constant 1 : i32
      %select_n3A_1147 = arith.select %and3A_1135, %jit3A_1146, %select_n3A_1113 : i32
      %add3A_1148 = arith.addi %add3A_1114, %squeeze3A_1116 : i32
      %slice3A_1149 = vector.extract_strided_slice %get3A_979 {offsets = [5], sizes = [1], strides = [1]} : vector<16xi32> to vector<1xi32>
      %squeeze3A_1150 = vector.extract %slice3A_1149[0] : i32 from vector<1xi32>
      %mul3A_1151 = arith.constant 16 : i32
      %mul3A_1152 = arith.muli %while3A_968, %mul3A_1151 : i32
      %add3A_1153 = arith.constant 5 : i32
      %add3A_1154 = arith.addi %mul3A_1152, %add3A_1153 : i32
      %mul3A_1155 = arith.constant 2 : i32
      %mul3A_1156 = arith.muli %mul3A_1155, %add3A_1148 : i32
      %add3A_1157 = arith.addi %mul3A_1156, %squeeze3A_1150 : i32
      %mul3A_1158 = arith.constant 16 : i32
      %mul3A_1159 = arith.muli %add3A_1157, %mul3A_1158 : i32
      %mul3A_1160 = arith.muli %add3A, %add3A_178 : i32
      %ge3A_1161 = arith.cmpi sge, %mul3A_1159, %mul3A_1160 : i32
      %add3A_1162 = arith.constant 1 : i32
      %add3A_1163 = arith.addi %add3A, %add3A_1162 : i32
      %mul3A_1164 = arith.muli %add3A_1163, %add3A_178 : i32
      %lt3A_1165 = arith.cmpi slt, %mul3A_1159, %mul3A_1164 : i32
      %and3A_1166 = arith.andi %ge3A_1161, %lt3A_1165 : i1
      %gt3A_1167 = arith.constant 0 : i32
      %gt3A_1168 = arith.cmpi sgt, %squeeze3A_1150, %gt3A_1167 : i32
      %and3A_1169 = arith.andi %and3A_1166, %gt3A_1168 : i1
      %eq3A_1170 = arith.constant 0 : i32
      %eq3A_1171 = arith.cmpi eq, %select_n3A_1147, %eq3A_1170 : i32
      %and3A_1172 = arith.andi %and3A_1169, %eq3A_1171 : i1
      %select_n3A_1173 = arith.select %and3A_1172, %add3A_1154, %select_n3A_1139 : i32
      %select_n3A_1174 = arith.select %and3A_1172, %add3A_1148, %select_n3A_1140 : i32
      %add3A_1175 = arith.constant 1 : i32
      %add3A_1176 = arith.addi %add3A_1154, %add3A_1175 : i32
      %select_n3A_1177 = arith.select %and3A_1169, %add3A_1176, %select_n3A_1143 : i32
      %add3A_1178 = arith.addi %add3A_1148, %squeeze3A_1150 : i32
      %select_n3A_1179 = arith.select %and3A_1169, %add3A_1178, %select_n3A_1145 : i32
      %jit3A_1180 = arith.constant 1 : i32
      %select_n3A_1181 = arith.select %and3A_1169, %jit3A_1180, %select_n3A_1147 : i32
      %add3A_1182 = arith.addi %add3A_1148, %squeeze3A_1150 : i32
      %slice3A_1183 = vector.extract_strided_slice %get3A_979 {offsets = [6], sizes = [1], strides = [1]} : vector<16xi32> to vector<1xi32>
      %squeeze3A_1184 = vector.extract %slice3A_1183[0] : i32 from vector<1xi32>
      %mul3A_1185 = arith.constant 16 : i32
      %mul3A_1186 = arith.muli %while3A_968, %mul3A_1185 : i32
      %add3A_1187 = arith.constant 6 : i32
      %add3A_1188 = arith.addi %mul3A_1186, %add3A_1187 : i32
      %mul3A_1189 = arith.constant 2 : i32
      %mul3A_1190 = arith.muli %mul3A_1189, %add3A_1182 : i32
      %add3A_1191 = arith.addi %mul3A_1190, %squeeze3A_1184 : i32
      %mul3A_1192 = arith.constant 16 : i32
      %mul3A_1193 = arith.muli %add3A_1191, %mul3A_1192 : i32
      %mul3A_1194 = arith.muli %add3A, %add3A_178 : i32
      %ge3A_1195 = arith.cmpi sge, %mul3A_1193, %mul3A_1194 : i32
      %add3A_1196 = arith.constant 1 : i32
      %add3A_1197 = arith.addi %add3A, %add3A_1196 : i32
      %mul3A_1198 = arith.muli %add3A_1197, %add3A_178 : i32
      %lt3A_1199 = arith.cmpi slt, %mul3A_1193, %mul3A_1198 : i32
      %and3A_1200 = arith.andi %ge3A_1195, %lt3A_1199 : i1
      %gt3A_1201 = arith.constant 0 : i32
      %gt3A_1202 = arith.cmpi sgt, %squeeze3A_1184, %gt3A_1201 : i32
      %and3A_1203 = arith.andi %and3A_1200, %gt3A_1202 : i1
      %eq3A_1204 = arith.constant 0 : i32
      %eq3A_1205 = arith.cmpi eq, %select_n3A_1181, %eq3A_1204 : i32
      %and3A_1206 = arith.andi %and3A_1203, %eq3A_1205 : i1
      %select_n3A_1207 = arith.select %and3A_1206, %add3A_1188, %select_n3A_1173 : i32
      %select_n3A_1208 = arith.select %and3A_1206, %add3A_1182, %select_n3A_1174 : i32
      %add3A_1209 = arith.constant 1 : i32
      %add3A_1210 = arith.addi %add3A_1188, %add3A_1209 : i32
      %select_n3A_1211 = arith.select %and3A_1203, %add3A_1210, %select_n3A_1177 : i32
      %add3A_1212 = arith.addi %add3A_1182, %squeeze3A_1184 : i32
      %select_n3A_1213 = arith.select %and3A_1203, %add3A_1212, %select_n3A_1179 : i32
      %jit3A_1214 = arith.constant 1 : i32
      %select_n3A_1215 = arith.select %and3A_1203, %jit3A_1214, %select_n3A_1181 : i32
      %add3A_1216 = arith.addi %add3A_1182, %squeeze3A_1184 : i32
      %slice3A_1217 = vector.extract_strided_slice %get3A_979 {offsets = [7], sizes = [1], strides = [1]} : vector<16xi32> to vector<1xi32>
      %squeeze3A_1218 = vector.extract %slice3A_1217[0] : i32 from vector<1xi32>
      %mul3A_1219 = arith.constant 16 : i32
      %mul3A_1220 = arith.muli %while3A_968, %mul3A_1219 : i32
      %add3A_1221 = arith.constant 7 : i32
      %add3A_1222 = arith.addi %mul3A_1220, %add3A_1221 : i32
      %mul3A_1223 = arith.constant 2 : i32
      %mul3A_1224 = arith.muli %mul3A_1223, %add3A_1216 : i32
      %add3A_1225 = arith.addi %mul3A_1224, %squeeze3A_1218 : i32
      %mul3A_1226 = arith.constant 16 : i32
      %mul3A_1227 = arith.muli %add3A_1225, %mul3A_1226 : i32
      %mul3A_1228 = arith.muli %add3A, %add3A_178 : i32
      %ge3A_1229 = arith.cmpi sge, %mul3A_1227, %mul3A_1228 : i32
      %add3A_1230 = arith.constant 1 : i32
      %add3A_1231 = arith.addi %add3A, %add3A_1230 : i32
      %mul3A_1232 = arith.muli %add3A_1231, %add3A_178 : i32
      %lt3A_1233 = arith.cmpi slt, %mul3A_1227, %mul3A_1232 : i32
      %and3A_1234 = arith.andi %ge3A_1229, %lt3A_1233 : i1
      %gt3A_1235 = arith.constant 0 : i32
      %gt3A_1236 = arith.cmpi sgt, %squeeze3A_1218, %gt3A_1235 : i32
      %and3A_1237 = arith.andi %and3A_1234, %gt3A_1236 : i1
      %eq3A_1238 = arith.constant 0 : i32
      %eq3A_1239 = arith.cmpi eq, %select_n3A_1215, %eq3A_1238 : i32
      %and3A_1240 = arith.andi %and3A_1237, %eq3A_1239 : i1
      %select_n3A_1241 = arith.select %and3A_1240, %add3A_1222, %select_n3A_1207 : i32
      %select_n3A_1242 = arith.select %and3A_1240, %add3A_1216, %select_n3A_1208 : i32
      %add3A_1243 = arith.constant 1 : i32
      %add3A_1244 = arith.addi %add3A_1222, %add3A_1243 : i32
      %select_n3A_1245 = arith.select %and3A_1237, %add3A_1244, %select_n3A_1211 : i32
      %add3A_1246 = arith.addi %add3A_1216, %squeeze3A_1218 : i32
      %select_n3A_1247 = arith.select %and3A_1237, %add3A_1246, %select_n3A_1213 : i32
      %jit3A_1248 = arith.constant 1 : i32
      %select_n3A_1249 = arith.select %and3A_1237, %jit3A_1248, %select_n3A_1215 : i32
      %add3A_1250 = arith.addi %add3A_1216, %squeeze3A_1218 : i32
      %slice3A_1251 = vector.extract_strided_slice %get3A_979 {offsets = [8], sizes = [1], strides = [1]} : vector<16xi32> to vector<1xi32>
      %squeeze3A_1252 = vector.extract %slice3A_1251[0] : i32 from vector<1xi32>
      %mul3A_1253 = arith.constant 16 : i32
      %mul3A_1254 = arith.muli %while3A_968, %mul3A_1253 : i32
      %add3A_1255 = arith.constant 8 : i32
      %add3A_1256 = arith.addi %mul3A_1254, %add3A_1255 : i32
      %mul3A_1257 = arith.constant 2 : i32
      %mul3A_1258 = arith.muli %mul3A_1257, %add3A_1250 : i32
      %add3A_1259 = arith.addi %mul3A_1258, %squeeze3A_1252 : i32
      %mul3A_1260 = arith.constant 16 : i32
      %mul3A_1261 = arith.muli %add3A_1259, %mul3A_1260 : i32
      %mul3A_1262 = arith.muli %add3A, %add3A_178 : i32
      %ge3A_1263 = arith.cmpi sge, %mul3A_1261, %mul3A_1262 : i32
      %add3A_1264 = arith.constant 1 : i32
      %add3A_1265 = arith.addi %add3A, %add3A_1264 : i32
      %mul3A_1266 = arith.muli %add3A_1265, %add3A_178 : i32
      %lt3A_1267 = arith.cmpi slt, %mul3A_1261, %mul3A_1266 : i32
      %and3A_1268 = arith.andi %ge3A_1263, %lt3A_1267 : i1
      %gt3A_1269 = arith.constant 0 : i32
      %gt3A_1270 = arith.cmpi sgt, %squeeze3A_1252, %gt3A_1269 : i32
      %and3A_1271 = arith.andi %and3A_1268, %gt3A_1270 : i1
      %eq3A_1272 = arith.constant 0 : i32
      %eq3A_1273 = arith.cmpi eq, %select_n3A_1249, %eq3A_1272 : i32
      %and3A_1274 = arith.andi %and3A_1271, %eq3A_1273 : i1
      %select_n3A_1275 = arith.select %and3A_1274, %add3A_1256, %select_n3A_1241 : i32
      %select_n3A_1276 = arith.select %and3A_1274, %add3A_1250, %select_n3A_1242 : i32
      %add3A_1277 = arith.constant 1 : i32
      %add3A_1278 = arith.addi %add3A_1256, %add3A_1277 : i32
      %select_n3A_1279 = arith.select %and3A_1271, %add3A_1278, %select_n3A_1245 : i32
      %add3A_1280 = arith.addi %add3A_1250, %squeeze3A_1252 : i32
      %select_n3A_1281 = arith.select %and3A_1271, %add3A_1280, %select_n3A_1247 : i32
      %jit3A_1282 = arith.constant 1 : i32
      %select_n3A_1283 = arith.select %and3A_1271, %jit3A_1282, %select_n3A_1249 : i32
      %add3A_1284 = arith.addi %add3A_1250, %squeeze3A_1252 : i32
      %slice3A_1285 = vector.extract_strided_slice %get3A_979 {offsets = [9], sizes = [1], strides = [1]} : vector<16xi32> to vector<1xi32>
      %squeeze3A_1286 = vector.extract %slice3A_1285[0] : i32 from vector<1xi32>
      %mul3A_1287 = arith.constant 16 : i32
      %mul3A_1288 = arith.muli %while3A_968, %mul3A_1287 : i32
      %add3A_1289 = arith.constant 9 : i32
      %add3A_1290 = arith.addi %mul3A_1288, %add3A_1289 : i32
      %mul3A_1291 = arith.constant 2 : i32
      %mul3A_1292 = arith.muli %mul3A_1291, %add3A_1284 : i32
      %add3A_1293 = arith.addi %mul3A_1292, %squeeze3A_1286 : i32
      %mul3A_1294 = arith.constant 16 : i32
      %mul3A_1295 = arith.muli %add3A_1293, %mul3A_1294 : i32
      %mul3A_1296 = arith.muli %add3A, %add3A_178 : i32
      %ge3A_1297 = arith.cmpi sge, %mul3A_1295, %mul3A_1296 : i32
      %add3A_1298 = arith.constant 1 : i32
      %add3A_1299 = arith.addi %add3A, %add3A_1298 : i32
      %mul3A_1300 = arith.muli %add3A_1299, %add3A_178 : i32
      %lt3A_1301 = arith.cmpi slt, %mul3A_1295, %mul3A_1300 : i32
      %and3A_1302 = arith.andi %ge3A_1297, %lt3A_1301 : i1
      %gt3A_1303 = arith.constant 0 : i32
      %gt3A_1304 = arith.cmpi sgt, %squeeze3A_1286, %gt3A_1303 : i32
      %and3A_1305 = arith.andi %and3A_1302, %gt3A_1304 : i1
      %eq3A_1306 = arith.constant 0 : i32
      %eq3A_1307 = arith.cmpi eq, %select_n3A_1283, %eq3A_1306 : i32
      %and3A_1308 = arith.andi %and3A_1305, %eq3A_1307 : i1
      %select_n3A_1309 = arith.select %and3A_1308, %add3A_1290, %select_n3A_1275 : i32
      %select_n3A_1310 = arith.select %and3A_1308, %add3A_1284, %select_n3A_1276 : i32
      %add3A_1311 = arith.constant 1 : i32
      %add3A_1312 = arith.addi %add3A_1290, %add3A_1311 : i32
      %select_n3A_1313 = arith.select %and3A_1305, %add3A_1312, %select_n3A_1279 : i32
      %add3A_1314 = arith.addi %add3A_1284, %squeeze3A_1286 : i32
      %select_n3A_1315 = arith.select %and3A_1305, %add3A_1314, %select_n3A_1281 : i32
      %jit3A_1316 = arith.constant 1 : i32
      %select_n3A_1317 = arith.select %and3A_1305, %jit3A_1316, %select_n3A_1283 : i32
      %add3A_1318 = arith.addi %add3A_1284, %squeeze3A_1286 : i32
      %slice3A_1319 = vector.extract_strided_slice %get3A_979 {offsets = [10], sizes = [1], strides = [1]} : vector<16xi32> to vector<1xi32>
      %squeeze3A_1320 = vector.extract %slice3A_1319[0] : i32 from vector<1xi32>
      %mul3A_1321 = arith.constant 16 : i32
      %mul3A_1322 = arith.muli %while3A_968, %mul3A_1321 : i32
      %add3A_1323 = arith.constant 10 : i32
      %add3A_1324 = arith.addi %mul3A_1322, %add3A_1323 : i32
      %mul3A_1325 = arith.constant 2 : i32
      %mul3A_1326 = arith.muli %mul3A_1325, %add3A_1318 : i32
      %add3A_1327 = arith.addi %mul3A_1326, %squeeze3A_1320 : i32
      %mul3A_1328 = arith.constant 16 : i32
      %mul3A_1329 = arith.muli %add3A_1327, %mul3A_1328 : i32
      %mul3A_1330 = arith.muli %add3A, %add3A_178 : i32
      %ge3A_1331 = arith.cmpi sge, %mul3A_1329, %mul3A_1330 : i32
      %add3A_1332 = arith.constant 1 : i32
      %add3A_1333 = arith.addi %add3A, %add3A_1332 : i32
      %mul3A_1334 = arith.muli %add3A_1333, %add3A_178 : i32
      %lt3A_1335 = arith.cmpi slt, %mul3A_1329, %mul3A_1334 : i32
      %and3A_1336 = arith.andi %ge3A_1331, %lt3A_1335 : i1
      %gt3A_1337 = arith.constant 0 : i32
      %gt3A_1338 = arith.cmpi sgt, %squeeze3A_1320, %gt3A_1337 : i32
      %and3A_1339 = arith.andi %and3A_1336, %gt3A_1338 : i1
      %eq3A_1340 = arith.constant 0 : i32
      %eq3A_1341 = arith.cmpi eq, %select_n3A_1317, %eq3A_1340 : i32
      %and3A_1342 = arith.andi %and3A_1339, %eq3A_1341 : i1
      %select_n3A_1343 = arith.select %and3A_1342, %add3A_1324, %select_n3A_1309 : i32
      %select_n3A_1344 = arith.select %and3A_1342, %add3A_1318, %select_n3A_1310 : i32
      %add3A_1345 = arith.constant 1 : i32
      %add3A_1346 = arith.addi %add3A_1324, %add3A_1345 : i32
      %select_n3A_1347 = arith.select %and3A_1339, %add3A_1346, %select_n3A_1313 : i32
      %add3A_1348 = arith.addi %add3A_1318, %squeeze3A_1320 : i32
      %select_n3A_1349 = arith.select %and3A_1339, %add3A_1348, %select_n3A_1315 : i32
      %jit3A_1350 = arith.constant 1 : i32
      %select_n3A_1351 = arith.select %and3A_1339, %jit3A_1350, %select_n3A_1317 : i32
      %add3A_1352 = arith.addi %add3A_1318, %squeeze3A_1320 : i32
      %slice3A_1353 = vector.extract_strided_slice %get3A_979 {offsets = [11], sizes = [1], strides = [1]} : vector<16xi32> to vector<1xi32>
      %squeeze3A_1354 = vector.extract %slice3A_1353[0] : i32 from vector<1xi32>
      %mul3A_1355 = arith.constant 16 : i32
      %mul3A_1356 = arith.muli %while3A_968, %mul3A_1355 : i32
      %add3A_1357 = arith.constant 11 : i32
      %add3A_1358 = arith.addi %mul3A_1356, %add3A_1357 : i32
      %mul3A_1359 = arith.constant 2 : i32
      %mul3A_1360 = arith.muli %mul3A_1359, %add3A_1352 : i32
      %add3A_1361 = arith.addi %mul3A_1360, %squeeze3A_1354 : i32
      %mul3A_1362 = arith.constant 16 : i32
      %mul3A_1363 = arith.muli %add3A_1361, %mul3A_1362 : i32
      %mul3A_1364 = arith.muli %add3A, %add3A_178 : i32
      %ge3A_1365 = arith.cmpi sge, %mul3A_1363, %mul3A_1364 : i32
      %add3A_1366 = arith.constant 1 : i32
      %add3A_1367 = arith.addi %add3A, %add3A_1366 : i32
      %mul3A_1368 = arith.muli %add3A_1367, %add3A_178 : i32
      %lt3A_1369 = arith.cmpi slt, %mul3A_1363, %mul3A_1368 : i32
      %and3A_1370 = arith.andi %ge3A_1365, %lt3A_1369 : i1
      %gt3A_1371 = arith.constant 0 : i32
      %gt3A_1372 = arith.cmpi sgt, %squeeze3A_1354, %gt3A_1371 : i32
      %and3A_1373 = arith.andi %and3A_1370, %gt3A_1372 : i1
      %eq3A_1374 = arith.constant 0 : i32
      %eq3A_1375 = arith.cmpi eq, %select_n3A_1351, %eq3A_1374 : i32
      %and3A_1376 = arith.andi %and3A_1373, %eq3A_1375 : i1
      %select_n3A_1377 = arith.select %and3A_1376, %add3A_1358, %select_n3A_1343 : i32
      %select_n3A_1378 = arith.select %and3A_1376, %add3A_1352, %select_n3A_1344 : i32
      %add3A_1379 = arith.constant 1 : i32
      %add3A_1380 = arith.addi %add3A_1358, %add3A_1379 : i32
      %select_n3A_1381 = arith.select %and3A_1373, %add3A_1380, %select_n3A_1347 : i32
      %add3A_1382 = arith.addi %add3A_1352, %squeeze3A_1354 : i32
      %select_n3A_1383 = arith.select %and3A_1373, %add3A_1382, %select_n3A_1349 : i32
      %jit3A_1384 = arith.constant 1 : i32
      %select_n3A_1385 = arith.select %and3A_1373, %jit3A_1384, %select_n3A_1351 : i32
      %add3A_1386 = arith.addi %add3A_1352, %squeeze3A_1354 : i32
      %slice3A_1387 = vector.extract_strided_slice %get3A_979 {offsets = [12], sizes = [1], strides = [1]} : vector<16xi32> to vector<1xi32>
      %squeeze3A_1388 = vector.extract %slice3A_1387[0] : i32 from vector<1xi32>
      %mul3A_1389 = arith.constant 16 : i32
      %mul3A_1390 = arith.muli %while3A_968, %mul3A_1389 : i32
      %add3A_1391 = arith.constant 12 : i32
      %add3A_1392 = arith.addi %mul3A_1390, %add3A_1391 : i32
      %mul3A_1393 = arith.constant 2 : i32
      %mul3A_1394 = arith.muli %mul3A_1393, %add3A_1386 : i32
      %add3A_1395 = arith.addi %mul3A_1394, %squeeze3A_1388 : i32
      %mul3A_1396 = arith.constant 16 : i32
      %mul3A_1397 = arith.muli %add3A_1395, %mul3A_1396 : i32
      %mul3A_1398 = arith.muli %add3A, %add3A_178 : i32
      %ge3A_1399 = arith.cmpi sge, %mul3A_1397, %mul3A_1398 : i32
      %add3A_1400 = arith.constant 1 : i32
      %add3A_1401 = arith.addi %add3A, %add3A_1400 : i32
      %mul3A_1402 = arith.muli %add3A_1401, %add3A_178 : i32
      %lt3A_1403 = arith.cmpi slt, %mul3A_1397, %mul3A_1402 : i32
      %and3A_1404 = arith.andi %ge3A_1399, %lt3A_1403 : i1
      %gt3A_1405 = arith.constant 0 : i32
      %gt3A_1406 = arith.cmpi sgt, %squeeze3A_1388, %gt3A_1405 : i32
      %and3A_1407 = arith.andi %and3A_1404, %gt3A_1406 : i1
      %eq3A_1408 = arith.constant 0 : i32
      %eq3A_1409 = arith.cmpi eq, %select_n3A_1385, %eq3A_1408 : i32
      %and3A_1410 = arith.andi %and3A_1407, %eq3A_1409 : i1
      %select_n3A_1411 = arith.select %and3A_1410, %add3A_1392, %select_n3A_1377 : i32
      %select_n3A_1412 = arith.select %and3A_1410, %add3A_1386, %select_n3A_1378 : i32
      %add3A_1413 = arith.constant 1 : i32
      %add3A_1414 = arith.addi %add3A_1392, %add3A_1413 : i32
      %select_n3A_1415 = arith.select %and3A_1407, %add3A_1414, %select_n3A_1381 : i32
      %add3A_1416 = arith.addi %add3A_1386, %squeeze3A_1388 : i32
      %select_n3A_1417 = arith.select %and3A_1407, %add3A_1416, %select_n3A_1383 : i32
      %jit3A_1418 = arith.constant 1 : i32
      %select_n3A_1419 = arith.select %and3A_1407, %jit3A_1418, %select_n3A_1385 : i32
      %add3A_1420 = arith.addi %add3A_1386, %squeeze3A_1388 : i32
      %slice3A_1421 = vector.extract_strided_slice %get3A_979 {offsets = [13], sizes = [1], strides = [1]} : vector<16xi32> to vector<1xi32>
      %squeeze3A_1422 = vector.extract %slice3A_1421[0] : i32 from vector<1xi32>
      %mul3A_1423 = arith.constant 16 : i32
      %mul3A_1424 = arith.muli %while3A_968, %mul3A_1423 : i32
      %add3A_1425 = arith.constant 13 : i32
      %add3A_1426 = arith.addi %mul3A_1424, %add3A_1425 : i32
      %mul3A_1427 = arith.constant 2 : i32
      %mul3A_1428 = arith.muli %mul3A_1427, %add3A_1420 : i32
      %add3A_1429 = arith.addi %mul3A_1428, %squeeze3A_1422 : i32
      %mul3A_1430 = arith.constant 16 : i32
      %mul3A_1431 = arith.muli %add3A_1429, %mul3A_1430 : i32
      %mul3A_1432 = arith.muli %add3A, %add3A_178 : i32
      %ge3A_1433 = arith.cmpi sge, %mul3A_1431, %mul3A_1432 : i32
      %add3A_1434 = arith.constant 1 : i32
      %add3A_1435 = arith.addi %add3A, %add3A_1434 : i32
      %mul3A_1436 = arith.muli %add3A_1435, %add3A_178 : i32
      %lt3A_1437 = arith.cmpi slt, %mul3A_1431, %mul3A_1436 : i32
      %and3A_1438 = arith.andi %ge3A_1433, %lt3A_1437 : i1
      %gt3A_1439 = arith.constant 0 : i32
      %gt3A_1440 = arith.cmpi sgt, %squeeze3A_1422, %gt3A_1439 : i32
      %and3A_1441 = arith.andi %and3A_1438, %gt3A_1440 : i1
      %eq3A_1442 = arith.constant 0 : i32
      %eq3A_1443 = arith.cmpi eq, %select_n3A_1419, %eq3A_1442 : i32
      %and3A_1444 = arith.andi %and3A_1441, %eq3A_1443 : i1
      %select_n3A_1445 = arith.select %and3A_1444, %add3A_1426, %select_n3A_1411 : i32
      %select_n3A_1446 = arith.select %and3A_1444, %add3A_1420, %select_n3A_1412 : i32
      %add3A_1447 = arith.constant 1 : i32
      %add3A_1448 = arith.addi %add3A_1426, %add3A_1447 : i32
      %select_n3A_1449 = arith.select %and3A_1441, %add3A_1448, %select_n3A_1415 : i32
      %add3A_1450 = arith.addi %add3A_1420, %squeeze3A_1422 : i32
      %select_n3A_1451 = arith.select %and3A_1441, %add3A_1450, %select_n3A_1417 : i32
      %jit3A_1452 = arith.constant 1 : i32
      %select_n3A_1453 = arith.select %and3A_1441, %jit3A_1452, %select_n3A_1419 : i32
      %add3A_1454 = arith.addi %add3A_1420, %squeeze3A_1422 : i32
      %slice3A_1455 = vector.extract_strided_slice %get3A_979 {offsets = [14], sizes = [1], strides = [1]} : vector<16xi32> to vector<1xi32>
      %squeeze3A_1456 = vector.extract %slice3A_1455[0] : i32 from vector<1xi32>
      %mul3A_1457 = arith.constant 16 : i32
      %mul3A_1458 = arith.muli %while3A_968, %mul3A_1457 : i32
      %add3A_1459 = arith.constant 14 : i32
      %add3A_1460 = arith.addi %mul3A_1458, %add3A_1459 : i32
      %mul3A_1461 = arith.constant 2 : i32
      %mul3A_1462 = arith.muli %mul3A_1461, %add3A_1454 : i32
      %add3A_1463 = arith.addi %mul3A_1462, %squeeze3A_1456 : i32
      %mul3A_1464 = arith.constant 16 : i32
      %mul3A_1465 = arith.muli %add3A_1463, %mul3A_1464 : i32
      %mul3A_1466 = arith.muli %add3A, %add3A_178 : i32
      %ge3A_1467 = arith.cmpi sge, %mul3A_1465, %mul3A_1466 : i32
      %add3A_1468 = arith.constant 1 : i32
      %add3A_1469 = arith.addi %add3A, %add3A_1468 : i32
      %mul3A_1470 = arith.muli %add3A_1469, %add3A_178 : i32
      %lt3A_1471 = arith.cmpi slt, %mul3A_1465, %mul3A_1470 : i32
      %and3A_1472 = arith.andi %ge3A_1467, %lt3A_1471 : i1
      %gt3A_1473 = arith.constant 0 : i32
      %gt3A_1474 = arith.cmpi sgt, %squeeze3A_1456, %gt3A_1473 : i32
      %and3A_1475 = arith.andi %and3A_1472, %gt3A_1474 : i1
      %eq3A_1476 = arith.constant 0 : i32
      %eq3A_1477 = arith.cmpi eq, %select_n3A_1453, %eq3A_1476 : i32
      %and3A_1478 = arith.andi %and3A_1475, %eq3A_1477 : i1
      %select_n3A_1479 = arith.select %and3A_1478, %add3A_1460, %select_n3A_1445 : i32
      %select_n3A_1480 = arith.select %and3A_1478, %add3A_1454, %select_n3A_1446 : i32
      %add3A_1481 = arith.constant 1 : i32
      %add3A_1482 = arith.addi %add3A_1460, %add3A_1481 : i32
      %select_n3A_1483 = arith.select %and3A_1475, %add3A_1482, %select_n3A_1449 : i32
      %add3A_1484 = arith.addi %add3A_1454, %squeeze3A_1456 : i32
      %select_n3A_1485 = arith.select %and3A_1475, %add3A_1484, %select_n3A_1451 : i32
      %jit3A_1486 = arith.constant 1 : i32
      %select_n3A_1487 = arith.select %and3A_1475, %jit3A_1486, %select_n3A_1453 : i32
      %add3A_1488 = arith.addi %add3A_1454, %squeeze3A_1456 : i32
      %slice3A_1489 = vector.extract_strided_slice %get3A_979 {offsets = [15], sizes = [1], strides = [1]} : vector<16xi32> to vector<1xi32>
      %squeeze3A_1490 = vector.extract %slice3A_1489[0] : i32 from vector<1xi32>
      %mul3A_1491 = arith.constant 16 : i32
      %mul3A_1492 = arith.muli %while3A_968, %mul3A_1491 : i32
      %add3A_1493 = arith.constant 15 : i32
      %add3A_1494 = arith.addi %mul3A_1492, %add3A_1493 : i32
      %mul3A_1495 = arith.constant 2 : i32
      %mul3A_1496 = arith.muli %mul3A_1495, %add3A_1488 : i32
      %add3A_1497 = arith.addi %mul3A_1496, %squeeze3A_1490 : i32
      %mul3A_1498 = arith.constant 16 : i32
      %mul3A_1499 = arith.muli %add3A_1497, %mul3A_1498 : i32
      %mul3A_1500 = arith.muli %add3A, %add3A_178 : i32
      %ge3A_1501 = arith.cmpi sge, %mul3A_1499, %mul3A_1500 : i32
      %add3A_1502 = arith.constant 1 : i32
      %add3A_1503 = arith.addi %add3A, %add3A_1502 : i32
      %mul3A_1504 = arith.muli %add3A_1503, %add3A_178 : i32
      %lt3A_1505 = arith.cmpi slt, %mul3A_1499, %mul3A_1504 : i32
      %and3A_1506 = arith.andi %ge3A_1501, %lt3A_1505 : i1
      %gt3A_1507 = arith.constant 0 : i32
      %gt3A_1508 = arith.cmpi sgt, %squeeze3A_1490, %gt3A_1507 : i32
      %and3A_1509 = arith.andi %and3A_1506, %gt3A_1508 : i1
      %eq3A_1510 = arith.constant 0 : i32
      %eq3A_1511 = arith.cmpi eq, %select_n3A_1487, %eq3A_1510 : i32
      %and3A_1512 = arith.andi %and3A_1509, %eq3A_1511 : i1
      %select_n3A_1513 = arith.select %and3A_1512, %add3A_1494, %select_n3A_1479 : i32
      %select_n3A_1514 = arith.select %and3A_1512, %add3A_1488, %select_n3A_1480 : i32
      %add3A_1515 = arith.constant 1 : i32
      %add3A_1516 = arith.addi %add3A_1494, %add3A_1515 : i32
      %select_n3A_1517 = arith.select %and3A_1509, %add3A_1516, %select_n3A_1483 : i32
      %add3A_1518 = arith.addi %add3A_1488, %squeeze3A_1490 : i32
      %select_n3A_1519 = arith.select %and3A_1509, %add3A_1518, %select_n3A_1485 : i32
      %jit3A_1520 = arith.constant 1 : i32
      %select_n3A_1521 = arith.select %and3A_1509, %jit3A_1520, %select_n3A_1487 : i32
      %add3A_1522 = arith.addi %add3A_1488, %squeeze3A_1490 : i32
      scf.yield %add3A_1522, %select_n3A_1513, %select_n3A_1517, %select_n3A_1514, %select_n3A_1519, %select_n3A_1521 : i32, i32, i32, i32, i32, i32
    }
    %while3A_961 = arith.constant 1 : i32
    %while3A_962:6 = scf.for %while3A_968 = %while3A_958 to %while3A_954 step %while3A_961 iter_args(%while3A_969 = %while3A_960#0, %while3A_970 = %while3A_960#1, %while3A_971 = %while3A_960#2, %while3A_972 = %while3A_960#3, %while3A_973 = %while3A_960#4, %while3A_974 = %while3A_960#5) -> (i32, i32, i32, i32, i32, i32)  : i32 {
      %mul3A_975 = arith.constant 16 : i32
      %mul3A_976 = arith.muli %while3A_968, %mul3A_975 : i32
      %get3A_977 = arith.index_cast %mul3A_976 : i32 to index
      %get3A_978 = tpu.vector_load %arg6[%get3A_977] {strides = array<i32>} : memref<528xi32, #tpu.memory_space<vmem>>, vector<16xi32>,
      %get3A_979 = vector.shape_cast %get3A_978 : vector<16xi32> to vector<16xi32>
      %slice3A_980 = vector.extract_strided_slice %get3A_979 {offsets = [0], sizes = [1], strides = [1]} : vector<16xi32> to vector<1xi32>
      %squeeze3A_981 = vector.extract %slice3A_980[0] : i32 from vector<1xi32>
      %mul3A_982 = arith.constant 16 : i32
      %mul3A_983 = arith.muli %while3A_968, %mul3A_982 : i32
      %add3A_984 = arith.constant 0 : i32
      %add3A_985 = arith.addi %mul3A_983, %add3A_984 : i32
      %mul3A_986 = arith.constant 2 : i32
      %mul3A_987 = arith.muli %mul3A_986, %while3A_969 : i32
      %add3A_988 = arith.addi %mul3A_987, %squeeze3A_981 : i32
      %mul3A_989 = arith.constant 16 : i32
      %mul3A_990 = arith.muli %add3A_988, %mul3A_989 : i32
      %mul3A_991 = arith.muli %add3A, %add3A_178 : i32
      %ge3A = arith.cmpi sge, %mul3A_990, %mul3A_991 : i32
      %add3A_992 = arith.constant 1 : i32
      %add3A_993 = arith.addi %add3A, %add3A_992 : i32
      %mul3A_994 = arith.muli %add3A_993, %add3A_178 : i32
      %lt3A_995 = arith.cmpi slt, %mul3A_990, %mul3A_994 : i32
      %and3A_996 = arith.andi %ge3A, %lt3A_995 : i1
      %gt3A_997 = arith.constant 0 : i32
      %gt3A_998 = arith.cmpi sgt, %squeeze3A_981, %gt3A_997 : i32
      %and3A_999 = arith.andi %and3A_996, %gt3A_998 : i1
      %eq3A_1000 = arith.constant 0 : i32
      %eq3A_1001 = arith.cmpi eq, %while3A_974, %eq3A_1000 : i32
      %and3A_1002 = arith.andi %and3A_999, %eq3A_1001 : i1
      %select_n3A_1003 = arith.select %and3A_1002, %add3A_985, %while3A_970 : i32
      %select_n3A_1004 = arith.select %and3A_1002, %while3A_969, %while3A_972 : i32
      %add3A_1005 = arith.constant 1 : i32
      %add3A_1006 = arith.addi %add3A_985, %add3A_1005 : i32
      %select_n3A_1007 = arith.select %and3A_999, %add3A_1006, %while3A_971 : i32
      %add3A_1008 = arith.addi %while3A_969, %squeeze3A_981 : i32
      %select_n3A_1009 = arith.select %and3A_999, %add3A_1008, %while3A_973 : i32
      %jit3A_1010 = arith.constant 1 : i32
      %select_n3A_1011 = arith.select %and3A_999, %jit3A_1010, %while3A_974 : i32
      %add3A_1012 = arith.addi %while3A_969, %squeeze3A_981 : i32
      %slice3A_1013 = vector.extract_strided_slice %get3A_979 {offsets = [1], sizes = [1], strides = [1]} : vector<16xi32> to vector<1xi32>
      %squeeze3A_1014 = vector.extract %slice3A_1013[0] : i32 from vector<1xi32>
      %mul3A_1015 = arith.constant 16 : i32
      %mul3A_1016 = arith.muli %while3A_968, %mul3A_1015 : i32
      %add3A_1017 = arith.constant 1 : i32
      %add3A_1018 = arith.addi %mul3A_1016, %add3A_1017 : i32
      %mul3A_1019 = arith.constant 2 : i32
      %mul3A_1020 = arith.muli %mul3A_1019, %add3A_1012 : i32
      %add3A_1021 = arith.addi %mul3A_1020, %squeeze3A_1014 : i32
      %mul3A_1022 = arith.constant 16 : i32
      %mul3A_1023 = arith.muli %add3A_1021, %mul3A_1022 : i32
      %mul3A_1024 = arith.muli %add3A, %add3A_178 : i32
      %ge3A_1025 = arith.cmpi sge, %mul3A_1023, %mul3A_1024 : i32
      %add3A_1026 = arith.constant 1 : i32
      %add3A_1027 = arith.addi %add3A, %add3A_1026 : i32
      %mul3A_1028 = arith.muli %add3A_1027, %add3A_178 : i32
      %lt3A_1029 = arith.cmpi slt, %mul3A_1023, %mul3A_1028 : i32
      %and3A_1030 = arith.andi %ge3A_1025, %lt3A_1029 : i1
      %gt3A_1031 = arith.constant 0 : i32
      %gt3A_1032 = arith.cmpi sgt, %squeeze3A_1014, %gt3A_1031 : i32
      %and3A_1033 = arith.andi %and3A_1030, %gt3A_1032 : i1
      %eq3A_1034 = arith.constant 0 : i32
      %eq3A_1035 = arith.cmpi eq, %select_n3A_1011, %eq3A_1034 : i32
      %and3A_1036 = arith.andi %and3A_1033, %eq3A_1035 : i1
      %select_n3A_1037 = arith.select %and3A_1036, %add3A_1018, %select_n3A_1003 : i32
      %select_n3A_1038 = arith.select %and3A_1036, %add3A_1012, %select_n3A_1004 : i32
      %add3A_1039 = arith.constant 1 : i32
      %add3A_1040 = arith.addi %add3A_1018, %add3A_1039 : i32
      %select_n3A_1041 = arith.select %and3A_1033, %add3A_1040, %select_n3A_1007 : i32
      %add3A_1042 = arith.addi %add3A_1012, %squeeze3A_1014 : i32
      %select_n3A_1043 = arith.select %and3A_1033, %add3A_1042, %select_n3A_1009 : i32
      %jit3A_1044 = arith.constant 1 : i32
      %select_n3A_1045 = arith.select %and3A_1033, %jit3A_1044, %select_n3A_1011 : i32
      %add3A_1046 = arith.addi %add3A_1012, %squeeze3A_1014 : i32
      %slice3A_1047 = vector.extract_strided_slice %get3A_979 {offsets = [2], sizes = [1], strides = [1]} : vector<16xi32> to vector<1xi32>
      %squeeze3A_1048 = vector.extract %slice3A_1047[0] : i32 from vector<1xi32>
      %mul3A_1049 = arith.constant 16 : i32
      %mul3A_1050 = arith.muli %while3A_968, %mul3A_1049 : i32
      %add3A_1051 = arith.constant 2 : i32
      %add3A_1052 = arith.addi %mul3A_1050, %add3A_1051 : i32
      %mul3A_1053 = arith.constant 2 : i32
      %mul3A_1054 = arith.muli %mul3A_1053, %add3A_1046 : i32
      %add3A_1055 = arith.addi %mul3A_1054, %squeeze3A_1048 : i32
      %mul3A_1056 = arith.constant 16 : i32
      %mul3A_1057 = arith.muli %add3A_1055, %mul3A_1056 : i32
      %mul3A_1058 = arith.muli %add3A, %add3A_178 : i32
      %ge3A_1059 = arith.cmpi sge, %mul3A_1057, %mul3A_1058 : i32
      %add3A_1060 = arith.constant 1 : i32
      %add3A_1061 = arith.addi %add3A, %add3A_1060 : i32
      %mul3A_1062 = arith.muli %add3A_1061, %add3A_178 : i32
      %lt3A_1063 = arith.cmpi slt, %mul3A_1057, %mul3A_1062 : i32
      %and3A_1064 = arith.andi %ge3A_1059, %lt3A_1063 : i1
      %gt3A_1065 = arith.constant 0 : i32
      %gt3A_1066 = arith.cmpi sgt, %squeeze3A_1048, %gt3A_1065 : i32
      %and3A_1067 = arith.andi %and3A_1064, %gt3A_1066 : i1
      %eq3A_1068 = arith.constant 0 : i32
      %eq3A_1069 = arith.cmpi eq, %select_n3A_1045, %eq3A_1068 : i32
      %and3A_1070 = arith.andi %and3A_1067, %eq3A_1069 : i1
      %select_n3A_1071 = arith.select %and3A_1070, %add3A_1052, %select_n3A_1037 : i32
      %select_n3A_1072 = arith.select %and3A_1070, %add3A_1046, %select_n3A_1038 : i32
      %add3A_1073 = arith.constant 1 : i32
      %add3A_1074 = arith.addi %add3A_1052, %add3A_1073 : i32
      %select_n3A_1075 = arith.select %and3A_1067, %add3A_1074, %select_n3A_1041 : i32
      %add3A_1076 = arith.addi %add3A_1046, %squeeze3A_1048 : i32
      %select_n3A_1077 = arith.select %and3A_1067, %add3A_1076, %select_n3A_1043 : i32
      %jit3A_1078 = arith.constant 1 : i32
      %select_n3A_1079 = arith.select %and3A_1067, %jit3A_1078, %select_n3A_1045 : i32
      %add3A_1080 = arith.addi %add3A_1046, %squeeze3A_1048 : i32
      %slice3A_1081 = vector.extract_strided_slice %get3A_979 {offsets = [3], sizes = [1], strides = [1]} : vector<16xi32> to vector<1xi32>
      %squeeze3A_1082 = vector.extract %slice3A_1081[0] : i32 from vector<1xi32>
      %mul3A_1083 = arith.constant 16 : i32
      %mul3A_1084 = arith.muli %while3A_968, %mul3A_1083 : i32
      %add3A_1085 = arith.constant 3 : i32
      %add3A_1086 = arith.addi %mul3A_1084, %add3A_1085 : i32
      %mul3A_1087 = arith.constant 2 : i32
      %mul3A_1088 = arith.muli %mul3A_1087, %add3A_1080 : i32
      %add3A_1089 = arith.addi %mul3A_1088, %squeeze3A_1082 : i32
      %mul3A_1090 = arith.constant 16 : i32
      %mul3A_1091 = arith.muli %add3A_1089, %mul3A_1090 : i32
      %mul3A_1092 = arith.muli %add3A, %add3A_178 : i32
      %ge3A_1093 = arith.cmpi sge, %mul3A_1091, %mul3A_1092 : i32
      %add3A_1094 = arith.constant 1 : i32
      %add3A_1095 = arith.addi %add3A, %add3A_1094 : i32
      %mul3A_1096 = arith.muli %add3A_1095, %add3A_178 : i32
      %lt3A_1097 = arith.cmpi slt, %mul3A_1091, %mul3A_1096 : i32
      %and3A_1098 = arith.andi %ge3A_1093, %lt3A_1097 : i1
      %gt3A_1099 = arith.constant 0 : i32
      %gt3A_1100 = arith.cmpi sgt, %squeeze3A_1082, %gt3A_1099 : i32
      %and3A_1101 = arith.andi %and3A_1098, %gt3A_1100 : i1
      %eq3A_1102 = arith.constant 0 : i32
      %eq3A_1103 = arith.cmpi eq, %select_n3A_1079, %eq3A_1102 : i32
      %and3A_1104 = arith.andi %and3A_1101, %eq3A_1103 : i1
      %select_n3A_1105 = arith.select %and3A_1104, %add3A_1086, %select_n3A_1071 : i32
      %select_n3A_1106 = arith.select %and3A_1104, %add3A_1080, %select_n3A_1072 : i32
      %add3A_1107 = arith.constant 1 : i32
      %add3A_1108 = arith.addi %add3A_1086, %add3A_1107 : i32
      %select_n3A_1109 = arith.select %and3A_1101, %add3A_1108, %select_n3A_1075 : i32
      %add3A_1110 = arith.addi %add3A_1080, %squeeze3A_1082 : i32
      %select_n3A_1111 = arith.select %and3A_1101, %add3A_1110, %select_n3A_1077 : i32
      %jit3A_1112 = arith.constant 1 : i32
      %select_n3A_1113 = arith.select %and3A_1101, %jit3A_1112, %select_n3A_1079 : i32
      %add3A_1114 = arith.addi %add3A_1080, %squeeze3A_1082 : i32
      %slice3A_1115 = vector.extract_strided_slice %get3A_979 {offsets = [4], sizes = [1], strides = [1]} : vector<16xi32> to vector<1xi32>
      %squeeze3A_1116 = vector.extract %slice3A_1115[0] : i32 from vector<1xi32>
      %mul3A_1117 = arith.constant 16 : i32
      %mul3A_1118 = arith.muli %while3A_968, %mul3A_1117 : i32
      %add3A_1119 = arith.constant 4 : i32
      %add3A_1120 = arith.addi %mul3A_1118, %add3A_1119 : i32
      %mul3A_1121 = arith.constant 2 : i32
      %mul3A_1122 = arith.muli %mul3A_1121, %add3A_1114 : i32
      %add3A_1123 = arith.addi %mul3A_1122, %squeeze3A_1116 : i32
      %mul3A_1124 = arith.constant 16 : i32
      %mul3A_1125 = arith.muli %add3A_1123, %mul3A_1124 : i32
      %mul3A_1126 = arith.muli %add3A, %add3A_178 : i32
      %ge3A_1127 = arith.cmpi sge, %mul3A_1125, %mul3A_1126 : i32
      %add3A_1128 = arith.constant 1 : i32
      %add3A_1129 = arith.addi %add3A, %add3A_1128 : i32
      %mul3A_1130 = arith.muli %add3A_1129, %add3A_178 : i32
      %lt3A_1131 = arith.cmpi slt, %mul3A_1125, %mul3A_1130 : i32
      %and3A_1132 = arith.andi %ge3A_1127, %lt3A_1131 : i1
      %gt3A_1133 = arith.constant 0 : i32
      %gt3A_1134 = arith.cmpi sgt, %squeeze3A_1116, %gt3A_1133 : i32
      %and3A_1135 = arith.andi %and3A_1132, %gt3A_1134 : i1
      %eq3A_1136 = arith.constant 0 : i32
      %eq3A_1137 = arith.cmpi eq, %select_n3A_1113, %eq3A_1136 : i32
      %and3A_1138 = arith.andi %and3A_1135, %eq3A_1137 : i1
      %select_n3A_1139 = arith.select %and3A_1138, %add3A_1120, %select_n3A_1105 : i32
      %select_n3A_1140 = arith.select %and3A_1138, %add3A_1114, %select_n3A_1106 : i32
      %add3A_1141 = arith.constant 1 : i32
      %add3A_1142 = arith.addi %add3A_1120, %add3A_1141 : i32
      %select_n3A_1143 = arith.select %and3A_1135, %add3A_1142, %select_n3A_1109 : i32
      %add3A_1144 = arith.addi %add3A_1114, %squeeze3A_1116 : i32
      %select_n3A_1145 = arith.select %and3A_1135, %add3A_1144, %select_n3A_1111 : i32
      %jit3A_1146 = arith.constant 1 : i32
      %select_n3A_1147 = arith.select %and3A_1135, %jit3A_1146, %select_n3A_1113 : i32
      %add3A_1148 = arith.addi %add3A_1114, %squeeze3A_1116 : i32
      %slice3A_1149 = vector.extract_strided_slice %get3A_979 {offsets = [5], sizes = [1], strides = [1]} : vector<16xi32> to vector<1xi32>
      %squeeze3A_1150 = vector.extract %slice3A_1149[0] : i32 from vector<1xi32>
      %mul3A_1151 = arith.constant 16 : i32
      %mul3A_1152 = arith.muli %while3A_968, %mul3A_1151 : i32
      %add3A_1153 = arith.constant 5 : i32
      %add3A_1154 = arith.addi %mul3A_1152, %add3A_1153 : i32
      %mul3A_1155 = arith.constant 2 : i32
      %mul3A_1156 = arith.muli %mul3A_1155, %add3A_1148 : i32
      %add3A_1157 = arith.addi %mul3A_1156, %squeeze3A_1150 : i32
      %mul3A_1158 = arith.constant 16 : i32
      %mul3A_1159 = arith.muli %add3A_1157, %mul3A_1158 : i32
      %mul3A_1160 = arith.muli %add3A, %add3A_178 : i32
      %ge3A_1161 = arith.cmpi sge, %mul3A_1159, %mul3A_1160 : i32
      %add3A_1162 = arith.constant 1 : i32
      %add3A_1163 = arith.addi %add3A, %add3A_1162 : i32
      %mul3A_1164 = arith.muli %add3A_1163, %add3A_178 : i32
      %lt3A_1165 = arith.cmpi slt, %mul3A_1159, %mul3A_1164 : i32
      %and3A_1166 = arith.andi %ge3A_1161, %lt3A_1165 : i1
      %gt3A_1167 = arith.constant 0 : i32
      %gt3A_1168 = arith.cmpi sgt, %squeeze3A_1150, %gt3A_1167 : i32
      %and3A_1169 = arith.andi %and3A_1166, %gt3A_1168 : i1
      %eq3A_1170 = arith.constant 0 : i32
      %eq3A_1171 = arith.cmpi eq, %select_n3A_1147, %eq3A_1170 : i32
      %and3A_1172 = arith.andi %and3A_1169, %eq3A_1171 : i1
      %select_n3A_1173 = arith.select %and3A_1172, %add3A_1154, %select_n3A_1139 : i32
      %select_n3A_1174 = arith.select %and3A_1172, %add3A_1148, %select_n3A_1140 : i32
      %add3A_1175 = arith.constant 1 : i32
      %add3A_1176 = arith.addi %add3A_1154, %add3A_1175 : i32
      %select_n3A_1177 = arith.select %and3A_1169, %add3A_1176, %select_n3A_1143 : i32
      %add3A_1178 = arith.addi %add3A_1148, %squeeze3A_1150 : i32
      %select_n3A_1179 = arith.select %and3A_1169, %add3A_1178, %select_n3A_1145 : i32
      %jit3A_1180 = arith.constant 1 : i32
      %select_n3A_1181 = arith.select %and3A_1169, %jit3A_1180, %select_n3A_1147 : i32
      %add3A_1182 = arith.addi %add3A_1148, %squeeze3A_1150 : i32
      %slice3A_1183 = vector.extract_strided_slice %get3A_979 {offsets = [6], sizes = [1], strides = [1]} : vector<16xi32> to vector<1xi32>
      %squeeze3A_1184 = vector.extract %slice3A_1183[0] : i32 from vector<1xi32>
      %mul3A_1185 = arith.constant 16 : i32
      %mul3A_1186 = arith.muli %while3A_968, %mul3A_1185 : i32
      %add3A_1187 = arith.constant 6 : i32
      %add3A_1188 = arith.addi %mul3A_1186, %add3A_1187 : i32
      %mul3A_1189 = arith.constant 2 : i32
      %mul3A_1190 = arith.muli %mul3A_1189, %add3A_1182 : i32
      %add3A_1191 = arith.addi %mul3A_1190, %squeeze3A_1184 : i32
      %mul3A_1192 = arith.constant 16 : i32
      %mul3A_1193 = arith.muli %add3A_1191, %mul3A_1192 : i32
      %mul3A_1194 = arith.muli %add3A, %add3A_178 : i32
      %ge3A_1195 = arith.cmpi sge, %mul3A_1193, %mul3A_1194 : i32
      %add3A_1196 = arith.constant 1 : i32
      %add3A_1197 = arith.addi %add3A, %add3A_1196 : i32
      %mul3A_1198 = arith.muli %add3A_1197, %add3A_178 : i32
      %lt3A_1199 = arith.cmpi slt, %mul3A_1193, %mul3A_1198 : i32
      %and3A_1200 = arith.andi %ge3A_1195, %lt3A_1199 : i1
      %gt3A_1201 = arith.constant 0 : i32
      %gt3A_1202 = arith.cmpi sgt, %squeeze3A_1184, %gt3A_1201 : i32
      %and3A_1203 = arith.andi %and3A_1200, %gt3A_1202 : i1
      %eq3A_1204 = arith.constant 0 : i32
      %eq3A_1205 = arith.cmpi eq, %select_n3A_1181, %eq3A_1204 : i32
      %and3A_1206 = arith.andi %and3A_1203, %eq3A_1205 : i1
      %select_n3A_1207 = arith.select %and3A_1206, %add3A_1188, %select_n3A_1173 : i32
      %select_n3A_1208 = arith.select %and3A_1206, %add3A_1182, %select_n3A_1174 : i32
      %add3A_1209 = arith.constant 1 : i32
      %add3A_1210 = arith.addi %add3A_1188, %add3A_1209 : i32
      %select_n3A_1211 = arith.select %and3A_1203, %add3A_1210, %select_n3A_1177 : i32
      %add3A_1212 = arith.addi %add3A_1182, %squeeze3A_1184 : i32
      %select_n3A_1213 = arith.select %and3A_1203, %add3A_1212, %select_n3A_1179 : i32
      %jit3A_1214 = arith.constant 1 : i32
      %select_n3A_1215 = arith.select %and3A_1203, %jit3A_1214, %select_n3A_1181 : i32
      %add3A_1216 = arith.addi %add3A_1182, %squeeze3A_1184 : i32
      %slice3A_1217 = vector.extract_strided_slice %get3A_979 {offsets = [7], sizes = [1], strides = [1]} : vector<16xi32> to vector<1xi32>
      %squeeze3A_1218 = vector.extract %slice3A_1217[0] : i32 from vector<1xi32>
      %mul3A_1219 = arith.constant 16 : i32
      %mul3A_1220 = arith.muli %while3A_968, %mul3A_1219 : i32
      %add3A_1221 = arith.constant 7 : i32
      %add3A_1222 = arith.addi %mul3A_1220, %add3A_1221 : i32
      %mul3A_1223 = arith.constant 2 : i32
      %mul3A_1224 = arith.muli %mul3A_1223, %add3A_1216 : i32
      %add3A_1225 = arith.addi %mul3A_1224, %squeeze3A_1218 : i32
      %mul3A_1226 = arith.constant 16 : i32
      %mul3A_1227 = arith.muli %add3A_1225, %mul3A_1226 : i32
      %mul3A_1228 = arith.muli %add3A, %add3A_178 : i32
      %ge3A_1229 = arith.cmpi sge, %mul3A_1227, %mul3A_1228 : i32
      %add3A_1230 = arith.constant 1 : i32
      %add3A_1231 = arith.addi %add3A, %add3A_1230 : i32
      %mul3A_1232 = arith.muli %add3A_1231, %add3A_178 : i32
      %lt3A_1233 = arith.cmpi slt, %mul3A_1227, %mul3A_1232 : i32
      %and3A_1234 = arith.andi %ge3A_1229, %lt3A_1233 : i1
      %gt3A_1235 = arith.constant 0 : i32
      %gt3A_1236 = arith.cmpi sgt, %squeeze3A_1218, %gt3A_1235 : i32
      %and3A_1237 = arith.andi %and3A_1234, %gt3A_1236 : i1
      %eq3A_1238 = arith.constant 0 : i32
      %eq3A_1239 = arith.cmpi eq, %select_n3A_1215, %eq3A_1238 : i32
      %and3A_1240 = arith.andi %and3A_1237, %eq3A_1239 : i1
      %select_n3A_1241 = arith.select %and3A_1240, %add3A_1222, %select_n3A_1207 : i32
      %select_n3A_1242 = arith.select %and3A_1240, %add3A_1216, %select_n3A_1208 : i32
      %add3A_1243 = arith.constant 1 : i32
      %add3A_1244 = arith.addi %add3A_1222, %add3A_1243 : i32
      %select_n3A_1245 = arith.select %and3A_1237, %add3A_1244, %select_n3A_1211 : i32
      %add3A_1246 = arith.addi %add3A_1216, %squeeze3A_1218 : i32
      %select_n3A_1247 = arith.select %and3A_1237, %add3A_1246, %select_n3A_1213 : i32
      %jit3A_1248 = arith.constant 1 : i32
      %select_n3A_1249 = arith.select %and3A_1237, %jit3A_1248, %select_n3A_1215 : i32
      %add3A_1250 = arith.addi %add3A_1216, %squeeze3A_1218 : i32
      %slice3A_1251 = vector.extract_strided_slice %get3A_979 {offsets = [8], sizes = [1], strides = [1]} : vector<16xi32> to vector<1xi32>
      %squeeze3A_1252 = vector.extract %slice3A_1251[0] : i32 from vector<1xi32>
      %mul3A_1253 = arith.constant 16 : i32
      %mul3A_1254 = arith.muli %while3A_968, %mul3A_1253 : i32
      %add3A_1255 = arith.constant 8 : i32
      %add3A_1256 = arith.addi %mul3A_1254, %add3A_1255 : i32
      %mul3A_1257 = arith.constant 2 : i32
      %mul3A_1258 = arith.muli %mul3A_1257, %add3A_1250 : i32
      %add3A_1259 = arith.addi %mul3A_1258, %squeeze3A_1252 : i32
      %mul3A_1260 = arith.constant 16 : i32
      %mul3A_1261 = arith.muli %add3A_1259, %mul3A_1260 : i32
      %mul3A_1262 = arith.muli %add3A, %add3A_178 : i32
      %ge3A_1263 = arith.cmpi sge, %mul3A_1261, %mul3A_1262 : i32
      %add3A_1264 = arith.constant 1 : i32
      %add3A_1265 = arith.addi %add3A, %add3A_1264 : i32
      %mul3A_1266 = arith.muli %add3A_1265, %add3A_178 : i32
      %lt3A_1267 = arith.cmpi slt, %mul3A_1261, %mul3A_1266 : i32
      %and3A_1268 = arith.andi %ge3A_1263, %lt3A_1267 : i1
      %gt3A_1269 = arith.constant 0 : i32
      %gt3A_1270 = arith.cmpi sgt, %squeeze3A_1252, %gt3A_1269 : i32
      %and3A_1271 = arith.andi %and3A_1268, %gt3A_1270 : i1
      %eq3A_1272 = arith.constant 0 : i32
      %eq3A_1273 = arith.cmpi eq, %select_n3A_1249, %eq3A_1272 : i32
      %and3A_1274 = arith.andi %and3A_1271, %eq3A_1273 : i1
      %select_n3A_1275 = arith.select %and3A_1274, %add3A_1256, %select_n3A_1241 : i32
      %select_n3A_1276 = arith.select %and3A_1274, %add3A_1250, %select_n3A_1242 : i32
      %add3A_1277 = arith.constant 1 : i32
      %add3A_1278 = arith.addi %add3A_1256, %add3A_1277 : i32
      %select_n3A_1279 = arith.select %and3A_1271, %add3A_1278, %select_n3A_1245 : i32
      %add3A_1280 = arith.addi %add3A_1250, %squeeze3A_1252 : i32
      %select_n3A_1281 = arith.select %and3A_1271, %add3A_1280, %select_n3A_1247 : i32
      %jit3A_1282 = arith.constant 1 : i32
      %select_n3A_1283 = arith.select %and3A_1271, %jit3A_1282, %select_n3A_1249 : i32
      %add3A_1284 = arith.addi %add3A_1250, %squeeze3A_1252 : i32
      %slice3A_1285 = vector.extract_strided_slice %get3A_979 {offsets = [9], sizes = [1], strides = [1]} : vector<16xi32> to vector<1xi32>
      %squeeze3A_1286 = vector.extract %slice3A_1285[0] : i32 from vector<1xi32>
      %mul3A_1287 = arith.constant 16 : i32
      %mul3A_1288 = arith.muli %while3A_968, %mul3A_1287 : i32
      %add3A_1289 = arith.constant 9 : i32
      %add3A_1290 = arith.addi %mul3A_1288, %add3A_1289 : i32
      %mul3A_1291 = arith.constant 2 : i32
      %mul3A_1292 = arith.muli %mul3A_1291, %add3A_1284 : i32
      %add3A_1293 = arith.addi %mul3A_1292, %squeeze3A_1286 : i32
      %mul3A_1294 = arith.constant 16 : i32
      %mul3A_1295 = arith.muli %add3A_1293, %mul3A_1294 : i32
      %mul3A_1296 = arith.muli %add3A, %add3A_178 : i32
      %ge3A_1297 = arith.cmpi sge, %mul3A_1295, %mul3A_1296 : i32
      %add3A_1298 = arith.constant 1 : i32
      %add3A_1299 = arith.addi %add3A, %add3A_1298 : i32
      %mul3A_1300 = arith.muli %add3A_1299, %add3A_178 : i32
      %lt3A_1301 = arith.cmpi slt, %mul3A_1295, %mul3A_1300 : i32
      %and3A_1302 = arith.andi %ge3A_1297, %lt3A_1301 : i1
      %gt3A_1303 = arith.constant 0 : i32
      %gt3A_1304 = arith.cmpi sgt, %squeeze3A_1286, %gt3A_1303 : i32
      %and3A_1305 = arith.andi %and3A_1302, %gt3A_1304 : i1
      %eq3A_1306 = arith.constant 0 : i32
      %eq3A_1307 = arith.cmpi eq, %select_n3A_1283, %eq3A_1306 : i32
      %and3A_1308 = arith.andi %and3A_1305, %eq3A_1307 : i1
      %select_n3A_1309 = arith.select %and3A_1308, %add3A_1290, %select_n3A_1275 : i32
      %select_n3A_1310 = arith.select %and3A_1308, %add3A_1284, %select_n3A_1276 : i32
      %add3A_1311 = arith.constant 1 : i32
      %add3A_1312 = arith.addi %add3A_1290, %add3A_1311 : i32
      %select_n3A_1313 = arith.select %and3A_1305, %add3A_1312, %select_n3A_1279 : i32
      %add3A_1314 = arith.addi %add3A_1284, %squeeze3A_1286 : i32
      %select_n3A_1315 = arith.select %and3A_1305, %add3A_1314, %select_n3A_1281 : i32
      %jit3A_1316 = arith.constant 1 : i32
      %select_n3A_1317 = arith.select %and3A_1305, %jit3A_1316, %select_n3A_1283 : i32
      %add3A_1318 = arith.addi %add3A_1284, %squeeze3A_1286 : i32
      %slice3A_1319 = vector.extract_strided_slice %get3A_979 {offsets = [10], sizes = [1], strides = [1]} : vector<16xi32> to vector<1xi32>
      %squeeze3A_1320 = vector.extract %slice3A_1319[0] : i32 from vector<1xi32>
      %mul3A_1321 = arith.constant 16 : i32
      %mul3A_1322 = arith.muli %while3A_968, %mul3A_1321 : i32
      %add3A_1323 = arith.constant 10 : i32
      %add3A_1324 = arith.addi %mul3A_1322, %add3A_1323 : i32
      %mul3A_1325 = arith.constant 2 : i32
      %mul3A_1326 = arith.muli %mul3A_1325, %add3A_1318 : i32
      %add3A_1327 = arith.addi %mul3A_1326, %squeeze3A_1320 : i32
      %mul3A_1328 = arith.constant 16 : i32
      %mul3A_1329 = arith.muli %add3A_1327, %mul3A_1328 : i32
      %mul3A_1330 = arith.muli %add3A, %add3A_178 : i32
      %ge3A_1331 = arith.cmpi sge, %mul3A_1329, %mul3A_1330 : i32
      %add3A_1332 = arith.constant 1 : i32
      %add3A_1333 = arith.addi %add3A, %add3A_1332 : i32
      %mul3A_1334 = arith.muli %add3A_1333, %add3A_178 : i32
      %lt3A_1335 = arith.cmpi slt, %mul3A_1329, %mul3A_1334 : i32
      %and3A_1336 = arith.andi %ge3A_1331, %lt3A_1335 : i1
      %gt3A_1337 = arith.constant 0 : i32
      %gt3A_1338 = arith.cmpi sgt, %squeeze3A_1320, %gt3A_1337 : i32
      %and3A_1339 = arith.andi %and3A_1336, %gt3A_1338 : i1
      %eq3A_1340 = arith.constant 0 : i32
      %eq3A_1341 = arith.cmpi eq, %select_n3A_1317, %eq3A_1340 : i32
      %and3A_1342 = arith.andi %and3A_1339, %eq3A_1341 : i1
      %select_n3A_1343 = arith.select %and3A_1342, %add3A_1324, %select_n3A_1309 : i32
      %select_n3A_1344 = arith.select %and3A_1342, %add3A_1318, %select_n3A_1310 : i32
      %add3A_1345 = arith.constant 1 : i32
      %add3A_1346 = arith.addi %add3A_1324, %add3A_1345 : i32
      %select_n3A_1347 = arith.select %and3A_1339, %add3A_1346, %select_n3A_1313 : i32
      %add3A_1348 = arith.addi %add3A_1318, %squeeze3A_1320 : i32
      %select_n3A_1349 = arith.select %and3A_1339, %add3A_1348, %select_n3A_1315 : i32
      %jit3A_1350 = arith.constant 1 : i32
      %select_n3A_1351 = arith.select %and3A_1339, %jit3A_1350, %select_n3A_1317 : i32
      %add3A_1352 = arith.addi %add3A_1318, %squeeze3A_1320 : i32
      %slice3A_1353 = vector.extract_strided_slice %get3A_979 {offsets = [11], sizes = [1], strides = [1]} : vector<16xi32> to vector<1xi32>
      %squeeze3A_1354 = vector.extract %slice3A_1353[0] : i32 from vector<1xi32>
      %mul3A_1355 = arith.constant 16 : i32
      %mul3A_1356 = arith.muli %while3A_968, %mul3A_1355 : i32
      %add3A_1357 = arith.constant 11 : i32
      %add3A_1358 = arith.addi %mul3A_1356, %add3A_1357 : i32
      %mul3A_1359 = arith.constant 2 : i32
      %mul3A_1360 = arith.muli %mul3A_1359, %add3A_1352 : i32
      %add3A_1361 = arith.addi %mul3A_1360, %squeeze3A_1354 : i32
      %mul3A_1362 = arith.constant 16 : i32
      %mul3A_1363 = arith.muli %add3A_1361, %mul3A_1362 : i32
      %mul3A_1364 = arith.muli %add3A, %add3A_178 : i32
      %ge3A_1365 = arith.cmpi sge, %mul3A_1363, %mul3A_1364 : i32
      %add3A_1366 = arith.constant 1 : i32
      %add3A_1367 = arith.addi %add3A, %add3A_1366 : i32
      %mul3A_1368 = arith.muli %add3A_1367, %add3A_178 : i32
      %lt3A_1369 = arith.cmpi slt, %mul3A_1363, %mul3A_1368 : i32
      %and3A_1370 = arith.andi %ge3A_1365, %lt3A_1369 : i1
      %gt3A_1371 = arith.constant 0 : i32
      %gt3A_1372 = arith.cmpi sgt, %squeeze3A_1354, %gt3A_1371 : i32
      %and3A_1373 = arith.andi %and3A_1370, %gt3A_1372 : i1
      %eq3A_1374 = arith.constant 0 : i32
      %eq3A_1375 = arith.cmpi eq, %select_n3A_1351, %eq3A_1374 : i32
      %and3A_1376 = arith.andi %and3A_1373, %eq3A_1375 : i1
      %select_n3A_1377 = arith.select %and3A_1376, %add3A_1358, %select_n3A_1343 : i32
      %select_n3A_1378 = arith.select %and3A_1376, %add3A_1352, %select_n3A_1344 : i32
      %add3A_1379 = arith.constant 1 : i32
      %add3A_1380 = arith.addi %add3A_1358, %add3A_1379 : i32
      %select_n3A_1381 = arith.select %and3A_1373, %add3A_1380, %select_n3A_1347 : i32
      %add3A_1382 = arith.addi %add3A_1352, %squeeze3A_1354 : i32
      %select_n3A_1383 = arith.select %and3A_1373, %add3A_1382, %select_n3A_1349 : i32
      %jit3A_1384 = arith.constant 1 : i32
      %select_n3A_1385 = arith.select %and3A_1373, %jit3A_1384, %select_n3A_1351 : i32
      %add3A_1386 = arith.addi %add3A_1352, %squeeze3A_1354 : i32
      %slice3A_1387 = vector.extract_strided_slice %get3A_979 {offsets = [12], sizes = [1], strides = [1]} : vector<16xi32> to vector<1xi32>
      %squeeze3A_1388 = vector.extract %slice3A_1387[0] : i32 from vector<1xi32>
      %mul3A_1389 = arith.constant 16 : i32
      %mul3A_1390 = arith.muli %while3A_968, %mul3A_1389 : i32
      %add3A_1391 = arith.constant 12 : i32
      %add3A_1392 = arith.addi %mul3A_1390, %add3A_1391 : i32
      %mul3A_1393 = arith.constant 2 : i32
      %mul3A_1394 = arith.muli %mul3A_1393, %add3A_1386 : i32
      %add3A_1395 = arith.addi %mul3A_1394, %squeeze3A_1388 : i32
      %mul3A_1396 = arith.constant 16 : i32
      %mul3A_1397 = arith.muli %add3A_1395, %mul3A_1396 : i32
      %mul3A_1398 = arith.muli %add3A, %add3A_178 : i32
      %ge3A_1399 = arith.cmpi sge, %mul3A_1397, %mul3A_1398 : i32
      %add3A_1400 = arith.constant 1 : i32
      %add3A_1401 = arith.addi %add3A, %add3A_1400 : i32
      %mul3A_1402 = arith.muli %add3A_1401, %add3A_178 : i32
      %lt3A_1403 = arith.cmpi slt, %mul3A_1397, %mul3A_1402 : i32
      %and3A_1404 = arith.andi %ge3A_1399, %lt3A_1403 : i1
      %gt3A_1405 = arith.constant 0 : i32
      %gt3A_1406 = arith.cmpi sgt, %squeeze3A_1388, %gt3A_1405 : i32
      %and3A_1407 = arith.andi %and3A_1404, %gt3A_1406 : i1
      %eq3A_1408 = arith.constant 0 : i32
      %eq3A_1409 = arith.cmpi eq, %select_n3A_1385, %eq3A_1408 : i32
      %and3A_1410 = arith.andi %and3A_1407, %eq3A_1409 : i1
      %select_n3A_1411 = arith.select %and3A_1410, %add3A_1392, %select_n3A_1377 : i32
      %select_n3A_1412 = arith.select %and3A_1410, %add3A_1386, %select_n3A_1378 : i32
      %add3A_1413 = arith.constant 1 : i32
      %add3A_1414 = arith.addi %add3A_1392, %add3A_1413 : i32
      %select_n3A_1415 = arith.select %and3A_1407, %add3A_1414, %select_n3A_1381 : i32
      %add3A_1416 = arith.addi %add3A_1386, %squeeze3A_1388 : i32
      %select_n3A_1417 = arith.select %and3A_1407, %add3A_1416, %select_n3A_1383 : i32
      %jit3A_1418 = arith.constant 1 : i32
      %select_n3A_1419 = arith.select %and3A_1407, %jit3A_1418, %select_n3A_1385 : i32
      %add3A_1420 = arith.addi %add3A_1386, %squeeze3A_1388 : i32
      %slice3A_1421 = vector.extract_strided_slice %get3A_979 {offsets = [13], sizes = [1], strides = [1]} : vector<16xi32> to vector<1xi32>
      %squeeze3A_1422 = vector.extract %slice3A_1421[0] : i32 from vector<1xi32>
      %mul3A_1423 = arith.constant 16 : i32
      %mul3A_1424 = arith.muli %while3A_968, %mul3A_1423 : i32
      %add3A_1425 = arith.constant 13 : i32
      %add3A_1426 = arith.addi %mul3A_1424, %add3A_1425 : i32
      %mul3A_1427 = arith.constant 2 : i32
      %mul3A_1428 = arith.muli %mul3A_1427, %add3A_1420 : i32
      %add3A_1429 = arith.addi %mul3A_1428, %squeeze3A_1422 : i32
      %mul3A_1430 = arith.constant 16 : i32
      %mul3A_1431 = arith.muli %add3A_1429, %mul3A_1430 : i32
      %mul3A_1432 = arith.muli %add3A, %add3A_178 : i32
      %ge3A_1433 = arith.cmpi sge, %mul3A_1431, %mul3A_1432 : i32
      %add3A_1434 = arith.constant 1 : i32
      %add3A_1435 = arith.addi %add3A, %add3A_1434 : i32
      %mul3A_1436 = arith.muli %add3A_1435, %add3A_178 : i32
      %lt3A_1437 = arith.cmpi slt, %mul3A_1431, %mul3A_1436 : i32
      %and3A_1438 = arith.andi %ge3A_1433, %lt3A_1437 : i1
      %gt3A_1439 = arith.constant 0 : i32
      %gt3A_1440 = arith.cmpi sgt, %squeeze3A_1422, %gt3A_1439 : i32
      %and3A_1441 = arith.andi %and3A_1438, %gt3A_1440 : i1
      %eq3A_1442 = arith.constant 0 : i32
      %eq3A_1443 = arith.cmpi eq, %select_n3A_1419, %eq3A_1442 : i32
      %and3A_1444 = arith.andi %and3A_1441, %eq3A_1443 : i1
      %select_n3A_1445 = arith.select %and3A_1444, %add3A_1426, %select_n3A_1411 : i32
      %select_n3A_1446 = arith.select %and3A_1444, %add3A_1420, %select_n3A_1412 : i32
      %add3A_1447 = arith.constant 1 : i32
      %add3A_1448 = arith.addi %add3A_1426, %add3A_1447 : i32
      %select_n3A_1449 = arith.select %and3A_1441, %add3A_1448, %select_n3A_1415 : i32
      %add3A_1450 = arith.addi %add3A_1420, %squeeze3A_1422 : i32
      %select_n3A_1451 = arith.select %and3A_1441, %add3A_1450, %select_n3A_1417 : i32
      %jit3A_1452 = arith.constant 1 : i32
      %select_n3A_1453 = arith.select %and3A_1441, %jit3A_1452, %select_n3A_1419 : i32
      %add3A_1454 = arith.addi %add3A_1420, %squeeze3A_1422 : i32
      %slice3A_1455 = vector.extract_strided_slice %get3A_979 {offsets = [14], sizes = [1], strides = [1]} : vector<16xi32> to vector<1xi32>
      %squeeze3A_1456 = vector.extract %slice3A_1455[0] : i32 from vector<1xi32>
      %mul3A_1457 = arith.constant 16 : i32
      %mul3A_1458 = arith.muli %while3A_968, %mul3A_1457 : i32
      %add3A_1459 = arith.constant 14 : i32
      %add3A_1460 = arith.addi %mul3A_1458, %add3A_1459 : i32
      %mul3A_1461 = arith.constant 2 : i32
      %mul3A_1462 = arith.muli %mul3A_1461, %add3A_1454 : i32
      %add3A_1463 = arith.addi %mul3A_1462, %squeeze3A_1456 : i32
      %mul3A_1464 = arith.constant 16 : i32
      %mul3A_1465 = arith.muli %add3A_1463, %mul3A_1464 : i32
      %mul3A_1466 = arith.muli %add3A, %add3A_178 : i32
      %ge3A_1467 = arith.cmpi sge, %mul3A_1465, %mul3A_1466 : i32
      %add3A_1468 = arith.constant 1 : i32
      %add3A_1469 = arith.addi %add3A, %add3A_1468 : i32
      %mul3A_1470 = arith.muli %add3A_1469, %add3A_178 : i32
      %lt3A_1471 = arith.cmpi slt, %mul3A_1465, %mul3A_1470 : i32
      %and3A_1472 = arith.andi %ge3A_1467, %lt3A_1471 : i1
      %gt3A_1473 = arith.constant 0 : i32
      %gt3A_1474 = arith.cmpi sgt, %squeeze3A_1456, %gt3A_1473 : i32
      %and3A_1475 = arith.andi %and3A_1472, %gt3A_1474 : i1
      %eq3A_1476 = arith.constant 0 : i32
      %eq3A_1477 = arith.cmpi eq, %select_n3A_1453, %eq3A_1476 : i32
      %and3A_1478 = arith.andi %and3A_1475, %eq3A_1477 : i1
      %select_n3A_1479 = arith.select %and3A_1478, %add3A_1460, %select_n3A_1445 : i32
      %select_n3A_1480 = arith.select %and3A_1478, %add3A_1454, %select_n3A_1446 : i32
      %add3A_1481 = arith.constant 1 : i32
      %add3A_1482 = arith.addi %add3A_1460, %add3A_1481 : i32
      %select_n3A_1483 = arith.select %and3A_1475, %add3A_1482, %select_n3A_1449 : i32
      %add3A_1484 = arith.addi %add3A_1454, %squeeze3A_1456 : i32
      %select_n3A_1485 = arith.select %and3A_1475, %add3A_1484, %select_n3A_1451 : i32
      %jit3A_1486 = arith.constant 1 : i32
      %select_n3A_1487 = arith.select %and3A_1475, %jit3A_1486, %select_n3A_1453 : i32
      %add3A_1488 = arith.addi %add3A_1454, %squeeze3A_1456 : i32
      %slice3A_1489 = vector.extract_strided_slice %get3A_979 {offsets = [15], sizes = [1], strides = [1]} : vector<16xi32> to vector<1xi32>
      %squeeze3A_1490 = vector.extract %slice3A_1489[0] : i32 from vector<1xi32>
      %mul3A_1491 = arith.constant 16 : i32
      %mul3A_1492 = arith.muli %while3A_968, %mul3A_1491 : i32
      %add3A_1493 = arith.constant 15 : i32
      %add3A_1494 = arith.addi %mul3A_1492, %add3A_1493 : i32
      %mul3A_1495 = arith.constant 2 : i32
      %mul3A_1496 = arith.muli %mul3A_1495, %add3A_1488 : i32
      %add3A_1497 = arith.addi %mul3A_1496, %squeeze3A_1490 : i32
      %mul3A_1498 = arith.constant 16 : i32
      %mul3A_1499 = arith.muli %add3A_1497, %mul3A_1498 : i32
      %mul3A_1500 = arith.muli %add3A, %add3A_178 : i32
      %ge3A_1501 = arith.cmpi sge, %mul3A_1499, %mul3A_1500 : i32
      %add3A_1502 = arith.constant 1 : i32
      %add3A_1503 = arith.addi %add3A, %add3A_1502 : i32
      %mul3A_1504 = arith.muli %add3A_1503, %add3A_178 : i32
      %lt3A_1505 = arith.cmpi slt, %mul3A_1499, %mul3A_1504 : i32
      %and3A_1506 = arith.andi %ge3A_1501, %lt3A_1505 : i1
      %gt3A_1507 = arith.constant 0 : i32
      %gt3A_1508 = arith.cmpi sgt, %squeeze3A_1490, %gt3A_1507 : i32
      %and3A_1509 = arith.andi %and3A_1506, %gt3A_1508 : i1
      %eq3A_1510 = arith.constant 0 : i32
      %eq3A_1511 = arith.cmpi eq, %select_n3A_1487, %eq3A_1510 : i32
      %and3A_1512 = arith.andi %and3A_1509, %eq3A_1511 : i1
      %select_n3A_1513 = arith.select %and3A_1512, %add3A_1494, %select_n3A_1479 : i32
      %select_n3A_1514 = arith.select %and3A_1512, %add3A_1488, %select_n3A_1480 : i32
      %add3A_1515 = arith.constant 1 : i32
      %add3A_1516 = arith.addi %add3A_1494, %add3A_1515 : i32
      %select_n3A_1517 = arith.select %and3A_1509, %add3A_1516, %select_n3A_1483 : i32
      %add3A_1518 = arith.addi %add3A_1488, %squeeze3A_1490 : i32
      %select_n3A_1519 = arith.select %and3A_1509, %add3A_1518, %select_n3A_1485 : i32
      %jit3A_1520 = arith.constant 1 : i32
      %select_n3A_1521 = arith.select %and3A_1509, %jit3A_1520, %select_n3A_1487 : i32
      %add3A_1522 = arith.addi %add3A_1488, %squeeze3A_1490 : i32
      scf.yield %add3A_1522, %select_n3A_1513, %select_n3A_1517, %select_n3A_1514, %select_n3A_1519, %select_n3A_1521 : i32, i32, i32, i32, i32, i32
    }
    %sub3A = arith.subi %while3A_962#2, %while3A_962#1 : i32
    %mul3A_963 = arith.muli %sub3A, %while3A_962#5 : i32
    %gt3A_964 = arith.constant 0 : i32
    %gt3A_965 = arith.cmpi sgt, %mul3A_963, %gt3A_964 : i32
    %convert_element_type3A = arith.extui %gt3A_965 : i1 to i32
    %cond3A = arith.constant 0 : i32
    %cond3A_966 = arith.constant 0 : i32
    %cond3A_967 = arith.cmpi ne, %convert_element_type3A, %cond3A_966 : i32
    scf.if %cond3A_967 {
      %jit3A_968 = arith.constant 8 : i32
      %div3A = arith.divsi %while3A_962#3, %jit3A_968 : i32
      %sign3A = arith.constant 0 : i32
      %sign3A_969 = arith.cmpi sgt, %while3A_962#3, %sign3A : i32
      %sign3A_970 = arith.extui %sign3A_969 : i1 to i32
      %sign3A_971 = arith.constant 0 : i32
      %sign3A_972 = arith.cmpi slt, %while3A_962#3, %sign3A_971 : i32
      %sign3A_973 = arith.extui %sign3A_972 : i1 to i32
      %sign3A_974 = arith.subi %sign3A_970, %sign3A_973 : i32
      %sign3A_975 = arith.constant 0 : i32
      %sign3A_976 = arith.cmpi sgt, %jit3A_968, %sign3A_975 : i32
      %sign3A_977 = arith.extui %sign3A_976 : i1 to i32
      %sign3A_978 = arith.constant 0 : i32
      %sign3A_979 = arith.cmpi slt, %jit3A_968, %sign3A_978 : i32
      %sign3A_980 = arith.extui %sign3A_979 : i1 to i32
      %sign3A_981 = arith.subi %sign3A_977, %sign3A_980 : i32
      %ne3A = arith.cmpi ne, %sign3A_974, %sign3A_981 : i32
      %rem3A = arith.remsi %while3A_962#3, %jit3A_968 : i32
      %ne3A_982 = arith.constant 0 : i32
      %ne3A_983 = arith.cmpi ne, %rem3A, %ne3A_982 : i32
      %and3A_984 = arith.andi %ne3A, %ne3A_983 : i1
      %sub3A_985 = arith.constant 1 : i32
      %sub3A_986 = arith.subi %div3A, %sub3A_985 : i32
      %select_n3A_987 = arith.select %and3A_984, %sub3A_986, %div3A : i32
      %mul3A_988 = arith.constant 8 : i32
      %mul3A_989 = arith.muli %select_n3A_987, %mul3A_988 : i32
      %sub3A_990 = arith.subi %while3A_962#4, %mul3A_989 : i32
      %add3A_991 = arith.constant 112 : i32
      %add3A_992 = arith.addi %sub3A_990, %add3A_991 : i32
      %sub3A_993 = arith.constant 1 : i32
      %sub3A_994 = arith.subi %add3A_992, %sub3A_993 : i32
      %jit3A_995 = arith.constant 112 : i32
      %div3A_996 = arith.divsi %sub3A_994, %jit3A_995 : i32
      %sign3A_997 = arith.constant 0 : i32
      %sign3A_998 = arith.cmpi sgt, %sub3A_994, %sign3A_997 : i32
      %sign3A_999 = arith.extui %sign3A_998 : i1 to i32
      %sign3A_1000 = arith.constant 0 : i32
      %sign3A_1001 = arith.cmpi slt, %sub3A_994, %sign3A_1000 : i32
      %sign3A_1002 = arith.extui %sign3A_1001 : i1 to i32
      %sign3A_1003 = arith.subi %sign3A_999, %sign3A_1002 : i32
      %sign3A_1004 = arith.constant 0 : i32
      %sign3A_1005 = arith.cmpi sgt, %jit3A_995, %sign3A_1004 : i32
      %sign3A_1006 = arith.extui %sign3A_1005 : i1 to i32
      %sign3A_1007 = arith.constant 0 : i32
      %sign3A_1008 = arith.cmpi slt, %jit3A_995, %sign3A_1007 : i32
      %sign3A_1009 = arith.extui %sign3A_1008 : i1 to i32
      %sign3A_1010 = arith.subi %sign3A_1006, %sign3A_1009 : i32
      %ne3A_1011 = arith.cmpi ne, %sign3A_1003, %sign3A_1010 : i32
      %rem3A_1012 = arith.remsi %sub3A_994, %jit3A_995 : i32
      %ne3A_1013 = arith.constant 0 : i32
      %ne3A_1014 = arith.cmpi ne, %rem3A_1012, %ne3A_1013 : i32
      %and3A_1015 = arith.andi %ne3A_1011, %ne3A_1014 : i1
      %sub3A_1016 = arith.constant 1 : i32
      %sub3A_1017 = arith.subi %div3A_996, %sub3A_1016 : i32
      %select_n3A_1018 = arith.select %and3A_1015, %sub3A_1017, %div3A_996 : i32
      %dma_start3A = arith.constant 0 : i32
      %dma_start3A_1019 = arith.constant 0 : i32
      %dma_start3A_1020 = arith.constant 0 : i32
      %dma_start3A_1021 = arith.constant 0 : i32
      %dma_start3A_1022 = tpu.memref_slice %arg8[%dma_start3A, %dma_start3A_1020, %dma_start3A_1021] : memref<4x112x128xf32, #tpu.memory_space<vmem>> -> memref<1x112x128xf32, #tpu.memory_space<vmem>>
      %dma_start3A_1023 = tpu.memref_squeeze %dma_start3A_1022 : memref<1x112x128xf32, #tpu.memory_space<vmem>> -> memref<112x128xf32, #tpu.memory_space<vmem>>
      %dma_start3A_1024 = arith.constant 0 : i32
      %dma_start3A_1025 = tpu.memref_slice %arg2[%mul3A_989, %dma_start3A_1024] : memref<200000x128xf32, #tpu.memory_space<hbm>> -> memref<112x128xf32, #tpu.memory_space<hbm>>
      %dma_start3A_1026 = tpu.memref_slice %arg10[%dma_start3A_1019] : memref<4x!tpu.dma_semaphore, #tpu.memory_space<semaphore_mem>> -> memref<1x!tpu.dma_semaphore, #tpu.memory_space<semaphore_mem>>
      %dma_start3A_1027 = tpu.memref_squeeze %dma_start3A_1026 : memref<1x!tpu.dma_semaphore, #tpu.memory_space<semaphore_mem>> -> memref<!tpu.dma_semaphore, #tpu.memory_space<semaphore_mem>>
      %dma_start3A_1028 = arith.constant 0 : i32
      %dma_start3A_1029 = arith.constant 0 : i32
      %dma_start3A_1030 = tpu.memref_slice %arg8[%dma_start3A, %dma_start3A_1028, %dma_start3A_1029] : memref<4x112x128xf32, #tpu.memory_space<vmem>> -> memref<1x112x128xf32, #tpu.memory_space<vmem>>
      %dma_start3A_1031 = tpu.memref_squeeze %dma_start3A_1030 : memref<1x112x128xf32, #tpu.memory_space<vmem>> -> memref<112x128xf32, #tpu.memory_space<vmem>>
      %dma_start3A_1032 = arith.constant 0 : i32
      %dma_start3A_1033 = tpu.memref_slice %arg2[%mul3A_989, %dma_start3A_1032] : memref<200000x128xf32, #tpu.memory_space<hbm>> -> memref<112x128xf32, #tpu.memory_space<hbm>>
      tpu.enqueue_dma source(%dma_start3A_1033 : memref<112x128xf32, #tpu.memory_space<hbm>>) target(%dma_start3A_1031 : memref<112x128xf32, #tpu.memory_space<vmem>>) target_semaphore(%dma_start3A_1027 : memref<!tpu.dma_semaphore, #tpu.memory_space<semaphore_mem>>)
      %gt3A_1034 = arith.constant 1 : i32
      %gt3A_1035 = arith.cmpi sgt, %select_n3A_1018, %gt3A_1034 : i32
      %convert_element_type3A_1036 = arith.extui %gt3A_1035 : i1 to i32
      %cond3A_1037 = arith.constant 0 : i32
      %cond3A_1038 = arith.cmpi ne, %convert_element_type3A_1036, %cond3A_1037 : i32
      scf.if %cond3A_1038 {
        %add3A_1112 = arith.constant 112 : i32
        %add3A_1113 = arith.addi %mul3A_989, %add3A_1112 : i32
        %dma_start3A_1114 = arith.constant 1 : i32
        %dma_start3A_1115 = arith.constant 1 : i32
        %dma_start3A_1116 = arith.constant 0 : i32
        %dma_start3A_1117 = arith.constant 0 : i32
        %dma_start3A_1118 = tpu.memref_slice %arg8[%dma_start3A_1114, %dma_start3A_1116, %dma_start3A_1117] : memref<4x112x128xf32, #tpu.memory_space<vmem>> -> memref<1x112x128xf32, #tpu.memory_space<vmem>>
        %dma_start3A_1119 = tpu.memref_squeeze %dma_start3A_1118 : memref<1x112x128xf32, #tpu.memory_space<vmem>> -> memref<112x128xf32, #tpu.memory_space<vmem>>
        %dma_start3A_1120 = arith.constant 0 : i32
        %dma_start3A_1121 = tpu.memref_slice %arg2[%add3A_1113, %dma_start3A_1120] : memref<200000x128xf32, #tpu.memory_space<hbm>> -> memref<112x128xf32, #tpu.memory_space<hbm>>
        %dma_start3A_1122 = tpu.memref_slice %arg10[%dma_start3A_1115] : memref<4x!tpu.dma_semaphore, #tpu.memory_space<semaphore_mem>> -> memref<1x!tpu.dma_semaphore, #tpu.memory_space<semaphore_mem>>
        %dma_start3A_1123 = tpu.memref_squeeze %dma_start3A_1122 : memref<1x!tpu.dma_semaphore, #tpu.memory_space<semaphore_mem>> -> memref<!tpu.dma_semaphore, #tpu.memory_space<semaphore_mem>>
        %dma_start3A_1124 = arith.constant 0 : i32
        %dma_start3A_1125 = arith.constant 0 : i32
        %dma_start3A_1126 = tpu.memref_slice %arg8[%dma_start3A_1114, %dma_start3A_1124, %dma_start3A_1125] : memref<4x112x128xf32, #tpu.memory_space<vmem>> -> memref<1x112x128xf32, #tpu.memory_space<vmem>>
        %dma_start3A_1127 = tpu.memref_squeeze %dma_start3A_1126 : memref<1x112x128xf32, #tpu.memory_space<vmem>> -> memref<112x128xf32, #tpu.memory_space<vmem>>
        %dma_start3A_1128 = arith.constant 0 : i32
        %dma_start3A_1129 = tpu.memref_slice %arg2[%add3A_1113, %dma_start3A_1128] : memref<200000x128xf32, #tpu.memory_space<hbm>> -> memref<112x128xf32, #tpu.memory_space<hbm>>
        tpu.enqueue_dma source(%dma_start3A_1129 : memref<112x128xf32, #tpu.memory_space<hbm>>) target(%dma_start3A_1127 : memref<112x128xf32, #tpu.memory_space<vmem>>) target_semaphore(%dma_start3A_1123 : memref<!tpu.dma_semaphore, #tpu.memory_space<semaphore_mem>>)
      } else {
      }
      %gt3A_1039 = arith.constant 2 : i32
      %gt3A_1040 = arith.cmpi sgt, %select_n3A_1018, %gt3A_1039 : i32
      %convert_element_type3A_1041 = arith.extui %gt3A_1040 : i1 to i32
      %cond3A_1042 = arith.constant 0 : i32
      %cond3A_1043 = arith.cmpi ne, %convert_element_type3A_1041, %cond3A_1042 : i32
      scf.if %cond3A_1043 {
        %add3A_1112 = arith.constant 224 : i32
        %add3A_1113 = arith.addi %mul3A_989, %add3A_1112 : i32
        %dma_start3A_1114 = arith.constant 2 : i32
        %dma_start3A_1115 = arith.constant 2 : i32
        %dma_start3A_1116 = arith.constant 0 : i32
        %dma_start3A_1117 = arith.constant 0 : i32
        %dma_start3A_1118 = tpu.memref_slice %arg8[%dma_start3A_1114, %dma_start3A_1116, %dma_start3A_1117] : memref<4x112x128xf32, #tpu.memory_space<vmem>> -> memref<1x112x128xf32, #tpu.memory_space<vmem>>
        %dma_start3A_1119 = tpu.memref_squeeze %dma_start3A_1118 : memref<1x112x128xf32, #tpu.memory_space<vmem>> -> memref<112x128xf32, #tpu.memory_space<vmem>>
        %dma_start3A_1120 = arith.constant 0 : i32
        %dma_start3A_1121 = tpu.memref_slice %arg2[%add3A_1113, %dma_start3A_1120] : memref<200000x128xf32, #tpu.memory_space<hbm>> -> memref<112x128xf32, #tpu.memory_space<hbm>>
        %dma_start3A_1122 = tpu.memref_slice %arg10[%dma_start3A_1115] : memref<4x!tpu.dma_semaphore, #tpu.memory_space<semaphore_mem>> -> memref<1x!tpu.dma_semaphore, #tpu.memory_space<semaphore_mem>>
        %dma_start3A_1123 = tpu.memref_squeeze %dma_start3A_1122 : memref<1x!tpu.dma_semaphore, #tpu.memory_space<semaphore_mem>> -> memref<!tpu.dma_semaphore, #tpu.memory_space<semaphore_mem>>
        %dma_start3A_1124 = arith.constant 0 : i32
        %dma_start3A_1125 = arith.constant 0 : i32
        %dma_start3A_1126 = tpu.memref_slice %arg8[%dma_start3A_1114, %dma_start3A_1124, %dma_start3A_1125] : memref<4x112x128xf32, #tpu.memory_space<vmem>> -> memref<1x112x128xf32, #tpu.memory_space<vmem>>
        %dma_start3A_1127 = tpu.memref_squeeze %dma_start3A_1126 : memref<1x112x128xf32, #tpu.memory_space<vmem>> -> memref<112x128xf32, #tpu.memory_space<vmem>>
        %dma_start3A_1128 = arith.constant 0 : i32
        %dma_start3A_1129 = tpu.memref_slice %arg2[%add3A_1113, %dma_start3A_1128] : memref<200000x128xf32, #tpu.memory_space<hbm>> -> memref<112x128xf32, #tpu.memory_space<hbm>>
        tpu.enqueue_dma source(%dma_start3A_1129 : memref<112x128xf32, #tpu.memory_space<hbm>>) target(%dma_start3A_1127 : memref<112x128xf32, #tpu.memory_space<vmem>>) target_semaphore(%dma_start3A_1123 : memref<!tpu.dma_semaphore, #tpu.memory_space<semaphore_mem>>)
      } else {
      }
      %while3A_1044 = arith.constant 0 : i32
      %while3A_1045 = arith.constant -1 : i32
      %while3A_1046 = arith.subi %mul3A_963, %while3A_1044 : i32
      %while3A_1047 = arith.addi %while3A_1044, %while3A_1046 : i32
      %while3A_1048 = arith.constant 1 : i32
      %while3A_1049 = arith.divsi %while3A_1046, %while3A_1048 : i32
      %while3A_1050 = arith.muli %while3A_1049, %while3A_1048 : i32
      %while3A_1051 = arith.addi %while3A_1044, %while3A_1050 : i32
      %while3A_1052 = arith.constant 1 : i32
      %while3A_1053:2 = scf.for %while3A_1112 = %while3A_1044 to %while3A_1051 step %while3A_1052 iter_args(%while3A_1113 = %while3A_962#3, %while3A_1114 = %while3A_1045) -> (i32, i32)  : i32 {
        %add3A_1115 = arith.addi %while3A_962#1, %while3A_1112 : i32
        %get3A_1116 = arith.index_cast %add3A_1115 : i32 to index
        %get3A_1117 = tpu.vector_load %arg6[%get3A_1116] {strides = array<i32>} : memref<528xi32, #tpu.memory_space<vmem>>, vector<16xi32>,
        %get3A_1118 = vector.shape_cast %get3A_1117 : vector<16xi32> to vector<16xi32>
        %slice3A_1119 = vector.extract_strided_slice %get3A_1118 {offsets = [0], sizes = [1], strides = [1]} : vector<16xi32> to vector<1xi32>
        %squeeze3A_1120 = vector.extract %slice3A_1119[0] : i32 from vector<1xi32>
        %add3A_1121 = arith.addi %while3A_1113, %squeeze3A_1120 : i32
        %sub3A_1122 = arith.subi %while3A_1113, %mul3A_989 : i32
        %jit3A_1123 = arith.constant 112 : i32
        %div3A_1124 = arith.divsi %sub3A_1122, %jit3A_1123 : i32
        %sign3A_1125 = arith.constant 0 : i32
        %sign3A_1126 = arith.cmpi sgt, %sub3A_1122, %sign3A_1125 : i32
        %sign3A_1127 = arith.extui %sign3A_1126 : i1 to i32
        %sign3A_1128 = arith.constant 0 : i32
        %sign3A_1129 = arith.cmpi slt, %sub3A_1122, %sign3A_1128 : i32
        %sign3A_1130 = arith.extui %sign3A_1129 : i1 to i32
        %sign3A_1131 = arith.subi %sign3A_1127, %sign3A_1130 : i32
        %sign3A_1132 = arith.constant 0 : i32
        %sign3A_1133 = arith.cmpi sgt, %jit3A_1123, %sign3A_1132 : i32
        %sign3A_1134 = arith.extui %sign3A_1133 : i1 to i32
        %sign3A_1135 = arith.constant 0 : i32
        %sign3A_1136 = arith.cmpi slt, %jit3A_1123, %sign3A_1135 : i32
        %sign3A_1137 = arith.extui %sign3A_1136 : i1 to i32
        %sign3A_1138 = arith.subi %sign3A_1134, %sign3A_1137 : i32
        %ne3A_1139 = arith.cmpi ne, %sign3A_1131, %sign3A_1138 : i32
        %rem3A_1140 = arith.remsi %sub3A_1122, %jit3A_1123 : i32
        %ne3A_1141 = arith.constant 0 : i32
        %ne3A_1142 = arith.cmpi ne, %rem3A_1140, %ne3A_1141 : i32
        %and3A_1143 = arith.andi %ne3A_1139, %ne3A_1142 : i1
        %sub3A_1144 = arith.constant 1 : i32
        %sub3A_1145 = arith.subi %div3A_1124, %sub3A_1144 : i32
        %select_n3A_1146 = arith.select %and3A_1143, %sub3A_1145, %div3A_1124 : i32
        %sub3A_1147 = arith.constant 1 : i32
        %sub3A_1148 = arith.subi %add3A_1121, %sub3A_1147 : i32
        %sub3A_1149 = arith.subi %sub3A_1148, %mul3A_989 : i32
        %jit3A_1150 = arith.constant 112 : i32
        %div3A_1151 = arith.divsi %sub3A_1149, %jit3A_1150 : i32
        %sign3A_1152 = arith.constant 0 : i32
        %sign3A_1153 = arith.cmpi sgt, %sub3A_1149, %sign3A_1152 : i32
        %sign3A_1154 = arith.extui %sign3A_1153 : i1 to i32
        %sign3A_1155 = arith.constant 0 : i32
        %sign3A_1156 = arith.cmpi slt, %sub3A_1149, %sign3A_1155 : i32
        %sign3A_1157 = arith.extui %sign3A_1156 : i1 to i32
        %sign3A_1158 = arith.subi %sign3A_1154, %sign3A_1157 : i32
        %sign3A_1159 = arith.constant 0 : i32
        %sign3A_1160 = arith.cmpi sgt, %jit3A_1150, %sign3A_1159 : i32
        %sign3A_1161 = arith.extui %sign3A_1160 : i1 to i32
        %sign3A_1162 = arith.constant 0 : i32
        %sign3A_1163 = arith.cmpi slt, %jit3A_1150, %sign3A_1162 : i32
        %sign3A_1164 = arith.extui %sign3A_1163 : i1 to i32
        %sign3A_1165 = arith.subi %sign3A_1161, %sign3A_1164 : i32
        %ne3A_1166 = arith.cmpi ne, %sign3A_1158, %sign3A_1165 : i32
        %rem3A_1167 = arith.remsi %sub3A_1149, %jit3A_1150 : i32
        %ne3A_1168 = arith.constant 0 : i32
        %ne3A_1169 = arith.cmpi ne, %rem3A_1167, %ne3A_1168 : i32
        %and3A_1170 = arith.andi %ne3A_1166, %ne3A_1169 : i1
        %sub3A_1171 = arith.constant 1 : i32
        %sub3A_1172 = arith.subi %div3A_1151, %sub3A_1171 : i32
        %select_n3A_1173 = arith.select %and3A_1170, %sub3A_1172, %div3A_1151 : i32
        %broadcast_in_dim3A_1174 = arith.constant 0.000000e+00 : f32
        %broadcast_in_dim3A_1175 = vector.broadcast %broadcast_in_dim3A_1174 : f32 to vector<16xf32>
        %broadcast_in_dim3A_1176 = arith.constant 0.000000e+00 : f32
        %broadcast_in_dim3A_1177 = vector.broadcast %broadcast_in_dim3A_1176 : f32 to vector<16xf32>
        %broadcast_in_dim3A_1178 = arith.constant 0.000000e+00 : f32
        %broadcast_in_dim3A_1179 = vector.broadcast %broadcast_in_dim3A_1178 : f32 to vector<16xf32>
        %broadcast_in_dim3A_1180 = arith.constant 0.000000e+00 : f32
        %broadcast_in_dim3A_1181 = vector.broadcast %broadcast_in_dim3A_1180 : f32 to vector<16xf32>
        %broadcast_in_dim3A_1182 = arith.constant 0.000000e+00 : f32
        %broadcast_in_dim3A_1183 = vector.broadcast %broadcast_in_dim3A_1182 : f32 to vector<16xf32>
        %broadcast_in_dim3A_1184 = arith.constant 0.000000e+00 : f32
        %broadcast_in_dim3A_1185 = vector.broadcast %broadcast_in_dim3A_1184 : f32 to vector<16xf32>
        %broadcast_in_dim3A_1186 = arith.constant 0.000000e+00 : f32
        %broadcast_in_dim3A_1187 = vector.broadcast %broadcast_in_dim3A_1186 : f32 to vector<16xf32>
        %broadcast_in_dim3A_1188 = arith.constant 0.000000e+00 : f32
        %broadcast_in_dim3A_1189 = vector.broadcast %broadcast_in_dim3A_1188 : f32 to vector<16xf32>
        %add3A_1190 = arith.constant 1 : i32
        %add3A_1191 = arith.addi %select_n3A_1173, %add3A_1190 : i32
        %while3A_1192 = arith.subi %add3A_1191, %select_n3A_1146 : i32
        %while3A_1193 = arith.addi %select_n3A_1146, %while3A_1192 : i32
        %while3A_1194 = arith.constant 1 : i32
        %while3A_1195 = arith.divsi %while3A_1192, %while3A_1194 : i32
        %while3A_1196 = arith.muli %while3A_1195, %while3A_1194 : i32
        %while3A_1197 = arith.addi %select_n3A_1146, %while3A_1196 : i32
        %while3A_1198 = arith.constant 1 : i32
        %while3A_1199:9 = scf.for %while3A_1252 = %select_n3A_1146 to %while3A_1197 step %while3A_1198 iter_args(%while3A_1253 = %broadcast_in_dim3A_1175, %while3A_1254 = %broadcast_in_dim3A_1177, %while3A_1255 = %broadcast_in_dim3A_1179, %while3A_1256 = %broadcast_in_dim3A_1181, %while3A_1257 = %broadcast_in_dim3A_1183, %while3A_1258 = %broadcast_in_dim3A_1185, %while3A_1259 = %broadcast_in_dim3A_1187, %while3A_1260 = %broadcast_in_dim3A_1189, %while3A_1261 = %while3A_1114) -> (vector<16xf32>, vector<16xf32>, vector<16xf32>, vector<16xf32>, vector<16xf32>, vector<16xf32>, vector<16xf32>, vector<16xf32>, i32)  : i32 {
          %mul3A_1262 = arith.constant 112 : i32
          %mul3A_1263 = arith.muli %while3A_1252, %mul3A_1262 : i32
          %add3A_1264 = arith.addi %mul3A_989, %mul3A_1263 : i32
          %rem3A_1265 = arith.constant 4 : i32
          %rem3A_1266 = arith.remsi %while3A_1252, %rem3A_1265 : i32
          %gt3A_1267 = arith.cmpi sgt, %while3A_1252, %while3A_1261 : i32
          %convert_element_type3A_1268 = arith.extui %gt3A_1267 : i1 to i32
          %cond3A_1269 = arith.constant 0 : i32
          %cond3A_1270 = arith.cmpi ne, %convert_element_type3A_1268, %cond3A_1269 : i32
          scf.if %cond3A_1270 {
            %dma_wait3A = arith.constant 0 : i32
            %dma_wait3A_1287 = arith.constant 0 : i32
            %dma_wait3A_1288 = tpu.memref_slice %arg8[%rem3A_1266, %dma_wait3A, %dma_wait3A_1287] : memref<4x112x128xf32, #tpu.memory_space<vmem>> -> memref<1x112x128xf32, #tpu.memory_space<vmem>>
            %dma_wait3A_1289 = tpu.memref_squeeze %dma_wait3A_1288 : memref<1x112x128xf32, #tpu.memory_space<vmem>> -> memref<112x128xf32, #tpu.memory_space<vmem>>
            %dma_wait3A_1290 = arith.constant 0 : i32
            %dma_wait3A_1291 = arith.constant 0 : i32
            %dma_wait3A_1292 = tpu.memref_slice %arg2[%dma_wait3A_1290, %dma_wait3A_1291] : memref<200000x128xf32, #tpu.memory_space<hbm>> -> memref<112x128xf32, #tpu.memory_space<hbm>>
            %dma_wait3A_1293 = tpu.memref_slice %arg10[%rem3A_1266] : memref<4x!tpu.dma_semaphore, #tpu.memory_space<semaphore_mem>> -> memref<1x!tpu.dma_semaphore, #tpu.memory_space<semaphore_mem>>
            %dma_wait3A_1294 = tpu.memref_squeeze %dma_wait3A_1293 : memref<1x!tpu.dma_semaphore, #tpu.memory_space<semaphore_mem>> -> memref<!tpu.dma_semaphore, #tpu.memory_space<semaphore_mem>>
            %dma_wait3A_1295 = arith.constant 0 : i32
            %dma_wait3A_1296 = arith.constant 0 : i32
            %dma_wait3A_1297 = tpu.memref_slice %arg8[%rem3A_1266, %dma_wait3A_1295, %dma_wait3A_1296] : memref<4x112x128xf32, #tpu.memory_space<vmem>> -> memref<1x112x128xf32, #tpu.memory_space<vmem>>
            %dma_wait3A_1298 = tpu.memref_squeeze %dma_wait3A_1297 : memref<1x112x128xf32, #tpu.memory_space<vmem>> -> memref<112x128xf32, #tpu.memory_space<vmem>>
            %dma_wait3A_1299 = arith.constant 0 : i32
            %dma_wait3A_1300 = arith.constant 0 : i32
            %dma_wait3A_1301 = tpu.memref_slice %arg2[%dma_wait3A_1299, %dma_wait3A_1300] : memref<200000x128xf32, #tpu.memory_space<hbm>> -> memref<112x128xf32, #tpu.memory_space<hbm>>
            tpu.wait_dma2 semaphore(%dma_wait3A_1294 : memref<!tpu.dma_semaphore, #tpu.memory_space<semaphore_mem>>) src(%dma_wait3A_1301 : memref<112x128xf32, #tpu.memory_space<hbm>>) dst(%dma_wait3A_1298 : memref<112x128xf32, #tpu.memory_space<vmem>>)
            %add3A_1302 = arith.constant 3 : i32
            %add3A_1303 = arith.addi %while3A_1252, %add3A_1302 : i32
            %lt3A_1304 = arith.cmpi slt, %add3A_1303, %select_n3A_1018 : i32
            %convert_element_type3A_1305 = arith.extui %lt3A_1304 : i1 to i32
            %cond3A_1306 = arith.constant 0 : i32
            %cond3A_1307 = arith.cmpi ne, %convert_element_type3A_1305, %cond3A_1306 : i32
            scf.if %cond3A_1307 {
              %add3A_1308 = arith.constant 3 : i32
              %add3A_1309 = arith.addi %while3A_1252, %add3A_1308 : i32
              %rem3A_1310 = arith.constant 4 : i32
              %rem3A_1311 = arith.remsi %add3A_1309, %rem3A_1310 : i32
              %add3A_1312 = arith.constant 3 : i32
              %add3A_1313 = arith.addi %while3A_1252, %add3A_1312 : i32
              %mul3A_1314 = arith.constant 112 : i32
              %mul3A_1315 = arith.muli %add3A_1313, %mul3A_1314 : i32
              %add3A_1316 = arith.addi %mul3A_989, %mul3A_1315 : i32
              %dma_start3A_1317 = arith.constant 0 : i32
              %dma_start3A_1318 = arith.constant 0 : i32
              %dma_start3A_1319 = tpu.memref_slice %arg8[%rem3A_1311, %dma_start3A_1317, %dma_start3A_1318] : memref<4x112x128xf32, #tpu.memory_space<vmem>> -> memref<1x112x128xf32, #tpu.memory_space<vmem>>
              %dma_start3A_1320 = tpu.memref_squeeze %dma_start3A_1319 : memref<1x112x128xf32, #tpu.memory_space<vmem>> -> memref<112x128xf32, #tpu.memory_space<vmem>>
              %dma_start3A_1321 = arith.constant 0 : i32
              %dma_start3A_1322 = tpu.memref_slice %arg2[%add3A_1316, %dma_start3A_1321] : memref<200000x128xf32, #tpu.memory_space<hbm>> -> memref<112x128xf32, #tpu.memory_space<hbm>>
              %dma_start3A_1323 = tpu.memref_slice %arg10[%rem3A_1311] : memref<4x!tpu.dma_semaphore, #tpu.memory_space<semaphore_mem>> -> memref<1x!tpu.dma_semaphore, #tpu.memory_space<semaphore_mem>>
              %dma_start3A_1324 = tpu.memref_squeeze %dma_start3A_1323 : memref<1x!tpu.dma_semaphore, #tpu.memory_space<semaphore_mem>> -> memref<!tpu.dma_semaphore, #tpu.memory_space<semaphore_mem>>
              %dma_start3A_1325 = arith.constant 0 : i32
              %dma_start3A_1326 = arith.constant 0 : i32
              %dma_start3A_1327 = tpu.memref_slice %arg8[%rem3A_1311, %dma_start3A_1325, %dma_start3A_1326] : memref<4x112x128xf32, #tpu.memory_space<vmem>> -> memref<1x112x128xf32, #tpu.memory_space<vmem>>
              %dma_start3A_1328 = tpu.memref_squeeze %dma_start3A_1327 : memref<1x112x128xf32, #tpu.memory_space<vmem>> -> memref<112x128xf32, #tpu.memory_space<vmem>>
              %dma_start3A_1329 = arith.constant 0 : i32
              %dma_start3A_1330 = tpu.memref_slice %arg2[%add3A_1316, %dma_start3A_1329] : memref<200000x128xf32, #tpu.memory_space<hbm>> -> memref<112x128xf32, #tpu.memory_space<hbm>>
              tpu.enqueue_dma source(%dma_start3A_1330 : memref<112x128xf32, #tpu.memory_space<hbm>>) target(%dma_start3A_1328 : memref<112x128xf32, #tpu.memory_space<vmem>>) target_semaphore(%dma_start3A_1324 : memref<!tpu.dma_semaphore, #tpu.memory_space<semaphore_mem>>)
            } else {
            }
          } else {
          }
          %sub3A_1271 = arith.subi %while3A_1113, %add3A_1264 : i32
          %max3A_1272 = arith.constant 0 : i32
          %max3A_1273 = arith.maxsi %sub3A_1271, %max3A_1272 : i32
          %sub3A_1274 = arith.subi %add3A_1121, %add3A_1264 : i32
          %min3A = arith.constant 112 : i32
          %min3A_1275 = arith.minsi %sub3A_1274, %min3A : i32
          %while3A_1276 = arith.subi %min3A_1275, %max3A_1273 : i32
          %while3A_1277 = arith.addi %max3A_1273, %while3A_1276 : i32
          %while3A_1278 = arith.constant 1 : i32
          %while3A_1279 = arith.divsi %while3A_1276, %while3A_1278 : i32
          %while3A_1280 = arith.muli %while3A_1279, %while3A_1278 : i32
          %while3A_1281 = arith.addi %max3A_1273, %while3A_1280 : i32
          %while3A_1282 = arith.constant 1 : i32
          %while3A_1283:8 = scf.for %while3A_1287 = %max3A_1273 to %while3A_1281 step %while3A_1282 iter_args(%while3A_1288 = %while3A_1253, %while3A_1289 = %while3A_1254, %while3A_1290 = %while3A_1255, %while3A_1291 = %while3A_1256, %while3A_1292 = %while3A_1257, %while3A_1293 = %while3A_1258, %while3A_1294 = %while3A_1259, %while3A_1295 = %while3A_1260) -> (vector<16xf32>, vector<16xf32>, vector<16xf32>, vector<16xf32>, vector<16xf32>, vector<16xf32>, vector<16xf32>, vector<16xf32>)  : i32 {
            %get3A_1296 = arith.index_cast %rem3A_1266 : i32 to index
            %get3A_1297 = arith.index_cast %while3A_1287 : i32 to index
            %get3A_1298 = arith.constant 0 : index
            %get3A_1299 = tpu.vector_load %arg8[%get3A_1296, %get3A_1297, %get3A_1298] {strides = array<i32>} : memref<4x112x128xf32, #tpu.memory_space<vmem>>, vector<1x1x16xf32>,
            %get3A_1300 = vector.shape_cast %get3A_1299 : vector<1x1x16xf32> to vector<16xf32>
            %add3A_1301 = arith.addf %while3A_1288, %get3A_1300 : vector<16xf32>
            %get3A_1302 = arith.index_cast %rem3A_1266 : i32 to index
            %get3A_1303 = arith.index_cast %while3A_1287 : i32 to index
            %get3A_1304 = arith.constant 16 : index
            %get3A_1305 = tpu.vector_load %arg8[%get3A_1302, %get3A_1303, %get3A_1304] {strides = array<i32>} : memref<4x112x128xf32, #tpu.memory_space<vmem>>, vector<1x1x16xf32>,
            %get3A_1306 = vector.shape_cast %get3A_1305 : vector<1x1x16xf32> to vector<16xf32>
            %add3A_1307 = arith.addf %while3A_1289, %get3A_1306 : vector<16xf32>
            %get3A_1308 = arith.index_cast %rem3A_1266 : i32 to index
            %get3A_1309 = arith.index_cast %while3A_1287 : i32 to index
            %get3A_1310 = arith.constant 32 : index
            %get3A_1311 = tpu.vector_load %arg8[%get3A_1308, %get3A_1309, %get3A_1310] {strides = array<i32>} : memref<4x112x128xf32, #tpu.memory_space<vmem>>, vector<1x1x16xf32>,
            %get3A_1312 = vector.shape_cast %get3A_1311 : vector<1x1x16xf32> to vector<16xf32>
            %add3A_1313 = arith.addf %while3A_1290, %get3A_1312 : vector<16xf32>
            %get3A_1314 = arith.index_cast %rem3A_1266 : i32 to index
            %get3A_1315 = arith.index_cast %while3A_1287 : i32 to index
            %get3A_1316 = arith.constant 48 : index
            %get3A_1317 = tpu.vector_load %arg8[%get3A_1314, %get3A_1315, %get3A_1316] {strides = array<i32>} : memref<4x112x128xf32, #tpu.memory_space<vmem>>, vector<1x1x16xf32>,
            %get3A_1318 = vector.shape_cast %get3A_1317 : vector<1x1x16xf32> to vector<16xf32>
            %add3A_1319 = arith.addf %while3A_1291, %get3A_1318 : vector<16xf32>
            %get3A_1320 = arith.index_cast %rem3A_1266 : i32 to index
            %get3A_1321 = arith.index_cast %while3A_1287 : i32 to index
            %get3A_1322 = arith.constant 64 : index
            %get3A_1323 = tpu.vector_load %arg8[%get3A_1320, %get3A_1321, %get3A_1322] {strides = array<i32>} : memref<4x112x128xf32, #tpu.memory_space<vmem>>, vector<1x1x16xf32>,
            %get3A_1324 = vector.shape_cast %get3A_1323 : vector<1x1x16xf32> to vector<16xf32>
            %add3A_1325 = arith.addf %while3A_1292, %get3A_1324 : vector<16xf32>
            %get3A_1326 = arith.index_cast %rem3A_1266 : i32 to index
            %get3A_1327 = arith.index_cast %while3A_1287 : i32 to index
            %get3A_1328 = arith.constant 80 : index
            %get3A_1329 = tpu.vector_load %arg8[%get3A_1326, %get3A_1327, %get3A_1328] {strides = array<i32>} : memref<4x112x128xf32, #tpu.memory_space<vmem>>, vector<1x1x16xf32>,
            %get3A_1330 = vector.shape_cast %get3A_1329 : vector<1x1x16xf32> to vector<16xf32>
            %add3A_1331 = arith.addf %while3A_1293, %get3A_1330 : vector<16xf32>
            %get3A_1332 = arith.index_cast %rem3A_1266 : i32 to index
            %get3A_1333 = arith.index_cast %while3A_1287 : i32 to index
            %get3A_1334 = arith.constant 96 : index
            %get3A_1335 = tpu.vector_load %arg8[%get3A_1332, %get3A_1333, %get3A_1334] {strides = array<i32>} : memref<4x112x128xf32, #tpu.memory_space<vmem>>, vector<1x1x16xf32>,
            %get3A_1336 = vector.shape_cast %get3A_1335 : vector<1x1x16xf32> to vector<16xf32>
            %add3A_1337 = arith.addf %while3A_1294, %get3A_1336 : vector<16xf32>
            %get3A_1338 = arith.index_cast %rem3A_1266 : i32 to index
            %get3A_1339 = arith.index_cast %while3A_1287 : i32 to index
            %get3A_1340 = arith.constant 112 : index
            %get3A_1341 = tpu.vector_load %arg8[%get3A_1338, %get3A_1339, %get3A_1340] {strides = array<i32>} : memref<4x112x128xf32, #tpu.memory_space<vmem>>, vector<1x1x16xf32>,
            %get3A_1342 = vector.shape_cast %get3A_1341 : vector<1x1x16xf32> to vector<16xf32>
            %add3A_1343 = arith.addf %while3A_1295, %get3A_1342 : vector<16xf32>
            scf.yield %add3A_1301, %add3A_1307, %add3A_1313, %add3A_1319, %add3A_1325, %add3A_1331, %add3A_1337, %add3A_1343 : vector<16xf32>, vector<16xf32>, vector<16xf32>, vector<16xf32>, vector<16xf32>, vector<16xf32>, vector<16xf32>, vector<16xf32>
          }
          %while3A_1284 = arith.constant 1 : i32
          %while3A_1285:8 = scf.for %while3A_1287 = %while3A_1281 to %while3A_1277 step %while3A_1284 iter_args(%while3A_1288 = %while3A_1283#0, %while3A_1289 = %while3A_1283#1, %while3A_1290 = %while3A_1283#2, %while3A_1291 = %while3A_1283#3, %while3A_1292 = %while3A_1283#4, %while3A_1293 = %while3A_1283#5, %while3A_1294 = %while3A_1283#6, %while3A_1295 = %while3A_1283#7) -> (vector<16xf32>, vector<16xf32>, vector<16xf32>, vector<16xf32>, vector<16xf32>, vector<16xf32>, vector<16xf32>, vector<16xf32>)  : i32 {
            %get3A_1296 = arith.index_cast %rem3A_1266 : i32 to index
            %get3A_1297 = arith.index_cast %while3A_1287 : i32 to index
            %get3A_1298 = arith.constant 0 : index
            %get3A_1299 = tpu.vector_load %arg8[%get3A_1296, %get3A_1297, %get3A_1298] {strides = array<i32>} : memref<4x112x128xf32, #tpu.memory_space<vmem>>, vector<1x1x16xf32>,
            %get3A_1300 = vector.shape_cast %get3A_1299 : vector<1x1x16xf32> to vector<16xf32>
            %add3A_1301 = arith.addf %while3A_1288, %get3A_1300 : vector<16xf32>
            %get3A_1302 = arith.index_cast %rem3A_1266 : i32 to index
            %get3A_1303 = arith.index_cast %while3A_1287 : i32 to index
            %get3A_1304 = arith.constant 16 : index
            %get3A_1305 = tpu.vector_load %arg8[%get3A_1302, %get3A_1303, %get3A_1304] {strides = array<i32>} : memref<4x112x128xf32, #tpu.memory_space<vmem>>, vector<1x1x16xf32>,
            %get3A_1306 = vector.shape_cast %get3A_1305 : vector<1x1x16xf32> to vector<16xf32>
            %add3A_1307 = arith.addf %while3A_1289, %get3A_1306 : vector<16xf32>
            %get3A_1308 = arith.index_cast %rem3A_1266 : i32 to index
            %get3A_1309 = arith.index_cast %while3A_1287 : i32 to index
            %get3A_1310 = arith.constant 32 : index
            %get3A_1311 = tpu.vector_load %arg8[%get3A_1308, %get3A_1309, %get3A_1310] {strides = array<i32>} : memref<4x112x128xf32, #tpu.memory_space<vmem>>, vector<1x1x16xf32>,
            %get3A_1312 = vector.shape_cast %get3A_1311 : vector<1x1x16xf32> to vector<16xf32>
            %add3A_1313 = arith.addf %while3A_1290, %get3A_1312 : vector<16xf32>
            %get3A_1314 = arith.index_cast %rem3A_1266 : i32 to index
            %get3A_1315 = arith.index_cast %while3A_1287 : i32 to index
            %get3A_1316 = arith.constant 48 : index
            %get3A_1317 = tpu.vector_load %arg8[%get3A_1314, %get3A_1315, %get3A_1316] {strides = array<i32>} : memref<4x112x128xf32, #tpu.memory_space<vmem>>, vector<1x1x16xf32>,
            %get3A_1318 = vector.shape_cast %get3A_1317 : vector<1x1x16xf32> to vector<16xf32>
            %add3A_1319 = arith.addf %while3A_1291, %get3A_1318 : vector<16xf32>
            %get3A_1320 = arith.index_cast %rem3A_1266 : i32 to index
            %get3A_1321 = arith.index_cast %while3A_1287 : i32 to index
            %get3A_1322 = arith.constant 64 : index
            %get3A_1323 = tpu.vector_load %arg8[%get3A_1320, %get3A_1321, %get3A_1322] {strides = array<i32>} : memref<4x112x128xf32, #tpu.memory_space<vmem>>, vector<1x1x16xf32>,
            %get3A_1324 = vector.shape_cast %get3A_1323 : vector<1x1x16xf32> to vector<16xf32>
            %add3A_1325 = arith.addf %while3A_1292, %get3A_1324 : vector<16xf32>
            %get3A_1326 = arith.index_cast %rem3A_1266 : i32 to index
            %get3A_1327 = arith.index_cast %while3A_1287 : i32 to index
            %get3A_1328 = arith.constant 80 : index
            %get3A_1329 = tpu.vector_load %arg8[%get3A_1326, %get3A_1327, %get3A_1328] {strides = array<i32>} : memref<4x112x128xf32, #tpu.memory_space<vmem>>, vector<1x1x16xf32>,
            %get3A_1330 = vector.shape_cast %get3A_1329 : vector<1x1x16xf32> to vector<16xf32>
            %add3A_1331 = arith.addf %while3A_1293, %get3A_1330 : vector<16xf32>
            %get3A_1332 = arith.index_cast %rem3A_1266 : i32 to index
            %get3A_1333 = arith.index_cast %while3A_1287 : i32 to index
            %get3A_1334 = arith.constant 96 : index
            %get3A_1335 = tpu.vector_load %arg8[%get3A_1332, %get3A_1333, %get3A_1334] {strides = array<i32>} : memref<4x112x128xf32, #tpu.memory_space<vmem>>, vector<1x1x16xf32>,
            %get3A_1336 = vector.shape_cast %get3A_1335 : vector<1x1x16xf32> to vector<16xf32>
            %add3A_1337 = arith.addf %while3A_1294, %get3A_1336 : vector<16xf32>
            %get3A_1338 = arith.index_cast %rem3A_1266 : i32 to index
            %get3A_1339 = arith.index_cast %while3A_1287 : i32 to index
            %get3A_1340 = arith.constant 112 : index
            %get3A_1341 = tpu.vector_load %arg8[%get3A_1338, %get3A_1339, %get3A_1340] {strides = array<i32>} : memref<4x112x128xf32, #tpu.memory_space<vmem>>, vector<1x1x16xf32>,
            %get3A_1342 = vector.shape_cast %get3A_1341 : vector<1x1x16xf32> to vector<16xf32>
            %add3A_1343 = arith.addf %while3A_1295, %get3A_1342 : vector<16xf32>
            scf.yield %add3A_1301, %add3A_1307, %add3A_1313, %add3A_1319, %add3A_1325, %add3A_1331, %add3A_1337, %add3A_1343 : vector<16xf32>, vector<16xf32>, vector<16xf32>, vector<16xf32>, vector<16xf32>, vector<16xf32>, vector<16xf32>, vector<16xf32>
          }
          %max3A_1286 = arith.maxsi %while3A_1261, %while3A_1252 : i32
          scf.yield %while3A_1285#0, %while3A_1285#1, %while3A_1285#2, %while3A_1285#3, %while3A_1285#4, %while3A_1285#5, %while3A_1285#6, %while3A_1285#7, %max3A_1286 : vector<16xf32>, vector<16xf32>, vector<16xf32>, vector<16xf32>, vector<16xf32>, vector<16xf32>, vector<16xf32>, vector<16xf32>, i32
        }
        %while3A_1200 = arith.constant 1 : i32
        %while3A_1201:9 = scf.for %while3A_1252 = %while3A_1197 to %while3A_1193 step %while3A_1200 iter_args(%while3A_1253 = %while3A_1199#0, %while3A_1254 = %while3A_1199#1, %while3A_1255 = %while3A_1199#2, %while3A_1256 = %while3A_1199#3, %while3A_1257 = %while3A_1199#4, %while3A_1258 = %while3A_1199#5, %while3A_1259 = %while3A_1199#6, %while3A_1260 = %while3A_1199#7, %while3A_1261 = %while3A_1199#8) -> (vector<16xf32>, vector<16xf32>, vector<16xf32>, vector<16xf32>, vector<16xf32>, vector<16xf32>, vector<16xf32>, vector<16xf32>, i32)  : i32 {
          %mul3A_1262 = arith.constant 112 : i32
          %mul3A_1263 = arith.muli %while3A_1252, %mul3A_1262 : i32
          %add3A_1264 = arith.addi %mul3A_989, %mul3A_1263 : i32
          %rem3A_1265 = arith.constant 4 : i32
          %rem3A_1266 = arith.remsi %while3A_1252, %rem3A_1265 : i32
          %gt3A_1267 = arith.cmpi sgt, %while3A_1252, %while3A_1261 : i32
          %convert_element_type3A_1268 = arith.extui %gt3A_1267 : i1 to i32
          %cond3A_1269 = arith.constant 0 : i32
          %cond3A_1270 = arith.cmpi ne, %convert_element_type3A_1268, %cond3A_1269 : i32
          scf.if %cond3A_1270 {
            %dma_wait3A = arith.constant 0 : i32
            %dma_wait3A_1287 = arith.constant 0 : i32
            %dma_wait3A_1288 = tpu.memref_slice %arg8[%rem3A_1266, %dma_wait3A, %dma_wait3A_1287] : memref<4x112x128xf32, #tpu.memory_space<vmem>> -> memref<1x112x128xf32, #tpu.memory_space<vmem>>
            %dma_wait3A_1289 = tpu.memref_squeeze %dma_wait3A_1288 : memref<1x112x128xf32, #tpu.memory_space<vmem>> -> memref<112x128xf32, #tpu.memory_space<vmem>>
            %dma_wait3A_1290 = arith.constant 0 : i32
            %dma_wait3A_1291 = arith.constant 0 : i32
            %dma_wait3A_1292 = tpu.memref_slice %arg2[%dma_wait3A_1290, %dma_wait3A_1291] : memref<200000x128xf32, #tpu.memory_space<hbm>> -> memref<112x128xf32, #tpu.memory_space<hbm>>
            %dma_wait3A_1293 = tpu.memref_slice %arg10[%rem3A_1266] : memref<4x!tpu.dma_semaphore, #tpu.memory_space<semaphore_mem>> -> memref<1x!tpu.dma_semaphore, #tpu.memory_space<semaphore_mem>>
            %dma_wait3A_1294 = tpu.memref_squeeze %dma_wait3A_1293 : memref<1x!tpu.dma_semaphore, #tpu.memory_space<semaphore_mem>> -> memref<!tpu.dma_semaphore, #tpu.memory_space<semaphore_mem>>
            %dma_wait3A_1295 = arith.constant 0 : i32
            %dma_wait3A_1296 = arith.constant 0 : i32
            %dma_wait3A_1297 = tpu.memref_slice %arg8[%rem3A_1266, %dma_wait3A_1295, %dma_wait3A_1296] : memref<4x112x128xf32, #tpu.memory_space<vmem>> -> memref<1x112x128xf32, #tpu.memory_space<vmem>>
            %dma_wait3A_1298 = tpu.memref_squeeze %dma_wait3A_1297 : memref<1x112x128xf32, #tpu.memory_space<vmem>> -> memref<112x128xf32, #tpu.memory_space<vmem>>
            %dma_wait3A_1299 = arith.constant 0 : i32
            %dma_wait3A_1300 = arith.constant 0 : i32
            %dma_wait3A_1301 = tpu.memref_slice %arg2[%dma_wait3A_1299, %dma_wait3A_1300] : memref<200000x128xf32, #tpu.memory_space<hbm>> -> memref<112x128xf32, #tpu.memory_space<hbm>>
            tpu.wait_dma2 semaphore(%dma_wait3A_1294 : memref<!tpu.dma_semaphore, #tpu.memory_space<semaphore_mem>>) src(%dma_wait3A_1301 : memref<112x128xf32, #tpu.memory_space<hbm>>) dst(%dma_wait3A_1298 : memref<112x128xf32, #tpu.memory_space<vmem>>)
            %add3A_1302 = arith.constant 3 : i32
            %add3A_1303 = arith.addi %while3A_1252, %add3A_1302 : i32
            %lt3A_1304 = arith.cmpi slt, %add3A_1303, %select_n3A_1018 : i32
            %convert_element_type3A_1305 = arith.extui %lt3A_1304 : i1 to i32
            %cond3A_1306 = arith.constant 0 : i32
            %cond3A_1307 = arith.cmpi ne, %convert_element_type3A_1305, %cond3A_1306 : i32
            scf.if %cond3A_1307 {
              %add3A_1308 = arith.constant 3 : i32
              %add3A_1309 = arith.addi %while3A_1252, %add3A_1308 : i32
              %rem3A_1310 = arith.constant 4 : i32
              %rem3A_1311 = arith.remsi %add3A_1309, %rem3A_1310 : i32
              %add3A_1312 = arith.constant 3 : i32
              %add3A_1313 = arith.addi %while3A_1252, %add3A_1312 : i32
              %mul3A_1314 = arith.constant 112 : i32
              %mul3A_1315 = arith.muli %add3A_1313, %mul3A_1314 : i32
              %add3A_1316 = arith.addi %mul3A_989, %mul3A_1315 : i32
              %dma_start3A_1317 = arith.constant 0 : i32
              %dma_start3A_1318 = arith.constant 0 : i32
              %dma_start3A_1319 = tpu.memref_slice %arg8[%rem3A_1311, %dma_start3A_1317, %dma_start3A_1318] : memref<4x112x128xf32, #tpu.memory_space<vmem>> -> memref<1x112x128xf32, #tpu.memory_space<vmem>>
              %dma_start3A_1320 = tpu.memref_squeeze %dma_start3A_1319 : memref<1x112x128xf32, #tpu.memory_space<vmem>> -> memref<112x128xf32, #tpu.memory_space<vmem>>
              %dma_start3A_1321 = arith.constant 0 : i32
              %dma_start3A_1322 = tpu.memref_slice %arg2[%add3A_1316, %dma_start3A_1321] : memref<200000x128xf32, #tpu.memory_space<hbm>> -> memref<112x128xf32, #tpu.memory_space<hbm>>
              %dma_start3A_1323 = tpu.memref_slice %arg10[%rem3A_1311] : memref<4x!tpu.dma_semaphore, #tpu.memory_space<semaphore_mem>> -> memref<1x!tpu.dma_semaphore, #tpu.memory_space<semaphore_mem>>
              %dma_start3A_1324 = tpu.memref_squeeze %dma_start3A_1323 : memref<1x!tpu.dma_semaphore, #tpu.memory_space<semaphore_mem>> -> memref<!tpu.dma_semaphore, #tpu.memory_space<semaphore_mem>>
              %dma_start3A_1325 = arith.constant 0 : i32
              %dma_start3A_1326 = arith.constant 0 : i32
              %dma_start3A_1327 = tpu.memref_slice %arg8[%rem3A_1311, %dma_start3A_1325, %dma_start3A_1326] : memref<4x112x128xf32, #tpu.memory_space<vmem>> -> memref<1x112x128xf32, #tpu.memory_space<vmem>>
              %dma_start3A_1328 = tpu.memref_squeeze %dma_start3A_1327 : memref<1x112x128xf32, #tpu.memory_space<vmem>> -> memref<112x128xf32, #tpu.memory_space<vmem>>
              %dma_start3A_1329 = arith.constant 0 : i32
              %dma_start3A_1330 = tpu.memref_slice %arg2[%add3A_1316, %dma_start3A_1329] : memref<200000x128xf32, #tpu.memory_space<hbm>> -> memref<112x128xf32, #tpu.memory_space<hbm>>
              tpu.enqueue_dma source(%dma_start3A_1330 : memref<112x128xf32, #tpu.memory_space<hbm>>) target(%dma_start3A_1328 : memref<112x128xf32, #tpu.memory_space<vmem>>) target_semaphore(%dma_start3A_1324 : memref<!tpu.dma_semaphore, #tpu.memory_space<semaphore_mem>>)
            } else {
            }
          } else {
          }
          %sub3A_1271 = arith.subi %while3A_1113, %add3A_1264 : i32
          %max3A_1272 = arith.constant 0 : i32
          %max3A_1273 = arith.maxsi %sub3A_1271, %max3A_1272 : i32
          %sub3A_1274 = arith.subi %add3A_1121, %add3A_1264 : i32
          %min3A = arith.constant 112 : i32
          %min3A_1275 = arith.minsi %sub3A_1274, %min3A : i32
          %while3A_1276 = arith.subi %min3A_1275, %max3A_1273 : i32
          %while3A_1277 = arith.addi %max3A_1273, %while3A_1276 : i32
          %while3A_1278 = arith.constant 1 : i32
          %while3A_1279 = arith.divsi %while3A_1276, %while3A_1278 : i32
          %while3A_1280 = arith.muli %while3A_1279, %while3A_1278 : i32
          %while3A_1281 = arith.addi %max3A_1273, %while3A_1280 : i32
          %while3A_1282 = arith.constant 1 : i32
          %while3A_1283:8 = scf.for %while3A_1287 = %max3A_1273 to %while3A_1281 step %while3A_1282 iter_args(%while3A_1288 = %while3A_1253, %while3A_1289 = %while3A_1254, %while3A_1290 = %while3A_1255, %while3A_1291 = %while3A_1256, %while3A_1292 = %while3A_1257, %while3A_1293 = %while3A_1258, %while3A_1294 = %while3A_1259, %while3A_1295 = %while3A_1260) -> (vector<16xf32>, vector<16xf32>, vector<16xf32>, vector<16xf32>, vector<16xf32>, vector<16xf32>, vector<16xf32>, vector<16xf32>)  : i32 {
            %get3A_1296 = arith.index_cast %rem3A_1266 : i32 to index
            %get3A_1297 = arith.index_cast %while3A_1287 : i32 to index
            %get3A_1298 = arith.constant 0 : index
            %get3A_1299 = tpu.vector_load %arg8[%get3A_1296, %get3A_1297, %get3A_1298] {strides = array<i32>} : memref<4x112x128xf32, #tpu.memory_space<vmem>>, vector<1x1x16xf32>,
            %get3A_1300 = vector.shape_cast %get3A_1299 : vector<1x1x16xf32> to vector<16xf32>
            %add3A_1301 = arith.addf %while3A_1288, %get3A_1300 : vector<16xf32>
            %get3A_1302 = arith.index_cast %rem3A_1266 : i32 to index
            %get3A_1303 = arith.index_cast %while3A_1287 : i32 to index
            %get3A_1304 = arith.constant 16 : index
            %get3A_1305 = tpu.vector_load %arg8[%get3A_1302, %get3A_1303, %get3A_1304] {strides = array<i32>} : memref<4x112x128xf32, #tpu.memory_space<vmem>>, vector<1x1x16xf32>,
            %get3A_1306 = vector.shape_cast %get3A_1305 : vector<1x1x16xf32> to vector<16xf32>
            %add3A_1307 = arith.addf %while3A_1289, %get3A_1306 : vector<16xf32>
            %get3A_1308 = arith.index_cast %rem3A_1266 : i32 to index
            %get3A_1309 = arith.index_cast %while3A_1287 : i32 to index
            %get3A_1310 = arith.constant 32 : index
            %get3A_1311 = tpu.vector_load %arg8[%get3A_1308, %get3A_1309, %get3A_1310] {strides = array<i32>} : memref<4x112x128xf32, #tpu.memory_space<vmem>>, vector<1x1x16xf32>,
            %get3A_1312 = vector.shape_cast %get3A_1311 : vector<1x1x16xf32> to vector<16xf32>
            %add3A_1313 = arith.addf %while3A_1290, %get3A_1312 : vector<16xf32>
            %get3A_1314 = arith.index_cast %rem3A_1266 : i32 to index
            %get3A_1315 = arith.index_cast %while3A_1287 : i32 to index
            %get3A_1316 = arith.constant 48 : index
            %get3A_1317 = tpu.vector_load %arg8[%get3A_1314, %get3A_1315, %get3A_1316] {strides = array<i32>} : memref<4x112x128xf32, #tpu.memory_space<vmem>>, vector<1x1x16xf32>,
            %get3A_1318 = vector.shape_cast %get3A_1317 : vector<1x1x16xf32> to vector<16xf32>
            %add3A_1319 = arith.addf %while3A_1291, %get3A_1318 : vector<16xf32>
            %get3A_1320 = arith.index_cast %rem3A_1266 : i32 to index
            %get3A_1321 = arith.index_cast %while3A_1287 : i32 to index
            %get3A_1322 = arith.constant 64 : index
            %get3A_1323 = tpu.vector_load %arg8[%get3A_1320, %get3A_1321, %get3A_1322] {strides = array<i32>} : memref<4x112x128xf32, #tpu.memory_space<vmem>>, vector<1x1x16xf32>,
            %get3A_1324 = vector.shape_cast %get3A_1323 : vector<1x1x16xf32> to vector<16xf32>
            %add3A_1325 = arith.addf %while3A_1292, %get3A_1324 : vector<16xf32>
            %get3A_1326 = arith.index_cast %rem3A_1266 : i32 to index
            %get3A_1327 = arith.index_cast %while3A_1287 : i32 to index
            %get3A_1328 = arith.constant 80 : index
            %get3A_1329 = tpu.vector_load %arg8[%get3A_1326, %get3A_1327, %get3A_1328] {strides = array<i32>} : memref<4x112x128xf32, #tpu.memory_space<vmem>>, vector<1x1x16xf32>,
            %get3A_1330 = vector.shape_cast %get3A_1329 : vector<1x1x16xf32> to vector<16xf32>
            %add3A_1331 = arith.addf %while3A_1293, %get3A_1330 : vector<16xf32>
            %get3A_1332 = arith.index_cast %rem3A_1266 : i32 to index
            %get3A_1333 = arith.index_cast %while3A_1287 : i32 to index
            %get3A_1334 = arith.constant 96 : index
            %get3A_1335 = tpu.vector_load %arg8[%get3A_1332, %get3A_1333, %get3A_1334] {strides = array<i32>} : memref<4x112x128xf32, #tpu.memory_space<vmem>>, vector<1x1x16xf32>,
            %get3A_1336 = vector.shape_cast %get3A_1335 : vector<1x1x16xf32> to vector<16xf32>
            %add3A_1337 = arith.addf %while3A_1294, %get3A_1336 : vector<16xf32>
            %get3A_1338 = arith.index_cast %rem3A_1266 : i32 to index
            %get3A_1339 = arith.index_cast %while3A_1287 : i32 to index
            %get3A_1340 = arith.constant 112 : index
            %get3A_1341 = tpu.vector_load %arg8[%get3A_1338, %get3A_1339, %get3A_1340] {strides = array<i32>} : memref<4x112x128xf32, #tpu.memory_space<vmem>>, vector<1x1x16xf32>,
            %get3A_1342 = vector.shape_cast %get3A_1341 : vector<1x1x16xf32> to vector<16xf32>
            %add3A_1343 = arith.addf %while3A_1295, %get3A_1342 : vector<16xf32>
            scf.yield %add3A_1301, %add3A_1307, %add3A_1313, %add3A_1319, %add3A_1325, %add3A_1331, %add3A_1337, %add3A_1343 : vector<16xf32>, vector<16xf32>, vector<16xf32>, vector<16xf32>, vector<16xf32>, vector<16xf32>, vector<16xf32>, vector<16xf32>
          }
          %while3A_1284 = arith.constant 1 : i32
          %while3A_1285:8 = scf.for %while3A_1287 = %while3A_1281 to %while3A_1277 step %while3A_1284 iter_args(%while3A_1288 = %while3A_1283#0, %while3A_1289 = %while3A_1283#1, %while3A_1290 = %while3A_1283#2, %while3A_1291 = %while3A_1283#3, %while3A_1292 = %while3A_1283#4, %while3A_1293 = %while3A_1283#5, %while3A_1294 = %while3A_1283#6, %while3A_1295 = %while3A_1283#7) -> (vector<16xf32>, vector<16xf32>, vector<16xf32>, vector<16xf32>, vector<16xf32>, vector<16xf32>, vector<16xf32>, vector<16xf32>)  : i32 {
            %get3A_1296 = arith.index_cast %rem3A_1266 : i32 to index
            %get3A_1297 = arith.index_cast %while3A_1287 : i32 to index
            %get3A_1298 = arith.constant 0 : index
            %get3A_1299 = tpu.vector_load %arg8[%get3A_1296, %get3A_1297, %get3A_1298] {strides = array<i32>} : memref<4x112x128xf32, #tpu.memory_space<vmem>>, vector<1x1x16xf32>,
            %get3A_1300 = vector.shape_cast %get3A_1299 : vector<1x1x16xf32> to vector<16xf32>
            %add3A_1301 = arith.addf %while3A_1288, %get3A_1300 : vector<16xf32>
            %get3A_1302 = arith.index_cast %rem3A_1266 : i32 to index
            %get3A_1303 = arith.index_cast %while3A_1287 : i32 to index
            %get3A_1304 = arith.constant 16 : index
            %get3A_1305 = tpu.vector_load %arg8[%get3A_1302, %get3A_1303, %get3A_1304] {strides = array<i32>} : memref<4x112x128xf32, #tpu.memory_space<vmem>>, vector<1x1x16xf32>,
            %get3A_1306 = vector.shape_cast %get3A_1305 : vector<1x1x16xf32> to vector<16xf32>
            %add3A_1307 = arith.addf %while3A_1289, %get3A_1306 : vector<16xf32>
            %get3A_1308 = arith.index_cast %rem3A_1266 : i32 to index
            %get3A_1309 = arith.index_cast %while3A_1287 : i32 to index
            %get3A_1310 = arith.constant 32 : index
            %get3A_1311 = tpu.vector_load %arg8[%get3A_1308, %get3A_1309, %get3A_1310] {strides = array<i32>} : memref<4x112x128xf32, #tpu.memory_space<vmem>>, vector<1x1x16xf32>,
            %get3A_1312 = vector.shape_cast %get3A_1311 : vector<1x1x16xf32> to vector<16xf32>
            %add3A_1313 = arith.addf %while3A_1290, %get3A_1312 : vector<16xf32>
            %get3A_1314 = arith.index_cast %rem3A_1266 : i32 to index
            %get3A_1315 = arith.index_cast %while3A_1287 : i32 to index
            %get3A_1316 = arith.constant 48 : index
            %get3A_1317 = tpu.vector_load %arg8[%get3A_1314, %get3A_1315, %get3A_1316] {strides = array<i32>} : memref<4x112x128xf32, #tpu.memory_space<vmem>>, vector<1x1x16xf32>,
            %get3A_1318 = vector.shape_cast %get3A_1317 : vector<1x1x16xf32> to vector<16xf32>
            %add3A_1319 = arith.addf %while3A_1291, %get3A_1318 : vector<16xf32>
            %get3A_1320 = arith.index_cast %rem3A_1266 : i32 to index
            %get3A_1321 = arith.index_cast %while3A_1287 : i32 to index
            %get3A_1322 = arith.constant 64 : index
            %get3A_1323 = tpu.vector_load %arg8[%get3A_1320, %get3A_1321, %get3A_1322] {strides = array<i32>} : memref<4x112x128xf32, #tpu.memory_space<vmem>>, vector<1x1x16xf32>,
            %get3A_1324 = vector.shape_cast %get3A_1323 : vector<1x1x16xf32> to vector<16xf32>
            %add3A_1325 = arith.addf %while3A_1292, %get3A_1324 : vector<16xf32>
            %get3A_1326 = arith.index_cast %rem3A_1266 : i32 to index
            %get3A_1327 = arith.index_cast %while3A_1287 : i32 to index
            %get3A_1328 = arith.constant 80 : index
            %get3A_1329 = tpu.vector_load %arg8[%get3A_1326, %get3A_1327, %get3A_1328] {strides = array<i32>} : memref<4x112x128xf32, #tpu.memory_space<vmem>>, vector<1x1x16xf32>,
            %get3A_1330 = vector.shape_cast %get3A_1329 : vector<1x1x16xf32> to vector<16xf32>
            %add3A_1331 = arith.addf %while3A_1293, %get3A_1330 : vector<16xf32>
            %get3A_1332 = arith.index_cast %rem3A_1266 : i32 to index
            %get3A_1333 = arith.index_cast %while3A_1287 : i32 to index
            %get3A_1334 = arith.constant 96 : index
            %get3A_1335 = tpu.vector_load %arg8[%get3A_1332, %get3A_1333, %get3A_1334] {strides = array<i32>} : memref<4x112x128xf32, #tpu.memory_space<vmem>>, vector<1x1x16xf32>,
            %get3A_1336 = vector.shape_cast %get3A_1335 : vector<1x1x16xf32> to vector<16xf32>
            %add3A_1337 = arith.addf %while3A_1294, %get3A_1336 : vector<16xf32>
            %get3A_1338 = arith.index_cast %rem3A_1266 : i32 to index
            %get3A_1339 = arith.index_cast %while3A_1287 : i32 to index
            %get3A_1340 = arith.constant 112 : index
            %get3A_1341 = tpu.vector_load %arg8[%get3A_1338, %get3A_1339, %get3A_1340] {strides = array<i32>} : memref<4x112x128xf32, #tpu.memory_space<vmem>>, vector<1x1x16xf32>,
            %get3A_1342 = vector.shape_cast %get3A_1341 : vector<1x1x16xf32> to vector<16xf32>
            %add3A_1343 = arith.addf %while3A_1295, %get3A_1342 : vector<16xf32>
            scf.yield %add3A_1301, %add3A_1307, %add3A_1313, %add3A_1319, %add3A_1325, %add3A_1331, %add3A_1337, %add3A_1343 : vector<16xf32>, vector<16xf32>, vector<16xf32>, vector<16xf32>, vector<16xf32>, vector<16xf32>, vector<16xf32>, vector<16xf32>
          }
          %max3A_1286 = arith.maxsi %while3A_1261, %while3A_1252 : i32
          scf.yield %while3A_1285#0, %while3A_1285#1, %while3A_1285#2, %while3A_1285#3, %while3A_1285#4, %while3A_1285#5, %while3A_1285#6, %while3A_1285#7, %max3A_1286 : vector<16xf32>, vector<16xf32>, vector<16xf32>, vector<16xf32>, vector<16xf32>, vector<16xf32>, vector<16xf32>, vector<16xf32>, i32
        }
        %max3A = arith.constant 1 : i32
        %max3A_1202 = arith.maxsi %squeeze3A_1120, %max3A : i32
        %broadcast_in_dim3A_1203 = vector.broadcast %max3A_1202 : i32 to vector<16xi32>
        %convert_element_type3A_1204 = arith.sitofp %broadcast_in_dim3A_1203 : vector<16xi32> to vector<16xf32>
        %div3A_1205 = arith.divf %while3A_1201#0, %convert_element_type3A_1204 : vector<16xf32>
        %swap3A = arith.index_cast %while3A_1112 : i32 to index
        %swap3A_1206 = arith.constant 0 : index
        %swap3A_1207 = tpu.vector_load %arg9[%swap3A, %swap3A_1206] {strides = array<i32>} : memref<512x128xf32, #tpu.memory_space<vmem>>, vector<1x16xf32>,
        %swap3A_1208 = vector.shape_cast %swap3A_1207 : vector<1x16xf32> to vector<16xf32>
        %swap3A_1209 = vector.shape_cast %div3A_1205 : vector<16xf32> to vector<1x16xf32>
        tpu.vector_store %arg9[%swap3A, %swap3A_1206], %swap3A_1209 {strides = array<i32>} : memref<512x128xf32, #tpu.memory_space<vmem>>, vector<1x16xf32>,
        %div3A_1210 = arith.divf %while3A_1201#1, %convert_element_type3A_1204 : vector<16xf32>
        %swap3A_1211 = arith.index_cast %while3A_1112 : i32 to index
        %swap3A_1212 = arith.constant 16 : index
        %swap3A_1213 = tpu.vector_load %arg9[%swap3A_1211, %swap3A_1212] {strides = array<i32>} : memref<512x128xf32, #tpu.memory_space<vmem>>, vector<1x16xf32>,
        %swap3A_1214 = vector.shape_cast %swap3A_1213 : vector<1x16xf32> to vector<16xf32>
        %swap3A_1215 = vector.shape_cast %div3A_1210 : vector<16xf32> to vector<1x16xf32>
        tpu.vector_store %arg9[%swap3A_1211, %swap3A_1212], %swap3A_1215 {strides = array<i32>} : memref<512x128xf32, #tpu.memory_space<vmem>>, vector<1x16xf32>,
        %div3A_1216 = arith.divf %while3A_1201#2, %convert_element_type3A_1204 : vector<16xf32>
        %swap3A_1217 = arith.index_cast %while3A_1112 : i32 to index
        %swap3A_1218 = arith.constant 32 : index
        %swap3A_1219 = tpu.vector_load %arg9[%swap3A_1217, %swap3A_1218] {strides = array<i32>} : memref<512x128xf32, #tpu.memory_space<vmem>>, vector<1x16xf32>,
        %swap3A_1220 = vector.shape_cast %swap3A_1219 : vector<1x16xf32> to vector<16xf32>
        %swap3A_1221 = vector.shape_cast %div3A_1216 : vector<16xf32> to vector<1x16xf32>
        tpu.vector_store %arg9[%swap3A_1217, %swap3A_1218], %swap3A_1221 {strides = array<i32>} : memref<512x128xf32, #tpu.memory_space<vmem>>, vector<1x16xf32>,
        %div3A_1222 = arith.divf %while3A_1201#3, %convert_element_type3A_1204 : vector<16xf32>
        %swap3A_1223 = arith.index_cast %while3A_1112 : i32 to index
        %swap3A_1224 = arith.constant 48 : index
        %swap3A_1225 = tpu.vector_load %arg9[%swap3A_1223, %swap3A_1224] {strides = array<i32>} : memref<512x128xf32, #tpu.memory_space<vmem>>, vector<1x16xf32>,
        %swap3A_1226 = vector.shape_cast %swap3A_1225 : vector<1x16xf32> to vector<16xf32>
        %swap3A_1227 = vector.shape_cast %div3A_1222 : vector<16xf32> to vector<1x16xf32>
        tpu.vector_store %arg9[%swap3A_1223, %swap3A_1224], %swap3A_1227 {strides = array<i32>} : memref<512x128xf32, #tpu.memory_space<vmem>>, vector<1x16xf32>,
        %div3A_1228 = arith.divf %while3A_1201#4, %convert_element_type3A_1204 : vector<16xf32>
        %swap3A_1229 = arith.index_cast %while3A_1112 : i32 to index
        %swap3A_1230 = arith.constant 64 : index
        %swap3A_1231 = tpu.vector_load %arg9[%swap3A_1229, %swap3A_1230] {strides = array<i32>} : memref<512x128xf32, #tpu.memory_space<vmem>>, vector<1x16xf32>,
        %swap3A_1232 = vector.shape_cast %swap3A_1231 : vector<1x16xf32> to vector<16xf32>
        %swap3A_1233 = vector.shape_cast %div3A_1228 : vector<16xf32> to vector<1x16xf32>
        tpu.vector_store %arg9[%swap3A_1229, %swap3A_1230], %swap3A_1233 {strides = array<i32>} : memref<512x128xf32, #tpu.memory_space<vmem>>, vector<1x16xf32>,
        %div3A_1234 = arith.divf %while3A_1201#5, %convert_element_type3A_1204 : vector<16xf32>
        %swap3A_1235 = arith.index_cast %while3A_1112 : i32 to index
        %swap3A_1236 = arith.constant 80 : index
        %swap3A_1237 = tpu.vector_load %arg9[%swap3A_1235, %swap3A_1236] {strides = array<i32>} : memref<512x128xf32, #tpu.memory_space<vmem>>, vector<1x16xf32>,
        %swap3A_1238 = vector.shape_cast %swap3A_1237 : vector<1x16xf32> to vector<16xf32>
        %swap3A_1239 = vector.shape_cast %div3A_1234 : vector<16xf32> to vector<1x16xf32>
        tpu.vector_store %arg9[%swap3A_1235, %swap3A_1236], %swap3A_1239 {strides = array<i32>} : memref<512x128xf32, #tpu.memory_space<vmem>>, vector<1x16xf32>,
        %div3A_1240 = arith.divf %while3A_1201#6, %convert_element_type3A_1204 : vector<16xf32>
        %swap3A_1241 = arith.index_cast %while3A_1112 : i32 to index
        %swap3A_1242 = arith.constant 96 : index
        %swap3A_1243 = tpu.vector_load %arg9[%swap3A_1241, %swap3A_1242] {strides = array<i32>} : memref<512x128xf32, #tpu.memory_space<vmem>>, vector<1x16xf32>,
        %swap3A_1244 = vector.shape_cast %swap3A_1243 : vector<1x16xf32> to vector<16xf32>
        %swap3A_1245 = vector.shape_cast %div3A_1240 : vector<16xf32> to vector<1x16xf32>
        tpu.vector_store %arg9[%swap3A_1241, %swap3A_1242], %swap3A_1245 {strides = array<i32>} : memref<512x128xf32, #tpu.memory_space<vmem>>, vector<1x16xf32>,
        %div3A_1246 = arith.divf %while3A_1201#7, %convert_element_type3A_1204 : vector<16xf32>
        %swap3A_1247 = arith.index_cast %while3A_1112 : i32 to index
        %swap3A_1248 = arith.constant 112 : index
        %swap3A_1249 = tpu.vector_load %arg9[%swap3A_1247, %swap3A_1248] {strides = array<i32>} : memref<512x128xf32, #tpu.memory_space<vmem>>, vector<1x16xf32>,
        %swap3A_1250 = vector.shape_cast %swap3A_1249 : vector<1x16xf32> to vector<16xf32>
        %swap3A_1251 = vector.shape_cast %div3A_1246 : vector<16xf32> to vector<1x16xf32>
        tpu.vector_store %arg9[%swap3A_1247, %swap3A_1248], %swap3A_1251 {strides = array<i32>} : memref<512x128xf32, #tpu.memory_space<vmem>>, vector<1x16xf32>,
        scf.yield %add3A_1121, %while3A_1201#8 : i32, i32
      }
      %while3A_1054 = arith.constant 1 : i32
      %while3A_1055:2 = scf.for %while3A_1112 = %while3A_1051 to %while3A_1047 step %while3A_1054 iter_args(%while3A_1113 = %while3A_1053#0, %while3A_1114 = %while3A_1053#1) -> (i32, i32)  : i32 {
        %add3A_1115 = arith.addi %while3A_962#1, %while3A_1112 : i32
        %get3A_1116 = arith.index_cast %add3A_1115 : i32 to index
        %get3A_1117 = tpu.vector_load %arg6[%get3A_1116] {strides = array<i32>} : memref<528xi32, #tpu.memory_space<vmem>>, vector<16xi32>,
        %get3A_1118 = vector.shape_cast %get3A_1117 : vector<16xi32> to vector<16xi32>
        %slice3A_1119 = vector.extract_strided_slice %get3A_1118 {offsets = [0], sizes = [1], strides = [1]} : vector<16xi32> to vector<1xi32>
        %squeeze3A_1120 = vector.extract %slice3A_1119[0] : i32 from vector<1xi32>
        %add3A_1121 = arith.addi %while3A_1113, %squeeze3A_1120 : i32
        %sub3A_1122 = arith.subi %while3A_1113, %mul3A_989 : i32
        %jit3A_1123 = arith.constant 112 : i32
        %div3A_1124 = arith.divsi %sub3A_1122, %jit3A_1123 : i32
        %sign3A_1125 = arith.constant 0 : i32
        %sign3A_1126 = arith.cmpi sgt, %sub3A_1122, %sign3A_1125 : i32
        %sign3A_1127 = arith.extui %sign3A_1126 : i1 to i32
        %sign3A_1128 = arith.constant 0 : i32
        %sign3A_1129 = arith.cmpi slt, %sub3A_1122, %sign3A_1128 : i32
        %sign3A_1130 = arith.extui %sign3A_1129 : i1 to i32
        %sign3A_1131 = arith.subi %sign3A_1127, %sign3A_1130 : i32
        %sign3A_1132 = arith.constant 0 : i32
        %sign3A_1133 = arith.cmpi sgt, %jit3A_1123, %sign3A_1132 : i32
        %sign3A_1134 = arith.extui %sign3A_1133 : i1 to i32
        %sign3A_1135 = arith.constant 0 : i32
        %sign3A_1136 = arith.cmpi slt, %jit3A_1123, %sign3A_1135 : i32
        %sign3A_1137 = arith.extui %sign3A_1136 : i1 to i32
        %sign3A_1138 = arith.subi %sign3A_1134, %sign3A_1137 : i32
        %ne3A_1139 = arith.cmpi ne, %sign3A_1131, %sign3A_1138 : i32
        %rem3A_1140 = arith.remsi %sub3A_1122, %jit3A_1123 : i32
        %ne3A_1141 = arith.constant 0 : i32
        %ne3A_1142 = arith.cmpi ne, %rem3A_1140, %ne3A_1141 : i32
        %and3A_1143 = arith.andi %ne3A_1139, %ne3A_1142 : i1
        %sub3A_1144 = arith.constant 1 : i32
        %sub3A_1145 = arith.subi %div3A_1124, %sub3A_1144 : i32
        %select_n3A_1146 = arith.select %and3A_1143, %sub3A_1145, %div3A_1124 : i32
        %sub3A_1147 = arith.constant 1 : i32
        %sub3A_1148 = arith.subi %add3A_1121, %sub3A_1147 : i32
        %sub3A_1149 = arith.subi %sub3A_1148, %mul3A_989 : i32
        %jit3A_1150 = arith.constant 112 : i32
        %div3A_1151 = arith.divsi %sub3A_1149, %jit3A_1150 : i32
        %sign3A_1152 = arith.constant 0 : i32
        %sign3A_1153 = arith.cmpi sgt, %sub3A_1149, %sign3A_1152 : i32
        %sign3A_1154 = arith.extui %sign3A_1153 : i1 to i32
        %sign3A_1155 = arith.constant 0 : i32
        %sign3A_1156 = arith.cmpi slt, %sub3A_1149, %sign3A_1155 : i32
        %sign3A_1157 = arith.extui %sign3A_1156 : i1 to i32
        %sign3A_1158 = arith.subi %sign3A_1154, %sign3A_1157 : i32
        %sign3A_1159 = arith.constant 0 : i32
        %sign3A_1160 = arith.cmpi sgt, %jit3A_1150, %sign3A_1159 : i32
        %sign3A_1161 = arith.extui %sign3A_1160 : i1 to i32
        %sign3A_1162 = arith.constant 0 : i32
        %sign3A_1163 = arith.cmpi slt, %jit3A_1150, %sign3A_1162 : i32
        %sign3A_1164 = arith.extui %sign3A_1163 : i1 to i32
        %sign3A_1165 = arith.subi %sign3A_1161, %sign3A_1164 : i32
        %ne3A_1166 = arith.cmpi ne, %sign3A_1158, %sign3A_1165 : i32
        %rem3A_1167 = arith.remsi %sub3A_1149, %jit3A_1150 : i32
        %ne3A_1168 = arith.constant 0 : i32
        %ne3A_1169 = arith.cmpi ne, %rem3A_1167, %ne3A_1168 : i32
        %and3A_1170 = arith.andi %ne3A_1166, %ne3A_1169 : i1
        %sub3A_1171 = arith.constant 1 : i32
        %sub3A_1172 = arith.subi %div3A_1151, %sub3A_1171 : i32
        %select_n3A_1173 = arith.select %and3A_1170, %sub3A_1172, %div3A_1151 : i32
        %broadcast_in_dim3A_1174 = arith.constant 0.000000e+00 : f32
        %broadcast_in_dim3A_1175 = vector.broadcast %broadcast_in_dim3A_1174 : f32 to vector<16xf32>
        %broadcast_in_dim3A_1176 = arith.constant 0.000000e+00 : f32
        %broadcast_in_dim3A_1177 = vector.broadcast %broadcast_in_dim3A_1176 : f32 to vector<16xf32>
        %broadcast_in_dim3A_1178 = arith.constant 0.000000e+00 : f32
        %broadcast_in_dim3A_1179 = vector.broadcast %broadcast_in_dim3A_1178 : f32 to vector<16xf32>
        %broadcast_in_dim3A_1180 = arith.constant 0.000000e+00 : f32
        %broadcast_in_dim3A_1181 = vector.broadcast %broadcast_in_dim3A_1180 : f32 to vector<16xf32>
        %broadcast_in_dim3A_1182 = arith.constant 0.000000e+00 : f32
        %broadcast_in_dim3A_1183 = vector.broadcast %broadcast_in_dim3A_1182 : f32 to vector<16xf32>
        %broadcast_in_dim3A_1184 = arith.constant 0.000000e+00 : f32
        %broadcast_in_dim3A_1185 = vector.broadcast %broadcast_in_dim3A_1184 : f32 to vector<16xf32>
        %broadcast_in_dim3A_1186 = arith.constant 0.000000e+00 : f32
        %broadcast_in_dim3A_1187 = vector.broadcast %broadcast_in_dim3A_1186 : f32 to vector<16xf32>
        %broadcast_in_dim3A_1188 = arith.constant 0.000000e+00 : f32
        %broadcast_in_dim3A_1189 = vector.broadcast %broadcast_in_dim3A_1188 : f32 to vector<16xf32>
        %add3A_1190 = arith.constant 1 : i32
        %add3A_1191 = arith.addi %select_n3A_1173, %add3A_1190 : i32
        %while3A_1192 = arith.subi %add3A_1191, %select_n3A_1146 : i32
        %while3A_1193 = arith.addi %select_n3A_1146, %while3A_1192 : i32
        %while3A_1194 = arith.constant 1 : i32
        %while3A_1195 = arith.divsi %while3A_1192, %while3A_1194 : i32
        %while3A_1196 = arith.muli %while3A_1195, %while3A_1194 : i32
        %while3A_1197 = arith.addi %select_n3A_1146, %while3A_1196 : i32
        %while3A_1198 = arith.constant 1 : i32
        %while3A_1199:9 = scf.for %while3A_1252 = %select_n3A_1146 to %while3A_1197 step %while3A_1198 iter_args(%while3A_1253 = %broadcast_in_dim3A_1175, %while3A_1254 = %broadcast_in_dim3A_1177, %while3A_1255 = %broadcast_in_dim3A_1179, %while3A_1256 = %broadcast_in_dim3A_1181, %while3A_1257 = %broadcast_in_dim3A_1183, %while3A_1258 = %broadcast_in_dim3A_1185, %while3A_1259 = %broadcast_in_dim3A_1187, %while3A_1260 = %broadcast_in_dim3A_1189, %while3A_1261 = %while3A_1114) -> (vector<16xf32>, vector<16xf32>, vector<16xf32>, vector<16xf32>, vector<16xf32>, vector<16xf32>, vector<16xf32>, vector<16xf32>, i32)  : i32 {
          %mul3A_1262 = arith.constant 112 : i32
          %mul3A_1263 = arith.muli %while3A_1252, %mul3A_1262 : i32
          %add3A_1264 = arith.addi %mul3A_989, %mul3A_1263 : i32
          %rem3A_1265 = arith.constant 4 : i32
          %rem3A_1266 = arith.remsi %while3A_1252, %rem3A_1265 : i32
          %gt3A_1267 = arith.cmpi sgt, %while3A_1252, %while3A_1261 : i32
          %convert_element_type3A_1268 = arith.extui %gt3A_1267 : i1 to i32
          %cond3A_1269 = arith.constant 0 : i32
          %cond3A_1270 = arith.cmpi ne, %convert_element_type3A_1268, %cond3A_1269 : i32
          scf.if %cond3A_1270 {
            %dma_wait3A = arith.constant 0 : i32
            %dma_wait3A_1287 = arith.constant 0 : i32
            %dma_wait3A_1288 = tpu.memref_slice %arg8[%rem3A_1266, %dma_wait3A, %dma_wait3A_1287] : memref<4x112x128xf32, #tpu.memory_space<vmem>> -> memref<1x112x128xf32, #tpu.memory_space<vmem>>
            %dma_wait3A_1289 = tpu.memref_squeeze %dma_wait3A_1288 : memref<1x112x128xf32, #tpu.memory_space<vmem>> -> memref<112x128xf32, #tpu.memory_space<vmem>>
            %dma_wait3A_1290 = arith.constant 0 : i32
            %dma_wait3A_1291 = arith.constant 0 : i32
            %dma_wait3A_1292 = tpu.memref_slice %arg2[%dma_wait3A_1290, %dma_wait3A_1291] : memref<200000x128xf32, #tpu.memory_space<hbm>> -> memref<112x128xf32, #tpu.memory_space<hbm>>
            %dma_wait3A_1293 = tpu.memref_slice %arg10[%rem3A_1266] : memref<4x!tpu.dma_semaphore, #tpu.memory_space<semaphore_mem>> -> memref<1x!tpu.dma_semaphore, #tpu.memory_space<semaphore_mem>>
            %dma_wait3A_1294 = tpu.memref_squeeze %dma_wait3A_1293 : memref<1x!tpu.dma_semaphore, #tpu.memory_space<semaphore_mem>> -> memref<!tpu.dma_semaphore, #tpu.memory_space<semaphore_mem>>
            %dma_wait3A_1295 = arith.constant 0 : i32
            %dma_wait3A_1296 = arith.constant 0 : i32
            %dma_wait3A_1297 = tpu.memref_slice %arg8[%rem3A_1266, %dma_wait3A_1295, %dma_wait3A_1296] : memref<4x112x128xf32, #tpu.memory_space<vmem>> -> memref<1x112x128xf32, #tpu.memory_space<vmem>>
            %dma_wait3A_1298 = tpu.memref_squeeze %dma_wait3A_1297 : memref<1x112x128xf32, #tpu.memory_space<vmem>> -> memref<112x128xf32, #tpu.memory_space<vmem>>
            %dma_wait3A_1299 = arith.constant 0 : i32
            %dma_wait3A_1300 = arith.constant 0 : i32
            %dma_wait3A_1301 = tpu.memref_slice %arg2[%dma_wait3A_1299, %dma_wait3A_1300] : memref<200000x128xf32, #tpu.memory_space<hbm>> -> memref<112x128xf32, #tpu.memory_space<hbm>>
            tpu.wait_dma2 semaphore(%dma_wait3A_1294 : memref<!tpu.dma_semaphore, #tpu.memory_space<semaphore_mem>>) src(%dma_wait3A_1301 : memref<112x128xf32, #tpu.memory_space<hbm>>) dst(%dma_wait3A_1298 : memref<112x128xf32, #tpu.memory_space<vmem>>)
            %add3A_1302 = arith.constant 3 : i32
            %add3A_1303 = arith.addi %while3A_1252, %add3A_1302 : i32
            %lt3A_1304 = arith.cmpi slt, %add3A_1303, %select_n3A_1018 : i32
            %convert_element_type3A_1305 = arith.extui %lt3A_1304 : i1 to i32
            %cond3A_1306 = arith.constant 0 : i32
            %cond3A_1307 = arith.cmpi ne, %convert_element_type3A_1305, %cond3A_1306 : i32
            scf.if %cond3A_1307 {
              %add3A_1308 = arith.constant 3 : i32
              %add3A_1309 = arith.addi %while3A_1252, %add3A_1308 : i32
              %rem3A_1310 = arith.constant 4 : i32
              %rem3A_1311 = arith.remsi %add3A_1309, %rem3A_1310 : i32
              %add3A_1312 = arith.constant 3 : i32
              %add3A_1313 = arith.addi %while3A_1252, %add3A_1312 : i32
              %mul3A_1314 = arith.constant 112 : i32
              %mul3A_1315 = arith.muli %add3A_1313, %mul3A_1314 : i32
              %add3A_1316 = arith.addi %mul3A_989, %mul3A_1315 : i32
              %dma_start3A_1317 = arith.constant 0 : i32
              %dma_start3A_1318 = arith.constant 0 : i32
              %dma_start3A_1319 = tpu.memref_slice %arg8[%rem3A_1311, %dma_start3A_1317, %dma_start3A_1318] : memref<4x112x128xf32, #tpu.memory_space<vmem>> -> memref<1x112x128xf32, #tpu.memory_space<vmem>>
              %dma_start3A_1320 = tpu.memref_squeeze %dma_start3A_1319 : memref<1x112x128xf32, #tpu.memory_space<vmem>> -> memref<112x128xf32, #tpu.memory_space<vmem>>
              %dma_start3A_1321 = arith.constant 0 : i32
              %dma_start3A_1322 = tpu.memref_slice %arg2[%add3A_1316, %dma_start3A_1321] : memref<200000x128xf32, #tpu.memory_space<hbm>> -> memref<112x128xf32, #tpu.memory_space<hbm>>
              %dma_start3A_1323 = tpu.memref_slice %arg10[%rem3A_1311] : memref<4x!tpu.dma_semaphore, #tpu.memory_space<semaphore_mem>> -> memref<1x!tpu.dma_semaphore, #tpu.memory_space<semaphore_mem>>
              %dma_start3A_1324 = tpu.memref_squeeze %dma_start3A_1323 : memref<1x!tpu.dma_semaphore, #tpu.memory_space<semaphore_mem>> -> memref<!tpu.dma_semaphore, #tpu.memory_space<semaphore_mem>>
              %dma_start3A_1325 = arith.constant 0 : i32
              %dma_start3A_1326 = arith.constant 0 : i32
              %dma_start3A_1327 = tpu.memref_slice %arg8[%rem3A_1311, %dma_start3A_1325, %dma_start3A_1326] : memref<4x112x128xf32, #tpu.memory_space<vmem>> -> memref<1x112x128xf32, #tpu.memory_space<vmem>>
              %dma_start3A_1328 = tpu.memref_squeeze %dma_start3A_1327 : memref<1x112x128xf32, #tpu.memory_space<vmem>> -> memref<112x128xf32, #tpu.memory_space<vmem>>
              %dma_start3A_1329 = arith.constant 0 : i32
              %dma_start3A_1330 = tpu.memref_slice %arg2[%add3A_1316, %dma_start3A_1329] : memref<200000x128xf32, #tpu.memory_space<hbm>> -> memref<112x128xf32, #tpu.memory_space<hbm>>
              tpu.enqueue_dma source(%dma_start3A_1330 : memref<112x128xf32, #tpu.memory_space<hbm>>) target(%dma_start3A_1328 : memref<112x128xf32, #tpu.memory_space<vmem>>) target_semaphore(%dma_start3A_1324 : memref<!tpu.dma_semaphore, #tpu.memory_space<semaphore_mem>>)
            } else {
            }
          } else {
          }
          %sub3A_1271 = arith.subi %while3A_1113, %add3A_1264 : i32
          %max3A_1272 = arith.constant 0 : i32
          %max3A_1273 = arith.maxsi %sub3A_1271, %max3A_1272 : i32
          %sub3A_1274 = arith.subi %add3A_1121, %add3A_1264 : i32
          %min3A = arith.constant 112 : i32
          %min3A_1275 = arith.minsi %sub3A_1274, %min3A : i32
          %while3A_1276 = arith.subi %min3A_1275, %max3A_1273 : i32
          %while3A_1277 = arith.addi %max3A_1273, %while3A_1276 : i32
          %while3A_1278 = arith.constant 1 : i32
          %while3A_1279 = arith.divsi %while3A_1276, %while3A_1278 : i32
          %while3A_1280 = arith.muli %while3A_1279, %while3A_1278 : i32
          %while3A_1281 = arith.addi %max3A_1273, %while3A_1280 : i32
          %while3A_1282 = arith.constant 1 : i32
          %while3A_1283:8 = scf.for %while3A_1287 = %max3A_1273 to %while3A_1281 step %while3A_1282 iter_args(%while3A_1288 = %while3A_1253, %while3A_1289 = %while3A_1254, %while3A_1290 = %while3A_1255, %while3A_1291 = %while3A_1256, %while3A_1292 = %while3A_1257, %while3A_1293 = %while3A_1258, %while3A_1294 = %while3A_1259, %while3A_1295 = %while3A_1260) -> (vector<16xf32>, vector<16xf32>, vector<16xf32>, vector<16xf32>, vector<16xf32>, vector<16xf32>, vector<16xf32>, vector<16xf32>)  : i32 {
            %get3A_1296 = arith.index_cast %rem3A_1266 : i32 to index
            %get3A_1297 = arith.index_cast %while3A_1287 : i32 to index
            %get3A_1298 = arith.constant 0 : index
            %get3A_1299 = tpu.vector_load %arg8[%get3A_1296, %get3A_1297, %get3A_1298] {strides = array<i32>} : memref<4x112x128xf32, #tpu.memory_space<vmem>>, vector<1x1x16xf32>,
            %get3A_1300 = vector.shape_cast %get3A_1299 : vector<1x1x16xf32> to vector<16xf32>
            %add3A_1301 = arith.addf %while3A_1288, %get3A_1300 : vector<16xf32>
            %get3A_1302 = arith.index_cast %rem3A_1266 : i32 to index
            %get3A_1303 = arith.index_cast %while3A_1287 : i32 to index
            %get3A_1304 = arith.constant 16 : index
            %get3A_1305 = tpu.vector_load %arg8[%get3A_1302, %get3A_1303, %get3A_1304] {strides = array<i32>} : memref<4x112x128xf32, #tpu.memory_space<vmem>>, vector<1x1x16xf32>,
            %get3A_1306 = vector.shape_cast %get3A_1305 : vector<1x1x16xf32> to vector<16xf32>
            %add3A_1307 = arith.addf %while3A_1289, %get3A_1306 : vector<16xf32>
            %get3A_1308 = arith.index_cast %rem3A_1266 : i32 to index
            %get3A_1309 = arith.index_cast %while3A_1287 : i32 to index
            %get3A_1310 = arith.constant 32 : index
            %get3A_1311 = tpu.vector_load %arg8[%get3A_1308, %get3A_1309, %get3A_1310] {strides = array<i32>} : memref<4x112x128xf32, #tpu.memory_space<vmem>>, vector<1x1x16xf32>,
            %get3A_1312 = vector.shape_cast %get3A_1311 : vector<1x1x16xf32> to vector<16xf32>
            %add3A_1313 = arith.addf %while3A_1290, %get3A_1312 : vector<16xf32>
            %get3A_1314 = arith.index_cast %rem3A_1266 : i32 to index
            %get3A_1315 = arith.index_cast %while3A_1287 : i32 to index
            %get3A_1316 = arith.constant 48 : index
            %get3A_1317 = tpu.vector_load %arg8[%get3A_1314, %get3A_1315, %get3A_1316] {strides = array<i32>} : memref<4x112x128xf32, #tpu.memory_space<vmem>>, vector<1x1x16xf32>,
            %get3A_1318 = vector.shape_cast %get3A_1317 : vector<1x1x16xf32> to vector<16xf32>
            %add3A_1319 = arith.addf %while3A_1291, %get3A_1318 : vector<16xf32>
            %get3A_1320 = arith.index_cast %rem3A_1266 : i32 to index
            %get3A_1321 = arith.index_cast %while3A_1287 : i32 to index
            %get3A_1322 = arith.constant 64 : index
            %get3A_1323 = tpu.vector_load %arg8[%get3A_1320, %get3A_1321, %get3A_1322] {strides = array<i32>} : memref<4x112x128xf32, #tpu.memory_space<vmem>>, vector<1x1x16xf32>,
            %get3A_1324 = vector.shape_cast %get3A_1323 : vector<1x1x16xf32> to vector<16xf32>
            %add3A_1325 = arith.addf %while3A_1292, %get3A_1324 : vector<16xf32>
            %get3A_1326 = arith.index_cast %rem3A_1266 : i32 to index
            %get3A_1327 = arith.index_cast %while3A_1287 : i32 to index
            %get3A_1328 = arith.constant 80 : index
            %get3A_1329 = tpu.vector_load %arg8[%get3A_1326, %get3A_1327, %get3A_1328] {strides = array<i32>} : memref<4x112x128xf32, #tpu.memory_space<vmem>>, vector<1x1x16xf32>,
            %get3A_1330 = vector.shape_cast %get3A_1329 : vector<1x1x16xf32> to vector<16xf32>
            %add3A_1331 = arith.addf %while3A_1293, %get3A_1330 : vector<16xf32>
            %get3A_1332 = arith.index_cast %rem3A_1266 : i32 to index
            %get3A_1333 = arith.index_cast %while3A_1287 : i32 to index
            %get3A_1334 = arith.constant 96 : index
            %get3A_1335 = tpu.vector_load %arg8[%get3A_1332, %get3A_1333, %get3A_1334] {strides = array<i32>} : memref<4x112x128xf32, #tpu.memory_space<vmem>>, vector<1x1x16xf32>,
            %get3A_1336 = vector.shape_cast %get3A_1335 : vector<1x1x16xf32> to vector<16xf32>
            %add3A_1337 = arith.addf %while3A_1294, %get3A_1336 : vector<16xf32>
            %get3A_1338 = arith.index_cast %rem3A_1266 : i32 to index
            %get3A_1339 = arith.index_cast %while3A_1287 : i32 to index
            %get3A_1340 = arith.constant 112 : index
            %get3A_1341 = tpu.vector_load %arg8[%get3A_1338, %get3A_1339, %get3A_1340] {strides = array<i32>} : memref<4x112x128xf32, #tpu.memory_space<vmem>>, vector<1x1x16xf32>,
            %get3A_1342 = vector.shape_cast %get3A_1341 : vector<1x1x16xf32> to vector<16xf32>
            %add3A_1343 = arith.addf %while3A_1295, %get3A_1342 : vector<16xf32>
            scf.yield %add3A_1301, %add3A_1307, %add3A_1313, %add3A_1319, %add3A_1325, %add3A_1331, %add3A_1337, %add3A_1343 : vector<16xf32>, vector<16xf32>, vector<16xf32>, vector<16xf32>, vector<16xf32>, vector<16xf32>, vector<16xf32>, vector<16xf32>
          }
          %while3A_1284 = arith.constant 1 : i32
          %while3A_1285:8 = scf.for %while3A_1287 = %while3A_1281 to %while3A_1277 step %while3A_1284 iter_args(%while3A_1288 = %while3A_1283#0, %while3A_1289 = %while3A_1283#1, %while3A_1290 = %while3A_1283#2, %while3A_1291 = %while3A_1283#3, %while3A_1292 = %while3A_1283#4, %while3A_1293 = %while3A_1283#5, %while3A_1294 = %while3A_1283#6, %while3A_1295 = %while3A_1283#7) -> (vector<16xf32>, vector<16xf32>, vector<16xf32>, vector<16xf32>, vector<16xf32>, vector<16xf32>, vector<16xf32>, vector<16xf32>)  : i32 {
            %get3A_1296 = arith.index_cast %rem3A_1266 : i32 to index
            %get3A_1297 = arith.index_cast %while3A_1287 : i32 to index
            %get3A_1298 = arith.constant 0 : index
            %get3A_1299 = tpu.vector_load %arg8[%get3A_1296, %get3A_1297, %get3A_1298] {strides = array<i32>} : memref<4x112x128xf32, #tpu.memory_space<vmem>>, vector<1x1x16xf32>,
            %get3A_1300 = vector.shape_cast %get3A_1299 : vector<1x1x16xf32> to vector<16xf32>
            %add3A_1301 = arith.addf %while3A_1288, %get3A_1300 : vector<16xf32>
            %get3A_1302 = arith.index_cast %rem3A_1266 : i32 to index
            %get3A_1303 = arith.index_cast %while3A_1287 : i32 to index
            %get3A_1304 = arith.constant 16 : index
            %get3A_1305 = tpu.vector_load %arg8[%get3A_1302, %get3A_1303, %get3A_1304] {strides = array<i32>} : memref<4x112x128xf32, #tpu.memory_space<vmem>>, vector<1x1x16xf32>,
            %get3A_1306 = vector.shape_cast %get3A_1305 : vector<1x1x16xf32> to vector<16xf32>
            %add3A_1307 = arith.addf %while3A_1289, %get3A_1306 : vector<16xf32>
            %get3A_1308 = arith.index_cast %rem3A_1266 : i32 to index
            %get3A_1309 = arith.index_cast %while3A_1287 : i32 to index
            %get3A_1310 = arith.constant 32 : index
            %get3A_1311 = tpu.vector_load %arg8[%get3A_1308, %get3A_1309, %get3A_1310] {strides = array<i32>} : memref<4x112x128xf32, #tpu.memory_space<vmem>>, vector<1x1x16xf32>,
            %get3A_1312 = vector.shape_cast %get3A_1311 : vector<1x1x16xf32> to vector<16xf32>
            %add3A_1313 = arith.addf %while3A_1290, %get3A_1312 : vector<16xf32>
            %get3A_1314 = arith.index_cast %rem3A_1266 : i32 to index
            %get3A_1315 = arith.index_cast %while3A_1287 : i32 to index
            %get3A_1316 = arith.constant 48 : index
            %get3A_1317 = tpu.vector_load %arg8[%get3A_1314, %get3A_1315, %get3A_1316] {strides = array<i32>} : memref<4x112x128xf32, #tpu.memory_space<vmem>>, vector<1x1x16xf32>,
            %get3A_1318 = vector.shape_cast %get3A_1317 : vector<1x1x16xf32> to vector<16xf32>
            %add3A_1319 = arith.addf %while3A_1291, %get3A_1318 : vector<16xf32>
            %get3A_1320 = arith.index_cast %rem3A_1266 : i32 to index
            %get3A_1321 = arith.index_cast %while3A_1287 : i32 to index
            %get3A_1322 = arith.constant 64 : index
            %get3A_1323 = tpu.vector_load %arg8[%get3A_1320, %get3A_1321, %get3A_1322] {strides = array<i32>} : memref<4x112x128xf32, #tpu.memory_space<vmem>>, vector<1x1x16xf32>,
            %get3A_1324 = vector.shape_cast %get3A_1323 : vector<1x1x16xf32> to vector<16xf32>
            %add3A_1325 = arith.addf %while3A_1292, %get3A_1324 : vector<16xf32>
            %get3A_1326 = arith.index_cast %rem3A_1266 : i32 to index
            %get3A_1327 = arith.index_cast %while3A_1287 : i32 to index
            %get3A_1328 = arith.constant 80 : index
            %get3A_1329 = tpu.vector_load %arg8[%get3A_1326, %get3A_1327, %get3A_1328] {strides = array<i32>} : memref<4x112x128xf32, #tpu.memory_space<vmem>>, vector<1x1x16xf32>,
            %get3A_1330 = vector.shape_cast %get3A_1329 : vector<1x1x16xf32> to vector<16xf32>
            %add3A_1331 = arith.addf %while3A_1293, %get3A_1330 : vector<16xf32>
            %get3A_1332 = arith.index_cast %rem3A_1266 : i32 to index
            %get3A_1333 = arith.index_cast %while3A_1287 : i32 to index
            %get3A_1334 = arith.constant 96 : index
            %get3A_1335 = tpu.vector_load %arg8[%get3A_1332, %get3A_1333, %get3A_1334] {strides = array<i32>} : memref<4x112x128xf32, #tpu.memory_space<vmem>>, vector<1x1x16xf32>,
            %get3A_1336 = vector.shape_cast %get3A_1335 : vector<1x1x16xf32> to vector<16xf32>
            %add3A_1337 = arith.addf %while3A_1294, %get3A_1336 : vector<16xf32>
            %get3A_1338 = arith.index_cast %rem3A_1266 : i32 to index
            %get3A_1339 = arith.index_cast %while3A_1287 : i32 to index
            %get3A_1340 = arith.constant 112 : index
            %get3A_1341 = tpu.vector_load %arg8[%get3A_1338, %get3A_1339, %get3A_1340] {strides = array<i32>} : memref<4x112x128xf32, #tpu.memory_space<vmem>>, vector<1x1x16xf32>,
            %get3A_1342 = vector.shape_cast %get3A_1341 : vector<1x1x16xf32> to vector<16xf32>
            %add3A_1343 = arith.addf %while3A_1295, %get3A_1342 : vector<16xf32>
            scf.yield %add3A_1301, %add3A_1307, %add3A_1313, %add3A_1319, %add3A_1325, %add3A_1331, %add3A_1337, %add3A_1343 : vector<16xf32>, vector<16xf32>, vector<16xf32>, vector<16xf32>, vector<16xf32>, vector<16xf32>, vector<16xf32>, vector<16xf32>
          }
          %max3A_1286 = arith.maxsi %while3A_1261, %while3A_1252 : i32
          scf.yield %while3A_1285#0, %while3A_1285#1, %while3A_1285#2, %while3A_1285#3, %while3A_1285#4, %while3A_1285#5, %while3A_1285#6, %while3A_1285#7, %max3A_1286 : vector<16xf32>, vector<16xf32>, vector<16xf32>, vector<16xf32>, vector<16xf32>, vector<16xf32>, vector<16xf32>, vector<16xf32>, i32
        }
        %while3A_1200 = arith.constant 1 : i32
        %while3A_1201:9 = scf.for %while3A_1252 = %while3A_1197 to %while3A_1193 step %while3A_1200 iter_args(%while3A_1253 = %while3A_1199#0, %while3A_1254 = %while3A_1199#1, %while3A_1255 = %while3A_1199#2, %while3A_1256 = %while3A_1199#3, %while3A_1257 = %while3A_1199#4, %while3A_1258 = %while3A_1199#5, %while3A_1259 = %while3A_1199#6, %while3A_1260 = %while3A_1199#7, %while3A_1261 = %while3A_1199#8) -> (vector<16xf32>, vector<16xf32>, vector<16xf32>, vector<16xf32>, vector<16xf32>, vector<16xf32>, vector<16xf32>, vector<16xf32>, i32)  : i32 {
          %mul3A_1262 = arith.constant 112 : i32
          %mul3A_1263 = arith.muli %while3A_1252, %mul3A_1262 : i32
          %add3A_1264 = arith.addi %mul3A_989, %mul3A_1263 : i32
          %rem3A_1265 = arith.constant 4 : i32
          %rem3A_1266 = arith.remsi %while3A_1252, %rem3A_1265 : i32
          %gt3A_1267 = arith.cmpi sgt, %while3A_1252, %while3A_1261 : i32
          %convert_element_type3A_1268 = arith.extui %gt3A_1267 : i1 to i32
          %cond3A_1269 = arith.constant 0 : i32
          %cond3A_1270 = arith.cmpi ne, %convert_element_type3A_1268, %cond3A_1269 : i32
          scf.if %cond3A_1270 {
            %dma_wait3A = arith.constant 0 : i32
            %dma_wait3A_1287 = arith.constant 0 : i32
            %dma_wait3A_1288 = tpu.memref_slice %arg8[%rem3A_1266, %dma_wait3A, %dma_wait3A_1287] : memref<4x112x128xf32, #tpu.memory_space<vmem>> -> memref<1x112x128xf32, #tpu.memory_space<vmem>>
            %dma_wait3A_1289 = tpu.memref_squeeze %dma_wait3A_1288 : memref<1x112x128xf32, #tpu.memory_space<vmem>> -> memref<112x128xf32, #tpu.memory_space<vmem>>
            %dma_wait3A_1290 = arith.constant 0 : i32
            %dma_wait3A_1291 = arith.constant 0 : i32
            %dma_wait3A_1292 = tpu.memref_slice %arg2[%dma_wait3A_1290, %dma_wait3A_1291] : memref<200000x128xf32, #tpu.memory_space<hbm>> -> memref<112x128xf32, #tpu.memory_space<hbm>>
            %dma_wait3A_1293 = tpu.memref_slice %arg10[%rem3A_1266] : memref<4x!tpu.dma_semaphore, #tpu.memory_space<semaphore_mem>> -> memref<1x!tpu.dma_semaphore, #tpu.memory_space<semaphore_mem>>
            %dma_wait3A_1294 = tpu.memref_squeeze %dma_wait3A_1293 : memref<1x!tpu.dma_semaphore, #tpu.memory_space<semaphore_mem>> -> memref<!tpu.dma_semaphore, #tpu.memory_space<semaphore_mem>>
            %dma_wait3A_1295 = arith.constant 0 : i32
            %dma_wait3A_1296 = arith.constant 0 : i32
            %dma_wait3A_1297 = tpu.memref_slice %arg8[%rem3A_1266, %dma_wait3A_1295, %dma_wait3A_1296] : memref<4x112x128xf32, #tpu.memory_space<vmem>> -> memref<1x112x128xf32, #tpu.memory_space<vmem>>
            %dma_wait3A_1298 = tpu.memref_squeeze %dma_wait3A_1297 : memref<1x112x128xf32, #tpu.memory_space<vmem>> -> memref<112x128xf32, #tpu.memory_space<vmem>>
            %dma_wait3A_1299 = arith.constant 0 : i32
            %dma_wait3A_1300 = arith.constant 0 : i32
            %dma_wait3A_1301 = tpu.memref_slice %arg2[%dma_wait3A_1299, %dma_wait3A_1300] : memref<200000x128xf32, #tpu.memory_space<hbm>> -> memref<112x128xf32, #tpu.memory_space<hbm>>
            tpu.wait_dma2 semaphore(%dma_wait3A_1294 : memref<!tpu.dma_semaphore, #tpu.memory_space<semaphore_mem>>) src(%dma_wait3A_1301 : memref<112x128xf32, #tpu.memory_space<hbm>>) dst(%dma_wait3A_1298 : memref<112x128xf32, #tpu.memory_space<vmem>>)
            %add3A_1302 = arith.constant 3 : i32
            %add3A_1303 = arith.addi %while3A_1252, %add3A_1302 : i32
            %lt3A_1304 = arith.cmpi slt, %add3A_1303, %select_n3A_1018 : i32
            %convert_element_type3A_1305 = arith.extui %lt3A_1304 : i1 to i32
            %cond3A_1306 = arith.constant 0 : i32
            %cond3A_1307 = arith.cmpi ne, %convert_element_type3A_1305, %cond3A_1306 : i32
            scf.if %cond3A_1307 {
              %add3A_1308 = arith.constant 3 : i32
              %add3A_1309 = arith.addi %while3A_1252, %add3A_1308 : i32
              %rem3A_1310 = arith.constant 4 : i32
              %rem3A_1311 = arith.remsi %add3A_1309, %rem3A_1310 : i32
              %add3A_1312 = arith.constant 3 : i32
              %add3A_1313 = arith.addi %while3A_1252, %add3A_1312 : i32
              %mul3A_1314 = arith.constant 112 : i32
              %mul3A_1315 = arith.muli %add3A_1313, %mul3A_1314 : i32
              %add3A_1316 = arith.addi %mul3A_989, %mul3A_1315 : i32
              %dma_start3A_1317 = arith.constant 0 : i32
              %dma_start3A_1318 = arith.constant 0 : i32
              %dma_start3A_1319 = tpu.memref_slice %arg8[%rem3A_1311, %dma_start3A_1317, %dma_start3A_1318] : memref<4x112x128xf32, #tpu.memory_space<vmem>> -> memref<1x112x128xf32, #tpu.memory_space<vmem>>
              %dma_start3A_1320 = tpu.memref_squeeze %dma_start3A_1319 : memref<1x112x128xf32, #tpu.memory_space<vmem>> -> memref<112x128xf32, #tpu.memory_space<vmem>>
              %dma_start3A_1321 = arith.constant 0 : i32
              %dma_start3A_1322 = tpu.memref_slice %arg2[%add3A_1316, %dma_start3A_1321] : memref<200000x128xf32, #tpu.memory_space<hbm>> -> memref<112x128xf32, #tpu.memory_space<hbm>>
              %dma_start3A_1323 = tpu.memref_slice %arg10[%rem3A_1311] : memref<4x!tpu.dma_semaphore, #tpu.memory_space<semaphore_mem>> -> memref<1x!tpu.dma_semaphore, #tpu.memory_space<semaphore_mem>>
              %dma_start3A_1324 = tpu.memref_squeeze %dma_start3A_1323 : memref<1x!tpu.dma_semaphore, #tpu.memory_space<semaphore_mem>> -> memref<!tpu.dma_semaphore, #tpu.memory_space<semaphore_mem>>
              %dma_start3A_1325 = arith.constant 0 : i32
              %dma_start3A_1326 = arith.constant 0 : i32
              %dma_start3A_1327 = tpu.memref_slice %arg8[%rem3A_1311, %dma_start3A_1325, %dma_start3A_1326] : memref<4x112x128xf32, #tpu.memory_space<vmem>> -> memref<1x112x128xf32, #tpu.memory_space<vmem>>
              %dma_start3A_1328 = tpu.memref_squeeze %dma_start3A_1327 : memref<1x112x128xf32, #tpu.memory_space<vmem>> -> memref<112x128xf32, #tpu.memory_space<vmem>>
              %dma_start3A_1329 = arith.constant 0 : i32
              %dma_start3A_1330 = tpu.memref_slice %arg2[%add3A_1316, %dma_start3A_1329] : memref<200000x128xf32, #tpu.memory_space<hbm>> -> memref<112x128xf32, #tpu.memory_space<hbm>>
              tpu.enqueue_dma source(%dma_start3A_1330 : memref<112x128xf32, #tpu.memory_space<hbm>>) target(%dma_start3A_1328 : memref<112x128xf32, #tpu.memory_space<vmem>>) target_semaphore(%dma_start3A_1324 : memref<!tpu.dma_semaphore, #tpu.memory_space<semaphore_mem>>)
            } else {
            }
          } else {
          }
          %sub3A_1271 = arith.subi %while3A_1113, %add3A_1264 : i32
          %max3A_1272 = arith.constant 0 : i32
          %max3A_1273 = arith.maxsi %sub3A_1271, %max3A_1272 : i32
          %sub3A_1274 = arith.subi %add3A_1121, %add3A_1264 : i32
          %min3A = arith.constant 112 : i32
          %min3A_1275 = arith.minsi %sub3A_1274, %min3A : i32
          %while3A_1276 = arith.subi %min3A_1275, %max3A_1273 : i32
          %while3A_1277 = arith.addi %max3A_1273, %while3A_1276 : i32
          %while3A_1278 = arith.constant 1 : i32
          %while3A_1279 = arith.divsi %while3A_1276, %while3A_1278 : i32
          %while3A_1280 = arith.muli %while3A_1279, %while3A_1278 : i32
          %while3A_1281 = arith.addi %max3A_1273, %while3A_1280 : i32
          %while3A_1282 = arith.constant 1 : i32
          %while3A_1283:8 = scf.for %while3A_1287 = %max3A_1273 to %while3A_1281 step %while3A_1282 iter_args(%while3A_1288 = %while3A_1253, %while3A_1289 = %while3A_1254, %while3A_1290 = %while3A_1255, %while3A_1291 = %while3A_1256, %while3A_1292 = %while3A_1257, %while3A_1293 = %while3A_1258, %while3A_1294 = %while3A_1259, %while3A_1295 = %while3A_1260) -> (vector<16xf32>, vector<16xf32>, vector<16xf32>, vector<16xf32>, vector<16xf32>, vector<16xf32>, vector<16xf32>, vector<16xf32>)  : i32 {
            %get3A_1296 = arith.index_cast %rem3A_1266 : i32 to index
            %get3A_1297 = arith.index_cast %while3A_1287 : i32 to index
            %get3A_1298 = arith.constant 0 : index
            %get3A_1299 = tpu.vector_load %arg8[%get3A_1296, %get3A_1297, %get3A_1298] {strides = array<i32>} : memref<4x112x128xf32, #tpu.memory_space<vmem>>, vector<1x1x16xf32>,
            %get3A_1300 = vector.shape_cast %get3A_1299 : vector<1x1x16xf32> to vector<16xf32>
            %add3A_1301 = arith.addf %while3A_1288, %get3A_1300 : vector<16xf32>
            %get3A_1302 = arith.index_cast %rem3A_1266 : i32 to index
            %get3A_1303 = arith.index_cast %while3A_1287 : i32 to index
            %get3A_1304 = arith.constant 16 : index
            %get3A_1305 = tpu.vector_load %arg8[%get3A_1302, %get3A_1303, %get3A_1304] {strides = array<i32>} : memref<4x112x128xf32, #tpu.memory_space<vmem>>, vector<1x1x16xf32>,
            %get3A_1306 = vector.shape_cast %get3A_1305 : vector<1x1x16xf32> to vector<16xf32>
            %add3A_1307 = arith.addf %while3A_1289, %get3A_1306 : vector<16xf32>
            %get3A_1308 = arith.index_cast %rem3A_1266 : i32 to index
            %get3A_1309 = arith.index_cast %while3A_1287 : i32 to index
            %get3A_1310 = arith.constant 32 : index
            %get3A_1311 = tpu.vector_load %arg8[%get3A_1308, %get3A_1309, %get3A_1310] {strides = array<i32>} : memref<4x112x128xf32, #tpu.memory_space<vmem>>, vector<1x1x16xf32>,
            %get3A_1312 = vector.shape_cast %get3A_1311 : vector<1x1x16xf32> to vector<16xf32>
            %add3A_1313 = arith.addf %while3A_1290, %get3A_1312 : vector<16xf32>
            %get3A_1314 = arith.index_cast %rem3A_1266 : i32 to index
            %get3A_1315 = arith.index_cast %while3A_1287 : i32 to index
            %get3A_1316 = arith.constant 48 : index
            %get3A_1317 = tpu.vector_load %arg8[%get3A_1314, %get3A_1315, %get3A_1316] {strides = array<i32>} : memref<4x112x128xf32, #tpu.memory_space<vmem>>, vector<1x1x16xf32>,
            %get3A_1318 = vector.shape_cast %get3A_1317 : vector<1x1x16xf32> to vector<16xf32>
            %add3A_1319 = arith.addf %while3A_1291, %get3A_1318 : vector<16xf32>
            %get3A_1320 = arith.index_cast %rem3A_1266 : i32 to index
            %get3A_1321 = arith.index_cast %while3A_1287 : i32 to index
            %get3A_1322 = arith.constant 64 : index
            %get3A_1323 = tpu.vector_load %arg8[%get3A_1320, %get3A_1321, %get3A_1322] {strides = array<i32>} : memref<4x112x128xf32, #tpu.memory_space<vmem>>, vector<1x1x16xf32>,
            %get3A_1324 = vector.shape_cast %get3A_1323 : vector<1x1x16xf32> to vector<16xf32>
            %add3A_1325 = arith.addf %while3A_1292, %get3A_1324 : vector<16xf32>
            %get3A_1326 = arith.index_cast %rem3A_1266 : i32 to index
            %get3A_1327 = arith.index_cast %while3A_1287 : i32 to index
            %get3A_1328 = arith.constant 80 : index
            %get3A_1329 = tpu.vector_load %arg8[%get3A_1326, %get3A_1327, %get3A_1328] {strides = array<i32>} : memref<4x112x128xf32, #tpu.memory_space<vmem>>, vector<1x1x16xf32>,
            %get3A_1330 = vector.shape_cast %get3A_1329 : vector<1x1x16xf32> to vector<16xf32>
            %add3A_1331 = arith.addf %while3A_1293, %get3A_1330 : vector<16xf32>
            %get3A_1332 = arith.index_cast %rem3A_1266 : i32 to index
            %get3A_1333 = arith.index_cast %while3A_1287 : i32 to index
            %get3A_1334 = arith.constant 96 : index
            %get3A_1335 = tpu.vector_load %arg8[%get3A_1332, %get3A_1333, %get3A_1334] {strides = array<i32>} : memref<4x112x128xf32, #tpu.memory_space<vmem>>, vector<1x1x16xf32>,
            %get3A_1336 = vector.shape_cast %get3A_1335 : vector<1x1x16xf32> to vector<16xf32>
            %add3A_1337 = arith.addf %while3A_1294, %get3A_1336 : vector<16xf32>
            %get3A_1338 = arith.index_cast %rem3A_1266 : i32 to index
            %get3A_1339 = arith.index_cast %while3A_1287 : i32 to index
            %get3A_1340 = arith.constant 112 : index
            %get3A_1341 = tpu.vector_load %arg8[%get3A_1338, %get3A_1339, %get3A_1340] {strides = array<i32>} : memref<4x112x128xf32, #tpu.memory_space<vmem>>, vector<1x1x16xf32>,
            %get3A_1342 = vector.shape_cast %get3A_1341 : vector<1x1x16xf32> to vector<16xf32>
            %add3A_1343 = arith.addf %while3A_1295, %get3A_1342 : vector<16xf32>
            scf.yield %add3A_1301, %add3A_1307, %add3A_1313, %add3A_1319, %add3A_1325, %add3A_1331, %add3A_1337, %add3A_1343 : vector<16xf32>, vector<16xf32>, vector<16xf32>, vector<16xf32>, vector<16xf32>, vector<16xf32>, vector<16xf32>, vector<16xf32>
          }
          %while3A_1284 = arith.constant 1 : i32
          %while3A_1285:8 = scf.for %while3A_1287 = %while3A_1281 to %while3A_1277 step %while3A_1284 iter_args(%while3A_1288 = %while3A_1283#0, %while3A_1289 = %while3A_1283#1, %while3A_1290 = %while3A_1283#2, %while3A_1291 = %while3A_1283#3, %while3A_1292 = %while3A_1283#4, %while3A_1293 = %while3A_1283#5, %while3A_1294 = %while3A_1283#6, %while3A_1295 = %while3A_1283#7) -> (vector<16xf32>, vector<16xf32>, vector<16xf32>, vector<16xf32>, vector<16xf32>, vector<16xf32>, vector<16xf32>, vector<16xf32>)  : i32 {
            %get3A_1296 = arith.index_cast %rem3A_1266 : i32 to index
            %get3A_1297 = arith.index_cast %while3A_1287 : i32 to index
            %get3A_1298 = arith.constant 0 : index
            %get3A_1299 = tpu.vector_load %arg8[%get3A_1296, %get3A_1297, %get3A_1298] {strides = array<i32>} : memref<4x112x128xf32, #tpu.memory_space<vmem>>, vector<1x1x16xf32>,
            %get3A_1300 = vector.shape_cast %get3A_1299 : vector<1x1x16xf32> to vector<16xf32>
            %add3A_1301 = arith.addf %while3A_1288, %get3A_1300 : vector<16xf32>
            %get3A_1302 = arith.index_cast %rem3A_1266 : i32 to index
            %get3A_1303 = arith.index_cast %while3A_1287 : i32 to index
            %get3A_1304 = arith.constant 16 : index
            %get3A_1305 = tpu.vector_load %arg8[%get3A_1302, %get3A_1303, %get3A_1304] {strides = array<i32>} : memref<4x112x128xf32, #tpu.memory_space<vmem>>, vector<1x1x16xf32>,
            %get3A_1306 = vector.shape_cast %get3A_1305 : vector<1x1x16xf32> to vector<16xf32>
            %add3A_1307 = arith.addf %while3A_1289, %get3A_1306 : vector<16xf32>
            %get3A_1308 = arith.index_cast %rem3A_1266 : i32 to index
            %get3A_1309 = arith.index_cast %while3A_1287 : i32 to index
            %get3A_1310 = arith.constant 32 : index
            %get3A_1311 = tpu.vector_load %arg8[%get3A_1308, %get3A_1309, %get3A_1310] {strides = array<i32>} : memref<4x112x128xf32, #tpu.memory_space<vmem>>, vector<1x1x16xf32>,
            %get3A_1312 = vector.shape_cast %get3A_1311 : vector<1x1x16xf32> to vector<16xf32>
            %add3A_1313 = arith.addf %while3A_1290, %get3A_1312 : vector<16xf32>
            %get3A_1314 = arith.index_cast %rem3A_1266 : i32 to index
            %get3A_1315 = arith.index_cast %while3A_1287 : i32 to index
            %get3A_1316 = arith.constant 48 : index
            %get3A_1317 = tpu.vector_load %arg8[%get3A_1314, %get3A_1315, %get3A_1316] {strides = array<i32>} : memref<4x112x128xf32, #tpu.memory_space<vmem>>, vector<1x1x16xf32>,
            %get3A_1318 = vector.shape_cast %get3A_1317 : vector<1x1x16xf32> to vector<16xf32>
            %add3A_1319 = arith.addf %while3A_1291, %get3A_1318 : vector<16xf32>
            %get3A_1320 = arith.index_cast %rem3A_1266 : i32 to index
            %get3A_1321 = arith.index_cast %while3A_1287 : i32 to index
            %get3A_1322 = arith.constant 64 : index
            %get3A_1323 = tpu.vector_load %arg8[%get3A_1320, %get3A_1321, %get3A_1322] {strides = array<i32>} : memref<4x112x128xf32, #tpu.memory_space<vmem>>, vector<1x1x16xf32>,
            %get3A_1324 = vector.shape_cast %get3A_1323 : vector<1x1x16xf32> to vector<16xf32>
            %add3A_1325 = arith.addf %while3A_1292, %get3A_1324 : vector<16xf32>
            %get3A_1326 = arith.index_cast %rem3A_1266 : i32 to index
            %get3A_1327 = arith.index_cast %while3A_1287 : i32 to index
            %get3A_1328 = arith.constant 80 : index
            %get3A_1329 = tpu.vector_load %arg8[%get3A_1326, %get3A_1327, %get3A_1328] {strides = array<i32>} : memref<4x112x128xf32, #tpu.memory_space<vmem>>, vector<1x1x16xf32>,
            %get3A_1330 = vector.shape_cast %get3A_1329 : vector<1x1x16xf32> to vector<16xf32>
            %add3A_1331 = arith.addf %while3A_1293, %get3A_1330 : vector<16xf32>
            %get3A_1332 = arith.index_cast %rem3A_1266 : i32 to index
            %get3A_1333 = arith.index_cast %while3A_1287 : i32 to index
            %get3A_1334 = arith.constant 96 : index
            %get3A_1335 = tpu.vector_load %arg8[%get3A_1332, %get3A_1333, %get3A_1334] {strides = array<i32>} : memref<4x112x128xf32, #tpu.memory_space<vmem>>, vector<1x1x16xf32>,
            %get3A_1336 = vector.shape_cast %get3A_1335 : vector<1x1x16xf32> to vector<16xf32>
            %add3A_1337 = arith.addf %while3A_1294, %get3A_1336 : vector<16xf32>
            %get3A_1338 = arith.index_cast %rem3A_1266 : i32 to index
            %get3A_1339 = arith.index_cast %while3A_1287 : i32 to index
            %get3A_1340 = arith.constant 112 : index
            %get3A_1341 = tpu.vector_load %arg8[%get3A_1338, %get3A_1339, %get3A_1340] {strides = array<i32>} : memref<4x112x128xf32, #tpu.memory_space<vmem>>, vector<1x1x16xf32>,
            %get3A_1342 = vector.shape_cast %get3A_1341 : vector<1x1x16xf32> to vector<16xf32>
            %add3A_1343 = arith.addf %while3A_1295, %get3A_1342 : vector<16xf32>
            scf.yield %add3A_1301, %add3A_1307, %add3A_1313, %add3A_1319, %add3A_1325, %add3A_1331, %add3A_1337, %add3A_1343 : vector<16xf32>, vector<16xf32>, vector<16xf32>, vector<16xf32>, vector<16xf32>, vector<16xf32>, vector<16xf32>, vector<16xf32>
          }
          %max3A_1286 = arith.maxsi %while3A_1261, %while3A_1252 : i32
          scf.yield %while3A_1285#0, %while3A_1285#1, %while3A_1285#2, %while3A_1285#3, %while3A_1285#4, %while3A_1285#5, %while3A_1285#6, %while3A_1285#7, %max3A_1286 : vector<16xf32>, vector<16xf32>, vector<16xf32>, vector<16xf32>, vector<16xf32>, vector<16xf32>, vector<16xf32>, vector<16xf32>, i32
        }
        %max3A = arith.constant 1 : i32
        %max3A_1202 = arith.maxsi %squeeze3A_1120, %max3A : i32
        %broadcast_in_dim3A_1203 = vector.broadcast %max3A_1202 : i32 to vector<16xi32>
        %convert_element_type3A_1204 = arith.sitofp %broadcast_in_dim3A_1203 : vector<16xi32> to vector<16xf32>
        %div3A_1205 = arith.divf %while3A_1201#0, %convert_element_type3A_1204 : vector<16xf32>
        %swap3A = arith.index_cast %while3A_1112 : i32 to index
        %swap3A_1206 = arith.constant 0 : index
        %swap3A_1207 = tpu.vector_load %arg9[%swap3A, %swap3A_1206] {strides = array<i32>} : memref<512x128xf32, #tpu.memory_space<vmem>>, vector<1x16xf32>,
        %swap3A_1208 = vector.shape_cast %swap3A_1207 : vector<1x16xf32> to vector<16xf32>
        %swap3A_1209 = vector.shape_cast %div3A_1205 : vector<16xf32> to vector<1x16xf32>
        tpu.vector_store %arg9[%swap3A, %swap3A_1206], %swap3A_1209 {strides = array<i32>} : memref<512x128xf32, #tpu.memory_space<vmem>>, vector<1x16xf32>,
        %div3A_1210 = arith.divf %while3A_1201#1, %convert_element_type3A_1204 : vector<16xf32>
        %swap3A_1211 = arith.index_cast %while3A_1112 : i32 to index
        %swap3A_1212 = arith.constant 16 : index
        %swap3A_1213 = tpu.vector_load %arg9[%swap3A_1211, %swap3A_1212] {strides = array<i32>} : memref<512x128xf32, #tpu.memory_space<vmem>>, vector<1x16xf32>,
        %swap3A_1214 = vector.shape_cast %swap3A_1213 : vector<1x16xf32> to vector<16xf32>
        %swap3A_1215 = vector.shape_cast %div3A_1210 : vector<16xf32> to vector<1x16xf32>
        tpu.vector_store %arg9[%swap3A_1211, %swap3A_1212], %swap3A_1215 {strides = array<i32>} : memref<512x128xf32, #tpu.memory_space<vmem>>, vector<1x16xf32>,
        %div3A_1216 = arith.divf %while3A_1201#2, %convert_element_type3A_1204 : vector<16xf32>
        %swap3A_1217 = arith.index_cast %while3A_1112 : i32 to index
        %swap3A_1218 = arith.constant 32 : index
        %swap3A_1219 = tpu.vector_load %arg9[%swap3A_1217, %swap3A_1218] {strides = array<i32>} : memref<512x128xf32, #tpu.memory_space<vmem>>, vector<1x16xf32>,
        %swap3A_1220 = vector.shape_cast %swap3A_1219 : vector<1x16xf32> to vector<16xf32>
        %swap3A_1221 = vector.shape_cast %div3A_1216 : vector<16xf32> to vector<1x16xf32>
        tpu.vector_store %arg9[%swap3A_1217, %swap3A_1218], %swap3A_1221 {strides = array<i32>} : memref<512x128xf32, #tpu.memory_space<vmem>>, vector<1x16xf32>,
        %div3A_1222 = arith.divf %while3A_1201#3, %convert_element_type3A_1204 : vector<16xf32>
        %swap3A_1223 = arith.index_cast %while3A_1112 : i32 to index
        %swap3A_1224 = arith.constant 48 : index
        %swap3A_1225 = tpu.vector_load %arg9[%swap3A_1223, %swap3A_1224] {strides = array<i32>} : memref<512x128xf32, #tpu.memory_space<vmem>>, vector<1x16xf32>,
        %swap3A_1226 = vector.shape_cast %swap3A_1225 : vector<1x16xf32> to vector<16xf32>
        %swap3A_1227 = vector.shape_cast %div3A_1222 : vector<16xf32> to vector<1x16xf32>
        tpu.vector_store %arg9[%swap3A_1223, %swap3A_1224], %swap3A_1227 {strides = array<i32>} : memref<512x128xf32, #tpu.memory_space<vmem>>, vector<1x16xf32>,
        %div3A_1228 = arith.divf %while3A_1201#4, %convert_element_type3A_1204 : vector<16xf32>
        %swap3A_1229 = arith.index_cast %while3A_1112 : i32 to index
        %swap3A_1230 = arith.constant 64 : index
        %swap3A_1231 = tpu.vector_load %arg9[%swap3A_1229, %swap3A_1230] {strides = array<i32>} : memref<512x128xf32, #tpu.memory_space<vmem>>, vector<1x16xf32>,
        %swap3A_1232 = vector.shape_cast %swap3A_1231 : vector<1x16xf32> to vector<16xf32>
        %swap3A_1233 = vector.shape_cast %div3A_1228 : vector<16xf32> to vector<1x16xf32>
        tpu.vector_store %arg9[%swap3A_1229, %swap3A_1230], %swap3A_1233 {strides = array<i32>} : memref<512x128xf32, #tpu.memory_space<vmem>>, vector<1x16xf32>,
        %div3A_1234 = arith.divf %while3A_1201#5, %convert_element_type3A_1204 : vector<16xf32>
        %swap3A_1235 = arith.index_cast %while3A_1112 : i32 to index
        %swap3A_1236 = arith.constant 80 : index
        %swap3A_1237 = tpu.vector_load %arg9[%swap3A_1235, %swap3A_1236] {strides = array<i32>} : memref<512x128xf32, #tpu.memory_space<vmem>>, vector<1x16xf32>,
        %swap3A_1238 = vector.shape_cast %swap3A_1237 : vector<1x16xf32> to vector<16xf32>
        %swap3A_1239 = vector.shape_cast %div3A_1234 : vector<16xf32> to vector<1x16xf32>
        tpu.vector_store %arg9[%swap3A_1235, %swap3A_1236], %swap3A_1239 {strides = array<i32>} : memref<512x128xf32, #tpu.memory_space<vmem>>, vector<1x16xf32>,
        %div3A_1240 = arith.divf %while3A_1201#6, %convert_element_type3A_1204 : vector<16xf32>
        %swap3A_1241 = arith.index_cast %while3A_1112 : i32 to index
        %swap3A_1242 = arith.constant 96 : index
        %swap3A_1243 = tpu.vector_load %arg9[%swap3A_1241, %swap3A_1242] {strides = array<i32>} : memref<512x128xf32, #tpu.memory_space<vmem>>, vector<1x16xf32>,
        %swap3A_1244 = vector.shape_cast %swap3A_1243 : vector<1x16xf32> to vector<16xf32>
        %swap3A_1245 = vector.shape_cast %div3A_1240 : vector<16xf32> to vector<1x16xf32>
        tpu.vector_store %arg9[%swap3A_1241, %swap3A_1242], %swap3A_1245 {strides = array<i32>} : memref<512x128xf32, #tpu.memory_space<vmem>>, vector<1x16xf32>,
        %div3A_1246 = arith.divf %while3A_1201#7, %convert_element_type3A_1204 : vector<16xf32>
        %swap3A_1247 = arith.index_cast %while3A_1112 : i32 to index
        %swap3A_1248 = arith.constant 112 : index
        %swap3A_1249 = tpu.vector_load %arg9[%swap3A_1247, %swap3A_1248] {strides = array<i32>} : memref<512x128xf32, #tpu.memory_space<vmem>>, vector<1x16xf32>,
        %swap3A_1250 = vector.shape_cast %swap3A_1249 : vector<1x16xf32> to vector<16xf32>
        %swap3A_1251 = vector.shape_cast %div3A_1246 : vector<16xf32> to vector<1x16xf32>
        tpu.vector_store %arg9[%swap3A_1247, %swap3A_1248], %swap3A_1251 {strides = array<i32>} : memref<512x128xf32, #tpu.memory_space<vmem>>, vector<1x16xf32>,
        scf.yield %add3A_1121, %while3A_1201#8 : i32, i32
      }
      %add3A_1056 = arith.constant 16 : i32
      %add3A_1057 = arith.addi %mul3A_963, %add3A_1056 : i32
      %sub3A_1058 = arith.constant 1 : i32
      %sub3A_1059 = arith.subi %add3A_1057, %sub3A_1058 : i32
      %jit3A_1060 = arith.constant 16 : i32
      %div3A_1061 = arith.divsi %sub3A_1059, %jit3A_1060 : i32
      %sign3A_1062 = arith.constant 0 : i32
      %sign3A_1063 = arith.cmpi sgt, %sub3A_1059, %sign3A_1062 : i32
      %sign3A_1064 = arith.extui %sign3A_1063 : i1 to i32
      %sign3A_1065 = arith.constant 0 : i32
      %sign3A_1066 = arith.cmpi slt, %sub3A_1059, %sign3A_1065 : i32
      %sign3A_1067 = arith.extui %sign3A_1066 : i1 to i32
      %sign3A_1068 = arith.subi %sign3A_1064, %sign3A_1067 : i32
      %sign3A_1069 = arith.constant 0 : i32
      %sign3A_1070 = arith.cmpi sgt, %jit3A_1060, %sign3A_1069 : i32
      %sign3A_1071 = arith.extui %sign3A_1070 : i1 to i32
      %sign3A_1072 = arith.constant 0 : i32
      %sign3A_1073 = arith.cmpi slt, %jit3A_1060, %sign3A_1072 : i32
      %sign3A_1074 = arith.extui %sign3A_1073 : i1 to i32
      %sign3A_1075 = arith.subi %sign3A_1071, %sign3A_1074 : i32
      %ne3A_1076 = arith.cmpi ne, %sign3A_1068, %sign3A_1075 : i32
      %rem3A_1077 = arith.remsi %sub3A_1059, %jit3A_1060 : i32
      %ne3A_1078 = arith.constant 0 : i32
      %ne3A_1079 = arith.cmpi ne, %rem3A_1077, %ne3A_1078 : i32
      %and3A_1080 = arith.andi %ne3A_1076, %ne3A_1079 : i1
      %sub3A_1081 = arith.constant 1 : i32
      %sub3A_1082 = arith.subi %div3A_1061, %sub3A_1081 : i32
      %select_n3A_1083 = arith.select %and3A_1080, %sub3A_1082, %div3A_1061 : i32
      %mul3A_1084 = arith.constant 16 : i32
      %mul3A_1085 = arith.muli %select_n3A_1083, %mul3A_1084 : i32
      %while3A_1086 = arith.subi %mul3A_1085, %mul3A_963 : i32
      %while3A_1087 = arith.addi %mul3A_963, %while3A_1086 : i32
      %while3A_1088 = arith.constant 1 : i32
      %while3A_1089 = arith.divsi %while3A_1086, %while3A_1088 : i32
      %while3A_1090 = arith.muli %while3A_1089, %while3A_1088 : i32
      %while3A_1091 = arith.addi %mul3A_963, %while3A_1090 : i32
      %while3A_1092 = arith.constant 1 : i32
      scf.for %while3A_1112 = %mul3A_963 to %while3A_1091 step %while3A_1092  : i32 {
        %sub3A_1113 = arith.constant 1 : i32
        %sub3A_1114 = arith.subi %mul3A_963, %sub3A_1113 : i32
        %get3A_1115 = arith.index_cast %sub3A_1114 : i32 to index
        %get3A_1116 = arith.constant 0 : index
        %get3A_1117 = tpu.vector_load %arg9[%get3A_1115, %get3A_1116] {strides = array<i32>} : memref<512x128xf32, #tpu.memory_space<vmem>>, vector<1x16xf32>,
        %get3A_1118 = vector.shape_cast %get3A_1117 : vector<1x16xf32> to vector<16xf32>
        %swap3A = arith.index_cast %while3A_1112 : i32 to index
        %swap3A_1119 = arith.constant 0 : index
        %swap3A_1120 = tpu.vector_load %arg9[%swap3A, %swap3A_1119] {strides = array<i32>} : memref<512x128xf32, #tpu.memory_space<vmem>>, vector<1x16xf32>,
        %swap3A_1121 = vector.shape_cast %swap3A_1120 : vector<1x16xf32> to vector<16xf32>
        %swap3A_1122 = vector.shape_cast %get3A_1118 : vector<16xf32> to vector<1x16xf32>
        tpu.vector_store %arg9[%swap3A, %swap3A_1119], %swap3A_1122 {strides = array<i32>} : memref<512x128xf32, #tpu.memory_space<vmem>>, vector<1x16xf32>,
        %sub3A_1123 = arith.constant 1 : i32
        %sub3A_1124 = arith.subi %mul3A_963, %sub3A_1123 : i32
        %get3A_1125 = arith.index_cast %sub3A_1124 : i32 to index
        %get3A_1126 = arith.constant 16 : index
        %get3A_1127 = tpu.vector_load %arg9[%get3A_1125, %get3A_1126] {strides = array<i32>} : memref<512x128xf32, #tpu.memory_space<vmem>>, vector<1x16xf32>,
        %get3A_1128 = vector.shape_cast %get3A_1127 : vector<1x16xf32> to vector<16xf32>
        %swap3A_1129 = arith.index_cast %while3A_1112 : i32 to index
        %swap3A_1130 = arith.constant 16 : index
        %swap3A_1131 = tpu.vector_load %arg9[%swap3A_1129, %swap3A_1130] {strides = array<i32>} : memref<512x128xf32, #tpu.memory_space<vmem>>, vector<1x16xf32>,
        %swap3A_1132 = vector.shape_cast %swap3A_1131 : vector<1x16xf32> to vector<16xf32>
        %swap3A_1133 = vector.shape_cast %get3A_1128 : vector<16xf32> to vector<1x16xf32>
        tpu.vector_store %arg9[%swap3A_1129, %swap3A_1130], %swap3A_1133 {strides = array<i32>} : memref<512x128xf32, #tpu.memory_space<vmem>>, vector<1x16xf32>,
        %sub3A_1134 = arith.constant 1 : i32
        %sub3A_1135 = arith.subi %mul3A_963, %sub3A_1134 : i32
        %get3A_1136 = arith.index_cast %sub3A_1135 : i32 to index
        %get3A_1137 = arith.constant 32 : index
        %get3A_1138 = tpu.vector_load %arg9[%get3A_1136, %get3A_1137] {strides = array<i32>} : memref<512x128xf32, #tpu.memory_space<vmem>>, vector<1x16xf32>,
        %get3A_1139 = vector.shape_cast %get3A_1138 : vector<1x16xf32> to vector<16xf32>
        %swap3A_1140 = arith.index_cast %while3A_1112 : i32 to index
        %swap3A_1141 = arith.constant 32 : index
        %swap3A_1142 = tpu.vector_load %arg9[%swap3A_1140, %swap3A_1141] {strides = array<i32>} : memref<512x128xf32, #tpu.memory_space<vmem>>, vector<1x16xf32>,
        %swap3A_1143 = vector.shape_cast %swap3A_1142 : vector<1x16xf32> to vector<16xf32>
        %swap3A_1144 = vector.shape_cast %get3A_1139 : vector<16xf32> to vector<1x16xf32>
        tpu.vector_store %arg9[%swap3A_1140, %swap3A_1141], %swap3A_1144 {strides = array<i32>} : memref<512x128xf32, #tpu.memory_space<vmem>>, vector<1x16xf32>,
        %sub3A_1145 = arith.constant 1 : i32
        %sub3A_1146 = arith.subi %mul3A_963, %sub3A_1145 : i32
        %get3A_1147 = arith.index_cast %sub3A_1146 : i32 to index
        %get3A_1148 = arith.constant 48 : index
        %get3A_1149 = tpu.vector_load %arg9[%get3A_1147, %get3A_1148] {strides = array<i32>} : memref<512x128xf32, #tpu.memory_space<vmem>>, vector<1x16xf32>,
        %get3A_1150 = vector.shape_cast %get3A_1149 : vector<1x16xf32> to vector<16xf32>
        %swap3A_1151 = arith.index_cast %while3A_1112 : i32 to index
        %swap3A_1152 = arith.constant 48 : index
        %swap3A_1153 = tpu.vector_load %arg9[%swap3A_1151, %swap3A_1152] {strides = array<i32>} : memref<512x128xf32, #tpu.memory_space<vmem>>, vector<1x16xf32>,
        %swap3A_1154 = vector.shape_cast %swap3A_1153 : vector<1x16xf32> to vector<16xf32>
        %swap3A_1155 = vector.shape_cast %get3A_1150 : vector<16xf32> to vector<1x16xf32>
        tpu.vector_store %arg9[%swap3A_1151, %swap3A_1152], %swap3A_1155 {strides = array<i32>} : memref<512x128xf32, #tpu.memory_space<vmem>>, vector<1x16xf32>,
        %sub3A_1156 = arith.constant 1 : i32
        %sub3A_1157 = arith.subi %mul3A_963, %sub3A_1156 : i32
        %get3A_1158 = arith.index_cast %sub3A_1157 : i32 to index
        %get3A_1159 = arith.constant 64 : index
        %get3A_1160 = tpu.vector_load %arg9[%get3A_1158, %get3A_1159] {strides = array<i32>} : memref<512x128xf32, #tpu.memory_space<vmem>>, vector<1x16xf32>,
        %get3A_1161 = vector.shape_cast %get3A_1160 : vector<1x16xf32> to vector<16xf32>
        %swap3A_1162 = arith.index_cast %while3A_1112 : i32 to index
        %swap3A_1163 = arith.constant 64 : index
        %swap3A_1164 = tpu.vector_load %arg9[%swap3A_1162, %swap3A_1163] {strides = array<i32>} : memref<512x128xf32, #tpu.memory_space<vmem>>, vector<1x16xf32>,
        %swap3A_1165 = vector.shape_cast %swap3A_1164 : vector<1x16xf32> to vector<16xf32>
        %swap3A_1166 = vector.shape_cast %get3A_1161 : vector<16xf32> to vector<1x16xf32>
        tpu.vector_store %arg9[%swap3A_1162, %swap3A_1163], %swap3A_1166 {strides = array<i32>} : memref<512x128xf32, #tpu.memory_space<vmem>>, vector<1x16xf32>,
        %sub3A_1167 = arith.constant 1 : i32
        %sub3A_1168 = arith.subi %mul3A_963, %sub3A_1167 : i32
        %get3A_1169 = arith.index_cast %sub3A_1168 : i32 to index
        %get3A_1170 = arith.constant 80 : index
        %get3A_1171 = tpu.vector_load %arg9[%get3A_1169, %get3A_1170] {strides = array<i32>} : memref<512x128xf32, #tpu.memory_space<vmem>>, vector<1x16xf32>,
        %get3A_1172 = vector.shape_cast %get3A_1171 : vector<1x16xf32> to vector<16xf32>
        %swap3A_1173 = arith.index_cast %while3A_1112 : i32 to index
        %swap3A_1174 = arith.constant 80 : index
        %swap3A_1175 = tpu.vector_load %arg9[%swap3A_1173, %swap3A_1174] {strides = array<i32>} : memref<512x128xf32, #tpu.memory_space<vmem>>, vector<1x16xf32>,
        %swap3A_1176 = vector.shape_cast %swap3A_1175 : vector<1x16xf32> to vector<16xf32>
        %swap3A_1177 = vector.shape_cast %get3A_1172 : vector<16xf32> to vector<1x16xf32>
        tpu.vector_store %arg9[%swap3A_1173, %swap3A_1174], %swap3A_1177 {strides = array<i32>} : memref<512x128xf32, #tpu.memory_space<vmem>>, vector<1x16xf32>,
        %sub3A_1178 = arith.constant 1 : i32
        %sub3A_1179 = arith.subi %mul3A_963, %sub3A_1178 : i32
        %get3A_1180 = arith.index_cast %sub3A_1179 : i32 to index
        %get3A_1181 = arith.constant 96 : index
        %get3A_1182 = tpu.vector_load %arg9[%get3A_1180, %get3A_1181] {strides = array<i32>} : memref<512x128xf32, #tpu.memory_space<vmem>>, vector<1x16xf32>,
        %get3A_1183 = vector.shape_cast %get3A_1182 : vector<1x16xf32> to vector<16xf32>
        %swap3A_1184 = arith.index_cast %while3A_1112 : i32 to index
        %swap3A_1185 = arith.constant 96 : index
        %swap3A_1186 = tpu.vector_load %arg9[%swap3A_1184, %swap3A_1185] {strides = array<i32>} : memref<512x128xf32, #tpu.memory_space<vmem>>, vector<1x16xf32>,
        %swap3A_1187 = vector.shape_cast %swap3A_1186 : vector<1x16xf32> to vector<16xf32>
        %swap3A_1188 = vector.shape_cast %get3A_1183 : vector<16xf32> to vector<1x16xf32>
        tpu.vector_store %arg9[%swap3A_1184, %swap3A_1185], %swap3A_1188 {strides = array<i32>} : memref<512x128xf32, #tpu.memory_space<vmem>>, vector<1x16xf32>,
        %sub3A_1189 = arith.constant 1 : i32
        %sub3A_1190 = arith.subi %mul3A_963, %sub3A_1189 : i32
        %get3A_1191 = arith.index_cast %sub3A_1190 : i32 to index
        %get3A_1192 = arith.constant 112 : index
        %get3A_1193 = tpu.vector_load %arg9[%get3A_1191, %get3A_1192] {strides = array<i32>} : memref<512x128xf32, #tpu.memory_space<vmem>>, vector<1x16xf32>,
        %get3A_1194 = vector.shape_cast %get3A_1193 : vector<1x16xf32> to vector<16xf32>
        %swap3A_1195 = arith.index_cast %while3A_1112 : i32 to index
        %swap3A_1196 = arith.constant 112 : index
        %swap3A_1197 = tpu.vector_load %arg9[%swap3A_1195, %swap3A_1196] {strides = array<i32>} : memref<512x128xf32, #tpu.memory_space<vmem>>, vector<1x16xf32>,
        %swap3A_1198 = vector.shape_cast %swap3A_1197 : vector<1x16xf32> to vector<16xf32>
        %swap3A_1199 = vector.shape_cast %get3A_1194 : vector<16xf32> to vector<1x16xf32>
        tpu.vector_store %arg9[%swap3A_1195, %swap3A_1196], %swap3A_1199 {strides = array<i32>} : memref<512x128xf32, #tpu.memory_space<vmem>>, vector<1x16xf32>,
      }
      %while3A_1093 = arith.constant 1 : i32
      scf.for %while3A_1112 = %while3A_1091 to %while3A_1087 step %while3A_1093  : i32 {
        %sub3A_1113 = arith.constant 1 : i32
        %sub3A_1114 = arith.subi %mul3A_963, %sub3A_1113 : i32
        %get3A_1115 = arith.index_cast %sub3A_1114 : i32 to index
        %get3A_1116 = arith.constant 0 : index
        %get3A_1117 = tpu.vector_load %arg9[%get3A_1115, %get3A_1116] {strides = array<i32>} : memref<512x128xf32, #tpu.memory_space<vmem>>, vector<1x16xf32>,
        %get3A_1118 = vector.shape_cast %get3A_1117 : vector<1x16xf32> to vector<16xf32>
        %swap3A = arith.index_cast %while3A_1112 : i32 to index
        %swap3A_1119 = arith.constant 0 : index
        %swap3A_1120 = tpu.vector_load %arg9[%swap3A, %swap3A_1119] {strides = array<i32>} : memref<512x128xf32, #tpu.memory_space<vmem>>, vector<1x16xf32>,
        %swap3A_1121 = vector.shape_cast %swap3A_1120 : vector<1x16xf32> to vector<16xf32>
        %swap3A_1122 = vector.shape_cast %get3A_1118 : vector<16xf32> to vector<1x16xf32>
        tpu.vector_store %arg9[%swap3A, %swap3A_1119], %swap3A_1122 {strides = array<i32>} : memref<512x128xf32, #tpu.memory_space<vmem>>, vector<1x16xf32>,
        %sub3A_1123 = arith.constant 1 : i32
        %sub3A_1124 = arith.subi %mul3A_963, %sub3A_1123 : i32
        %get3A_1125 = arith.index_cast %sub3A_1124 : i32 to index
        %get3A_1126 = arith.constant 16 : index
        %get3A_1127 = tpu.vector_load %arg9[%get3A_1125, %get3A_1126] {strides = array<i32>} : memref<512x128xf32, #tpu.memory_space<vmem>>, vector<1x16xf32>,
        %get3A_1128 = vector.shape_cast %get3A_1127 : vector<1x16xf32> to vector<16xf32>
        %swap3A_1129 = arith.index_cast %while3A_1112 : i32 to index
        %swap3A_1130 = arith.constant 16 : index
        %swap3A_1131 = tpu.vector_load %arg9[%swap3A_1129, %swap3A_1130] {strides = array<i32>} : memref<512x128xf32, #tpu.memory_space<vmem>>, vector<1x16xf32>,
        %swap3A_1132 = vector.shape_cast %swap3A_1131 : vector<1x16xf32> to vector<16xf32>
        %swap3A_1133 = vector.shape_cast %get3A_1128 : vector<16xf32> to vector<1x16xf32>
        tpu.vector_store %arg9[%swap3A_1129, %swap3A_1130], %swap3A_1133 {strides = array<i32>} : memref<512x128xf32, #tpu.memory_space<vmem>>, vector<1x16xf32>,
        %sub3A_1134 = arith.constant 1 : i32
        %sub3A_1135 = arith.subi %mul3A_963, %sub3A_1134 : i32
        %get3A_1136 = arith.index_cast %sub3A_1135 : i32 to index
        %get3A_1137 = arith.constant 32 : index
        %get3A_1138 = tpu.vector_load %arg9[%get3A_1136, %get3A_1137] {strides = array<i32>} : memref<512x128xf32, #tpu.memory_space<vmem>>, vector<1x16xf32>,
        %get3A_1139 = vector.shape_cast %get3A_1138 : vector<1x16xf32> to vector<16xf32>
        %swap3A_1140 = arith.index_cast %while3A_1112 : i32 to index
        %swap3A_1141 = arith.constant 32 : index
        %swap3A_1142 = tpu.vector_load %arg9[%swap3A_1140, %swap3A_1141] {strides = array<i32>} : memref<512x128xf32, #tpu.memory_space<vmem>>, vector<1x16xf32>,
        %swap3A_1143 = vector.shape_cast %swap3A_1142 : vector<1x16xf32> to vector<16xf32>
        %swap3A_1144 = vector.shape_cast %get3A_1139 : vector<16xf32> to vector<1x16xf32>
        tpu.vector_store %arg9[%swap3A_1140, %swap3A_1141], %swap3A_1144 {strides = array<i32>} : memref<512x128xf32, #tpu.memory_space<vmem>>, vector<1x16xf32>,
        %sub3A_1145 = arith.constant 1 : i32
        %sub3A_1146 = arith.subi %mul3A_963, %sub3A_1145 : i32
        %get3A_1147 = arith.index_cast %sub3A_1146 : i32 to index
        %get3A_1148 = arith.constant 48 : index
        %get3A_1149 = tpu.vector_load %arg9[%get3A_1147, %get3A_1148] {strides = array<i32>} : memref<512x128xf32, #tpu.memory_space<vmem>>, vector<1x16xf32>,
        %get3A_1150 = vector.shape_cast %get3A_1149 : vector<1x16xf32> to vector<16xf32>
        %swap3A_1151 = arith.index_cast %while3A_1112 : i32 to index
        %swap3A_1152 = arith.constant 48 : index
        %swap3A_1153 = tpu.vector_load %arg9[%swap3A_1151, %swap3A_1152] {strides = array<i32>} : memref<512x128xf32, #tpu.memory_space<vmem>>, vector<1x16xf32>,
        %swap3A_1154 = vector.shape_cast %swap3A_1153 : vector<1x16xf32> to vector<16xf32>
        %swap3A_1155 = vector.shape_cast %get3A_1150 : vector<16xf32> to vector<1x16xf32>
        tpu.vector_store %arg9[%swap3A_1151, %swap3A_1152], %swap3A_1155 {strides = array<i32>} : memref<512x128xf32, #tpu.memory_space<vmem>>, vector<1x16xf32>,
        %sub3A_1156 = arith.constant 1 : i32
        %sub3A_1157 = arith.subi %mul3A_963, %sub3A_1156 : i32
        %get3A_1158 = arith.index_cast %sub3A_1157 : i32 to index
        %get3A_1159 = arith.constant 64 : index
        %get3A_1160 = tpu.vector_load %arg9[%get3A_1158, %get3A_1159] {strides = array<i32>} : memref<512x128xf32, #tpu.memory_space<vmem>>, vector<1x16xf32>,
        %get3A_1161 = vector.shape_cast %get3A_1160 : vector<1x16xf32> to vector<16xf32>
        %swap3A_1162 = arith.index_cast %while3A_1112 : i32 to index
        %swap3A_1163 = arith.constant 64 : index
        %swap3A_1164 = tpu.vector_load %arg9[%swap3A_1162, %swap3A_1163] {strides = array<i32>} : memref<512x128xf32, #tpu.memory_space<vmem>>, vector<1x16xf32>,
        %swap3A_1165 = vector.shape_cast %swap3A_1164 : vector<1x16xf32> to vector<16xf32>
        %swap3A_1166 = vector.shape_cast %get3A_1161 : vector<16xf32> to vector<1x16xf32>
        tpu.vector_store %arg9[%swap3A_1162, %swap3A_1163], %swap3A_1166 {strides = array<i32>} : memref<512x128xf32, #tpu.memory_space<vmem>>, vector<1x16xf32>,
        %sub3A_1167 = arith.constant 1 : i32
        %sub3A_1168 = arith.subi %mul3A_963, %sub3A_1167 : i32
        %get3A_1169 = arith.index_cast %sub3A_1168 : i32 to index
        %get3A_1170 = arith.constant 80 : index
        %get3A_1171 = tpu.vector_load %arg9[%get3A_1169, %get3A_1170] {strides = array<i32>} : memref<512x128xf32, #tpu.memory_space<vmem>>, vector<1x16xf32>,
        %get3A_1172 = vector.shape_cast %get3A_1171 : vector<1x16xf32> to vector<16xf32>
        %swap3A_1173 = arith.index_cast %while3A_1112 : i32 to index
        %swap3A_1174 = arith.constant 80 : index
        %swap3A_1175 = tpu.vector_load %arg9[%swap3A_1173, %swap3A_1174] {strides = array<i32>} : memref<512x128xf32, #tpu.memory_space<vmem>>, vector<1x16xf32>,
        %swap3A_1176 = vector.shape_cast %swap3A_1175 : vector<1x16xf32> to vector<16xf32>
        %swap3A_1177 = vector.shape_cast %get3A_1172 : vector<16xf32> to vector<1x16xf32>
        tpu.vector_store %arg9[%swap3A_1173, %swap3A_1174], %swap3A_1177 {strides = array<i32>} : memref<512x128xf32, #tpu.memory_space<vmem>>, vector<1x16xf32>,
        %sub3A_1178 = arith.constant 1 : i32
        %sub3A_1179 = arith.subi %mul3A_963, %sub3A_1178 : i32
        %get3A_1180 = arith.index_cast %sub3A_1179 : i32 to index
        %get3A_1181 = arith.constant 96 : index
        %get3A_1182 = tpu.vector_load %arg9[%get3A_1180, %get3A_1181] {strides = array<i32>} : memref<512x128xf32, #tpu.memory_space<vmem>>, vector<1x16xf32>,
        %get3A_1183 = vector.shape_cast %get3A_1182 : vector<1x16xf32> to vector<16xf32>
        %swap3A_1184 = arith.index_cast %while3A_1112 : i32 to index
        %swap3A_1185 = arith.constant 96 : index
        %swap3A_1186 = tpu.vector_load %arg9[%swap3A_1184, %swap3A_1185] {strides = array<i32>} : memref<512x128xf32, #tpu.memory_space<vmem>>, vector<1x16xf32>,
        %swap3A_1187 = vector.shape_cast %swap3A_1186 : vector<1x16xf32> to vector<16xf32>
        %swap3A_1188 = vector.shape_cast %get3A_1183 : vector<16xf32> to vector<1x16xf32>
        tpu.vector_store %arg9[%swap3A_1184, %swap3A_1185], %swap3A_1188 {strides = array<i32>} : memref<512x128xf32, #tpu.memory_space<vmem>>, vector<1x16xf32>,
        %sub3A_1189 = arith.constant 1 : i32
        %sub3A_1190 = arith.subi %mul3A_963, %sub3A_1189 : i32
        %get3A_1191 = arith.index_cast %sub3A_1190 : i32 to index
        %get3A_1192 = arith.constant 112 : index
        %get3A_1193 = tpu.vector_load %arg9[%get3A_1191, %get3A_1192] {strides = array<i32>} : memref<512x128xf32, #tpu.memory_space<vmem>>, vector<1x16xf32>,
        %get3A_1194 = vector.shape_cast %get3A_1193 : vector<1x16xf32> to vector<16xf32>
        %swap3A_1195 = arith.index_cast %while3A_1112 : i32 to index
        %swap3A_1196 = arith.constant 112 : index
        %swap3A_1197 = tpu.vector_load %arg9[%swap3A_1195, %swap3A_1196] {strides = array<i32>} : memref<512x128xf32, #tpu.memory_space<vmem>>, vector<1x16xf32>,
        %swap3A_1198 = vector.shape_cast %swap3A_1197 : vector<1x16xf32> to vector<16xf32>
        %swap3A_1199 = vector.shape_cast %get3A_1194 : vector<16xf32> to vector<1x16xf32>
        tpu.vector_store %arg9[%swap3A_1195, %swap3A_1196], %swap3A_1199 {strides = array<i32>} : memref<512x128xf32, #tpu.memory_space<vmem>>, vector<1x16xf32>,
      }
      %while3A_1094 = arith.constant 0 : i32
      %while3A_1095 = arith.subi %select_n3A_1083, %while3A_1094 : i32
      %while3A_1096 = arith.addi %while3A_1094, %while3A_1095 : i32
      %while3A_1097 = arith.constant 1 : i32
      %while3A_1098 = arith.divsi %while3A_1095, %while3A_1097 : i32
      %while3A_1099 = arith.muli %while3A_1098, %while3A_1097 : i32
      %while3A_1100 = arith.addi %while3A_1094, %while3A_1099 : i32
      %while3A_1101 = arith.constant 1 : i32
      scf.for %while3A_1112 = %while3A_1094 to %while3A_1100 step %while3A_1101  : i32 {
        %mul3A_1113 = arith.constant 16 : i32
        %mul3A_1114 = arith.muli %while3A_1112, %mul3A_1113 : i32
        %add3A_1115 = arith.addi %while3A_962#1, %mul3A_1114 : i32
        %iota3A = tpu.iota {dimensions = array<i32: 0>} : vector<16xi32>
        %add3A_1116 = vector.broadcast %add3A_1115 : i32 to vector<16xi32>
        %add3A_1117 = arith.addi %add3A_1116, %iota3A : vector<16xi32>
        %sub3A_1118 = arith.constant 1 : i32
        %sub3A_1119 = arith.subi %while3A_962#2, %sub3A_1118 : i32
        %min3A = vector.broadcast %sub3A_1119 : i32 to vector<16xi32>
        %min3A_1120 = arith.minsi %add3A_1117, %min3A : vector<16xi32>
        %mul3A_1121 = arith.constant 16 : i32
        %mul3A_1122 = arith.muli %while3A_1112, %mul3A_1121 : i32
        %dma_start3A_1123 = arith.constant 0 : i32
        %dma_start3A_1124 = tpu.memref_slice %arg9[%mul3A_1122, %dma_start3A_1123] : memref<512x128xf32, #tpu.memory_space<vmem>> -> memref<16x128xf32, #tpu.memory_space<vmem>>
        %dma_start3A_1125 = arith.constant 0 : i32
        %dma_start3A_1126 = arith.constant 0 : i32
        %dma_start3A_1127 = tpu.memref_slice %arg5[%dma_start3A_1125, %dma_start3A_1126] : memref<512x128xf32, #tpu.memory_space<hbm>> -> memref<512x128xf32, #tpu.memory_space<hbm>>
        tpu.enqueue_indirect_dma source(%dma_start3A_1124 : memref<16x128xf32, #tpu.memory_space<vmem>>) target(%dma_start3A_1127 : memref<512x128xf32, #tpu.memory_space<hbm>>) offsets(%min3A_1120 : vector<16xi32>) semaphore(%arg11 : memref<!tpu.dma_semaphore, #tpu.memory_space<semaphore_mem>>)
      }
      %while3A_1102 = arith.constant 1 : i32
      scf.for %while3A_1112 = %while3A_1100 to %while3A_1096 step %while3A_1102  : i32 {
        %mul3A_1113 = arith.constant 16 : i32
        %mul3A_1114 = arith.muli %while3A_1112, %mul3A_1113 : i32
        %add3A_1115 = arith.addi %while3A_962#1, %mul3A_1114 : i32
        %iota3A = tpu.iota {dimensions = array<i32: 0>} : vector<16xi32>
        %add3A_1116 = vector.broadcast %add3A_1115 : i32 to vector<16xi32>
        %add3A_1117 = arith.addi %add3A_1116, %iota3A : vector<16xi32>
        %sub3A_1118 = arith.constant 1 : i32
        %sub3A_1119 = arith.subi %while3A_962#2, %sub3A_1118 : i32
        %min3A = vector.broadcast %sub3A_1119 : i32 to vector<16xi32>
        %min3A_1120 = arith.minsi %add3A_1117, %min3A : vector<16xi32>
        %mul3A_1121 = arith.constant 16 : i32
        %mul3A_1122 = arith.muli %while3A_1112, %mul3A_1121 : i32
        %dma_start3A_1123 = arith.constant 0 : i32
        %dma_start3A_1124 = tpu.memref_slice %arg9[%mul3A_1122, %dma_start3A_1123] : memref<512x128xf32, #tpu.memory_space<vmem>> -> memref<16x128xf32, #tpu.memory_space<vmem>>
        %dma_start3A_1125 = arith.constant 0 : i32
        %dma_start3A_1126 = arith.constant 0 : i32
        %dma_start3A_1127 = tpu.memref_slice %arg5[%dma_start3A_1125, %dma_start3A_1126] : memref<512x128xf32, #tpu.memory_space<hbm>> -> memref<512x128xf32, #tpu.memory_space<hbm>>
        tpu.enqueue_indirect_dma source(%dma_start3A_1124 : memref<16x128xf32, #tpu.memory_space<vmem>>) target(%dma_start3A_1127 : memref<512x128xf32, #tpu.memory_space<hbm>>) offsets(%min3A_1120 : vector<16xi32>) semaphore(%arg11 : memref<!tpu.dma_semaphore, #tpu.memory_space<semaphore_mem>>)
      }
      %while3A_1103 = arith.constant 0 : i32
      %while3A_1104 = arith.subi %select_n3A_1083, %while3A_1103 : i32
      %while3A_1105 = arith.addi %while3A_1103, %while3A_1104 : i32
      %while3A_1106 = arith.constant 1 : i32
      %while3A_1107 = arith.divsi %while3A_1104, %while3A_1106 : i32
      %while3A_1108 = arith.muli %while3A_1107, %while3A_1106 : i32
      %while3A_1109 = arith.addi %while3A_1103, %while3A_1108 : i32
      %while3A_1110 = arith.constant 1 : i32
      scf.for %while3A_1112 = %while3A_1103 to %while3A_1109 step %while3A_1110  : i32 {
        %mul3A_1113 = arith.constant 16 : i32
        %mul3A_1114 = arith.muli %while3A_1112, %mul3A_1113 : i32
        %add3A_1115 = arith.addi %while3A_962#1, %mul3A_1114 : i32
        %iota3A = tpu.iota {dimensions = array<i32: 0>} : vector<16xi32>
        %add3A_1116 = vector.broadcast %add3A_1115 : i32 to vector<16xi32>
        %add3A_1117 = arith.addi %add3A_1116, %iota3A : vector<16xi32>
        %sub3A_1118 = arith.constant 1 : i32
        %sub3A_1119 = arith.subi %while3A_962#2, %sub3A_1118 : i32
        %min3A = vector.broadcast %sub3A_1119 : i32 to vector<16xi32>
        %min3A_1120 = arith.minsi %add3A_1117, %min3A : vector<16xi32>
        %mul3A_1121 = arith.constant 16 : i32
        %mul3A_1122 = arith.muli %while3A_1112, %mul3A_1121 : i32
        %dma_wait3A = arith.constant 0 : i32
        %dma_wait3A_1123 = tpu.memref_slice %arg9[%mul3A_1122, %dma_wait3A] : memref<512x128xf32, #tpu.memory_space<vmem>> -> memref<16x128xf32, #tpu.memory_space<vmem>>
        %dma_wait3A_1124 = arith.constant 0 : i32
        %dma_wait3A_1125 = arith.constant 0 : i32
        %dma_wait3A_1126 = tpu.memref_slice %arg5[%dma_wait3A_1124, %dma_wait3A_1125] : memref<512x128xf32, #tpu.memory_space<hbm>> -> memref<512x128xf32, #tpu.memory_space<hbm>>
        tpu.wait_indirect_dma semaphore(%arg11 : memref<!tpu.dma_semaphore, #tpu.memory_space<semaphore_mem>>) src(%dma_wait3A_1123 : memref<16x128xf32, #tpu.memory_space<vmem>>) dst(%dma_wait3A_1126 : memref<512x128xf32, #tpu.memory_space<hbm>>)
      }
      %while3A_1111 = arith.constant 1 : i32
      scf.for %while3A_1112 = %while3A_1109 to %while3A_1105 step %while3A_1111  : i32 {
        %mul3A_1113 = arith.constant 16 : i32
        %mul3A_1114 = arith.muli %while3A_1112, %mul3A_1113 : i32
        %add3A_1115 = arith.addi %while3A_962#1, %mul3A_1114 : i32
        %iota3A = tpu.iota {dimensions = array<i32: 0>} : vector<16xi32>
        %add3A_1116 = vector.broadcast %add3A_1115 : i32 to vector<16xi32>
        %add3A_1117 = arith.addi %add3A_1116, %iota3A : vector<16xi32>
        %sub3A_1118 = arith.constant 1 : i32
        %sub3A_1119 = arith.subi %while3A_962#2, %sub3A_1118 : i32
        %min3A = vector.broadcast %sub3A_1119 : i32 to vector<16xi32>
        %min3A_1120 = arith.minsi %add3A_1117, %min3A : vector<16xi32>
        %mul3A_1121 = arith.constant 16 : i32
        %mul3A_1122 = arith.muli %while3A_1112, %mul3A_1121 : i32
        %dma_wait3A = arith.constant 0 : i32
        %dma_wait3A_1123 = tpu.memref_slice %arg9[%mul3A_1122, %dma_wait3A] : memref<512x128xf32, #tpu.memory_space<vmem>> -> memref<16x128xf32, #tpu.memory_space<vmem>>
        %dma_wait3A_1124 = arith.constant 0 : i32
        %dma_wait3A_1125 = arith.constant 0 : i32
        %dma_wait3A_1126 = tpu.memref_slice %arg5[%dma_wait3A_1124, %dma_wait3A_1125] : memref<512x128xf32, #tpu.memory_space<hbm>> -> memref<512x128xf32, #tpu.memory_space<hbm>>
        tpu.wait_indirect_dma semaphore(%arg11 : memref<!tpu.dma_semaphore, #tpu.memory_space<semaphore_mem>>) src(%dma_wait3A_1123 : memref<16x128xf32, #tpu.memory_space<vmem>>) dst(%dma_wait3A_1126 : memref<512x128xf32, #tpu.memory_space<hbm>>)
      }
    } else {
    }
    return
  }
}

</mosaic_0001>

<sc_bundles>
// kernel: kernel.3.cloned.1.call-start
scs
__scs_entry_jumppad:
0x0: {  	(pc) =	sbr.rel $0x88, $3  }
0x1: {  	(tag) =	ssettag $0x0;
	lr =	simm.s32 $0x1  }
0x2: {  	[smem:$0x3F9F] =	sst lr;
	_ =	strace $0xD0000000  }
0x3: {  	_ = 	snop  }
0x4: {  	_ = 	snop  }
0x5: {  	_ = 	snop  }
0x6: {  	_ = 	snop  }
0x7: {  	_ = 	snop  }
__scs_overlays_trampoline_lowered:
0x8: {  	[smem:$0x3FAE] =	sst s0  }
0x9: {  	[smem:$0x3FAF] =	sst s1  }
0xa: {  	[smem:$0x3FB0] =	sst s2  }
0xb: {  	[smem:$0x3FB1] =	sst s3  }
0xc: {  	[smem:$0x3FB2] =	sst s4  }
0xd: {  	[smem:$0x3FB3] =	sst s5  }
0xe: {  	[smem:$0x3FB4] =	sst s6  }
0xf: {  	[smem:$0x3FB5] =	sst s7  }
0x10: {  	[smem:$0x3FB6] =	sst s8  }
0x11: {  	[smem:$0x3FB7] =	sst s9;
	s0 =	simm.s32 @!p0 $0x0  }
0x12: {  	s1 =	sld [smem:$0x3F9D];
	s0 =	simm.s32 @p0 $0x1  }
0x13: {  	[smem:$0x3FB8] =	sst s0;
	s0 =	simm.s32 @!p1 $0x0  }
0x14: {  	s2 =	sld [smem:$0x3F9C];
	s0 =	simm.s32 @p1 $0x1  }
0x15: {  	[smem:$0x3FB9] =	sst s0;
	s0 =	simm.s32 @!p2 $0x0  }
0x16: {  	s3 =	sld [smem:$0x3FDB];
	s0 =	simm.s32 @p2 $0x1  }
0x17: {  	s4 =	simm.s32 $0x1BF5;
	[smem:$0x3FBB] =	sst s0  }
0x18: {  	s0 =	sld [smem:$0x3F9E];
	_ =	swait.ge [sflag:s4], $0x0  }
0x19: {  	s7 =	sld [smem:$0x3F9F]  }
0x1a: {  	s8 =	sadd.s32 $0xFFFFE003, lr  }
0x1b: {  	s9 =	sadd.s32 $0xFFFFFEF7, lr;
	s5 =	simm.s32 $0xFFFFFFFF;
	p2 =	slt.u32 s8, $0xFFFFF086  }
0x1c: {  	p1 =	slt.u32 s9, $0xF7A;
	s5 =	simm.s32 @!p2 $0x0  }
0x1d: {  	s5 =	simm.s32 @p1 $0x1;
	p0 =	seq.s32 s7, s2  }
0x1e: {  	s7 =	smul.u32 @!p0 $0xF7A, s2;
	p2 =	seq.s32 @!p0 s5, $0x0  }
0x1f: {  	s9 =	smul.u32 $0xF7A, s1;
	s8 =	simm.s32 @!p0 $0x1BF5;
	p2 =	por !p2, p0  }
0x20: {  	[sflag:s8] =	ssyncset.s32 @!p0 $0xFFFFF086;
	s6 =	sadd.s32 @!p0 s3, s7;
	s7 =	simm.s32 @!p0 $0x108  }
0x21: {  	s3 =	sadd.s32 s3, s9;
	s6 =	sadd.s32 @!p0 $0x88, s6;
	s7 =	simm.s32 @p2 $0x1082  }
0x22: {  	[simem:s7], [sflag:s8] =	dma.local @!p0 [hbm:s6], $0xF7A  }
0x23: {  	s9 =	sor.u32 $0xD0000000, s2;
	s6 =	simm.s32 $0x108;
	_ =	swait.ge @!p0 [sflag:s8], $0x0  }
0x24: {  	s3 =	sadd.s32 $0x88, s3;
	s6 =	simm.s32 @!p1 $0x1082;
	[sflag:s4] =	ssyncset.s32 $0xFFFFF086  }
0x25: {  	[simem:s6], [sflag:s4] =	dma.local [hbm:s3], $0xF7A  }
0x26: {  	[smem:$0x3F9F] =	sst s1;
	(tag) =	ssettag s2;
	_ =	strace s9  }
0x27: {  	s1 =	sld [smem:$0x3FAF]  }
0x28: {  	s2 =	sld [smem:$0x3FB0]  }
0x29: {  	s4 =	sld [smem:$0x3FB2]  }
0x2a: {  	p0 =	seq.s32 s5, $0x0;
	s5 =	sld [smem:$0x3FB3]  }
0x2b: {  	s6 =	sld [smem:$0x3FB4]  }
0x2c: {  	s7 =	sld [smem:$0x3FB5]  }
0x2d: {  	s3 =	simm.s32 $0x108;
	s8 =	sld [smem:$0x3FB6]  }
0x2e: {  	s3 =	simm.s32 @!p0 $0x1082;
	s9 =	sld [smem:$0x3FB7]  }
0x2f: {  	lr =	sadd.s32 s0, s3;
	s0 =	sld [smem:$0x3FAE]  }
0x30: {  	s3 =	sld [smem:$0x3FB1]  }
0x31: {  	[smem:$0x3FBA] =	sst s10  }
0x32: {  	s10 =	sld [smem:$0x3FB8];
	_ =	sdelay $0x3  }
0x33: {  	p0 =	seq.s32 s10, $0x1;
	s10 =	sld [smem:$0x3FBA];
	_ =	sdelay $0x3  }
0x34: {  	[smem:$0x3FBA] =	sst s10  }
0x35: {  	s10 =	sld [smem:$0x3FB9];
	_ =	sdelay $0x3  }
0x36: {  	p1 =	seq.s32 s10, $0x1;
	s10 =	sld [smem:$0x3FBA];
	_ =	sdelay $0x3  }
0x37: {  	[smem:$0x3FBA] =	sst s10  }
0x38: {  	s10 =	sld [smem:$0x3FBB]  }
0x39: {  	_ = 	snop;
	(pc) =	sbr.ind lr, $3  }
0x3a: {  	_ = 	snop  }
0x3b: {  	_ = 	snop  }
0x3c: {  	p2 =	seq.s32 s10, $0x1;
	s10 =	sld [smem:$0x3FBA]  }
0x3d: {  	_ =	shalt  }
0x3e: {  	_ =	shalt  }
0x3f: {  	_ =	shalt  }
0x40: {  	_ =	shalt  }
0x41: {  	_ =	shalt  }
0x42: {  	_ =	shalt  }
0x43: {  	_ =	shalt  }
0x44: {  	_ =	shalt  }
0x45: {  	_ =	shalt  }
0x46: {  	_ =	shalt  }
0x47: {  	_ =	shalt  }
0x48: {  	_ =	shalt  }
0x49: {  	_ =	shalt  }
0x4a: {  	_ =	shalt  }
0x4b: {  	_ =	shalt  }
0x4c: {  	_ =	shalt  }
0x4d: {  	_ =	shalt  }
0x4e: {  	_ =	shalt  }
0x4f: {  	_ =	shalt  }
0x50: {  	_ =	shalt  }
0x51: {  	_ =	shalt  }
0x52: {  	_ =	shalt  }
0x53: {  	_ =	shalt  }
0x54: {  	_ =	shalt  }
0x55: {  	_ =	shalt  }
0x56: {  	_ =	shalt  }
0x57: {  	_ =	shalt  }
0x58: {  	_ =	shalt  }
0x59: {  	_ =	shalt  }
0x5a: {  	_ =	shalt  }
0x5b: {  	_ =	shalt  }
0x5c: {  	_ =	shalt  }
0x5d: {  	_ =	shalt  }
0x5e: {  	_ =	shalt  }
0x5f: {  	_ =	shalt  }
0x60: {  	_ =	shalt  }
0x61: {  	_ =	shalt  }
0x62: {  	_ =	shalt  }
0x63: {  	_ =	shalt  }
0x64: {  	_ =	shalt  }
0x65: {  	_ =	shalt  }
0x66: {  	_ =	shalt  }
0x67: {  	_ =	shalt  }
0x68: {  	_ =	shalt  }
0x69: {  	_ =	shalt  }
0x6a: {  	_ =	shalt  }
0x6b: {  	_ =	shalt  }
0x6c: {  	_ =	shalt  }
0x6d: {  	_ =	shalt  }
0x6e: {  	_ =	shalt  }
0x6f: {  	_ =	shalt  }
0x70: {  	_ =	shalt  }
0x71: {  	_ =	shalt  }
0x72: {  	_ =	shalt  }
0x73: {  	_ =	shalt  }
0x74: {  	_ =	shalt  }
0x75: {  	_ =	shalt  }
0x76: {  	_ =	shalt  }
0x77: {  	_ =	shalt  }
0x78: {  	_ =	shalt  }
0x79: {  	_ =	shalt  }
0x7a: {  	_ =	shalt  }
0x7b: {  	_ =	shalt  }
0x7c: {  	_ =	shalt  }
0x7d: {  	_ =	shalt  }
0x7e: {  	_ =	shalt  }
0x7f: {  	_ =	shalt  }
0x80: {  	_ =	shalt  }
0x81: {  	_ =	shalt  }
0x82: {  	_ =	shalt  }
0x83: {  	_ =	shalt  }
0x84: {  	_ =	shalt  }
0x85: {  	_ =	shalt  }
0x86: {  	_ =	shalt  }
0x87: {  	_ =	shalt  }
.Lfunc_end0:
.L_simem_size_0:
called_computation_lowered:
.L_overlay_start_0:
0x88: {  	s2 =	sld [smem:$0x3FD9]  }
0x89: {  	s3 =	sld [smem:$0x3FFE];
	_ =	sdelay $0x1  }
0x8a: {  	s1 =	srdreg.scid  }
0x8b: {  	s0 =	sand.u32 $0x1, s1  }
0x8c: {  	s17 =	sshll.u32 s0, $0xA;
	s2 =	sadd.s32 s3, s2  }
0x8d: {  	s2 =	sadd.s32 s2, s17  }
0x8e: {  	[smem:$0x3FC6] =	sst s2  }
0x8f: {  	_ = 	snop  }
0x90: {  	s2 =	sld [smem:$0x3FC9]  }
0x91: {  	s18 =	sld [smem:$0x3FD0];
	(tm) =	ssettm $0x1  }
0x92: {  	s4 =	sld [smem:$0x3FFB];
	_ =	sdelay $0x3  }
0x93: {  	_ =	strace s4  }
0x94: {  	s4 =	sld [smem:$0x3FFC];
	_ =	sdelay $0x3  }
0x95: {  	_ =	strace s4  }
0x96: {  	s4 =	sld [smem:$0x3FFD];
	_ =	sdelay $0x3  }
0x97: {  	_ =	strace s4  }
0x98: {  	_ =	strace $0x8FFFFFFF  }
0x99: {  	s19 =	sld [smem:$0x3FDB];
	_ =	sdelay $0x1  }
0x9a: {  	s5 =	simm.s32 $_scs_section_size  }
0x9b: {  	s6 =	simm.s32 $_size__tile_overlayer_lowered;
	s7 =	simm.s32 $_tile_overlayer_lowered  }
0x9c: {  	s22 =	simm.s32 $0x1BFF;
	s21 =	sshll.u32 s7, $0x1;
	s4 =	sadd.s32 s5, s19  }
0x9d: {  	s8 =	simm.s32 $0x0;
	s20 =	sshll.u32 s6, $0x1;
	s6 =	sadd.s32 s21, s4  }
0x9e: {  	[timem:s8], [sflag:s22] =	dma.local [hbm:s6], s20  }
0x9f: {  	_ =	swait.ge [sflag:s22], s20  }
0xa0: {  	s5 =	ssub.s32 $0x0, s20;
	[sflag:s22] =	ssyncset.done $0x0  }
0xa1: {  	[sflag:s22] =	ssyncadd.s32 s5;
	_ =	sdelay $0x1  }
0xa2: {  	s23 =	simm.s32 $0x1B8B  }
0xa3: {  	_ =	swait.ge [sflag:s23], $0x1  }
0xa4: {  	[sflag:s23] =	ssyncset.done $0x0  }
0xa5: {  	s25 =	simm.s32 $0x1B8E;
	s24 =	sld [smem:$0x3FFE];
	[sflag:s23] =	ssyncadd.s32 $0xFFFFFFFF  }
0xa6: {  	s26 =	simm.s32 $execute0_lowered;
	[smem:$0x3FD2] =	sst s25  }
0xa7: {  	s6 =	sshll.u32 s26, $0x1;
	_ =	strace $0x80000046;
	[dreg:$0x1] =	wrdreg $0xFFFFFFFF  }
0xa8: {  	s28 =	simm.s32 $_size_execute0_lowered;
	s4 =	sadd.s32 s4, s6;
	[dreg:$0x0] =	wrdreg $0x0  }
0xa9: {  	s6 =	sshll.u32 s28, $0x1;
	[dreg:$0x2] =	wrdreg s4  }
0xaa: {  	[dreg:$0x3] =	wrdreg s6  }
0xab: {  	[dreg:$0x4] =	wrdreg $0xC0  }
0xac: {  	_ =	task [dreg:s8], $0x5FFFF  }
0xad: {  	[dreg:$0x1] =	wrdreg $0xFFFFFFFF  }
0xae: {  	[dreg:$0x0] =	wrdreg $0x60  }
0xaf: {  	[dreg:$0x2] =	wrdreg s2  }
0xb0: {  	[dreg:$0x3] =	wrdreg s18  }
0xb1: {  	[dreg:$0x4] =	wrdreg s24  }
0xb2: {  	[dreg:$0x5] =	wrdreg $0x9  }
0xb3: {  	_ =	task.clear_ibuf [dreg:s8], $0x6FFFF;
	_ =	strace $0x90000046  }
0xb4: {  	s29 =	simm.s32 $0x9;
	_ =	strace $0x80000048  }
0xb5: {  	_ =	swait.ge [sflag:s29], $0x1  }
0xb6: {  	[sflag:s29] =	ssyncadd.s32 $0xFFFFFFFF  }
0xb7: {  	_ =	strace $0x90000048  }
0xb8: {  	_ =	sfence  }
0xb9: {  	s30 =	sld [smem:$0x0];
	_ =	sdelay $0x2  }
0xba: {  	s31 =	sshll.u32 s1, $0xD;
	s1 =	sshrl.u32 s1, $0x2  }
0xbb: {  	s3 =	sand.u32 $0x4000, s31;
	s1 =	sadd.s32 s1, s30  }
0xbc: {  	s0 =	sor.u32 s3, s0;
	s1 =	sshll.u32 s1, $0x11  }
0xbd: {  	s0 =	sor.u32 s1, s0  }
0xbe: {  	s0 =	sadd.s32 $0x8F2B, s0  }
0xbf: {  	[sflag:s0] =	ssyncadd.remote.s32 $0x1  }
0xc0: {  	_ =	sfence.sel $0xFFFF  }
0xc1: {  	[dreg:$0x0] =	wrdreg $0xFFFFFFFF;
	(pc) =	sbr.abs _section_cstart, $3  }
0xc2: {  	[dreg:$0x1] =	wrdreg $0xFFFFFFFF  }
0xc3: {  	_ =	task.clear_ibuf [dreg:s8], $0x2FFFF;
	_ =	strace $0x9FFFFFFF  }
0xc4: {  	(tm) =	ssettm $0x7FFFFFFF  }
0xc5: {  	_ =	shalt  }
tec
execute0_lowered:
.L_overlay_start_1:
0x0: {  	(tag) =	ssettag $0x1  }
0x1: {  	s1 =	rddreg [dreg:$0x0]  }
0x2: {  	s0 =	rddreg [dreg:$0x2];
	s4 =	simm.s32 $0x0;
	s2 =	srdreg.scid  }
0x3: {  	s5 =	stileid.u32;
	[smem:$0x7FF] =	sst s4  }
0x4: {  	s2 =	sand.u32 $0x1, s2;
	s5 =	sshll.u32 s5, $0x1;
	s6 =	sadd.s32 $0x400, s0  }
.Ltmp0:
0x5: {  	_ =	strace $0x80000047;
	s3 =	ssub.s32 $0x2, s2;
	(pc) =	sbr.rel .LBB2_1-.Ltmp0, $4  }
0x6: {  	[dreg:$0x4] =	wrdreg s6;
	s2 =	sor.u32 s2, s5;
	s30 =	sshrl.u32 s3, $0x1  }
0x7: {  	[dreg:$0x5] =	wrdreg s2;
	s2 =	sadd.s32 $0x1, s2;
	s31 =	ssub.s32 s3, s30  }
0x8: {  	s7 =	sadd.s32 $0x600, s0;
	[dreg:$0x6] =	wrdreg s2;
	s0 =	smax.u32 s31, $0x1  }
0x9: {  	v0 =	vlaneseq.u32;
	vm0 =	vmmov $0xffff;
	s13 =	simm.s32 $0x5;
	s2 =	simm.s32 $0x0;
	[dreg:$0x7] =	wrdreg s0  }
.LBB2_29:
0xa: {  	[sflag:s13] =	ssyncadd.s32 $0xFFFFF800;
	s2 =	rddreg [dreg:$0x8]  }
.LBB2_30:
0xb: {  	s2 =	sadd.s32 $0x1, s2;
	s0 =	rddreg [dreg:$0x7]  }
0xc: {  	p0 =	sne.s32 s2, s0  }
.Ltmp1:
0xd: {  	_ = 	snop;
	(pc) =	sbr.rel @!p0 .LBB2_31-.Ltmp1, $1  }
0xe: {  	_ =	sdelay $0x3  }
.LBB2_1:
0xf: {  	[dreg:$0x8] =	wrdreg s2  }
0x10: {  	s0 =	rddreg [dreg:$0x1];
	s20 =	simm.s32 $0x6  }
0x11: {  	[tilespmem:s4], [sflag:$0x6] =	stream.linear.gather [hbm4b:s0+s4], $0x280, $0x38;
	[tilespmem:$0x1E480] =	vst v63  }
0x12: {  	_ =	swait.ge [sflag:s20], $0x280  }
0x13: {  	[sflag:s20] =	ssyncset.done $0x0  }
0x14: {  	s3 =	simm.s32 $0x280;
	s21 =	rddreg [dreg:$0x4];
	[sflag:s20] =	ssyncadd.s32 $0xFFFFFD80  }
0x15: {  	[tilespmem:s3], [sflag:$0x6] =	stream.linear.gather [hbm4b:s21+s4], $0x200, $0x38;
	[tilespmem:$0x1E480] =	vst v63  }
0x16: {  	_ =	swait.ge [sflag:s20], $0x200  }
0x17: {  	[sflag:s20] =	ssyncset.done $0x0  }
0x18: {  	[sflag:s20] =	ssyncadd.s32 $0xFFFFFE00  }
0x19: {  	v1 =	vld [tilespmem:$0x280]  }
0x1a: {  	v2 =	vld [tilespmem:$0x290]  }
0x1b: {  	v3 =	vld [tilespmem:$0x2A0]  }
0x1c: {  	v4 =	vld [tilespmem:$0x2B0]  }
0x1d: {  	v5 =	vld [tilespmem:$0x2C0]  }
0x1e: {  	v6 =	vld [tilespmem:$0x2D0]  }
0x1f: {  	v7 =	vld [tilespmem:$0x2E0]  }
0x20: {  	v8 =	vld [tilespmem:$0x2F0]  }
0x21: {  	v9 =	vld [tilespmem:$0x300]  }
0x22: {  	v10 =	vld [tilespmem:$0x310]  }
0x23: {  	v11 =	vld [tilespmem:$0x320]  }
0x24: {  	v12 =	vld [tilespmem:$0x330]  }
0x25: {  	v13 =	vld [tilespmem:$0x340]  }
0x26: {  	v14 =	vld [tilespmem:$0x350]  }
0x27: {  	v15 =	vld [tilespmem:$0x360]  }
0x28: {  	v16 =	vld [tilespmem:$0x370]  }
0x29: {  	v17 =	vld [tilespmem:$0x380]  }
0x2a: {  	v18 =	vld [tilespmem:$0x390]  }
0x2b: {  	v19 =	vld [tilespmem:$0x3A0]  }
0x2c: {  	v20 =	vld [tilespmem:$0x3B0]  }
0x2d: {  	v21 =	vld [tilespmem:$0x3C0]  }
0x2e: {  	v22 =	vld [tilespmem:$0x3D0]  }
0x2f: {  	v55 =	vld [tilespmem:$0x3F0];
	v1 =	vadd.s32 v1, v3;
	v2 =	vadd.s32 v2, v4  }
0x30: {  	v56 =	vld [tilespmem:$0x400];
	v1 =	vadd.s32 v5, v1;
	v2 =	vadd.s32 v6, v2  }
0x31: {  	v57 =	vld [tilespmem:$0x410];
	v1 =	vadd.s32 v7, v1;
	v2 =	vadd.s32 v8, v2  }
0x32: {  	v58 =	vld [tilespmem:$0x420];
	v1 =	vadd.s32 v9, v1;
	v2 =	vadd.s32 v10, v2  }
0x33: {  	v59 =	vld [tilespmem:$0x430];
	v1 =	vadd.s32 v11, v1;
	v2 =	vadd.s32 v12, v2  }
0x34: {  	v3 =	vld [tilespmem:$0x3E0];
	v1 =	vadd.s32 v13, v1;
	v2 =	vadd.s32 v14, v2  }
0x35: {  	v60 =	vld [tilespmem:$0x440];
	v1 =	vadd.s32 v15, v1;
	v2 =	vadd.s32 v16, v2  }
0x36: {  	v61 =	vld [tilespmem:$0x450];
	v1 =	vadd.s32 v17, v1;
	v2 =	vadd.s32 v18, v2  }
0x37: {  	v62 =	vld [tilespmem:$0x460];
	v1 =	vadd.s32 v19, v1;
	v2 =	vadd.s32 v20, v2  }
0x38: {  	v63 =	vld [tilespmem:$0x470];
	v1 =	vadd.s32 v21, v1;
	v2 =	vadd.s32 v22, v2  }
0x39: {  	v1 =	vadd.s32 v3, v1;
	v2 =	vadd.s32 v55, v2  }
0x3a: {  	v1 =	vadd.s32 v56, v1;
	v2 =	vadd.s32 v57, v2  }
0x3b: {  	v1 =	vadd.s32 v58, v1;
	v2 =	vadd.s32 v59, v2  }
0x3c: {  	v1 =	vadd.s32 v60, v1;
	v2 =	vadd.s32 v61, v2  }
0x3d: {  	v3 =	vadd.s32 v62, v1;
	v1 =	vadd.s32 v63, v2  }
0x3e: {  	v2 =	vadd.s32 v3, v1  }
0x3f: {  	(v2sf) =	vpush v2, $0x0  }
0x40: {  	(v2sf) =	vpush v2, $0x1  }
0x41: {  	(v2sf) =	vpush v2, $0x2  }
0x42: {  	(v2sf) =	vpush v2, $0x3  }
0x43: {  	(v2sf) =	vpush v2, $0x4  }
0x44: {  	(v2sf) =	vpush v2, $0x5  }
0x45: {  	(v2sf) =	vpush v2, $0x6  }
0x46: {  	(v2sf) =	vpush v2, $0x7  }
0x47: {  	(v2sf) =	vpush v2, $0x8  }
0x48: {  	(v2sf) =	vpush v2, $0x9  }
0x49: {  	(v2sf) =	vpush v2, $0xA  }
0x4a: {  	(v2sf) =	vpush v2, $0xB  }
0x4b: {  	(v2sf) =	vpush v2, $0xC  }
0x4c: {  	(v2sf) =	vpush v2, $0xD  }
0x4d: {  	(v2sf) =	vpush v2, $0xE  }
0x4e: {  	s22 =	spop (v2sf);
	(v2sf) =	vpush v2, $0xF  }
0x4f: {  	s23 =	spop (v2sf)  }
0x50: {  	s24 =	spop (v2sf);
	s0 =	sadd.s32 s23, s22  }
0x51: {  	(v2sf) =	vpush v3, $0x0;
	s0 =	sadd.s32 s24, s0;
	s25 =	spop (v2sf)  }
0x52: {  	s26 =	spop (v2sf);
	s0 =	sadd.s32 s25, s0  }
0x53: {  	(v2sf) =	vpush v3, $0x1;
	s0 =	sadd.s32 s26, s0;
	s3 =	spop (v2sf)  }
0x54: {  	s5 =	spop (v2sf);
	s0 =	sadd.s32 s3, s0  }
0x55: {  	s6 =	spop (v2sf);
	s0 =	sadd.s32 s5, s0  }
0x56: {  	(v2sf) =	vpush v3, $0x2;
	s0 =	sadd.s32 s6, s0;
	s8 =	spop (v2sf)  }
0x57: {  	s9 =	spop (v2sf);
	s0 =	sadd.s32 s8, s0  }
0x58: {  	(v2sf) =	vpush v3, $0x3;
	s10 =	spop (v2sf);
	s0 =	sadd.s32 s9, s0  }
0x59: {  	s0 =	sadd.s32 s10, s0;
	s11 =	spop (v2sf)  }
0x5a: {  	(v2sf) =	vpush v3, $0x4;
	s0 =	sadd.s32 s11, s0;
	s12 =	spop (v2sf)  }
0x5b: {  	s0 =	sadd.s32 s12, s0;
	s14 =	spop (v2sf)  }
0x5c: {  	s0 =	sadd.s32 s14, s0;
	s15 =	spop (v2sf)  }
0x5d: {  	(v2sf) =	vpush v3, $0x5;
	s0 =	sadd.s32 s15, s0;
	s16 =	spop (v2sf)  }
0x5e: {  	s17 =	rddreg [dreg:$0x5];
	s0 =	sadd.s32 s16, s0  }
0x5f: {  	s18 =	rddreg [dreg:$0x6];
	s15 =	smul.u32 s17, s0  }
0x60: {  	(v2sf) =	vpush v3, $0x6;
	s20 =	spop (v2sf);
	s16 =	smul.u32 s18, s0  }
0x61: {  	s19 =	sshll.u32 s20, $0x5  }
0x62: {  	s21 =	spop (v2sf);
	p0 =	sgt.s32 s19, s15;
	p1 =	sgt.s32 s16, $0x0  }
0x63: {  	s5 =	sadd.s32 s21, s20;
	p2 =	slt.s32 s19, s16;
	p0 =	por !p0, !p1  }
0x64: {  	s2 =	sshll.u32 s5, $0x5;
	[dreg:$0x9] =	wrdreg s5;
	s3 =	simm.s32 @!p0 $0x0  }
0x65: {  	p4 =	sgt.s32 s2, s15;
	s22 =	spop (v2sf);
	p6 =	slt.s32 s2, s16  }
0x66: {  	s3 =	simm.s32 @p0 $0x1;
	p0 =	por !p0, !p0;
	p1 =	por !p4, !p2  }
0x67: {  	s5 =	sadd.s32 s22, s5;
	s24 =	spop (v2sf);
	[smem:$0x799] =	sst s3  }
0x68: {  	s3 =	simm.s32 $0x1;
	p2 =	por !p1, !p1;
	s23 =	sshll.u32 s5, $0x5  }
0x69: {  	[dreg:$0xa] =	wrdreg s5;
	s6 =	sadd.s32 s24, s5;
	s26 =	spop (v2sf)  }
0x6a: {  	s3 =	simm.s32 @!p0 $0x0;
	s0 =	simm.s32 @!p2 $0x0;
	p5 =	sgt.s32 s23, s15  }
0x6b: {  	s25 =	sshll.u32 s6, $0x5;
	p3 =	slt.s32 s23, s16;
	[dreg:$0xb] =	wrdreg s6  }
0x6c: {  	s6 =	sadd.s32 s26, s6;
	s9 =	spop (v2sf);
	s0 =	simm.s32 @p2 $0x1  }
0x6d: {  	s21 =	smov.u32 s3;
	s3 =	simm.s32 @p2 $0x1;
	p0 =	por !p5, !p6  }
0x6e: {  	(v2sf) =	vpush v3, $0x7;
	p2 =	sgt.s32 s25, s15;
	s8 =	sshll.u32 s6, $0x5;
	p6 =	slt.s32 s25, s16  }
0x6f: {  	[dreg:$0xc] =	wrdreg s6;
	s6 =	sadd.s32 s9, s6;
	s11 =	spop (v2sf)  }
0x70: {  	[smem:$0x793] =	sst s0;
	p4 =	por !p0, !p0;
	p1 =	por !p2, !p3  }
0x71: {  	p5 =	sgt.s32 s8, s15;
	p3 =	seq.s32 s3, $0x0;
	s10 =	sshll.u32 s6, $0x5  }
0x72: {  	[dreg:$0xd] =	wrdreg s6;
	s6 =	sadd.s32 s11, s6;
	s2 =	simm.s32 @!p4 $0x0  }
0x73: {  	p2 =	por !p5, !p6;
	p5 =	sgt.s32 s10, s15;
	p6 =	slt.s32 s8, s16  }
0x74: {  	s3 =	simm.s32 @p4 $0x1;
	s12 =	sshll.u32 s6, $0x5;
	[dreg:$0xe] =	wrdreg s6  }
0x75: {  	(v2sf) =	vpush v3, $0x8;
	s2 =	simm.s32 @p4 $0x1;
	p0 =	por !p5, !p6;
	p4 =	por !p1, !p1  }
0x76: {  	p1 =	seq.s32 s3, $0x0;
	p5 =	sgt.s32 s12, s15;
	p6 =	slt.s32 s10, s16  }
0x77: {  	[smem:$0x794] =	sst s2;
	s2 =	simm.s32 @!p3 $0x0;
	s0 =	simm.s32 @!p4 $0x0  }
0x78: {  	(v2sf) =	vpush v3, $0x9;
	s8 =	simm.s32 @!p1 $0x0;
	s3 =	simm.s32 @p4 $0x1;
	s2 =	simm.s32 @p3 $0x1  }
0x79: {  	s0 =	simm.s32 @p4 $0x1;
	s8 =	simm.s32 @p1 $0x1;
	[smem:$0x79B] =	sst s2  }
0x7a: {  	(v2sf) =	vpush v3, $0xA;
	p1 =	por !p5, !p6;
	p4 =	por !p2, !p2;
	[smem:$0x795] =	sst s0  }
0x7b: {  	p2 =	seq.s32 s3, $0x0;
	p6 =	slt.s32 s12, s16;
	[smem:$0x79C] =	sst s8  }
0x7c: {  	s2 =	simm.s32 @!p4 $0x0;
	s8 =	simm.s32 @!p2 $0x0;
	s3 =	simm.s32 @p4 $0x1  }
0x7d: {  	(v2sf) =	vpush v3, $0xB;
	s14 =	spop (v2sf);
	s2 =	simm.s32 @p4 $0x1;
	s8 =	simm.s32 @p2 $0x1  }
0x7e: {  	p4 =	por !p0, !p0;
	p0 =	seq.s32 s3, $0x0;
	[smem:$0x796] =	sst s2  }
0x7f: {  	s6 =	sadd.s32 s14, s6;
	[smem:$0x79E] =	sst s8;
	s0 =	simm.s32 @!p4 $0x0  }
0x80: {  	(v2sf) =	vpush v3, $0xC;
	s8 =	simm.s32 @!p0 $0x0;
	s3 =	simm.s32 @p4 $0x1;
	s17 =	sshll.u32 s6, $0x5  }
0x81: {  	[dreg:$0xf] =	wrdreg s6;
	s0 =	simm.s32 @p4 $0x1;
	s8 =	simm.s32 @p0 $0x1  }
0x82: {  	p4 =	por !p1, !p1;
	p0 =	seq.s32 s3, $0x0;
	[smem:$0x7A0] =	sst s0  }
0x83: {  	p5 =	sgt.s32 s17, s15;
	[smem:$0x79F] =	sst s8;
	s2 =	simm.s32 @!p4 $0x0  }
0x84: {  	s8 =	simm.s32 @!p0 $0x0;
	s3 =	simm.s32 @p4 $0x1;
	s18 =	spop (v2sf)  }
0x85: {  	p3 =	por !p5, !p6;
	p6 =	slt.s32 s17, s16;
	s2 =	simm.s32 @p4 $0x1  }
0x86: {  	s8 =	simm.s32 @p0 $0x1;
	p1 =	seq.s32 s3, $0x0;
	[smem:$0x797] =	sst s2  }
0x87: {  	s6 =	sadd.s32 s18, s6;
	s22 =	spop (v2sf);
	[smem:$0x7A2] =	sst s8  }
0x88: {  	p4 =	por !p3, !p3;
	s8 =	simm.s32 @!p1 $0x0;
	s19 =	sshll.u32 s6, $0x5  }
0x89: {  	[dreg:$0x10] =	wrdreg s6;
	s6 =	sadd.s32 s22, s6;
	s24 =	spop (v2sf)  }
0x8a: {  	s0 =	simm.s32 @!p4 $0x0;
	s8 =	simm.s32 @p1 $0x1;
	s3 =	simm.s32 @p4 $0x1  }
0x8b: {  	p5 =	sgt.s32 s19, s15;
	s23 =	sshll.u32 s6, $0x5;
	[dreg:$0x11] =	wrdreg s6  }
0x8c: {  	s6 =	sadd.s32 s24, s6;
	s0 =	simm.s32 @p4 $0x1;
	s26 =	spop (v2sf)  }
0x8d: {  	(v2sf) =	vpush v3, $0xD;
	[smem:$0x7A3] =	sst s8;
	p2 =	por !p5, !p6;
	p5 =	sgt.s32 s23, s15  }
0x8e: {  	p6 =	slt.s32 s19, s16;
	[smem:$0x798] =	sst s0;
	s25 =	sshll.u32 s6, $0x5  }
0x8f: {  	(v2sf) =	vpush v3, $0xE;
	[dreg:$0x12] =	wrdreg s6;
	s5 =	sadd.s32 s26, s6;
	s14 =	spop (v2sf)  }
0x90: {  	p0 =	por !p5, !p6;
	p5 =	sgt.s32 s25, s15;
	p6 =	slt.s32 s23, s16  }
0x91: {  	(v2sf) =	vpush v3, $0xF;
	p4 =	por !p2, !p2;
	s10 =	sshll.u32 s5, $0x5;
	p2 =	seq.s32 s3, $0x0  }
0x92: {  	[dreg:$0x13] =	wrdreg s5;
	s8 =	sadd.s32 s14, s5;
	p1 =	por !p5, !p6  }
0x93: {  	s2 =	simm.s32 @!p4 $0x0;
	s6 =	simm.s32 @!p2 $0x0;
	p5 =	sgt.s32 s10, s15  }
0x94: {  	p6 =	slt.s32 s25, s16;
	s3 =	simm.s32 @p4 $0x1;
	p0 =	por !p0, !p0  }
0x95: {  	(v2sf) =	vpush v1, $0x0;
	[dreg:$0x14] =	wrdreg s8;
	s23 =	sshll.u32 s8, $0x5;
	s2 =	simm.s32 @p4 $0x1  }
0x96: {  	s6 =	simm.s32 @p2 $0x1;
	p5 =	por !p5, !p6;
	s9 =	simm.s32 @!p0 $0x0  }
0x97: {  	p2 =	seq.s32 s3, $0x0;
	s3 =	simm.s32 @p0 $0x1;
	[smem:$0x79A] =	sst s2  }
0x98: {  	p4 =	slt.s32 s23, s16;
	[smem:$0x7A5] =	sst s6;
	s9 =	simm.s32 @p0 $0x1  }
0x99: {  	(v2sf) =	vpush v1, $0x1;
	p0 =	por !p1, !p1;
	p1 =	seq.s32 s3, $0x0;
	[smem:$0x79D] =	sst s9  }
0x9a: {  	s9 =	simm.s32 @!p2 $0x0;
	s0 =	simm.s32 @!p1 $0x0;
	s3 =	simm.s32 @p0 $0x1  }
0x9b: {  	s9 =	simm.s32 @p2 $0x1;
	s0 =	simm.s32 @p1 $0x1;
	p2 =	slt.s32 s10, s16  }
0x9c: {  	(v2sf) =	vpush v1, $0x2;
	p1 =	sgt.s32 s23, s15;
	s17 =	spop (v2sf);
	[smem:$0x7A6] =	sst s9  }
0x9d: {  	s9 =	simm.s32 @!p0 $0x0;
	[smem:$0x7A8] =	sst s0;
	s22 =	sadd.s32 s17, s8  }
0x9e: {  	(v2sf) =	vpush v1, $0x3;
	s18 =	spop (v2sf);
	s9 =	simm.s32 @p0 $0x1;
	s11 =	sshll.u32 s22, $0x5  }
0x9f: {  	[smem:$0x7A1] =	sst s9;
	s8 =	sadd.s32 s18, s22;
	p0 =	slt.s32 s11, s16  }
0xa0: {  	s12 =	sshll.u32 s8, $0x5;
	s19 =	spop (v2sf);
	s2 =	simm.s32 @!p0 $0x0  }
0xa1: {  	(v2sf) =	vpush v1, $0x4;
	s9 =	sadd.s32 s19, s8;
	s2 =	simm.s32 @p0 $0x1;
	p0 =	slt.s32 s12, s16  }
0xa2: {  	p1 =	por !p1, !p2;
	s17 =	sshll.u32 s9, $0x5;
	s5 =	simm.s32 @!p0 $0x0  }
0xa3: {  	p1 =	por !p1, !p1;
	s5 =	simm.s32 @p0 $0x1;
	p0 =	sgt.s32 s17, s15  }
0xa4: {  	s24 =	spop (v2sf);
	[smem:$0x781] =	sst s5;
	s5 =	simm.s32 @!p0 $0x0  }
0xa5: {  	s6 =	sadd.s32 s24, s9;
	s5 =	simm.s32 @p0 $0x1;
	p0 =	slt.s32 s17, s16  }
0xa6: {  	s26 =	sshll.u32 s6, $0x5;
	[smem:$0x782] =	sst s5;
	s5 =	simm.s32 @!p0 $0x0  }
0xa7: {  	[dreg:$0x15] =	wrdreg s22;
	s5 =	simm.s32 @p0 $0x1;
	p0 =	sgt.s32 s26, s15  }
0xa8: {  	p3 =	sgt.s32 s11, s15;
	s25 =	spop (v2sf);
	s11 =	simm.s32 @!p0 $0x0  }
0xa9: {  	s10 =	sadd.s32 s25, s6;
	s11 =	simm.s32 @p0 $0x1;
	p0 =	slt.s32 s26, s16  }
0xaa: {  	[smem:$0x780] =	sst s2;
	s18 =	sshll.u32 s10, $0x5;
	s0 =	simm.s32 @!p0 $0x0  }
0xab: {  	(v2sf) =	vpush v1, $0x5;
	s19 =	spop (v2sf);
	s0 =	simm.s32 @p0 $0x1;
	p0 =	sgt.s32 s18, s15  }
0xac: {  	s14 =	sadd.s32 s19, s10;
	[smem:$0x783] =	sst s5;
	s5 =	simm.s32 @!p0 $0x0  }
0xad: {  	(v2sf) =	vpush v1, $0x6;
	s22 =	spop (v2sf);
	s5 =	simm.s32 @p0 $0x1;
	p0 =	slt.s32 s18, s16  }
0xae: {  	s23 =	sshll.u32 s14, $0x5;
	s22 =	sadd.s32 s22, s14;
	s2 =	simm.s32 @!p0 $0x0  }
0xaf: {  	s17 =	sld [smem:$0x780];
	s2 =	simm.s32 @p0 $0x1;
	p0 =	sgt.s32 s23, s15  }
0xb0: {  	s24 =	spop (v2sf);
	[smem:$0x786] =	sst s5;
	s5 =	simm.s32 @!p0 $0x0  }
0xb1: {  	s19 =	sld [smem:$0x781];
	s5 =	simm.s32 @p0 $0x1;
	p0 =	slt.s32 s23, s16  }
0xb2: {  	s25 =	sshll.u32 s22, $0x5;
	[smem:$0x785] =	sst s0;
	s0 =	simm.s32 @!p0 $0x0  }
0xb3: {  	[smem:$0x784] =	sst s11;
	s0 =	simm.s32 @p0 $0x1;
	p0 =	sgt.s32 s25, s15  }
0xb4: {  	p2 =	seq.s32 s17, $0x1;
	[smem:$0x787] =	sst s2;
	s2 =	simm.s32 @!p0 $0x0  }
0xb5: {  	s23 =	sadd.s32 s24, s22;
	s2 =	simm.s32 @p0 $0x1;
	p0 =	slt.s32 s25, s16  }
0xb6: {  	s26 =	sshll.u32 s23, $0x5;
	[smem:$0x789] =	sst s0;
	s0 =	simm.s32 @!p0 $0x0  }
0xb7: {  	(v2sf) =	vpush v1, $0x7;
	s17 =	sld [smem:$0x785];
	s0 =	simm.s32 @p0 $0x1;
	p0 =	sgt.s32 s26, s15  }
0xb8: {  	p6 =	sgt.s32 s12, s15;
	[smem:$0x78A] =	sst s2;
	s2 =	simm.s32 @!p0 $0x0  }
0xb9: {  	[smem:$0x788] =	sst s5;
	s2 =	simm.s32 @p0 $0x1;
	p0 =	slt.s32 s26, s16  }
0xba: {  	s5 =	spop (v2sf);
	[smem:$0x78B] =	sst s0;
	s0 =	simm.s32 @!p0 $0x0  }
0xbb: {  	s24 =	sadd.s32 s5, s23;
	s0 =	simm.s32 @p0 $0x1;
	p0 =	por !p5, !p5  }
0xbc: {  	s12 =	spop (v2sf);
	[smem:$0x78C] =	sst s2;
	s2 =	simm.s32 @!p0 $0x0  }
0xbd: {  	s5 =	sld [smem:$0x783];
	p5 =	seq.s32 s3, $0x0;
	s2 =	simm.s32 @p0 $0x1  }
0xbe: {  	s3 =	simm.s32 @p0 $0x1;
	[smem:$0x7A4] =	sst s2;
	s2 =	simm.s32 @!p1 $0x0  }
0xbf: {  	s11 =	sshll.u32 s24, $0x5;
	p0 =	seq.s32 s3, $0x0;
	s2 =	simm.s32 @p1 $0x1  }
0xc0: {  	s25 =	sadd.s32 s12, s24;
	[smem:$0x7A7] =	sst s2;
	s2 =	simm.s32 @!p0 $0x0  }
0xc1: {  	[smem:$0x78D] =	sst s0;
	s2 =	simm.s32 @p0 $0x1;
	p0 =	sgt.s32 s11, s15  }
0xc2: {  	s0 =	simm.s32 @!p5 $0x0;
	[smem:$0x7AB] =	sst s2;
	s2 =	simm.s32 @!p0 $0x0  }
0xc3: {  	s0 =	simm.s32 @p5 $0x1;
	s2 =	simm.s32 @p0 $0x1;
	p0 =	slt.s32 s11, s16  }
0xc4: {  	p5 =	por !p3, !p4;
	[smem:$0x7A9] =	sst s0;
	s0 =	simm.s32 @!p0 $0x0  }
0xc5: {  	s3 =	simm.s32 @p1 $0x1;
	p1 =	por !p5, !p5;
	s0 =	simm.s32 @p0 $0x1  }
0xc6: {  	s12 =	spop (v2sf);
	[smem:$0x78F] =	sst s0;
	s0 =	simm.s32 @!p1 $0x0  }
0xc7: {  	s26 =	sld [smem:$0x782];
	p0 =	seq.s32 s3, $0x0;
	s0 =	simm.s32 @p1 $0x1  }
0xc8: {  	s18 =	sshll.u32 s25, $0x5;
	[smem:$0x7AA] =	sst s0;
	s0 =	simm.s32 @!p0 $0x0  }
0xc9: {  	p5 =	seq.s32 s5, $0x1;
	s0 =	simm.s32 @p0 $0x1;
	p0 =	por !p6, !p2  }
0xca: {  	s5 =	sld [smem:$0x787];
	s3 =	simm.s32 @p1 $0x1;
	p1 =	por !p0, !p0  }
0xcb: {  	p3 =	seq.s32 s19, $0x1;
	[smem:$0x7AC] =	sst s0;
	s0 =	simm.s32 @!p1 $0x0  }
0xcc: {  	s11 =	sld [smem:$0x784];
	p0 =	seq.s32 s3, $0x0;
	s0 =	simm.s32 @p1 $0x1  }
0xcd: {  	p4 =	seq.s32 s26, $0x1;
	[smem:$0x7AD] =	sst s0;
	s0 =	simm.s32 @!p0 $0x0  }
0xce: {  	[smem:$0x78E] =	sst s2;
	s0 =	simm.s32 @p0 $0x1;
	p0 =	sgt.s32 s18, s15  }
0xcf: {  	p2 =	por !p4, !p3;
	p6 =	seq.s32 s11, $0x1;
	s2 =	simm.s32 @!p0 $0x0  }
0xd0: {  	p4 =	seq.s32 s17, $0x1;
	s2 =	simm.s32 @p0 $0x1;
	p0 =	slt.s32 s18, s16  }
0xd1: {  	p3 =	por !p2, !p2;
	[smem:$0x7AE] =	sst s0;
	s0 =	simm.s32 @!p0 $0x0  }
0xd2: {  	s3 =	simm.s32 @p1 $0x1;
	s18 =	sld [smem:$0x786];
	s0 =	simm.s32 @p0 $0x1  }
0xd3: {  	(v2sf) =	vpush v1, $0x8;
	p2 =	seq.s32 s3, $0x0;
	[smem:$0x791] =	sst s0;
	s0 =	simm.s32 @!p3 $0x0  }
0xd4: {  	p1 =	por !p6, !p5;
	[smem:$0x790] =	sst s2;
	s0 =	simm.s32 @p3 $0x1  }
0xd5: {  	s3 =	simm.s32 @p3 $0x1;
	[smem:$0x7AF] =	sst s0;
	s0 =	simm.s32 @!p2 $0x0  }
0xd6: {  	p0 =	por !p1, !p1;
	s0 =	simm.s32 @p2 $0x1;
	p2 =	seq.s32 s3, $0x0  }
0xd7: {  	p5 =	seq.s32 s18, $0x1;
	[smem:$0x7B0] =	sst s0;
	s0 =	simm.s32 @!p2 $0x0  }
0xd8: {  	s2 =	simm.s32 @!p0 $0x0;
	s0 =	simm.s32 @p2 $0x1;
	p2 =	por !p5, !p4  }
0xd9: {  	s2 =	simm.s32 @p0 $0x1;
	s3 =	simm.s32 @p0 $0x1;
	p0 =	por !p2, !p2  }
0xda: {  	s26 =	sadd.s32 s12, s25;
	[smem:$0x7B2] =	sst s2;
	s2 =	simm.s32 @!p0 $0x0  }
0xdb: {  	s11 =	sld [smem:$0x788];
	p2 =	seq.s32 s3, $0x0;
	s2 =	simm.s32 @p0 $0x1  }
0xdc: {  	s19 =	sshll.u32 s26, $0x5;
	[smem:$0x7B8] =	sst s2;
	s2 =	simm.s32 @!p2 $0x0  }
0xdd: {  	s2 =	simm.s32 @p2 $0x1;
	p2 =	slt.s32 s19, s16  }
0xde: {  	[smem:$0x7B3] =	sst s0;
	s0 =	simm.s32 @!p2 $0x0  }
0xdf: {  	p6 =	seq.s32 s5, $0x1;
	s0 =	simm.s32 @p2 $0x1;
	p2 =	seq.s32 s11, $0x1  }
0xe0: {  	s17 =	sld [smem:$0x789];
	p4 =	por !p6, !p2  }
0xe1: {  	s18 =	sld [smem:$0x78A];
	s3 =	simm.s32 @p0 $0x1;
	p0 =	por !p4, !p4  }
0xe2: {  	s12 =	spop (v2sf);
	[smem:$0x792] =	sst s0;
	s0 =	simm.s32 @!p0 $0x0  }
0xe3: {  	s5 =	sld [smem:$0x78B];
	p4 =	seq.s32 s3, $0x0;
	s0 =	simm.s32 @p0 $0x1  }
0xe4: {  	p5 =	seq.s32 s18, $0x1;
	[smem:$0x7BE] =	sst s0;
	s0 =	simm.s32 @!p4 $0x0  }
0xe5: {  	(v2sf) =	vpush v1, $0x9;
	s11 =	sld [smem:$0x78C];
	s0 =	simm.s32 @p4 $0x1;
	p4 =	seq.s32 s17, $0x1  }
0xe6: {  	s28 =	sadd.s32 s12, s26;
	s12 =	sld [smem:$0x78D];
	p4 =	por !p4, !p5  }
0xe7: {  	p6 =	seq.s32 s5, $0x1;
	s3 =	simm.s32 @p0 $0x1;
	p0 =	por !p4, !p4  }
0xe8: {  	(v2sf) =	vpush v1, $0xA;
	p2 =	seq.s32 s11, $0x1;
	[smem:$0x7BF] =	sst s0;
	s0 =	simm.s32 @!p0 $0x0  }
0xe9: {  	s17 =	sld [smem:$0x78E];
	p5 =	seq.s32 s3, $0x0;
	s0 =	simm.s32 @p0 $0x1  }
0xea: {  	(v2sf) =	vpush v1, $0xB;
	p4 =	por !p6, !p2;
	[smem:$0x7C2] =	sst s0;
	s0 =	simm.s32 @!p5 $0x0  }
0xeb: {  	s3 =	simm.s32 @p0 $0x1;
	p0 =	por !p4, !p4;
	s0 =	simm.s32 @p5 $0x1  }
0xec: {  	[smem:$0x7C3] =	sst s0;
	s0 =	simm.s32 @!p0 $0x0  }
0xed: {  	p6 =	seq.s32 s3, $0x0;
	s0 =	simm.s32 @p0 $0x1  }
0xee: {  	[smem:$0x7C7] =	sst s0;
	s0 =	simm.s32 @!p6 $0x0  }
0xef: {  	p2 =	seq.s32 s17, $0x1;
	s0 =	simm.s32 @p6 $0x1;
	p6 =	seq.s32 s12, $0x1  }
0xf0: {  	p1 =	sgt.s32 s19, s15;
	p6 =	por !p6, !p2  }
0xf1: {  	s19 =	sshll.u32 s28, $0x5;
	[smem:$0x7B9] =	sst s2;
	p4 =	por !p6, !p6  }
0xf2: {  	p3 =	slt.s32 s19, s16;
	s11 =	sld [smem:$0x791];
	s2 =	simm.s32 @!p4 $0x0  }
0xf3: {  	p5 =	sgt.s32 s19, s15;
	s19 =	sld [smem:$0x78F];
	s2 =	simm.s32 @p4 $0x1  }
0xf4: {  	s18 =	spop (v2sf);
	[smem:$0x7CD] =	sst s2  }
0xf5: {  	s29 =	sadd.s32 s18, s28;
	s3 =	simm.s32 @p0 $0x1;
	s2 =	sld [smem:$0x790]  }
0xf6: {  	s5 =	sshll.u32 s29, $0x5;
	s17 =	sld [smem:$0x792];
	p0 =	seq.s32 s3, $0x0  }
0xf7: {  	(v2sf) =	vpush v1, $0xC;
	s12 =	spop (v2sf);
	[smem:$0x7C8] =	sst s0;
	s0 =	simm.s32 @!p0 $0x0  }
0xf8: {  	p2 =	seq.s32 s19, $0x1;
	s31 =	sadd.s32 s12, s29;
	p6 =	seq.s32 s2, $0x1  }
0xf9: {  	s19 =	spop (v2sf);
	s0 =	simm.s32 @p0 $0x1;
	p0 =	por !p2, !p6  }
0xfa: {  	s3 =	simm.s32 @p4 $0x1;
	p2 =	seq.s32 s11, $0x1;
	p0 =	por !p0, !p0  }
0xfb: {  	p4 =	seq.s32 s3, $0x0;
	p1 =	por !p2, !p1;
	s2 =	simm.s32 @!p0 $0x0  }
0xfc: {  	s3 =	simm.s32 @p0 $0x1;
	s2 =	simm.s32 @p0 $0x1;
	p0 =	por !p1, !p1  }
0xfd: {  	s18 =	sshll.u32 s31, $0x5;
	[smem:$0x7CE] =	sst s0;
	s0 =	simm.s32 @!p0 $0x0  }
0xfe: {  	p6 =	sgt.s32 s5, s15;
	p1 =	seq.s32 s3, $0x0;
	s0 =	simm.s32 @p0 $0x1  }
0xff: {  	p2 =	seq.s32 s17, $0x1;
	[smem:$0x7D9] =	sst s0;
	s0 =	simm.s32 @!p1 $0x0  }
0x100: {  	s17 =	sld [smem:$0x793];
	s0 =	simm.s32 @p1 $0x1;
	p1 =	por !p2, !p5  }
0x101: {  	[smem:$0x7D3] =	sst s2;
	s2 =	simm.s32 @!p4 $0x0;
	p2 =	por !p1, !p1  }
0x102: {  	s3 =	simm.s32 @p0 $0x1;
	[smem:$0x7DA] =	sst s0;
	s0 =	simm.s32 @!p2 $0x0  }
0x103: {  	s2 =	simm.s32 @p4 $0x1;
	p0 =	seq.s32 s3, $0x0;
	s0 =	simm.s32 @p2 $0x1  }
0x104: {  	p4 =	slt.s32 s5, s16;
	[smem:$0x7E0] =	sst s0;
	s0 =	simm.s32 @!p0 $0x0  }
0x105: {  	s0 =	simm.s32 @p0 $0x1;
	p0 =	por !p3, !p6;
	p3 =	slt.s32 s18, s16  }
0x106: {  	s5 =	spop (v2sf);
	[smem:$0x7DF] =	sst s0;
	s0 =	simm.s32 @!p3 $0x0  }
0x107: {  	[smem:$0x7D4] =	sst s2;
	p1 =	por !p0, !p0;
	s0 =	simm.s32 @p3 $0x1  }
0x108: {  	s3 =	simm.s32 @p2 $0x1;
	[smem:$0x7EC] =	sst s0;
	s0 =	simm.s32 @!p1 $0x0  }
0x109: {  	(v2sf) =	vpush v1, $0xD;
	p5 =	sgt.s32 s18, s15;
	p0 =	seq.s32 s3, $0x0;
	s0 =	simm.s32 @p1 $0x1  }
0x10a: {  	p6 =	por !p4, !p5;
	[smem:$0x7E4] =	sst s0;
	s0 =	simm.s32 @!p0 $0x0  }
0x10b: {  	s3 =	simm.s32 @p1 $0x1;
	s0 =	simm.s32 @p0 $0x1;
	p0 =	por !p6, !p6  }
0x10c: {  	(v2sf) =	vpush v1, $0xE;
	p1 =	seq.s32 s3, $0x0;
	[smem:$0x7E5] =	sst s0;
	s2 =	simm.s32 @!p0 $0x0  }
0x10d: {  	s0 =	sadd.s32 s19, s31;
	s3 =	simm.s32 @p0 $0x1;
	s19 =	sld [smem:$0x794]  }
0x10e: {  	s2 =	simm.s32 @p0 $0x1;
	s11 =	sshll.u32 s0, $0x5;
	p0 =	seq.s32 s3, $0x0  }
0x10f: {  	(v2sf) =	vpush v1, $0xF;
	[smem:$0x7E9] =	sst s2;
	s2 =	simm.s32 @!p1 $0x0;
	s3 =	simm.s32 @!p0 $0x0  }
0x110: {  	s2 =	simm.s32 @p1 $0x1;
	s3 =	simm.s32 @p0 $0x1;
	p0 =	sgt.s32 s11, s15  }
0x111: {  	s12 =	sadd.s32 s5, s0;
	[smem:$0x7EA] =	sst s2;
	s2 =	simm.s32 @!p0 $0x0  }
0x112: {  	s18 =	sshll.u32 s12, $0x5;
	s2 =	simm.s32 @p0 $0x1;
	p0 =	slt.s32 s11, s16  }
0x113: {  	p1 =	seq.s32 s17, $0x1;
	[smem:$0x7ED] =	sst s2;
	s2 =	simm.s32 @!p0 $0x0  }
0x114: {  	s17 =	sld [smem:$0x796];
	s2 =	simm.s32 @p0 $0x1;
	p0 =	sgt.s32 s18, s15  }
0x115: {  	p2 =	seq.s32 s19, $0x1;
	[smem:$0x7F3] =	sst s3;
	s3 =	simm.s32 @!p0 $0x0  }
0x116: {  	s11 =	sld [smem:$0x795];
	s3 =	simm.s32 @p0 $0x1;
	p0 =	slt.s32 s18, s16  }
0x117: {  	s21 =	simm.s32 @p1 $0x2;
	[smem:$0x7EF] =	sst s2;
	s2 =	simm.s32 @!p0 $0x0  }
0x118: {  	s5 =	spop (v2sf);
	s21 =	simm.s32 @p2 $0x3;
	s2 =	simm.s32 @p0 $0x1  }
0x119: {  	p3 =	seq.s32 s11, $0x1;
	[smem:$0x7F4] =	sst s2;
	s2 =	sadd.s32 s5, s12  }
0x11a: {  	p4 =	seq.s32 s17, $0x1;
	s21 =	simm.s32 @p3 $0x4;
	s19 =	sshll.u32 s2, $0x5  }
0x11b: {  	s18 =	spop (v2sf);
	[smem:$0x7F0] =	sst s3;
	p0 =	sgt.s32 s19, s15  }
0x11c: {  	s21 =	simm.s32 @p4 $0x5;
	s11 =	sadd.s32 s18, s2;
	s3 =	simm.s32 @!p0 $0x0  }
0x11d: {  	s18 =	sld [smem:$0x7A0];
	s3 =	simm.s32 @p0 $0x1;
	p0 =	slt.s32 s19, s16  }
0x11e: {  	s17 =	spop (v2sf);
	s19 =	sld [smem:$0x797];
	s5 =	simm.s32 @!p0 $0x0  }
0x11f: {  	[smem:$0x7F5] =	sst s3;
	s3 =	sadd.s32 s17, s11;
	s5 =	simm.s32 @p0 $0x1  }
0x120: {  	p0 =	seq.s32 s18, $0x1;
	s3 =	sshll.u32 s3, $0x5;
	s18 =	sld [smem:$0x798]  }
0x121: {  	[smem:$0x7F8] =	sst s5;
	s21 =	simm.s32 @p0 $0x6;
	p0 =	sgt.s32 s3, s15  }
0x122: {  	p6 =	seq.s32 s19, $0x1;
	s19 =	sld [smem:$0x799];
	s3 =	simm.s32 @!p0 $0x0  }
0x123: {  	s17 =	sshll.u32 s11, $0x5;
	s5 =	sld [smem:$0x79A];
	s3 =	simm.s32 @p0 $0x1  }
0x124: {  	p5 =	seq.s32 s18, $0x1;
	p0 =	sgt.s32 s17, s15;
	s18 =	sld [smem:$0x79C]  }
0x125: {  	[smem:$0x7FC] =	sst s3;
	s3 =	simm.s32 @!p0 $0x0  }
0x126: {  	s3 =	simm.s32 @p0 $0x1;
	p0 =	slt.s32 s17, s16;
	s17 =	sld [smem:$0x79B]  }
0x127: {  	[smem:$0x7F9] =	sst s3;
	s3 =	simm.s32 @!p0 $0x0  }
0x128: {  	s3 =	simm.s32 @p0 $0x1;
	p0 =	seq.s32 s19, $0x1;
	s19 =	sld [smem:$0x79D]  }
0x129: {  	[smem:$0x7FD] =	sst s3;
	p0 =	por !p1, !p0;
	p1 =	seq.s32 s17, $0x1  }
0x12a: {  	s17 =	sld [smem:$0x79F];
	s3 =	simm.s32 @!p0 $0x0;
	p1 =	por !p2, !p1  }
0x12b: {  	s3 =	simm.s32 @p0 $0x1;
	p0 =	seq.s32 s5, $0x1;
	s5 =	sld [smem:$0x79E]  }
0x12c: {  	p2 =	seq.s32 s19, $0x1;
	[smem:$0x7B1] =	sst s3;
	s3 =	simm.s32 @!p1 $0x0  }
0x12d: {  	s19 =	sld [smem:$0x7A1];
	s3 =	simm.s32 @p1 $0x1;
	p1 =	seq.s32 s18, $0x1  }
0x12e: {  	s18 =	sld [smem:$0x7A0];
	p1 =	por !p3, !p1  }
0x12f: {  	[smem:$0x7B5] =	sst s3;
	p3 =	seq.s32 s17, $0x1;
	s3 =	simm.s32 @!p1 $0x0  }
0x130: {  	s17 =	sld [smem:$0x7A3];
	s3 =	simm.s32 @p1 $0x1;
	p1 =	seq.s32 s5, $0x1  }
0x131: {  	s21 =	simm.s32 @p6 $0x7;
	s5 =	sld [smem:$0x7A2];
	p1 =	por !p4, !p1  }
0x132: {  	s21 =	simm.s32 @p5 $0x8;
	[smem:$0x7B7] =	sst s3;
	s3 =	simm.s32 @!p1 $0x0  }
0x133: {  	s3 =	simm.s32 @p1 $0x1;
	p1 =	seq.s32 s18, $0x1;
	s18 =	sld [smem:$0x7A4]  }
0x134: {  	s21 =	simm.s32 @p0 $0x9;
	[smem:$0x7BB] =	sst s3;
	p1 =	por !p1, !p3  }
0x135: {  	p3 =	seq.s32 s5, $0x1;
	s5 =	sld [smem:$0x7A6];
	s3 =	simm.s32 @!p1 $0x0  }
0x136: {  	p4 =	por !p6, !p3;
	p3 =	seq.s32 s17, $0x1;
	s17 =	sld [smem:$0x7A7]  }
0x137: {  	s3 =	simm.s32 @p1 $0x1;
	p1 =	seq.s32 s19, $0x1;
	s19 =	sld [smem:$0x7A5]  }
0x138: {  	p6 =	por !p5, !p3;
	p5 =	seq.s32 s18, $0x1;
	s18 =	sld [smem:$0x7A8]  }
0x139: {  	s21 =	simm.s32 @p2 $0xA;
	[smem:$0x7BD] =	sst s3  }
0x13a: {  	s21 =	simm.s32 @p1 $0xB;
	p3 =	seq.s32 s19, $0x1;
	s19 =	sld [smem:$0x7A9]  }
0x13b: {  	p0 =	por !p0, !p3;
	p3 =	seq.s32 s5, $0x1;
	s5 =	sld [smem:$0x7AA]  }
0x13c: {  	s3 =	simm.s32 @!p0 $0x0;
	p3 =	por !p2, !p3;
	p2 =	seq.s32 s17, $0x1  }
0x13d: {  	s17 =	sld [smem:$0x7AB];
	s3 =	simm.s32 @p0 $0x1;
	p0 =	seq.s32 s18, $0x1  }
0x13e: {  	s21 =	simm.s32 @p5 $0xC;
	s18 =	sld [smem:$0x7AC];
	p0 =	por !p1, !p0  }
0x13f: {  	s21 =	simm.s32 @p2 $0xD;
	[smem:$0x7C5] =	sst s3;
	s3 =	simm.s32 @!p0 $0x0  }
0x140: {  	p1 =	seq.s32 s19, $0x1;
	s19 =	sld [smem:$0x7AD];
	s3 =	simm.s32 @p0 $0x1  }
0x141: {  	p0 =	por !p5, !p1;
	p1 =	seq.s32 s5, $0x1;
	s5 =	sld [smem:$0x7AE]  }
0x142: {  	p5 =	seq.s32 s17, $0x1;
	[smem:$0x7CA] =	sst s3;
	s3 =	simm.s32 @!p0 $0x0  }
0x143: {  	s17 =	sld [smem:$0x7AF];
	s21 =	simm.s32 @p1 $0xE;
	s3 =	simm.s32 @p0 $0x1  }
0x144: {  	p0 =	por !p2, !p5;
	p5 =	seq.s32 s18, $0x1;
	s18 =	sld [smem:$0x7B0]  }
0x145: {  	[smem:$0x7CC] =	sst s3;
	s3 =	simm.s32 @!p0 $0x0;
	p2 =	seq.s32 s5, $0x1  }
0x146: {  	s5 =	sld [smem:$0x7B2];
	s3 =	simm.s32 @p0 $0x1;
	p0 =	por !p1, !p5  }
0x147: {  	[smem:$0x7D0] =	sst s3;
	s3 =	simm.s32 @!p0 $0x0;
	p5 =	seq.s32 s18, $0x1  }
0x148: {  	s18 =	sld [smem:$0x7B5];
	s3 =	simm.s32 @p0 $0x1;
	p0 =	seq.s32 s19, $0x1  }
0x149: {  	s19 =	sld [smem:$0x7B1];
	s21 =	simm.s32 @p0 $0xF;
	p0 =	por !p0, !p2  }
0x14a: {  	[smem:$0x7D2] =	sst s3;
	s3 =	simm.s32 @!p0 $0x0  }
0x14b: {  	s3 =	simm.s32 @p0 $0x1;
	p0 =	seq.s32 s17, $0x1;
	s17 =	sld [smem:$0x7B3]  }
0x14c: {  	p2 =	seq.s32 s19, $0x1;
	s19 =	sld [smem:$0x7B7]  }
0x14d: {  	[smem:$0x7D6] =	sst s3;
	p1 =	por !p0, !p5  }
0x14e: {  	s21 =	simm.s32 @p0 $0x10;
	p0 =	por !p2, !p2;
	s3 =	simm.s32 @!p1 $0x0  }
0x14f: {  	s3 =	simm.s32 @p1 $0x1;
	p1 =	seq.s32 s5, $0x1;
	p5 =	seq.s32 s17, $0x1  }
0x150: {  	s5 =	simm.s32 $0x1;
	s17 =	sld [smem:$0x7B8];
	p2 =	por !p1, !p5  }
0x151: {  	s21 =	simm.s32 @p1 $0x11;
	p1 =	seq.s32 s18, $0x1;
	s18 =	sld [smem:$0x7B9]  }
0x152: {  	[smem:$0x7D8] =	sst s3;
	s5 =	simm.s32 @!p0 $0x0;
	s3 =	simm.s32 @!p2 $0x0  }
0x153: {  	s3 =	simm.s32 @p2 $0x1;
	p2 =	seq.s32 s19, $0x1;
	s19 =	sld [smem:$0x7BB]  }
0x154: {  	[smem:$0x7DC] =	sst s3;
	s3 =	simm.s32 @!p0 $0x0;
	p5 =	seq.s32 s18, $0x1  }
0x155: {  	s18 =	sld [smem:$0x7BE];
	s3 =	simm.s32 @p0 $0x1;
	p0 =	por !p1, !p1  }
0x156: {  	[smem:$0x7B4] =	sst s3;
	s3 =	simm.s32 @!p0 $0x0  }
0x157: {  	s5 =	simm.s32 @p0 $0x2;
	s3 =	simm.s32 @p0 $0x1;
	p0 =	seq.s32 s17, $0x1  }
0x158: {  	s17 =	sld [smem:$0x7BD];
	p1 =	por !p0, !p5  }
0x159: {  	p2 =	por !p2, !p2;
	[smem:$0x7B6] =	sst s3;
	s3 =	simm.s32 @!p1 $0x0  }
0x15a: {  	s3 =	simm.s32 @p1 $0x1;
	p1 =	seq.s32 s19, $0x1;
	s19 =	sld [smem:$0x7BF]  }
0x15b: {  	s5 =	simm.s32 @p2 $0x3;
	[smem:$0x7DE] =	sst s3;
	s3 =	simm.s32 @!p2 $0x0  }
0x15c: {  	s21 =	simm.s32 @p0 $0x12;
	p0 =	por !p1, !p1;
	s3 =	simm.s32 @p2 $0x1  }
0x15d: {  	s5 =	simm.s32 @p0 $0x4;
	p2 =	seq.s32 s17, $0x1;
	s17 =	sld [smem:$0x7C2]  }
0x15e: {  	[smem:$0x7BA] =	sst s3;
	s3 =	simm.s32 @!p0 $0x0;
	p5 =	seq.s32 s19, $0x1  }
0x15f: {  	s19 =	sld [smem:$0x7C5];
	s3 =	simm.s32 @p0 $0x1;
	p0 =	seq.s32 s18, $0x1  }
0x160: {  	s18 =	sld [smem:$0x7C3];
	p1 =	por !p0, !p5  }
0x161: {  	p2 =	por !p2, !p2;
	[smem:$0x7BC] =	sst s3;
	s3 =	simm.s32 @!p1 $0x0  }
0x162: {  	s5 =	simm.s32 @p2 $0x5;
	s21 =	simm.s32 @p0 $0x13;
	s3 =	simm.s32 @p1 $0x1  }
0x163: {  	p0 =	por !p4, !p4;
	[smem:$0x7E2] =	sst s3;
	s3 =	simm.s32 @!p2 $0x0  }
0x164: {  	p5 =	seq.s32 s18, $0x1;
	s18 =	sld [smem:$0x7C8];
	s3 =	simm.s32 @p2 $0x1  }
0x165: {  	p2 =	por !p6, !p6;
	p6 =	seq.s32 s19, $0x1;
	s19 =	sld [smem:$0x7CA]  }
0x166: {  	s5 =	simm.s32 @p0 $0x6;
	[smem:$0x7C0] =	sst s3  }
0x167: {  	s3 =	simm.s32 @!p0 $0x0;
	p1 =	seq.s32 s18, $0x1;
	s18 =	sld [smem:$0x7CD]  }
0x168: {  	s3 =	simm.s32 @p0 $0x1;
	p0 =	seq.s32 s17, $0x1;
	s17 =	sld [smem:$0x7C7]  }
0x169: {  	s5 =	simm.s32 @p2 $0x7;
	[smem:$0x7C1] =	sst s3;
	p5 =	por !p0, !p5  }
0x16a: {  	s21 =	simm.s32 @p0 $0x14;
	s3 =	simm.s32 @!p2 $0x0;
	p0 =	por !p6, !p6  }
0x16b: {  	p4 =	seq.s32 s19, $0x1;
	s19 =	sld [smem:$0x7CE];
	s3 =	simm.s32 @p2 $0x1  }
0x16c: {  	p3 =	por !p3, !p3;
	s5 =	simm.s32 @p0 $0x8;
	[smem:$0x7C4] =	sst s3  }
0x16d: {  	s3 =	simm.s32 @!p0 $0x0;
	p2 =	seq.s32 s17, $0x1;
	s5 =	simm.s32 @p3 $0x9  }
0x16e: {  	s17 =	sld [smem:$0x7CC];
	s3 =	simm.s32 @p0 $0x1;
	p0 =	por !p2, !p1  }
0x16f: {  	s21 =	simm.s32 @p2 $0x15;
	[smem:$0x7C6] =	sst s3;
	s3 =	simm.s32 @!p0 $0x0  }
0x170: {  	p1 =	seq.s32 s19, $0x1;
	s19 =	sld [smem:$0x7D3];
	s3 =	simm.s32 @p0 $0x1  }
0x171: {  	p0 =	por !p4, !p4;
	p6 =	seq.s32 s17, $0x1;
	s17 =	sld [smem:$0x7D0]  }
0x172: {  	[smem:$0x7E7] =	sst s3;
	s3 =	simm.s32 @!p3 $0x0;
	s5 =	simm.s32 @p0 $0xA  }
0x173: {  	s3 =	simm.s32 @p3 $0x1;
	p3 =	seq.s32 s18, $0x1;
	s18 =	sld [smem:$0x7D2]  }
0x174: {  	[smem:$0x7C9] =	sst s3;
	s3 =	simm.s32 @!p0 $0x0;
	p4 =	seq.s32 s17, $0x1  }
0x175: {  	s17 =	sld [smem:$0x7D4];
	s3 =	simm.s32 @p0 $0x1;
	p0 =	por !p6, !p6  }
0x176: {  	[smem:$0x7CB] =	sst s3;
	s3 =	simm.s32 @!p0 $0x0;
	s5 =	simm.s32 @p0 $0xB  }
0x177: {  	p6 =	seq.s32 s18, $0x1;
	s18 =	sld [smem:$0x7D6];
	s3 =	simm.s32 @p0 $0x1  }
0x178: {  	p0 =	por !p4, !p4;
	p4 =	seq.s32 s19, $0x1;
	s19 =	sld [smem:$0x7D8]  }
0x179: {  	p2 =	por !p3, !p1;
	p1 =	seq.s32 s17, $0x1;
	s17 =	sld [smem:$0x7D9]  }
0x17a: {  	s21 =	simm.s32 @p3 $0x16;
	[smem:$0x7CF] =	sst s3  }
0x17b: {  	s3 =	simm.s32 @!p0 $0x0;
	p3 =	por !p4, !p1;
	s21 =	simm.s32 @p4 $0x17  }
0x17c: {  	s3 =	simm.s32 @p0 $0x1;
	p4 =	seq.s32 s18, $0x1;
	s18 =	sld [smem:$0x7DA]  }
0x17d: {  	s5 =	simm.s32 @p0 $0xC;
	p0 =	por !p6, !p6;
	[smem:$0x7D1] =	sst s3  }
0x17e: {  	s3 =	simm.s32 @!p0 $0x0;
	s5 =	simm.s32 @p0 $0xD;
	p6 =	seq.s32 s19, $0x1  }
0x17f: {  	s19 =	sld [smem:$0x7DC];
	s3 =	simm.s32 @p0 $0x1;
	p0 =	por !p4, !p4  }
0x180: {  	[smem:$0x7D5] =	sst s3;
	s3 =	simm.s32 @!p0 $0x0;
	s5 =	simm.s32 @p0 $0xE  }
0x181: {  	p1 =	seq.s32 s18, $0x1;
	s18 =	sld [smem:$0x7DF];
	s3 =	simm.s32 @p0 $0x1  }
0x182: {  	p0 =	por !p6, !p6;
	p6 =	seq.s32 s17, $0x1;
	s17 =	sld [smem:$0x7DE]  }
0x183: {  	[smem:$0x7D7] =	sst s3;
	p4 =	por !p6, !p1  }
0x184: {  	s3 =	simm.s32 @!p0 $0x0;
	s5 =	simm.s32 @p0 $0xF;
	p1 =	seq.s32 s19, $0x1  }
0x185: {  	s19 =	sld [smem:$0x7E0];
	s3 =	simm.s32 @p0 $0x1;
	p0 =	por !p1, !p1  }
0x186: {  	s21 =	simm.s32 @p6 $0x18;
	[smem:$0x7DB] =	sst s3;
	s3 =	simm.s32 @!p0 $0x0  }
0x187: {  	s5 =	simm.s32 @p0 $0x10;
	p6 =	seq.s32 s17, $0x1;
	s17 =	sld [smem:$0x7E2]  }
0x188: {  	p1 =	por !p6, !p6;
	p6 =	seq.s32 s18, $0x1;
	s18 =	sld [smem:$0x7E4]  }
0x189: {  	s3 =	simm.s32 @p0 $0x1;
	p0 =	seq.s32 s19, $0x1;
	s19 =	sld [smem:$0x7E5]  }
0x18a: {  	[smem:$0x7DD] =	sst s3;
	p6 =	por !p0, !p6;
	s3 =	simm.s32 @!p1 $0x0  }
0x18b: {  	s5 =	simm.s32 @p1 $0x11;
	s3 =	simm.s32 @p1 $0x1;
	p1 =	seq.s32 s17, $0x1  }
0x18c: {  	s21 =	simm.s32 @p0 $0x19;
	s17 =	sld [smem:$0x7E7];
	p0 =	por !p1, !p1  }
0x18d: {  	[smem:$0x7E1] =	sst s3;
	p1 =	seq.s32 s19, $0x1;
	s3 =	simm.s32 @!p0 $0x0  }
0x18e: {  	s19 =	sld [smem:$0x7EA];
	s5 =	simm.s32 @p0 $0x12;
	s3 =	simm.s32 @p0 $0x1  }
0x18f: {  	p0 =	por !p5, !p5;
	p5 =	seq.s32 s18, $0x1;
	s18 =	sld [smem:$0x7E9]  }
0x190: {  	[smem:$0x7E3] =	sst s3  }
0x191: {  	p1 =	por !p5, !p1;
	s21 =	simm.s32 @p5 $0x1A;
	s3 =	simm.s32 @!p0 $0x0  }
0x192: {  	s5 =	simm.s32 @p0 $0x13;
	p5 =	seq.s32 s17, $0x1;
	s17 =	sld [smem:$0x7EC]  }
0x193: {  	s3 =	simm.s32 @p0 $0x1;
	p0 =	por !p5, !p5;
	p5 =	por !p2, !p2  }
0x194: {  	[smem:$0x7E6] =	sst s3;
	s3 =	simm.s32 @!p0 $0x0;
	s5 =	simm.s32 @p0 $0x14  }
0x195: {  	p2 =	seq.s32 s18, $0x1;
	s3 =	simm.s32 @p0 $0x1;
	p0 =	seq.s32 s19, $0x1  }
0x196: {  	s18 =	sld [smem:$0x7ED];
	p0 =	por !p2, !p0  }
0x197: {  	[smem:$0x7E8] =	sst s3;
	s3 =	simm.s32 @!p0 $0x0  }
0x198: {  	s19 =	sld [smem:$0x7EF];
	s3 =	simm.s32 @p0 $0x1  }
0x199: {  	s5 =	simm.s32 @p5 $0x15;
	[smem:$0x7F7] =	sst s3;
	s3 =	simm.s32 @!p5 $0x0  }
0x19a: {  	p0 =	seq.s32 s18, $0x1;
	s18 =	sld [smem:$0x7F3];
	s3 =	simm.s32 @p5 $0x1  }
0x19b: {  	p5 =	por !p3, !p3;
	p3 =	seq.s32 s17, $0x1;
	s17 =	sld [smem:$0x7F0]  }
0x19c: {  	s21 =	simm.s32 @p2 $0x1B;
	[smem:$0x7EB] =	sst s3;
	s3 =	simm.s32 @!p5 $0x0  }
0x19d: {  	p2 =	por !p3, !p0;
	s5 =	simm.s32 @p5 $0x16;
	s3 =	simm.s32 @p5 $0x1  }
0x19e: {  	p5 =	por !p4, !p4;
	p4 =	seq.s32 s19, $0x1;
	s19 =	sld [smem:$0x7F4]  }
0x19f: {  	p2 =	por !p2, !p2;
	[smem:$0x7EE] =	sst s3;
	p0 =	seq.s32 s17, $0x1  }
0x1a0: {  	s3 =	simm.s32 @!p5 $0x0;
	s5 =	simm.s32 @p5 $0x17;
	s21 =	simm.s32 @p2 $0x1C  }
0x1a1: {  	s17 =	sld [smem:$0x7F5];
	p3 =	por !p4, !p0;
	s3 =	simm.s32 @p5 $0x1  }
0x1a2: {  	p4 =	por !p6, !p6;
	p6 =	seq.s32 s18, $0x1;
	s18 =	sld [smem:$0x7F7]  }
0x1a3: {  	p0 =	por !p1, !p1;
	[smem:$0x7F1] =	sst s3;
	s3 =	simm.s32 @!p4 $0x0  }
0x1a4: {  	s5 =	simm.s32 @p4 $0x18;
	p5 =	por !p2, !p6;
	p2 =	por !p2, !p2  }
0x1a5: {  	s3 =	simm.s32 @p4 $0x1;
	p4 =	seq.s32 s19, $0x1;
	s19 =	sld [smem:$0x7F8]  }
0x1a6: {  	p2 =	por !p2, !p6;
	p6 =	seq.s32 s17, $0x1;
	s17 =	sld [smem:$0x7F9]  }
0x1a7: {  	s5 =	simm.s32 @p0 $0x19;
	[smem:$0x7F2] =	sst s3;
	p6 =	por !p4, !p6  }
0x1a8: {  	s3 =	simm.s32 @!p0 $0x0;
	p4 =	seq.s32 s18, $0x1;
	p2 =	por !p2, !p2  }
0x1a9: {  	s18 =	sld [smem:$0x7FC];
	s3 =	simm.s32 @p0 $0x1;
	p0 =	por !p3, !p3  }
0x1aa: {  	p4 =	por !p4, !p4;
	[smem:$0x7F6] =	sst s3;
	s21 =	simm.s32 @p0 $0x1D  }
0x1ab: {  	p1 =	por !p0, !p2;
	p0 =	por !p0, !p0;
	p3 =	seq.s32 s17, $0x1  }
0x1ac: {  	s3 =	simm.s32 @!p4 $0x0;
	s5 =	simm.s32 @p4 $0x1A;
	p2 =	por !p0, !p2  }
0x1ad: {  	p0 =	seq.s32 s19, $0x1;
	s3 =	simm.s32 @p4 $0x1;
	s19 =	sld [smem:$0x7FD]  }
0x1ae: {  	p3 =	por !p0, !p3;
	p0 =	por !p5, !p5;
	p5 =	por !p6, !p6  }
0x1af: {  	[smem:$0x7FA] =	sst s3;
	p2 =	por !p2, !p2;
	s21 =	simm.s32 @p5 $0x1E  }
0x1b0: {  	p6 =	por !p5, !p2;
	p5 =	por !p5, !p5;
	s3 =	simm.s32 @!p0 $0x0  }
0x1b1: {  	s5 =	simm.s32 @p0 $0x1B;
	p2 =	por !p5, !p2;
	s3 =	simm.s32 @p0 $0x1  }
0x1b2: {  	p5 =	por !p1, !p1;
	p1 =	seq.s32 s18, $0x1;
	p4 =	seq.s32 s19, $0x1  }
0x1b3: {  	p1 =	por !p4, !p1;
	s5 =	simm.s32 @p5 $0x1C;
	p0 =	por !p2, !p2  }
0x1b4: {  	p2 =	por !p6, !p6;
	p6 =	por !p3, !p3;
	p3 =	por !p3, !p0  }
0x1b5: {  	p4 =	por !p6, !p0;
	p1 =	por !p1, !p1;
	p0 =	por !p3, !p3  }
0x1b6: {  	s5 =	simm.s32 @p2 $0x1D;
	p3 =	por !p4, !p4;
	p0 =	por !p1, !p0  }
0x1b7: {  	s21 =	simm.s32 @p6 $0x1F;
	s5 =	simm.s32 @p3 $0x1E;
	p6 =	por !p0, !p0  }
0x1b8: {  	s21 =	simm.s32 @p1 $0x20;
	s5 =	simm.s32 @p6 $0x1F  }
0x1b9: {  	p0 =	sle.u32 s21, s5  }
.Ltmp2:
0x1ba: {  	_ = 	snop;
	(pc) =	sbr.rel @p0 .LBB2_4-.Ltmp2, $3  }
0x1bb: {  	_ =	sdelay $0x1  }
0x1bc: {  	s30 =	simm.s32 $0x0;
	s17 =	simm.s32 $0x0;
	s18 =	simm.s32 $0x0  }
0x1bd: {  	s19 =	simm.s32 $0x0;
	[smem:$0x7FB] =	sst s3;
	s3 =	simm.s32 $0x0  }
0x1be: {  	s3 =	sld [smem:$0x7B4]  }
0x1bf: {  	s17 =	sld [smem:$0x7B6]  }
0x1c0: {  	s18 =	sld [smem:$0x7BA]  }
0x1c1: {  	s19 =	sld [smem:$0x7BC];
	p0 =	seq.s32 s3, $0x1  }
0x1c2: {  	s3 =	rddreg [dreg:$0x9];
	s20 =	simm.s32 @!p0 $0x0;
	p0 =	seq.s32 s17, $0x1  }
0x1c3: {  	s20 =	smov.u32 @p0 s3;
	s3 =	rddreg [dreg:$0xa]  }
0x1c4: {  	p0 =	seq.s32 s18, $0x1;
	s18 =	sld [smem:$0x7C0]  }
0x1c5: {  	s20 =	smov.u32 @p0 s3;
	s3 =	rddreg [dreg:$0xb]  }
0x1c6: {  	p0 =	seq.s32 s19, $0x1;
	s19 =	sld [smem:$0x7C1]  }
0x1c7: {  	s20 =	smov.u32 @p0 s3;
	s3 =	rddreg [dreg:$0xc]  }
0x1c8: {  	p0 =	seq.s32 s18, $0x1;
	s18 =	sld [smem:$0x7C4]  }
0x1c9: {  	s20 =	smov.u32 @p0 s3;
	s3 =	rddreg [dreg:$0xd]  }
0x1ca: {  	p0 =	seq.s32 s19, $0x1;
	s19 =	sld [smem:$0x7C6]  }
0x1cb: {  	s20 =	smov.u32 @p0 s3;
	s3 =	rddreg [dreg:$0xe]  }
0x1cc: {  	p0 =	seq.s32 s18, $0x1;
	s18 =	sld [smem:$0x7C9]  }
0x1cd: {  	s20 =	smov.u32 @p0 s3;
	s3 =	rddreg [dreg:$0xf]  }
0x1ce: {  	p0 =	seq.s32 s19, $0x1;
	s19 =	sld [smem:$0x7CB]  }
0x1cf: {  	s20 =	smov.u32 @p0 s3;
	s3 =	rddreg [dreg:$0x10]  }
0x1d0: {  	p0 =	seq.s32 s18, $0x1;
	s18 =	sld [smem:$0x7CF]  }
0x1d1: {  	s20 =	smov.u32 @p0 s3;
	s3 =	rddreg [dreg:$0x11]  }
0x1d2: {  	p0 =	seq.s32 s19, $0x1;
	s19 =	sld [smem:$0x7D1]  }
0x1d3: {  	s20 =	smov.u32 @p0 s3;
	s3 =	rddreg [dreg:$0x12]  }
0x1d4: {  	p0 =	seq.s32 s18, $0x1;
	s18 =	sld [smem:$0x7D5]  }
0x1d5: {  	s20 =	smov.u32 @p0 s3;
	s3 =	rddreg [dreg:$0x13]  }
0x1d6: {  	p0 =	seq.s32 s19, $0x1;
	s19 =	sld [smem:$0x7D7]  }
0x1d7: {  	s20 =	smov.u32 @p0 s3;
	s3 =	rddreg [dreg:$0x14]  }
0x1d8: {  	p0 =	seq.s32 s18, $0x1;
	s18 =	sld [smem:$0x7DB]  }
0x1d9: {  	s20 =	smov.u32 @p0 s3;
	p0 =	seq.s32 s19, $0x1;
	s19 =	sld [smem:$0x7DD]  }
0x1da: {  	s3 =	rddreg [dreg:$0x15]  }
0x1db: {  	s20 =	smov.u32 @p0 s3;
	p0 =	seq.s32 s18, $0x1  }
0x1dc: {  	s20 =	smov.u32 @p0 s8;
	p0 =	seq.s32 s19, $0x1;
	s8 =	sld [smem:$0x7E1]  }
0x1dd: {  	s20 =	smov.u32 @p0 s9;
	s9 =	sld [smem:$0x7E3]  }
0x1de: {  	s17 =	sld [smem:$0x7E6]  }
0x1df: {  	s18 =	sld [smem:$0x7E8];
	p0 =	seq.s32 s8, $0x1  }
0x1e0: {  	s19 =	sld [smem:$0x7EB];
	s20 =	smov.u32 @p0 s6;
	p0 =	seq.s32 s9, $0x1  }
0x1e1: {  	s20 =	smov.u32 @p0 s10;
	p0 =	seq.s32 s17, $0x1  }
0x1e2: {  	s20 =	smov.u32 @p0 s14;
	p0 =	seq.s32 s18, $0x1  }
0x1e3: {  	s20 =	smov.u32 @p0 s22;
	p0 =	seq.s32 s19, $0x1;
	s22 =	sld [smem:$0x7EE]  }
0x1e4: {  	s20 =	smov.u32 @p0 s23;
	s23 =	sld [smem:$0x7F1];
	_ =	sdelay $0x1  }
0x1e5: {  	p0 =	seq.s32 s22, $0x1  }
0x1e6: {  	s20 =	smov.u32 @p0 s24;
	p0 =	seq.s32 s23, $0x1;
	s24 =	sld [smem:$0x7F2]  }
0x1e7: {  	s20 =	smov.u32 @p0 s25;
	s25 =	sld [smem:$0x7F6];
	_ =	sdelay $0x1  }
0x1e8: {  	p0 =	seq.s32 s24, $0x1  }
0x1e9: {  	s20 =	smov.u32 @p0 s26;
	p0 =	seq.s32 s25, $0x1;
	s26 =	sld [smem:$0x7FA]  }
0x1ea: {  	s20 =	smov.u32 @p0 s28;
	s28 =	sld [smem:$0x7FB];
	_ =	sdelay $0x1  }
0x1eb: {  	p0 =	seq.s32 s26, $0x1  }
0x1ec: {  	s20 =	smov.u32 @p0 s29;
	p0 =	seq.s32 s28, $0x1  }
0x1ed: {  	s30 =	simm.s32 $0x0;
	s3 =	simm.s32 $0x0;
	s20 =	smov.u32 @p0 s31  }
0x1ee: {  	s17 =	simm.s32 $0x0;
	s18 =	simm.s32 $0x0;
	s20 =	smov.u32 @p5 s0  }
0x1ef: {  	s19 =	simm.s32 $0x0;
	s29 =	sshll.u32 s5, $0x4;
	s20 =	smov.u32 @p2 s12  }
0x1f0: {  	s31 =	sshll.u32 s5, $0x6;
	s0 =	ssub.s32 s21, s5;
	s20 =	smov.u32 @p3 s2  }
0x1f1: {  	s21 =	sor.u32 $0x8, s29;
	s12 =	sshra.s32 s31, $0x2;
	s20 =	smov.u32 @p6 s11  }
.LBB2_3:
0x1f2: {  	v1 =	vld [tilespmem:s12+$0x0];
	_ =	sdelay $0x4  }
0x1f3: {  	(v2sf) =	vpush v1, $0x0;
	_ =	sdelay $0x1  }
0x1f4: {  	(v2sf) =	vpush v1, $0x1;
	_ =	sdelay $0x1  }
0x1f5: {  	(v2sf) =	vpush v1, $0x2;
	_ =	sdelay $0x9  }
0x1f6: {  	s5 =	sshll.u32 s20, $0x5;
	p4 =	seq.s32 s3, $0x0  }
0x1f7: {  	s9 =	sadd.s32 $0xFFFFFFF8, s21;
	s12 =	sadd.s32 $0x10, s12;
	s2 =	spop (v2sf)  }
0x1f8: {  	s6 =	sshll.u32 s2, $0x4;
	p3 =	sgt.s32 s2, $0x0;
	s2 =	sadd.s32 s20, s2  }
0x1f9: {  	(v2sf) =	vpush v1, $0x3;
	s22 =	spop (v2sf);
	s5 =	sadd.s32 s5, s6;
	s23 =	sshll.u32 s2, $0x5  }
0x1fa: {  	s8 =	sshll.u32 s22, $0x4;
	p0 =	sge.s32 s5, s15;
	p1 =	slt.s32 s5, s16  }
0x1fb: {  	(v2sf) =	vpush v1, $0x4;
	p6 =	sgt.s32 s22, $0x0;
	s24 =	spop (v2sf);
	p0 =	por !p0, !p1  }
0x1fc: {  	(v2sf) =	vpush v1, $0x5;
	s6 =	sadd.s32 s8, s23;
	s5 =	sadd.s32 s22, s2;
	p0 =	por !p0, !p0  }
0x1fd: {  	s10 =	sshll.u32 s24, $0x4;
	p2 =	sge.s32 s6, s15;
	p0 =	por !p3, !p0  }
0x1fe: {  	s25 =	sshll.u32 s5, $0x5;
	p3 =	slt.s32 s6, s16;
	p0 =	por !p0, !p0  }
0x1ff: {  	s6 =	sadd.s32 $0xFFFFFFF9, s21;
	p5 =	por !p2, !p3;
	p1 =	por !p4, !p0  }
0x200: {  	s18 =	smov.u32 @p0 s6;
	s3 =	simm.s32 @p0 $0x1;
	p1 =	por !p1, !p1  }
0x201: {  	s17 =	smov.u32 @p1 s9;
	s19 =	smov.u32 @p1 s20;
	p1 =	por !p5, !p5  }
0x202: {  	s30 =	smov.u32 @p0 s2;
	s9 =	sadd.s32 s10, s25;
	p1 =	por !p6, !p1  }
0x203: {  	p3 =	seq.s32 s3, $0x0;
	p5 =	sge.s32 s9, s15;
	p1 =	por !p1, !p1  }
0x204: {  	p6 =	slt.s32 s9, s16;
	p4 =	por !p1, !p3;
	s3 =	simm.s32 @p1 $0x1  }
0x205: {  	s30 =	smov.u32 @p1 s5;
	p0 =	por !p4, !p4;
	p4 =	por !p5, !p6  }
0x206: {  	p5 =	sgt.s32 s24, $0x0;
	p6 =	seq.s32 s3, $0x0;
	s17 =	smov.u32 @p0 s6  }
0x207: {  	s19 =	smov.u32 @p0 s2;
	s2 =	sadd.s32 $0xFFFFFFFA, s21;
	p0 =	por !p4, !p4  }
0x208: {  	s6 =	sadd.s32 s24, s5;
	s26 =	spop (v2sf);
	s18 =	smov.u32 @p1 s2  }
0x209: {  	p0 =	por !p5, !p0;
	s28 =	sshll.u32 s6, $0x5;
	s29 =	sshll.u32 s26, $0x4  }
0x20a: {  	s31 =	spop (v2sf);
	p0 =	por !p0, !p0;
	s9 =	sadd.s32 s29, s28  }
0x20b: {  	s11 =	sshll.u32 s31, $0x4;
	s14 =	spop (v2sf);
	p2 =	por !p0, !p6  }
0x20c: {  	p3 =	sge.s32 s9, s15;
	p4 =	slt.s32 s9, s16;
	p6 =	sgt.s32 s26, $0x0  }
0x20d: {  	s3 =	simm.s32 @p0 $0x1;
	s30 =	smov.u32 @p0 s6;
	p1 =	por !p2, !p2  }
0x20e: {  	(v2sf) =	vpush v1, $0x6;
	s22 =	sshll.u32 s14, $0x4;
	p5 =	por !p3, !p4;
	s17 =	smov.u32 @p1 s2  }
0x20f: {  	s19 =	smov.u32 @p1 s5;
	p1 =	por !p5, !p5;
	s5 =	sadd.s32 s26, s6  }
0x210: {  	(v2sf) =	vpush v1, $0x7;
	p3 =	seq.s32 s3, $0x0;
	p1 =	por !p6, !p1;
	s10 =	sshll.u32 s5, $0x5  }
0x211: {  	(v2sf) =	vpush v1, $0x8;
	s2 =	sadd.s32 $0xFFFFFFFB, s21;
	p1 =	por !p1, !p1;
	s9 =	sadd.s32 s11, s10  }
0x212: {  	s18 =	smov.u32 @p0 s2;
	p4 =	por !p1, !p3;
	p5 =	sge.s32 s9, s15  }
0x213: {  	p6 =	slt.s32 s9, s16;
	p3 =	sgt.s32 s31, $0x0;
	s3 =	simm.s32 @p1 $0x1  }
0x214: {  	s30 =	smov.u32 @p1 s5;
	p0 =	por !p4, !p4;
	p2 =	por !p5, !p6  }
0x215: {  	s17 =	smov.u32 @p0 s2;
	s19 =	smov.u32 @p0 s6;
	p0 =	por !p2, !p2  }
0x216: {  	p4 =	seq.s32 s3, $0x0;
	s6 =	sadd.s32 s31, s5;
	p0 =	por !p3, !p0  }
0x217: {  	s2 =	sadd.s32 $0xFFFFFFFC, s21;
	s20 =	sshll.u32 s6, $0x5;
	p2 =	por !p0, !p0  }
0x218: {  	s18 =	smov.u32 @p1 s2;
	s9 =	sadd.s32 s22, s20;
	p0 =	por !p2, !p4  }
0x219: {  	p5 =	sge.s32 s9, s15;
	p6 =	slt.s32 s9, s16;
	s3 =	simm.s32 @p2 $0x1  }
0x21a: {  	s30 =	smov.u32 @p2 s6;
	p0 =	por !p0, !p0;
	p4 =	por !p5, !p6  }
0x21b: {  	p5 =	sgt.s32 s14, $0x0;
	p6 =	seq.s32 s3, $0x0;
	s17 =	smov.u32 @p0 s2  }
0x21c: {  	s19 =	smov.u32 @p0 s5;
	s2 =	sadd.s32 $0xFFFFFFFD, s21;
	p0 =	por !p4, !p4  }
0x21d: {  	s5 =	sadd.s32 s14, s6;
	s23 =	spop (v2sf);
	s18 =	smov.u32 @p2 s2  }
0x21e: {  	p0 =	por !p5, !p0;
	s24 =	sshll.u32 s5, $0x5;
	s25 =	sshll.u32 s23, $0x4  }
0x21f: {  	s26 =	spop (v2sf);
	p0 =	por !p0, !p0;
	s9 =	sadd.s32 s25, s24  }
0x220: {  	s29 =	sshll.u32 s26, $0x4;
	s31 =	spop (v2sf);
	p1 =	por !p0, !p6  }
0x221: {  	p3 =	sge.s32 s9, s15;
	p4 =	slt.s32 s9, s16;
	p6 =	sgt.s32 s23, $0x0  }
0x222: {  	(v2sf) =	vpush v1, $0x9;
	s3 =	simm.s32 @p0 $0x1;
	s30 =	smov.u32 @p0 s5;
	p1 =	por !p1, !p1  }
0x223: {  	s11 =	sshll.u32 s31, $0x4;
	p5 =	por !p3, !p4;
	s17 =	smov.u32 @p1 s2  }
0x224: {  	(v2sf) =	vpush v1, $0xA;
	s19 =	smov.u32 @p1 s6;
	p1 =	por !p5, !p5;
	s6 =	sadd.s32 s23, s5  }
0x225: {  	p3 =	seq.s32 s3, $0x0;
	p1 =	por !p6, !p1;
	s28 =	sshll.u32 s6, $0x5  }
0x226: {  	(v2sf) =	vpush v1, $0xB;
	s2 =	sadd.s32 $0xFFFFFFFE, s21;
	p1 =	por !p1, !p1;
	s9 =	sadd.s32 s29, s28  }
0x227: {  	s18 =	smov.u32 @p0 s2;
	p4 =	por !p1, !p3;
	p5 =	sge.s32 s9, s15  }
0x228: {  	p6 =	slt.s32 s9, s16;
	s3 =	simm.s32 @p1 $0x1;
	s30 =	smov.u32 @p1 s6  }
0x229: {  	p0 =	por !p4, !p4;
	p4 =	por !p5, !p6;
	p5 =	sgt.s32 s26, $0x0  }
0x22a: {  	s17 =	smov.u32 @p0 s2;
	s19 =	smov.u32 @p0 s5;
	p0 =	por !p4, !p4  }
0x22b: {  	p6 =	seq.s32 s3, $0x0;
	s5 =	sadd.s32 s26, s6;
	p0 =	por !p5, !p0  }
0x22c: {  	s2 =	sadd.s32 $0xFFFFFFFF, s21;
	s10 =	sshll.u32 s5, $0x5;
	p0 =	por !p0, !p0  }
0x22d: {  	s18 =	smov.u32 @p1 s2;
	s9 =	sadd.s32 s11, s10;
	p2 =	por !p0, !p6  }
0x22e: {  	p3 =	sge.s32 s9, s15;
	p4 =	slt.s32 s9, s16;
	p6 =	sgt.s32 s31, $0x0  }
0x22f: {  	s18 =	smov.u32 @p0 s21;
	s3 =	simm.s32 @p0 $0x1;
	s30 =	smov.u32 @p0 s5  }
0x230: {  	p1 =	por !p2, !p2;
	p2 =	por !p3, !p4;
	p3 =	seq.s32 s3, $0x0  }
0x231: {  	s14 =	spop (v2sf);
	s17 =	smov.u32 @p1 s2;
	p5 =	por !p2, !p2  }
0x232: {  	s19 =	smov.u32 @p1 s6;
	s2 =	sadd.s32 s31, s5;
	p1 =	por !p6, !p5  }
0x233: {  	s20 =	sshll.u32 s2, $0x5;
	s22 =	sshll.u32 s14, $0x4;
	s23 =	spop (v2sf)  }
0x234: {  	p1 =	por !p1, !p1;
	s6 =	sadd.s32 s22, s20;
	s25 =	sshll.u32 s23, $0x4  }
0x235: {  	s26 =	spop (v2sf);
	p4 =	por !p1, !p3;
	p5 =	sge.s32 s6, s15  }
0x236: {  	(v2sf) =	vpush v1, $0xC;
	p6 =	slt.s32 s6, s16;
	s30 =	smov.u32 @p1 s2;
	s3 =	simm.s32 @p1 $0x1  }
0x237: {  	s6 =	sadd.s32 s14, s2;
	s29 =	sshll.u32 s26, $0x4;
	p0 =	por !p4, !p4  }
0x238: {  	p3 =	por !p5, !p6;
	p4 =	sgt.s32 s14, $0x0;
	s24 =	sshll.u32 s6, $0x5  }
0x239: {  	(v2sf) =	vpush v1, $0xD;
	s17 =	smov.u32 @p0 s21;
	s19 =	smov.u32 @p0 s5;
	s5 =	sadd.s32 $0x1, s21  }
0x23a: {  	p0 =	por !p3, !p3;
	s8 =	sadd.s32 s25, s24;
	p3 =	sgt.s32 s23, $0x0  }
0x23b: {  	s18 =	smov.u32 @p1 s5;
	p0 =	por !p4, !p0;
	p1 =	seq.s32 s3, $0x0  }
0x23c: {  	p5 =	sge.s32 s8, s15;
	p6 =	slt.s32 s8, s16;
	p0 =	por !p0, !p0  }
0x23d: {  	p2 =	por !p5, !p6;
	p1 =	por !p0, !p1;
	s3 =	simm.s32 @p0 $0x1  }
0x23e: {  	s30 =	smov.u32 @p0 s6;
	p1 =	por !p1, !p1;
	p4 =	seq.s32 s3, $0x0  }
0x23f: {  	s17 =	smov.u32 @p1 s5;
	s19 =	smov.u32 @p1 s2;
	p1 =	por !p2, !p2  }
0x240: {  	s2 =	sadd.s32 $0x2, s21;
	s5 =	sadd.s32 s23, s6;
	p1 =	por !p3, !p1  }
0x241: {  	s18 =	smov.u32 @p0 s2;
	s28 =	sshll.u32 s5, $0x5;
	p0 =	por !p1, !p1  }
0x242: {  	p3 =	sgt.s32 s26, $0x0;
	s8 =	sadd.s32 s29, s28;
	p1 =	por !p0, !p4  }
0x243: {  	p5 =	sge.s32 s8, s15;
	p6 =	slt.s32 s8, s16;
	s3 =	simm.s32 @p0 $0x1  }
0x244: {  	s30 =	smov.u32 @p0 s5;
	p1 =	por !p1, !p1;
	p2 =	por !p5, !p6  }
0x245: {  	p4 =	seq.s32 s3, $0x0;
	s31 =	spop (v2sf);
	s17 =	smov.u32 @p1 s2  }
0x246: {  	s19 =	smov.u32 @p1 s6;
	s2 =	sadd.s32 $0x3, s21;
	p1 =	por !p2, !p2  }
0x247: {  	s6 =	sadd.s32 s26, s5;
	s18 =	smov.u32 @p0 s2;
	p1 =	por !p3, !p1  }
0x248: {  	s11 =	sshll.u32 s6, $0x5;
	s14 =	sshll.u32 s31, $0x4;
	s20 =	spop (v2sf)  }
0x249: {  	(v2sf) =	vpush v1, $0xE;
	p3 =	sgt.s32 s31, $0x0;
	p1 =	por !p1, !p1;
	s8 =	sadd.s32 s14, s11  }
0x24a: {  	s23 =	sshll.u32 s20, $0x4;
	p2 =	por !p1, !p4;
	p5 =	sge.s32 s8, s15  }
0x24b: {  	(v2sf) =	vpush v1, $0xF;
	p6 =	slt.s32 s8, s16;
	s30 =	smov.u32 @p1 s6;
	s3 =	simm.s32 @p1 $0x1  }
0x24c: {  	s8 =	sadd.s32 $0x5, s21;
	p0 =	por !p2, !p2;
	p2 =	por !p5, !p6  }
0x24d: {  	p4 =	seq.s32 s3, $0x0;
	s19 =	smov.u32 @p0 s5;
	s5 =	sadd.s32 s31, s6  }
0x24e: {  	s17 =	smov.u32 @p0 s2;
	p0 =	por !p2, !p2;
	s22 =	sshll.u32 s5, $0x5  }
0x24f: {  	s2 =	sadd.s32 $0x4, s21;
	p0 =	por !p3, !p0;
	s9 =	sadd.s32 s23, s22  }
0x250: {  	s18 =	smov.u32 @p1 s2;
	p1 =	por !p0, !p0;
	p5 =	sge.s32 s9, s15  }
0x251: {  	p6 =	slt.s32 s9, s16;
	p0 =	por !p1, !p4;
	p4 =	sgt.s32 s20, $0x0  }
0x252: {  	s3 =	simm.s32 @p1 $0x1;
	s18 =	smov.u32 @p1 s8;
	p2 =	por !p5, !p6  }
0x253: {  	s30 =	smov.u32 @p1 s5;
	p0 =	por !p0, !p0;
	p2 =	por !p2, !p2  }
0x254: {  	p6 =	seq.s32 s3, $0x0;
	s17 =	smov.u32 @p0 s2;
	p5 =	por !p4, !p2  }
0x255: {  	s19 =	smov.u32 @p0 s6;
	s2 =	sadd.s32 s20, s5;
	p0 =	por !p5, !p5  }
0x256: {  	s9 =	sadd.s32 $0x6, s21;
	s25 =	sshll.u32 s2, $0x5;
	p2 =	por !p0, !p6  }
0x257: {  	s18 =	smov.u32 @p0 s9;
	s30 =	smov.u32 @p0 s2;
	p1 =	por !p2, !p2  }
0x258: {  	s3 =	simm.s32 @p0 $0x1;
	s24 =	spop (v2sf);
	s17 =	smov.u32 @p1 s8  }
0x259: {  	s19 =	smov.u32 @p1 s5;
	s26 =	sshll.u32 s24, $0x4;
	s5 =	sadd.s32 s24, s2  }
0x25a: {  	s28 =	spop (v2sf);
	s6 =	sadd.s32 s26, s25;
	s29 =	sshll.u32 s5, $0x5  }
0x25b: {  	s31 =	sshll.u32 s28, $0x4;
	p2 =	sge.s32 s6, s15;
	p3 =	slt.s32 s6, s16  }
0x25c: {  	p4 =	sgt.s32 s24, $0x0;
	s8 =	sadd.s32 s31, s29;
	p1 =	por !p2, !p3  }
0x25d: {  	s20 =	sadd.s32 s28, s5;
	p5 =	sge.s32 s8, s15;
	p1 =	por !p1, !p1  }
0x25e: {  	p6 =	slt.s32 s8, s16;
	s8 =	sadd.s32 $0x7, s21;
	p1 =	por !p4, !p1  }
0x25f: {  	p3 =	por !p5, !p6;
	p4 =	seq.s32 s3, $0x0;
	p0 =	por !p1, !p1  }
0x260: {  	p5 =	sgt.s32 s28, $0x0;
	p1 =	por !p3, !p3;
	p2 =	por !p0, !p4  }
0x261: {  	s3 =	simm.s32 @p0 $0x1;
	p1 =	por !p5, !p1;
	s18 =	smov.u32 @p0 s8  }
0x262: {  	s30 =	smov.u32 @p0 s5;
	p0 =	sne.s32 s0, $0x1;
	p2 =	por !p2, !p2  }
.Ltmp3:
0x263: {  	p1 =	por !p1, !p1;
	p6 =	seq.s32 s3, $0x0;
	(pc) =	sbr.rel @p0 .LBB2_3-.Ltmp3, $4  }
0x264: {  	s0 =	sadd.s32 $0xFFFFFFFF, s0;
	s17 =	smov.u32 @p2 s9;
	p3 =	por !p1, !p6  }
0x265: {  	s19 =	smov.u32 @p2 s2;
	s2 =	sadd.s32 $0x8, s21;
	s30 =	smov.u32 @p1 s20  }
0x266: {  	s3 =	simm.s32 @p1 $0x1;
	s21 =	sadd.s32 $0x10, s21;
	p2 =	por !p3, !p3  }
0x267: {  	s18 =	smov.u32 @p1 s2;
	s17 =	smov.u32 @p2 s8;
	s19 =	smov.u32 @p2 s5  }
.LBB2_4:
0x268: {  	s0 =	ssub.s32 s18, s17  }
0x269: {  	s0 =	smul.u32 s0, s3;
	_ =	sdelay $0x1  }
0x26a: {  	p0 =	slt.s32 s0, $0x1  }
.Ltmp4:
0x26b: {  	_ = 	snop;
	(pc) =	sbr.rel @p0 .LBB2_30-.Ltmp4, $2  }
0x26c: {  	_ =	sdelay $0x2  }
0x26d: {  	s2 =	rddreg [dreg:$0x8]  }
0x26e: {  	s2 =	sand.u32 $0x7, s19  }
0x26f: {  	s3 =	sshra.s32 s19, $0x1F;
	p0 =	slt.s32 s19, $0x1;
	p1 =	sne.s32 s2, $0x0  }
0x270: {  	s26 =	sshrl.u32 s3, $0x1D;
	p0 =	por !p0, !p1  }
0x271: {  	s3 =	simm.s32 $0x1;
	s2 =	sadd.s32 s26, s19;
	p0 =	por !p0, !p0  }
0x272: {  	s2 =	sshra.s32 s2, $0x3;
	s3 =	simm.s32 @!p0 $0x0  }
0x273: {  	s5 =	ssub.s32 s2, s3  }
0x274: {  	s2 =	sshll.u32 s5, $0x3  }
0x275: {  	s28 =	ssub.s32 s30, s2  }
0x276: {  	s6 =	sadd.s32 $0x6F, s28  }
0x277: {  	s8 =	smulhi.u32 $0x92492493, s6;
	s9 =	sshra.s32 s6, $0x1F  }
0x278: {  	s3 =	ssub.s32 $0xFFFFFF91, s28;
	s9 =	smul.u32 $0x92492493, s9  }
0x279: {  	s8 =	sadd.s32 s3, s8  }
0x27a: {  	s8 =	sadd.s32 s9, s8  }
0x27b: {  	s8 =	sadd.s32 s6, s8  }
0x27c: {  	s30 =	sshll.u32 s5, $0x7;
	s29 =	sshrl.u32 s8, $0x1F;
	s8 =	sshra.s32 s8, $0x6  }
0x27d: {  	p5 =	slt.s32 s6, $0x1;
	s6 =	sand.u32 $0x1FFFFF80, s30;
	s8 =	sadd.s32 s29, s8  }
0x27e: {  	s31 =	simm.s32 $0x480;
	s6 =	sadd.s32 s1, s6;
	s9 =	smul.u32 $0xFFFFFF90, s8  }
0x27f: {  	[tilespmem:s31], [sflag:$0x1] =	stream.linear.gather [hbm4b:s6+s4], $0x3800, $0x38;
	[tilespmem:$0x1E480] =	vst v63  }
0x280: {  	p6 =	sne.s32 s9, s3  }
0x281: {  	p0 =	por !p5, !p6  }
0x282: {  	s3 =	simm.s32 $0x1;
	p0 =	por !p0, !p0  }
0x283: {  	s3 =	simm.s32 @!p0 $0x0  }
0x284: {  	s3 =	ssub.s32 s8, s3  }
0x285: {  	p0 =	slt.s32 s3, $0x2  }
0x286: {  	s5 =	sshll.u32 @!p0 s5, $0xA  }
0x287: {  	s6 =	sadd.s32 @!p0 $0x3800, s5  }
0x288: {  	s8 =	simm.s32 @!p0 $0x0;
	s6 =	sshrl.u32 @!p0 s6, $0x3  }
0x289: {  	s9 =	simm.s32 @!p0 $0x3C80;
	p1 =	seq.s32 @!p0 s3, $0x2;
	s6 =	sadd.s32 @!p0 s1, s6  }
0x28a: {  	[tilespmem:s9], [sflag:$0x2] =	stream.linear.gather @!p0 [hbm4b:s6+s8], $0x3800, $0x38;
	[tilespmem:$0x1E480] =	vst v63  }
0x28b: {  	p0 =	por p1, p0  }
.Ltmp5:
0x28c: {  	s5 =	sadd.s32 @!p0 $0x7000, s5;
	(pc) =	sbr.rel .LBB2_6-.Ltmp5, $4  }
0x28d: {  	s11 =	simm.s32 $0xFFFFFFFF;
	s5 =	sshrl.u32 @!p0 s5, $0x3  }
0x28e: {  	s6 =	simm.s32 @!p0 $0x0;
	s8 =	simm.s32 @!p0 $0x7480;
	s5 =	sadd.s32 @!p0 s1, s5  }
0x28f: {  	[tilespmem:s8], [sflag:$0x3] =	stream.linear.gather @!p0 [hbm4b:s5+s6], $0x3800, $0x38;
	[tilespmem:$0x1E480] =	vst v63  }
0x290: {  	v1 =	vmov s17;
	s5 =	sxor.u32 $0xFFFFFFFF, s2;
	s6 =	ssub.s32 $0x0, s2;
	s8 =	simm.s32 $0x0  }
.LBB2_7:
0x291: {  	v8 =	vimm.f32 $0.0e+00  }
0x292: {  	v7 =	vimm.f32 $0.0e+00;
	v6 =	vimm.f32 $0.0e+00;
	v5 =	vimm.f32 $0.0e+00  }
0x293: {  	v4 =	vimm.f32 $0.0e+00;
	v3 =	vimm.f32 $0.0e+00;
	v2 =	vimm.f32 $0.0e+00;
	s16 =	smov.u32 s11  }
.LBB2_14:
0x294: {  	p0 =	sgt.s32 s10, $0x1  }
0x295: {  	s10 =	simm.s32 @!p0 $0x1  }
0x296: {  	v10 =	vmov s10  }
0x297: {  	v10 =	vcvt.s32.f32 v10;
	_ =	sdelay $0x1  }
0x298: {  	v10 =	vbroadcast v10, $0x0;
	_ =	sdelay $0x1  }
0x299: {  	(erf) = vrcp.f32 v10;
	_ =	sdelay $0x8  }
0x29a: {  	v10 =	vpop (erf)  }
0x29b: {  	s31 =	sshll.u32 s8, $0x9;
	v9 =	vmul.f32 v9, v10  }
0x29c: {  	s10 =	sshra.s32 s31, $0x2;
	v8 =	vmul.f32 v8, v10  }
0x29d: {  	v7 =	vmul.f32 v7, v10;
	[tilespmem:s10+$0xE480] =	vst v9  }
0x29e: {  	s8 =	sadd.s32 $0x1, s8;
	v6 =	vmul.f32 v6, v10;
	[tilespmem:s10+$0xE490] =	vst v8  }
0x29f: {  	p0 =	sne.s32 s8, s0;
	v5 =	vmul.f32 v5, v10;
	[tilespmem:s10+$0xE4A0] =	vst v7  }
.Ltmp6:
0x2a0: {  	v4 =	vmul.f32 v4, v10;
	[tilespmem:s10+$0xE4B0] =	vst v6;
	(pc) =	sbr.rel @!p0 .LBB2_15-.Ltmp6, $4  }
0x2a1: {  	v3 =	vmul.f32 v3, v10;
	[tilespmem:s10+$0xE4C0] =	vst v5  }
0x2a2: {  	v2 =	vmul.f32 v2, v10;
	[tilespmem:s10+$0xE4D0] =	vst v4  }
0x2a3: {  	[tilespmem:s10+$0xE4E0] =	vst v3  }
0x2a4: {  	s11 =	smov.u32 s16;
	s19 =	smov.u32 s9;
	[tilespmem:s10+$0xE4F0] =	vst v2  }
.LBB2_6:
0x2a5: {  	_ =	sdelay $0x3  }
0x2a6: {  	v2 =	vld.idx.msk [tilespmem:v1+s8+$0x0 ss:$0x1], $0xffff;
	_ =	sdelay $0x4  }
0x2a7: {  	(v2sf) =	vpush v2, $0x0;
	_ =	sdelay $0xe  }
0x2a8: {  	s12 =	ssub.s32 s19, s2;
	s10 =	spop (v2sf)  }
0x2a9: {  	s14 =	smulhi.u32 $0x92492493, s12;
	s15 =	sshra.s32 s12, $0x1F;
	s9 =	sadd.s32 s19, s10  }
0x2aa: {  	s16 =	smul.u32 $0x92492493, s15;
	s20 =	sadd.s32 s5, s9  }
0x2ab: {  	s21 =	smulhi.u32 $0x92492493, s20;
	s22 =	sshra.s32 s20, $0x1F  }
0x2ac: {  	s14 =	ssub.s32 s14, s12;
	s25 =	smul.u32 $0x92492493, s22  }
0x2ad: {  	s14 =	sadd.s32 s16, s14;
	s21 =	ssub.s32 s21, s20  }
0x2ae: {  	p0 =	sne.s32 s19, s2;
	s14 =	sadd.s32 s12, s14;
	s16 =	sadd.s32 s25, s21  }
0x2af: {  	s26 =	sshrl.u32 s14, $0x1F;
	s14 =	sshra.s32 s14, $0x6;
	s16 =	sadd.s32 s20, s16  }
0x2b0: {  	s14 =	sadd.s32 s26, s14;
	s28 =	sshrl.u32 s16, $0x1F;
	s16 =	sshra.s32 s16, $0x6  }
0x2b1: {  	s29 =	smul.u32 $0xFFFFFF90, s14;
	s21 =	simm.s32 $0x1;
	s16 =	sadd.s32 s28, s16  }
0x2b2: {  	s12 =	ssub.s32 $0x0, s12;
	s21 =	simm.s32 @!p0 $0x0;
	s30 =	smul.u32 $0xFFFFFF90, s16  }
0x2b3: {  	p5 =	sne.s32 s29, s12;
	s31 =	ssub.s32 $0x0, s20;
	s15 =	sor.u32 s21, s15  }
0x2b4: {  	p2 =	slt.s32 s20, $0x1;
	p1 =	sne.s32 s15, $0x1;
	p6 =	sne.s32 s30, s31  }
0x2b5: {  	s12 =	simm.s32 $0x1;
	p0 =	por !p5, !p1;
	p1 =	por !p2, !p6  }
0x2b6: {  	s15 =	simm.s32 $0x1;
	p0 =	por !p0, !p0;
	p1 =	por !p1, !p1  }
0x2b7: {  	s12 =	simm.s32 @!p0 $0x0;
	s15 =	simm.s32 @!p1 $0x0  }
0x2b8: {  	s14 =	ssub.s32 s14, s12;
	s12 =	ssub.s32 s16, s15  }
0x2b9: {  	p0 =	sgt.s32 s14, s12  }
.Ltmp7:
0x2ba: {  	_ = 	snop;
	(pc) =	sbr.rel @p0 .LBB2_7-.Ltmp7, $2  }
0x2bb: {  	_ =	sdelay $0x2  }
0x2bc: {  	v9 =	vimm.f32 $0.0e+00  }
.Ltmp8:
0x2bd: {  	(pc) =	sbr.rel .LBB2_9-.Ltmp8, $4  }
0x2be: {  	_ = 	snop  }
0x2bf: {  	s15 =	smul.u32 $0x70, s14;
	v2 =	vimm.f32 $0.0e+00;
	v3 =	vimm.f32 $0.0e+00  }
0x2c0: {  	s16 =	sadd.s32 s19, s6;
	v4 =	vimm.f32 $0.0e+00;
	v5 =	vimm.f32 $0.0e+00;
	v6 =	vimm.f32 $0.0e+00  }
0x2c1: {  	v7 =	vimm.f32 $0.0e+00;
	v8 =	vimm.f32 $0.0e+00;
	v9 =	vimm.f32 $0.0e+00;
	s15 =	ssub.s32 s16, s15  }
.LBB2_12:
0x2c2: {  	_ = 	snop  }
0x2c3: {  	v6 =	vadd.f32 v11, v6  }
0x2c4: {  	v5 =	vadd.f32 v10, v5;
	v4 =	vadd.f32 v12, v4  }
0x2c5: {  	v3 =	vadd.f32 v13, v3;
	v9 =	vadd.f32 v14, v9  }
.LBB2_13:
0x2c6: {  	p0 =	sgt.s32 s11, s14;
	s16 =	smov.u32 s14  }
0x2c7: {  	s16 =	smov.u32 @p0 s11;
	p0 =	sne.s32 s14, s12  }
.Ltmp9:
0x2c8: {  	_ = 	snop;
	(pc) =	sbr.rel @!p0 .LBB2_14-.Ltmp9, $3  }
0x2c9: {  	_ =	sdelay $0x1  }
0x2ca: {  	s20 =	sadd.s32 $0x1, s14  }
0x2cb: {  	s15 =	sadd.s32 $0xFFFFFF90, s15;
	s14 =	smov.u32 s20;
	s11 =	smov.u32 s16  }
.LBB2_9:
0x2cc: {  	s16 =	sshra.s32 s14, $0x1F  }
0x2cd: {  	p0 =	sle.s32 s14, s11;
	s16 =	sshrl.u32 s16, $0x1E  }
0x2ce: {  	s21 =	sadd.s32 @!p0 $0x3, s14;
	s16 =	sadd.s32 s16, s14  }
0x2cf: {  	p1 =	sge.s32 @!p0 s21, s3;
	s16 =	sand.u32 $0xFFFFFFFC, s16  }
0x2d0: {  	s22 =	smul.u32 $0x70, s14;
	p1 =	por p1, p0;
	s20 =	ssub.s32 s14, s16  }
0x2d1: {  	s23 =	sand.u32 @!p1 $0x3, s21;
	s21 =	smul.u32 @!p1 $0x70, s21;
	s24 =	sadd.s32 @!p0 $0x1, s20  }
0x2d2: {  	s22 =	sadd.s32 s2, s22;
	s16 =	smul.u32 @!p1 $0xE000, s23;
	_ =	swait.ge @!p0 [sflag:s24], $0x3800  }
0x2d3: {  	s23 =	sadd.s32 @!p1 $0x1, s23;
	s21 =	sadd.s32 @!p1 s2, s21;
	[sflag:s24] =	ssyncset.done @!p0 $0x0  }
0x2d4: {  	s16 =	sshrl.u32 @!p1 s16, $0x2;
	s21 =	sshll.u32 @!p1 s21, $0x4;
	[sflag:s24] =	ssyncadd.s32 @!p0 $0xFFFFC800  }
0x2d5: {  	s16 =	sor.u32 @!p1 $0x480, s16;
	s21 =	sadd.s32 @!p1 s1, s21;
	s24 =	simm.s32 @!p1 $0x0  }
0x2d6: {  	[tilespmem:s16], [sflag:s23] =	stream.linear.gather @!p1 [hbm4b:s21+s24], $0x3800, $0x38;
	[tilespmem:$0x1E480] =	vst v63  }
0x2d7: {  	s21 =	ssub.s32 s19, s22;
	s16 =	ssub.s32 s9, s22  }
0x2d8: {  	p0 =	sgt.s32 s21, $0x0;
	p1 =	slt.s32 s16, $0x70  }
0x2d9: {  	s21 =	simm.s32 @!p0 $0x0;
	s16 =	simm.s32 @!p1 $0x70  }
0x2da: {  	p0 =	sge.s32 s21, s16  }
.Ltmp10:
0x2db: {  	_ = 	snop;
	(pc) =	sbr.rel @p0 .LBB2_13-.Ltmp10, $1  }
0x2dc: {  	_ =	sdelay $0x3  }
0x2dd: {  	p0 =	sgt.s32 s15, $0x0;
	s22 =	smov.u32 s15  }
0x2de: {  	s20 =	smul.u32 $0xE000, s20;
	s22 =	simm.s32 @!p0 $0x0  }
0x2df: {  	s22 =	sshll.u32 s22, $0x9  }
0x2e0: {  	s20 =	sadd.s32 s22, s20  }
0x2e1: {  	s20 =	sshra.s32 s20, $0x2  }
0x2e2: {  	s31 =	sadd.s32 $0x4C0, s20  }
0x2e3: {  	v13 =	vld [tilespmem:s31+$0x30]  }
0x2e4: {  	v14 =	vld [tilespmem:s31+$0xFFFFFFD0]  }
0x2e5: {  	s20 =	sadd.s32 $0x1, s21;
	v15 =	vld [tilespmem:s31+$0xFFFFFFE0]  }
0x2e6: {  	v11 =	vld [tilespmem:s31+$0xFFFFFFF0];
	p0 =	slt.s32 s20, s16  }
.Ltmp11:
0x2e7: {  	v10 =	vld [tilespmem:s31+$0x0];
	(pc) =	sbr.rel @!p0 .LBB2_12-.Ltmp11, $4  }
0x2e8: {  	v12 =	vld [tilespmem:s31+$0x10]  }
0x2e9: {  	v2 =	vadd.f32 v13, v2;
	v13 =	vld [tilespmem:s31+$0x20]  }
0x2ea: {  	v8 =	vadd.f32 v14, v8;
	v14 =	vld [tilespmem:s31+$0xFFFFFFC0]  }
0x2eb: {  	s21 =	sadd.s32 $0x80, s31;
	v7 =	vadd.f32 v15, v7  }
.LBB2_11:
0x2ec: {  	v15 =	vld [tilespmem:s21+$0x30];
	s20 =	sadd.s32 $0x1, s20;
	v6 =	vadd.f32 v11, v6  }
0x2ed: {  	v5 =	vadd.f32 v10, v5;
	v16 =	vld [tilespmem:s21+$0xFFFFFFD0];
	p0 =	slt.s32 s20, s16  }
0x2ee: {  	v4 =	vadd.f32 v12, v4;
	v17 =	vld [tilespmem:s21+$0xFFFFFFE0]  }
.Ltmp12:
0x2ef: {  	v3 =	vadd.f32 v13, v3;
	v11 =	vld [tilespmem:s21+$0xFFFFFFF0];
	(pc) =	sbr.rel @p0 .LBB2_11-.Ltmp12, $4  }
0x2f0: {  	v9 =	vadd.f32 v14, v9;
	v10 =	vld [tilespmem:s21+$0x0]  }
0x2f1: {  	v12 =	vld [tilespmem:s21+$0x10];
	v2 =	vadd.f32 v15, v2  }
0x2f2: {  	v8 =	vadd.f32 v16, v8;
	v13 =	vld [tilespmem:s21+$0x20]  }
0x2f3: {  	v14 =	vld [tilespmem:s21+$0xFFFFFFC0];
	v7 =	vadd.f32 v17, v7;
	s21 =	sadd.s32 $0x80, s21  }
.Ltmp13:
0x2f4: {  	_ = 	snop;
	(pc) =	sbr.rel .LBB2_12-.Ltmp13, $1  }
0x2f5: {  	_ =	sdelay $0x3  }
.LBB2_15:
0x2f6: {  	s2 =	sadd.s32 $0xF, s0  }
0x2f7: {  	s5 =	sand.u32 $0x7FFFFFF0, s2  }
0x2f8: {  	p0 =	sle.s32 s5, s0  }
.Ltmp14:
0x2f9: {  	_ = 	snop;
	(pc) =	sbr.rel @p0 .LBB2_22-.Ltmp14, $1  }
0x2fa: {  	_ =	sdelay $0x3  }
0x2fb: {  	s5 =	ssub.s32 s5, s0  }
0x2fc: {  	p1 =	seq.s32 s5, $0x1  }
.Ltmp15:
0x2fd: {  	_ = 	snop;
	(pc) =	sbr.rel @p1 .LBB2_17-.Ltmp15, $4  }
0x2fe: {  	_ = 	snop  }
0x2ff: {  	s3 =	sshll.u32 s0, $0x9  }
0x300: {  	s3 =	sshra.s32 s3, $0x2  }
0x301: {  	p0 =	por $0x0, $0x0;
	s5 =	sadd.s32 $0xFFFFFFFF, s5;
	s0 =	sadd.s32 $0xE4C0, s3;
	v1 =	vld [tilespmem:s3+$0xE400]  }
0x302: {  	_ =	sdelay $0x3  }
0x303: {  	[tilespmem:s0+$0xFFFFFFC0] =	vst v1  }
0x304: {  	v1 =	vld [tilespmem:s3+$0xE410];
	_ =	sdelay $0x4  }
0x305: {  	[tilespmem:s0+$0xFFFFFFD0] =	vst v1  }
0x306: {  	v1 =	vld [tilespmem:s3+$0xE420];
	_ =	sdelay $0x4  }
0x307: {  	[tilespmem:s0+$0xFFFFFFE0] =	vst v1  }
0x308: {  	v1 =	vld [tilespmem:s3+$0xE430];
	_ =	sdelay $0x4  }
0x309: {  	[tilespmem:s0+$0xFFFFFFF0] =	vst v1  }
0x30a: {  	v1 =	vld [tilespmem:s3+$0xE440];
	_ =	sdelay $0x4  }
0x30b: {  	[tilespmem:s0+$0x0] =	vst v1  }
0x30c: {  	v1 =	vld [tilespmem:s3+$0xE450];
	_ =	sdelay $0x4  }
0x30d: {  	[tilespmem:s0+$0x10] =	vst v1  }
0x30e: {  	v1 =	vld [tilespmem:s3+$0xE460];
	_ =	sdelay $0x4  }
0x30f: {  	[tilespmem:s0+$0x20] =	vst v1  }
0x310: {  	v1 =	vld [tilespmem:s3+$0xE470]  }
0x311: {  	p1 =	seq.s32 s5, $0x1  }
.Ltmp16:
0x312: {  	_ = 	snop;
	(pc) =	sbr.rel @p1 .LBB2_19-.Ltmp16, $3  }
0x313: {  	_ =	sdelay $0x1  }
0x314: {  	[tilespmem:s0+$0x30] =	vst v1  }
0x315: {  	s6 =	sadd.s32 $0xFFFFFFFF, s5;
	p0 =	por $0x1, $0x1;
	s5 =	smov.u32 s0;
	v1 =	vld [tilespmem:s3+$0xE400]  }
.LBB2_20:
0x316: {  	p1 =	seq.s32 s6, $0x1;
	_ =	sdelay $0x2  }
0x317: {  	s5 =	sadd.s32 $0x80, s5  }
0x318: {  	[tilespmem:s5+$0xFFFFFFC0] =	vst v1  }
0x319: {  	v1 =	vld [tilespmem:s3+$0xE410];
	_ =	sdelay $0x4  }
0x31a: {  	[tilespmem:s5+$0xFFFFFFD0] =	vst v1  }
0x31b: {  	v1 =	vld [tilespmem:s3+$0xE420];
	_ =	sdelay $0x4  }
0x31c: {  	[tilespmem:s5+$0xFFFFFFE0] =	vst v1  }
0x31d: {  	v1 =	vld [tilespmem:s3+$0xE430];
	_ =	sdelay $0x4  }
0x31e: {  	[tilespmem:s5+$0xFFFFFFF0] =	vst v1  }
0x31f: {  	v1 =	vld [tilespmem:s3+$0xE440];
	_ =	sdelay $0x4  }
0x320: {  	[tilespmem:s5+$0x0] =	vst v1  }
0x321: {  	v1 =	vld [tilespmem:s3+$0xE450];
	_ =	sdelay $0x4  }
0x322: {  	[tilespmem:s5+$0x10] =	vst v1  }
0x323: {  	v1 =	vld [tilespmem:s3+$0xE460];
	_ =	sdelay $0x4  }
0x324: {  	[tilespmem:s5+$0x20] =	vst v1  }
0x325: {  	v1 =	vld [tilespmem:s3+$0xE470];
	_ =	sdelay $0x1  }
.Ltmp17:
0x326: {  	(pc) =	sbr.rel @!p1 .LBB2_20-.Ltmp17, $3  }
0x327: {  	_ =	sdelay $0x1  }
0x328: {  	[tilespmem:s5+$0x30] =	vst v1  }
0x329: {  	s6 =	sadd.s32 $0xFFFFFFFF, s6;
	v1 =	vld [tilespmem:s3+$0xE400]  }
.LBB2_21:
0x32a: {  	_ =	sdelay $0x1  }
0x32b: {  	s5 =	sadd.s32 @p0 $0x80, s5  }
0x32c: {  	s0 =	smov.u32 @p0 s5  }
0x32d: {  	[tilespmem:s0+$0xFFFFFFC0] =	vst v1  }
0x32e: {  	v1 =	vld [tilespmem:s3+$0xE410];
	_ =	sdelay $0x4  }
0x32f: {  	[tilespmem:s0+$0xFFFFFFD0] =	vst v1  }
0x330: {  	v1 =	vld [tilespmem:s3+$0xE420];
	_ =	sdelay $0x4  }
0x331: {  	[tilespmem:s0+$0xFFFFFFE0] =	vst v1  }
0x332: {  	v1 =	vld [tilespmem:s3+$0xE430];
	_ =	sdelay $0x4  }
0x333: {  	[tilespmem:s0+$0xFFFFFFF0] =	vst v1  }
0x334: {  	v1 =	vld [tilespmem:s3+$0xE440];
	_ =	sdelay $0x4  }
0x335: {  	[tilespmem:s0+$0x0] =	vst v1  }
0x336: {  	v1 =	vld [tilespmem:s3+$0xE450];
	_ =	sdelay $0x4  }
0x337: {  	[tilespmem:s0+$0x10] =	vst v1  }
0x338: {  	v1 =	vld [tilespmem:s3+$0xE460];
	_ =	sdelay $0x4  }
0x339: {  	[tilespmem:s0+$0x20] =	vst v1  }
0x33a: {  	v1 =	vld [tilespmem:s3+$0xE470];
	_ =	sdelay $0x4  }
0x33b: {  	[tilespmem:s0+$0x30] =	vst v1  }
.LBB2_22:
0x33c: {  	s0 =	sshrl.u32 s2, $0x4  }
0x33d: {  	p0 =	sne.s32 s0, $0x1  }
.Ltmp18:
0x33e: {  	_ = 	snop;
	(pc) =	sbr.rel @!p0 .LBB2_23-.Ltmp18, $4  }
0x33f: {  	s3 =	sadd.s32 $0xFFFFFFFF, s18  }
0x340: {  	v2 =	vadd.s32 s17, v0;
	v1 =	vmov s3  }
0x341: {  	s2 =	simm.s32 $0xE480;
	vm1 =	vlt.s32 v2, v1  }
0x342: {  	p1 =	por $0x0, $0x0;
	s0 =	sadd.s32 $0xFFFFFFFF, s0;
	s3 =	sadd.s32 $0x10, s17;
	v2 =	vsel vm1, v2, v1  }
0x343: {  	_ =	sdelay $0x1  }
0x344: {  	v3 =	vadd.s32 s3, v0;
	p2 =	sne.s32 s0, $0x1  }
.Ltmp19:
0x345: {  	vm1 =	vlt.s32 v3, v1;
	(pc) =	sbr.rel @!p2 .LBB2_25-.Ltmp19, $4  }
0x346: {  	[hbm4b:s7+s4] =	stream.indirect_vreg.scatter [tilespmem:s2], [sflag:$0x5], $0x80, v2, vm0, $0xb8;
	v2 =	vsel vm1, v3, v1;
	[tilespmem:$0x1E480] =	vst v63  }
0x347: {  	_ = 	snop  }
0x348: {  	s5 =	sadd.s32 $0xFFFFFFFF, s0  }
0x349: {  	s6 =	sadd.s32 $0x10, s3;
	p1 =	por $0x1, $0x1;
	s3 =	simm.s32 $0xE480  }
.LBB2_26:
0x34a: {  	v3 =	vadd.s32 s6, v0;
	p2 =	sne.s32 s5, $0x1;
	s5 =	sadd.s32 $0xFFFFFFFF, s5;
	s3 =	sadd.s32 $0x800, s3  }
0x34b: {  	[hbm4b:s7+s4] =	stream.indirect_vreg.scatter [tilespmem:s3], [sflag:$0x5], $0x80, v2, vm0, $0xb8;
	[tilespmem:$0x1E480] =	vst v63  }
.Ltmp20:
0x34c: {  	vm1 =	vlt.s32 v3, v1;
	(pc) =	sbr.rel @p2 .LBB2_26-.Ltmp20, $2  }
0x34d: {  	v2 =	vsel vm1, v3, v1;
	_ =	sdelay $0x2  }
0x34e: {  	s6 =	sadd.s32 $0x10, s6  }
.LBB2_27:
0x34f: {  	_ =	sdelay $0x1  }
.Ltmp21:
0x350: {  	s3 =	sadd.s32 @p1 $0x800, s3;
	(pc) =	sbr.rel @!p0 .LBB2_29-.Ltmp21, $4  }
0x351: {  	s2 =	smov.u32 @p1 s3  }
0x352: {  	[hbm4b:s7+s4] =	stream.indirect_vreg.scatter [tilespmem:s2], [sflag:$0x5], $0x80, v2, vm0, $0xb8;
	[tilespmem:$0x1E480] =	vst v63  }
0x353: {  	_ =	swait.ge [sflag:s13], $0x800  }
0x354: {  	[sflag:s13] =	ssyncset.done $0x0  }
.LBB2_28:
0x355: {  	p0 =	sne.s32 s0, $0x1;
	s0 =	sadd.s32 $0xFFFFFFFF, s0;
	[sflag:s13] =	ssyncadd.s32 $0xFFFFF800  }
.Ltmp22:
0x356: {  	(pc) =	sbr.rel @p0 .LBB2_28-.Ltmp22, $3  }
0x357: {  	_ =	sdelay $0x1  }
0x358: {  	_ =	swait.ge [sflag:s13], $0x800  }
0x359: {  	[sflag:s13] =	ssyncset.done $0x0  }
.Ltmp23:
0x35a: {  	_ = 	snop;
	(pc) =	sbr.rel .LBB2_29-.Ltmp23, $1  }
0x35b: {  	_ =	sdelay $0x3  }
.LBB2_23:
.Ltmp24:
0x35c: {  	(pc) =	sbr.rel .LBB2_27-.Ltmp24, $2  }
0x35d: {  	_ =	sdelay $0x2  }
0x35e: {  	s3 =	simm.s32 $0xE480  }
.LBB2_25:
.Ltmp25:
0x35f: {  	(pc) =	sbr.rel .LBB2_27-.Ltmp25, $2  }
0x360: {  	_ =	sdelay $0x2  }
0x361: {  	s3 =	simm.s32 $0xE480  }
.LBB2_17:
.Ltmp26:
0x362: {  	(pc) =	sbr.rel .LBB2_21-.Ltmp26, $2  }
0x363: {  	_ =	sdelay $0x2  }
0x364: {  	s5 =	smov.u32 s0  }
.LBB2_19:
.Ltmp27:
0x365: {  	(pc) =	sbr.rel .LBB2_21-.Ltmp27, $2  }
0x366: {  	_ =	sdelay $0x2  }
0x367: {  	s5 =	smov.u32 s0  }
.LBB2_31:
0x368: {  	_ =	sfence.sel $0x180000  }
0x369: {  	[bflag:$0x0] =	sbarrier.arrive $0xFFFF  }
0x36a: {  	_ =	strace $0x90000047  }
0x36b: {  	s0 =	stileid.u32;
	[bflag:$0x2] =	sbarrier.arrive $0xFFFF  }
0x36c: {  	p0 =	sne.s32 s0, $0x0;
	s0 =	rddreg [dreg:$0x3]  }
0x36d: {  	s0 =	sadd.s32 @!p0 $0x100000, s0  }
0x36e: {  	[sflag:s0] =	ssyncadd.tile.s32 @!p0 $0x1;
	_ =	shalt  }
.Lfunc_end2:
_tile_overlayer_lowered:
.L_overlay_start_2:
0x36f: {  	(tag) =	ssettag $0x2  }
0x370: {  	s0 =	rddreg [dreg:$0x0];
	s2 =	stileid.u32  }
0x371: {  	s1 =	rddreg [dreg:$0x1];
	p0 =	sne.s32 s2, $0x0  }
0x372: {  	s3 =	rddreg [dreg:$0x2];
	[bflag:$0x3] =	sbarrier.arrive $0xFFFF;
	s2 =	simm.s32 @!p0 $0x1C06  }
0x373: {  	[timem:s3], [sflag:s2] =	dma.local @!p0 [hbm:s0], s1  }
0x374: {  	s0 =	simm.s32 @!p0 $0x6  }
0x375: {  	_ =	swait.ge @!p0 [sflag:s0], s1  }
0x376: {  	s1 =	ssub.s32 @!p0 $0x0, s1;
	[sflag:s0] =	ssyncset.done @!p0 $0x0  }
0x377: {  	[sflag:s0] =	ssyncadd.s32 @!p0 s1  }
0x378: {  	[bflag:$0x3] =	sbarrier.arrive $0xFFFF  }
0x379: {  	_ =	shalt  }

</sc_bundles>
